<compile_context>
chip_gen: v7x
topology: tpu7x:2x2x1
jax: 0.10.2.dev20260603
libtpu: 0.0.44.dev20260713+nightly
codegen_flags: <defaults>
</compile_context>

<pallas_src>
import functools

import jax
import jax.numpy as jnp
from jax import lax
from jax.experimental import pallas as pl
from jax.experimental.pallas import tpu as pltpu
from jax.experimental.pallas import tpu_sc as plsc

VOCAB = 1000000
EMB = 32
N_LABELS = 100
B, L = 4096, 200

NC, NS = 2, 16
NW = NC * NS
ROWS_PER_W = B // NW
LH = 104
NPAD = 2 * LH - L
HALVES_PER_W = 2 * ROWS_PER_W


def _accum_row(buf0, buf1, sums_v, r):
    z = jnp.zeros((16,), jnp.float32)
    a0 = a1 = b0 = b1 = c0 = c1 = d0 = d1 = z
    for l in range(0, LH, 2):
        a0 = a0 + buf0[l, pl.ds(0, 16)]
        a1 = a1 + buf0[l, pl.ds(16, 16)]
        b0 = b0 + buf0[l + 1, pl.ds(0, 16)]
        b1 = b1 + buf0[l + 1, pl.ds(16, 16)]
        if l + 1 < LH - NPAD:
            c0 = c0 + buf1[l, pl.ds(0, 16)]
            c1 = c1 + buf1[l, pl.ds(16, 16)]
            d0 = d0 + buf1[l + 1, pl.ds(0, 16)]
            d1 = d1 + buf1[l + 1, pl.ds(16, 16)]
    sums_v[r, pl.ds(0, 16)] = (a0 + b0) + (c0 + d0)
    sums_v[r, pl.ds(16, 16)] = (a1 + b1) + (c1 + d1)


def _pool_body(table_hbm, idx_hbm, out_hbm, idx_v,
               a0_v, a1_v, b0_v, b1_v, sums_v, sem_a, sem_b):
    wid = lax.axis_index("s") * NC + lax.axis_index("c")
    hbase = wid * HALVES_PER_W
    rbase = wid * ROWS_PER_W
    pltpu.sync_copy(idx_hbm.at[pl.ds(hbase, HALVES_PER_W), :], idx_v)

    def fire(rr, b0, b1, sem):
        pltpu.async_copy(table_hbm.at[idx_v.at[rr]], b0, sem)
        pltpu.async_copy(table_hbm.at[idx_v.at[rr + 1]], b1, sem)

    def drain(b0, b1, sem):
        pltpu.make_async_copy(table_hbm.at[pl.ds(0, LH)], b0, sem).wait()
        pltpu.make_async_copy(table_hbm.at[pl.ds(0, LH)], b1, sem).wait()

    fire(0, a0_v, a1_v, sem_a)

    def pair(p, _):
        fire(4 * p + 2, b0_v, b1_v, sem_b)
        drain(a0_v, a1_v, sem_a)
        _accum_row(a0_v, a1_v, sums_v, 2 * p)

        @pl.when(p < ROWS_PER_W // 2 - 1)
        def _():
            fire(4 * p + 4, a0_v, a1_v, sem_a)

        drain(b0_v, b1_v, sem_b)
        _accum_row(b0_v, b1_v, sums_v, 2 * p + 1)
        return 0

    lax.fori_loop(0, ROWS_PER_W // 2, pair, 0)
    pltpu.sync_copy(sums_v, out_hbm.at[pl.ds(rbase, ROWS_PER_W), :])


_pool = functools.partial(
    pl.kernel,
    mesh=plsc.VectorSubcoreMesh(core_axis_name="c", subcore_axis_name="s"),
    out_type=jax.ShapeDtypeStruct((B, EMB), jnp.float32),
    scratch_types=[
        pltpu.VMEM((HALVES_PER_W, LH), jnp.int32),
        pltpu.VMEM((LH, EMB), jnp.float32),
        pltpu.VMEM((LH, EMB), jnp.float32),
        pltpu.VMEM((LH, EMB), jnp.float32),
        pltpu.VMEM((LH, EMB), jnp.float32),
        pltpu.VMEM((ROWS_PER_W, EMB), jnp.float32),
        pltpu.SemaphoreType.DMA,
        pltpu.SemaphoreType.DMA,
    ],
    compiler_params=pltpu.CompilerParams(use_tc_tiling_on_sc=False),
)(_pool_body)


def _head_body(x_ref, sums_ref, w_ref, b_ref, out_ref):
    mask = (x_ref[...] != 0).astype(jnp.float32)
    cnt = jnp.maximum(jnp.sum(mask, axis=1, keepdims=True), 1.0)
    avg = sums_ref[...] / cnt
    out_ref[...] = lax.dot_general(
        avg, w_ref[...], (((1,), (1,)), ((), ())),
        preferred_element_type=jnp.float32,
    ) + b_ref[...]


_HEAD_BLK = 512


def _head(x, sums, fc_w, fc_b2):
    return pl.pallas_call(
        _head_body,
        grid=(B // _HEAD_BLK,),
        in_specs=[
            pl.BlockSpec((_HEAD_BLK, L), lambda i: (i, 0)),
            pl.BlockSpec((_HEAD_BLK, EMB), lambda i: (i, 0)),
            pl.BlockSpec((N_LABELS, EMB), lambda i: (0, 0)),
            pl.BlockSpec((1, N_LABELS), lambda i: (0, 0)),
        ],
        out_specs=pl.BlockSpec((_HEAD_BLK, N_LABELS), lambda i: (i, 0)),
        out_shape=jax.ShapeDtypeStruct((B, N_LABELS), jnp.float32),
    )(x, sums, fc_w, fc_b2)


@jax.jit
def kernel(x, emb_table, fc_w, fc_b):
    dummy = (jnp.arange(B * NPAD, dtype=jnp.int32) % VOCAB).reshape(B, NPAD)
    xp = jnp.concatenate([x, dummy], axis=1).reshape(2 * B, LH)
    sums = _pool(emb_table, xp)
    return _head(x, sums, fc_w, fc_b.reshape(1, N_LABELS))

# --- scband reference (transcript-rebuilt; emitter-appended) ---
"""Pipeline reference for scband-mean-pool-classifier-38276748542642 (READ-ONLY COPY).

The authoritative reference and input builder live on the scoring server;
editing this copy changes nothing except your own understanding.
"""

import jax, jax.numpy as jnp
import numpy as np

VOCAB = 1000000
EMB = 32
N_LABELS = 100
PAD_ID = 0
B, L = 4096, 200

def setup_inputs(seed: int = 0) -> dict:
    key = jax.random.key(seed)
    k1, k2, k3 = jax.random.split(key, 3)
    x = jax.random.randint(k1, (B, L), 0, VOCAB, dtype=jnp.int64) if jax.config.jax_enable_x64 else jax.random.randint(k1, (B, L), 0, VOCAB, dtype=jnp.int32)
    emb_table = jax.random.normal(k2, (VOCAB, EMB), dtype=jnp.float32) * 0.02
    emb_table = emb_table.at[PAD_ID].set(0.0)  # padding_idx row zeroed like nn.Embedding
    fc_w = jax.random.normal(k3, (N_LABELS, EMB), dtype=jnp.float32) * 0.02
    fc_b = jnp.zeros((N_LABELS,), dtype=jnp.float32)
    return {"x": x, "emb_table": emb_table, "fc_w": fc_w, "fc_b": fc_b}

def reference(x, emb_table, fc_w, fc_b):
    # mask = (x != pad_id).unsqueeze(-1)
    mask = (x != PAD_ID)[..., None].astype(emb_table.dtype)  # [B, L, 1]
    # embs = self.emb(x) * mask  -> gather (SparseCore-friendly)
    embs = jnp.take(emb_table, x, axis=0) * mask  # [B, L, EMB]
    # avg = embs.sum(1) / mask.sum(1).clamp(min=1)
    denom = jnp.clip(mask.sum(axis=1), 1.0)  # [B, 1]
    avg = embs.sum(axis=1) / denom  # [B, EMB]
    # dropout is identity in eval mode; fc
    return avg @ fc_w.T + fc_b  # [B, N_LABELS]

if __name__ == "__main__":
    import jax
    _d = setup_inputs()
    print(jax.jit(kernel)(*tuple(_d.values())))

</pallas_src>

<mosaic_0001>
#map = affine_map<(d0, d1) -> (0, 0)>
module attributes {stable_mosaic.version = 14 : i64} {
  func.func @_pool_body(%arg0: i32, %arg1: i32, %arg2: memref<1000000x32xf32, #tpu.memory_space<hbm>>, %arg3: memref<8192x104xi32, #tpu.memory_space<hbm>>, %arg4: memref<4096x32xf32, #tpu.memory_space<hbm>>, %arg5: memref<256x104xi32, #tpu.memory_space<vmem>>, %arg6: memref<104x32xf32, #tpu.memory_space<vmem>>, %arg7: memref<104x32xf32, #tpu.memory_space<vmem>>, %arg8: memref<104x32xf32, #tpu.memory_space<vmem>>, %arg9: memref<104x32xf32, #tpu.memory_space<vmem>>, %arg10: memref<128x32xf32, #tpu.memory_space<vmem>>, %arg11: memref<!tpu.dma_semaphore, #tpu.memory_space<semaphore_mem>>, %arg12: memref<!tpu.dma_semaphore, #tpu.memory_space<semaphore_mem>>) attributes {dimension_semantics = [#tpu.dimension_semantics<core_parallel>, #tpu.dimension_semantics<subcore_parallel>], iteration_bounds = array<i64: 2, 16>, scalar_prefetch = 0 : i64, scratch_operands = 8 : i64, tpu.core_type = #tpu.core_type<sc_vector_subcore>, window_params = [{transform_indices = #map}, {transform_indices = #map}, {transform_indices = #map}]} {
    %mul3A = arith.constant 2 : i32
    %mul3A_0 = arith.muli %arg1, %mul3A : i32
    %add3A = arith.addi %mul3A_0, %arg0 : i32
    %mul3A_1 = arith.constant 256 : i32
    %mul3A_2 = arith.muli %add3A, %mul3A_1 : i32
    %mul3A_3 = arith.constant 128 : i32
    %mul3A_4 = arith.muli %add3A, %mul3A_3 : i32
    "tpu.region"() ({
      %run_scoped3A = tpu.sem_alloc : memref<!tpu.dma_semaphore, #tpu.memory_space<semaphore_mem>>
      %dma_start3A_24 = arith.constant 0 : i32
      %dma_start3A_25 = tpu.memref_slice %arg3[%mul3A_2, %dma_start3A_24] : memref<8192x104xi32, #tpu.memory_space<hbm>> -> memref<256x104xi32, #tpu.memory_space<hbm>>
      %dma_start3A_26 = arith.constant 0 : i32
      %dma_start3A_27 = tpu.memref_slice %arg3[%mul3A_2, %dma_start3A_26] : memref<8192x104xi32, #tpu.memory_space<hbm>> -> memref<256x104xi32, #tpu.memory_space<hbm>>
      tpu.enqueue_dma source(%dma_start3A_27 : memref<256x104xi32, #tpu.memory_space<hbm>>) target(%arg5 : memref<256x104xi32, #tpu.memory_space<vmem>>) target_semaphore(%run_scoped3A : memref<!tpu.dma_semaphore, #tpu.memory_space<semaphore_mem>>)
      %dma_wait3A = arith.constant 0 : i32
      %dma_wait3A_28 = tpu.memref_slice %arg3[%mul3A_2, %dma_wait3A] : memref<8192x104xi32, #tpu.memory_space<hbm>> -> memref<256x104xi32, #tpu.memory_space<hbm>>
      %dma_wait3A_29 = arith.constant 0 : i32
      %dma_wait3A_30 = tpu.memref_slice %arg3[%mul3A_2, %dma_wait3A_29] : memref<8192x104xi32, #tpu.memory_space<hbm>> -> memref<256x104xi32, #tpu.memory_space<hbm>>
      tpu.wait_dma2 semaphore(%run_scoped3A : memref<!tpu.dma_semaphore, #tpu.memory_space<semaphore_mem>>) src(%dma_wait3A_30 : memref<256x104xi32, #tpu.memory_space<hbm>>) dst(%arg5 : memref<256x104xi32, #tpu.memory_space<vmem>>)
      tpu.yield
    }) : () -> ()
    %dma_start3A = arith.constant 0 : i32
    %dma_start3A_5 = arith.constant 0 : i32
    %dma_start3A_6 = tpu.memref_slice %arg5[%dma_start3A, %dma_start3A_5] : memref<256x104xi32, #tpu.memory_space<vmem>> -> memref<1x104xi32, #tpu.memory_space<vmem>>
    %dma_start3A_7 = tpu.memref_squeeze %dma_start3A_6 : memref<1x104xi32, #tpu.memory_space<vmem>> -> memref<104xi32, #tpu.memory_space<vmem>>
    %dma_start3A_8 = arith.constant 0 : i32
    %dma_start3A_9 = arith.constant 0 : i32
    %dma_start3A_10 = tpu.memref_slice %arg2[%dma_start3A_8, %dma_start3A_9] : memref<1000000x32xf32, #tpu.memory_space<hbm>> -> memref<1000000x32xf32, #tpu.memory_space<hbm>>
    tpu.enqueue_indirect_dma source(%dma_start3A_10 : memref<1000000x32xf32, #tpu.memory_space<hbm>>) target(%arg6 : memref<104x32xf32, #tpu.memory_space<vmem>>) offsets(%dma_start3A_7 : memref<104xi32, #tpu.memory_space<vmem>>) semaphore(%arg11 : memref<!tpu.dma_semaphore, #tpu.memory_space<semaphore_mem>>)
    %dma_start3A_11 = arith.constant 1 : i32
    %dma_start3A_12 = arith.constant 0 : i32
    %dma_start3A_13 = tpu.memref_slice %arg5[%dma_start3A_11, %dma_start3A_12] : memref<256x104xi32, #tpu.memory_space<vmem>> -> memref<1x104xi32, #tpu.memory_space<vmem>>
    %dma_start3A_14 = tpu.memref_squeeze %dma_start3A_13 : memref<1x104xi32, #tpu.memory_space<vmem>> -> memref<104xi32, #tpu.memory_space<vmem>>
    %dma_start3A_15 = arith.constant 0 : i32
    %dma_start3A_16 = arith.constant 0 : i32
    %dma_start3A_17 = tpu.memref_slice %arg2[%dma_start3A_15, %dma_start3A_16] : memref<1000000x32xf32, #tpu.memory_space<hbm>> -> memref<1000000x32xf32, #tpu.memory_space<hbm>>
    tpu.enqueue_indirect_dma source(%dma_start3A_17 : memref<1000000x32xf32, #tpu.memory_space<hbm>>) target(%arg7 : memref<104x32xf32, #tpu.memory_space<vmem>>) offsets(%dma_start3A_14 : memref<104xi32, #tpu.memory_space<vmem>>) semaphore(%arg11 : memref<!tpu.dma_semaphore, #tpu.memory_space<semaphore_mem>>)
    %scan3A = arith.constant 0 : i32
    %scan3A_18 = arith.constant 0 : i32
    %scan3A_19 = arith.constant 64 : i32
    %scan3A_20 = arith.addi %scan3A_18, %scan3A_19 : i32
    %scan3A_21 = arith.constant 1 : i32
    %scan3A_22 = scf.for %scan3A_24 = %scan3A_18 to %scan3A_20 step %scan3A_21 iter_args(%scan3A_25 = %scan3A) -> (i32)  : i32 {
      %mul3A_26 = arith.constant 4 : i32
      %mul3A_27 = arith.muli %mul3A_26, %scan3A_24 : i32
      %add3A_28 = arith.constant 2 : i32
      %add3A_29 = arith.addi %mul3A_27, %add3A_28 : i32
      %dma_start3A_30 = arith.constant 0 : i32
      %dma_start3A_31 = tpu.memref_slice %arg5[%add3A_29, %dma_start3A_30] : memref<256x104xi32, #tpu.memory_space<vmem>> -> memref<1x104xi32, #tpu.memory_space<vmem>>
      %dma_start3A_32 = tpu.memref_squeeze %dma_start3A_31 : memref<1x104xi32, #tpu.memory_space<vmem>> -> memref<104xi32, #tpu.memory_space<vmem>>
      %dma_start3A_33 = arith.constant 0 : i32
      %dma_start3A_34 = arith.constant 0 : i32
      %dma_start3A_35 = tpu.memref_slice %arg2[%dma_start3A_33, %dma_start3A_34] : memref<1000000x32xf32, #tpu.memory_space<hbm>> -> memref<1000000x32xf32, #tpu.memory_space<hbm>>
      tpu.enqueue_indirect_dma source(%dma_start3A_35 : memref<1000000x32xf32, #tpu.memory_space<hbm>>) target(%arg8 : memref<104x32xf32, #tpu.memory_space<vmem>>) offsets(%dma_start3A_32 : memref<104xi32, #tpu.memory_space<vmem>>) semaphore(%arg12 : memref<!tpu.dma_semaphore, #tpu.memory_space<semaphore_mem>>)
      %add3A_36 = arith.constant 1 : i32
      %add3A_37 = arith.addi %add3A_29, %add3A_36 : i32
      %dma_start3A_38 = arith.constant 0 : i32
      %dma_start3A_39 = tpu.memref_slice %arg5[%add3A_37, %dma_start3A_38] : memref<256x104xi32, #tpu.memory_space<vmem>> -> memref<1x104xi32, #tpu.memory_space<vmem>>
      %dma_start3A_40 = tpu.memref_squeeze %dma_start3A_39 : memref<1x104xi32, #tpu.memory_space<vmem>> -> memref<104xi32, #tpu.memory_space<vmem>>
      %dma_start3A_41 = arith.constant 0 : i32
      %dma_start3A_42 = arith.constant 0 : i32
      %dma_start3A_43 = tpu.memref_slice %arg2[%dma_start3A_41, %dma_start3A_42] : memref<1000000x32xf32, #tpu.memory_space<hbm>> -> memref<1000000x32xf32, #tpu.memory_space<hbm>>
      tpu.enqueue_indirect_dma source(%dma_start3A_43 : memref<1000000x32xf32, #tpu.memory_space<hbm>>) target(%arg9 : memref<104x32xf32, #tpu.memory_space<vmem>>) offsets(%dma_start3A_40 : memref<104xi32, #tpu.memory_space<vmem>>) semaphore(%arg12 : memref<!tpu.dma_semaphore, #tpu.memory_space<semaphore_mem>>)
      %dma_wait3A = arith.constant 0 : i32
      %dma_wait3A_44 = arith.constant 0 : i32
      %dma_wait3A_45 = tpu.memref_slice %arg2[%dma_wait3A, %dma_wait3A_44] : memref<1000000x32xf32, #tpu.memory_space<hbm>> -> memref<104x32xf32, #tpu.memory_space<hbm>>
      %dma_wait3A_46 = arith.constant 0 : i32
      %dma_wait3A_47 = arith.constant 0 : i32
      %dma_wait3A_48 = tpu.memref_slice %arg2[%dma_wait3A_46, %dma_wait3A_47] : memref<1000000x32xf32, #tpu.memory_space<hbm>> -> memref<104x32xf32, #tpu.memory_space<hbm>>
      tpu.wait_dma2 semaphore(%arg11 : memref<!tpu.dma_semaphore, #tpu.memory_space<semaphore_mem>>) src(%dma_wait3A_48 : memref<104x32xf32, #tpu.memory_space<hbm>>) dst(%arg6 : memref<104x32xf32, #tpu.memory_space<vmem>>)
      %dma_wait3A_49 = arith.constant 0 : i32
      %dma_wait3A_50 = arith.constant 0 : i32
      %dma_wait3A_51 = tpu.memref_slice %arg2[%dma_wait3A_49, %dma_wait3A_50] : memref<1000000x32xf32, #tpu.memory_space<hbm>> -> memref<104x32xf32, #tpu.memory_space<hbm>>
      %dma_wait3A_52 = arith.constant 0 : i32
      %dma_wait3A_53 = arith.constant 0 : i32
      %dma_wait3A_54 = tpu.memref_slice %arg2[%dma_wait3A_52, %dma_wait3A_53] : memref<1000000x32xf32, #tpu.memory_space<hbm>> -> memref<104x32xf32, #tpu.memory_space<hbm>>
      tpu.wait_dma2 semaphore(%arg11 : memref<!tpu.dma_semaphore, #tpu.memory_space<semaphore_mem>>) src(%dma_wait3A_54 : memref<104x32xf32, #tpu.memory_space<hbm>>) dst(%arg7 : memref<104x32xf32, #tpu.memory_space<vmem>>)
      %mul3A_55 = arith.constant 2 : i32
      %mul3A_56 = arith.muli %mul3A_55, %scan3A_24 : i32
      %broadcast_in_dim3A = arith.constant 0.000000e+00 : f32
      %broadcast_in_dim3A_57 = vector.broadcast %broadcast_in_dim3A : f32 to vector<16xf32>
      %get3A = arith.constant 0 : i32
      %get3A_58 = arith.index_cast %get3A : i32 to index
      %get3A_59 = arith.constant 0 : index
      %get3A_60 = tpu.vector_load %arg6[%get3A_58, %get3A_59] {strides = array<i32>} : memref<104x32xf32, #tpu.memory_space<vmem>>, vector<1x16xf32>,
      %get3A_61 = vector.shape_cast %get3A_60 : vector<1x16xf32> to vector<16xf32>
      %add3A_62 = arith.addf %broadcast_in_dim3A_57, %get3A_61 : vector<16xf32>
      %get3A_63 = arith.constant 0 : i32
      %get3A_64 = arith.index_cast %get3A_63 : i32 to index
      %get3A_65 = arith.constant 16 : index
      %get3A_66 = tpu.vector_load %arg6[%get3A_64, %get3A_65] {strides = array<i32>} : memref<104x32xf32, #tpu.memory_space<vmem>>, vector<1x16xf32>,
      %get3A_67 = vector.shape_cast %get3A_66 : vector<1x16xf32> to vector<16xf32>
      %add3A_68 = arith.addf %broadcast_in_dim3A_57, %get3A_67 : vector<16xf32>
      %get3A_69 = arith.constant 1 : i32
      %get3A_70 = arith.index_cast %get3A_69 : i32 to index
      %get3A_71 = arith.constant 0 : index
      %get3A_72 = tpu.vector_load %arg6[%get3A_70, %get3A_71] {strides = array<i32>} : memref<104x32xf32, #tpu.memory_space<vmem>>, vector<1x16xf32>,
      %get3A_73 = vector.shape_cast %get3A_72 : vector<1x16xf32> to vector<16xf32>
      %add3A_74 = arith.addf %broadcast_in_dim3A_57, %get3A_73 : vector<16xf32>
      %get3A_75 = arith.constant 1 : i32
      %get3A_76 = arith.index_cast %get3A_75 : i32 to index
      %get3A_77 = arith.constant 16 : index
      %get3A_78 = tpu.vector_load %arg6[%get3A_76, %get3A_77] {strides = array<i32>} : memref<104x32xf32, #tpu.memory_space<vmem>>, vector<1x16xf32>,
      %get3A_79 = vector.shape_cast %get3A_78 : vector<1x16xf32> to vector<16xf32>
      %add3A_80 = arith.addf %broadcast_in_dim3A_57, %get3A_79 : vector<16xf32>
      %get3A_81 = arith.constant 0 : i32
      %get3A_82 = arith.index_cast %get3A_81 : i32 to index
      %get3A_83 = arith.constant 0 : index
      %get3A_84 = tpu.vector_load %arg7[%get3A_82, %get3A_83] {strides = array<i32>} : memref<104x32xf32, #tpu.memory_space<vmem>>, vector<1x16xf32>,
      %get3A_85 = vector.shape_cast %get3A_84 : vector<1x16xf32> to vector<16xf32>
      %add3A_86 = arith.addf %broadcast_in_dim3A_57, %get3A_85 : vector<16xf32>
      %get3A_87 = arith.constant 0 : i32
      %get3A_88 = arith.index_cast %get3A_87 : i32 to index
      %get3A_89 = arith.constant 16 : index
      %get3A_90 = tpu.vector_load %arg7[%get3A_88, %get3A_89] {strides = array<i32>} : memref<104x32xf32, #tpu.memory_space<vmem>>, vector<1x16xf32>,
      %get3A_91 = vector.shape_cast %get3A_90 : vector<1x16xf32> to vector<16xf32>
      %add3A_92 = arith.addf %broadcast_in_dim3A_57, %get3A_91 : vector<16xf32>
      %get3A_93 = arith.constant 1 : i32
      %get3A_94 = arith.index_cast %get3A_93 : i32 to index
      %get3A_95 = arith.constant 0 : index
      %get3A_96 = tpu.vector_load %arg7[%get3A_94, %get3A_95] {strides = array<i32>} : memref<104x32xf32, #tpu.memory_space<vmem>>, vector<1x16xf32>,
      %get3A_97 = vector.shape_cast %get3A_96 : vector<1x16xf32> to vector<16xf32>
      %add3A_98 = arith.addf %broadcast_in_dim3A_57, %get3A_97 : vector<16xf32>
      %get3A_99 = arith.constant 1 : i32
      %get3A_100 = arith.index_cast %get3A_99 : i32 to index
      %get3A_101 = arith.constant 16 : index
      %get3A_102 = tpu.vector_load %arg7[%get3A_100, %get3A_101] {strides = array<i32>} : memref<104x32xf32, #tpu.memory_space<vmem>>, vector<1x16xf32>,
      %get3A_103 = vector.shape_cast %get3A_102 : vector<1x16xf32> to vector<16xf32>
      %add3A_104 = arith.addf %broadcast_in_dim3A_57, %get3A_103 : vector<16xf32>
      %get3A_105 = arith.constant 2 : i32
      %get3A_106 = arith.index_cast %get3A_105 : i32 to index
      %get3A_107 = arith.constant 0 : index
      %get3A_108 = tpu.vector_load %arg6[%get3A_106, %get3A_107] {strides = array<i32>} : memref<104x32xf32, #tpu.memory_space<vmem>>, vector<1x16xf32>,
      %get3A_109 = vector.shape_cast %get3A_108 : vector<1x16xf32> to vector<16xf32>
      %add3A_110 = arith.addf %add3A_62, %get3A_109 : vector<16xf32>
      %get3A_111 = arith.constant 2 : i32
      %get3A_112 = arith.index_cast %get3A_111 : i32 to index
      %get3A_113 = arith.constant 16 : index
      %get3A_114 = tpu.vector_load %arg6[%get3A_112, %get3A_113] {strides = array<i32>} : memref<104x32xf32, #tpu.memory_space<vmem>>, vector<1x16xf32>,
      %get3A_115 = vector.shape_cast %get3A_114 : vector<1x16xf32> to vector<16xf32>
      %add3A_116 = arith.addf %add3A_68, %get3A_115 : vector<16xf32>
      %get3A_117 = arith.constant 3 : i32
      %get3A_118 = arith.index_cast %get3A_117 : i32 to index
      %get3A_119 = arith.constant 0 : index
      %get3A_120 = tpu.vector_load %arg6[%get3A_118, %get3A_119] {strides = array<i32>} : memref<104x32xf32, #tpu.memory_space<vmem>>, vector<1x16xf32>,
      %get3A_121 = vector.shape_cast %get3A_120 : vector<1x16xf32> to vector<16xf32>
      %add3A_122 = arith.addf %add3A_74, %get3A_121 : vector<16xf32>
      %get3A_123 = arith.constant 3 : i32
      %get3A_124 = arith.index_cast %get3A_123 : i32 to index
      %get3A_125 = arith.constant 16 : index
      %get3A_126 = tpu.vector_load %arg6[%get3A_124, %get3A_125] {strides = array<i32>} : memref<104x32xf32, #tpu.memory_space<vmem>>, vector<1x16xf32>,
      %get3A_127 = vector.shape_cast %get3A_126 : vector<1x16xf32> to vector<16xf32>
      %add3A_128 = arith.addf %add3A_80, %get3A_127 : vector<16xf32>
      %get3A_129 = arith.constant 2 : i32
      %get3A_130 = arith.index_cast %get3A_129 : i32 to index
      %get3A_131 = arith.constant 0 : index
      %get3A_132 = tpu.vector_load %arg7[%get3A_130, %get3A_131] {strides = array<i32>} : memref<104x32xf32, #tpu.memory_space<vmem>>, vector<1x16xf32>,
      %get3A_133 = vector.shape_cast %get3A_132 : vector<1x16xf32> to vector<16xf32>
      %add3A_134 = arith.addf %add3A_86, %get3A_133 : vector<16xf32>
      %get3A_135 = arith.constant 2 : i32
      %get3A_136 = arith.index_cast %get3A_135 : i32 to index
      %get3A_137 = arith.constant 16 : index
      %get3A_138 = tpu.vector_load %arg7[%get3A_136, %get3A_137] {strides = array<i32>} : memref<104x32xf32, #tpu.memory_space<vmem>>, vector<1x16xf32>,
      %get3A_139 = vector.shape_cast %get3A_138 : vector<1x16xf32> to vector<16xf32>
      %add3A_140 = arith.addf %add3A_92, %get3A_139 : vector<16xf32>
      %get3A_141 = arith.constant 3 : i32
      %get3A_142 = arith.index_cast %get3A_141 : i32 to index
      %get3A_143 = arith.constant 0 : index
      %get3A_144 = tpu.vector_load %arg7[%get3A_142, %get3A_143] {strides = array<i32>} : memref<104x32xf32, #tpu.memory_space<vmem>>, vector<1x16xf32>,
      %get3A_145 = vector.shape_cast %get3A_144 : vector<1x16xf32> to vector<16xf32>
      %add3A_146 = arith.addf %add3A_98, %get3A_145 : vector<16xf32>
      %get3A_147 = arith.constant 3 : i32
      %get3A_148 = arith.index_cast %get3A_147 : i32 to index
      %get3A_149 = arith.constant 16 : index
      %get3A_150 = tpu.vector_load %arg7[%get3A_148, %get3A_149] {strides = array<i32>} : memref<104x32xf32, #tpu.memory_space<vmem>>, vector<1x16xf32>,
      %get3A_151 = vector.shape_cast %get3A_150 : vector<1x16xf32> to vector<16xf32>
      %add3A_152 = arith.addf %add3A_104, %get3A_151 : vector<16xf32>
      %get3A_153 = arith.constant 4 : i32
      %get3A_154 = arith.index_cast %get3A_153 : i32 to index
      %get3A_155 = arith.constant 0 : index
      %get3A_156 = tpu.vector_load %arg6[%get3A_154, %get3A_155] {strides = array<i32>} : memref<104x32xf32, #tpu.memory_space<vmem>>, vector<1x16xf32>,
      %get3A_157 = vector.shape_cast %get3A_156 : vector<1x16xf32> to vector<16xf32>
      %add3A_158 = arith.addf %add3A_110, %get3A_157 : vector<16xf32>
      %get3A_159 = arith.constant 4 : i32
      %get3A_160 = arith.index_cast %get3A_159 : i32 to index
      %get3A_161 = arith.constant 16 : index
      %get3A_162 = tpu.vector_load %arg6[%get3A_160, %get3A_161] {strides = array<i32>} : memref<104x32xf32, #tpu.memory_space<vmem>>, vector<1x16xf32>,
      %get3A_163 = vector.shape_cast %get3A_162 : vector<1x16xf32> to vector<16xf32>
      %add3A_164 = arith.addf %add3A_116, %get3A_163 : vector<16xf32>
      %get3A_165 = arith.constant 5 : i32
      %get3A_166 = arith.index_cast %get3A_165 : i32 to index
      %get3A_167 = arith.constant 0 : index
      %get3A_168 = tpu.vector_load %arg6[%get3A_166, %get3A_167] {strides = array<i32>} : memref<104x32xf32, #tpu.memory_space<vmem>>, vector<1x16xf32>,
      %get3A_169 = vector.shape_cast %get3A_168 : vector<1x16xf32> to vector<16xf32>
      %add3A_170 = arith.addf %add3A_122, %get3A_169 : vector<16xf32>
      %get3A_171 = arith.constant 5 : i32
      %get3A_172 = arith.index_cast %get3A_171 : i32 to index
      %get3A_173 = arith.constant 16 : index
      %get3A_174 = tpu.vector_load %arg6[%get3A_172, %get3A_173] {strides = array<i32>} : memref<104x32xf32, #tpu.memory_space<vmem>>, vector<1x16xf32>,
      %get3A_175 = vector.shape_cast %get3A_174 : vector<1x16xf32> to vector<16xf32>
      %add3A_176 = arith.addf %add3A_128, %get3A_175 : vector<16xf32>
      %get3A_177 = arith.constant 4 : i32
      %get3A_178 = arith.index_cast %get3A_177 : i32 to index
      %get3A_179 = arith.constant 0 : index
      %get3A_180 = tpu.vector_load %arg7[%get3A_178, %get3A_179] {strides = array<i32>} : memref<104x32xf32, #tpu.memory_space<vmem>>, vector<1x16xf32>,
      %get3A_181 = vector.shape_cast %get3A_180 : vector<1x16xf32> to vector<16xf32>
      %add3A_182 = arith.addf %add3A_134, %get3A_181 : vector<16xf32>
      %get3A_183 = arith.constant 4 : i32
      %get3A_184 = arith.index_cast %get3A_183 : i32 to index
      %get3A_185 = arith.constant 16 : index
      %get3A_186 = tpu.vector_load %arg7[%get3A_184, %get3A_185] {strides = array<i32>} : memref<104x32xf32, #tpu.memory_space<vmem>>, vector<1x16xf32>,
      %get3A_187 = vector.shape_cast %get3A_186 : vector<1x16xf32> to vector<16xf32>
      %add3A_188 = arith.addf %add3A_140, %get3A_187 : vector<16xf32>
      %get3A_189 = arith.constant 5 : i32
      %get3A_190 = arith.index_cast %get3A_189 : i32 to index
      %get3A_191 = arith.constant 0 : index
      %get3A_192 = tpu.vector_load %arg7[%get3A_190, %get3A_191] {strides = array<i32>} : memref<104x32xf32, #tpu.memory_space<vmem>>, vector<1x16xf32>,
      %get3A_193 = vector.shape_cast %get3A_192 : vector<1x16xf32> to vector<16xf32>
      %add3A_194 = arith.addf %add3A_146, %get3A_193 : vector<16xf32>
      %get3A_195 = arith.constant 5 : i32
      %get3A_196 = arith.index_cast %get3A_195 : i32 to index
      %get3A_197 = arith.constant 16 : index
      %get3A_198 = tpu.vector_load %arg7[%get3A_196, %get3A_197] {strides = array<i32>} : memref<104x32xf32, #tpu.memory_space<vmem>>, vector<1x16xf32>,
      %get3A_199 = vector.shape_cast %get3A_198 : vector<1x16xf32> to vector<16xf32>
      %add3A_200 = arith.addf %add3A_152, %get3A_199 : vector<16xf32>
      %get3A_201 = arith.constant 6 : i32
      %get3A_202 = arith.index_cast %get3A_201 : i32 to index
      %get3A_203 = arith.constant 0 : index
      %get3A_204 = tpu.vector_load %arg6[%get3A_202, %get3A_203] {strides = array<i32>} : memref<104x32xf32, #tpu.memory_space<vmem>>, vector<1x16xf32>,
      %get3A_205 = vector.shape_cast %get3A_204 : vector<1x16xf32> to vector<16xf32>
      %add3A_206 = arith.addf %add3A_158, %get3A_205 : vector<16xf32>
      %get3A_207 = arith.constant 6 : i32
      %get3A_208 = arith.index_cast %get3A_207 : i32 to index
      %get3A_209 = arith.constant 16 : index
      %get3A_210 = tpu.vector_load %arg6[%get3A_208, %get3A_209] {strides = array<i32>} : memref<104x32xf32, #tpu.memory_space<vmem>>, vector<1x16xf32>,
      %get3A_211 = vector.shape_cast %get3A_210 : vector<1x16xf32> to vector<16xf32>
      %add3A_212 = arith.addf %add3A_164, %get3A_211 : vector<16xf32>
      %get3A_213 = arith.constant 7 : i32
      %get3A_214 = arith.index_cast %get3A_213 : i32 to index
      %get3A_215 = arith.constant 0 : index
      %get3A_216 = tpu.vector_load %arg6[%get3A_214, %get3A_215] {strides = array<i32>} : memref<104x32xf32, #tpu.memory_space<vmem>>, vector<1x16xf32>,
      %get3A_217 = vector.shape_cast %get3A_216 : vector<1x16xf32> to vector<16xf32>
      %add3A_218 = arith.addf %add3A_170, %get3A_217 : vector<16xf32>
      %get3A_219 = arith.constant 7 : i32
      %get3A_220 = arith.index_cast %get3A_219 : i32 to index
      %get3A_221 = arith.constant 16 : index
      %get3A_222 = tpu.vector_load %arg6[%get3A_220, %get3A_221] {strides = array<i32>} : memref<104x32xf32, #tpu.memory_space<vmem>>, vector<1x16xf32>,
      %get3A_223 = vector.shape_cast %get3A_222 : vector<1x16xf32> to vector<16xf32>
      %add3A_224 = arith.addf %add3A_176, %get3A_223 : vector<16xf32>
      %get3A_225 = arith.constant 6 : i32
      %get3A_226 = arith.index_cast %get3A_225 : i32 to index
      %get3A_227 = arith.constant 0 : index
      %get3A_228 = tpu.vector_load %arg7[%get3A_226, %get3A_227] {strides = array<i32>} : memref<104x32xf32, #tpu.memory_space<vmem>>, vector<1x16xf32>,
      %get3A_229 = vector.shape_cast %get3A_228 : vector<1x16xf32> to vector<16xf32>
      %add3A_230 = arith.addf %add3A_182, %get3A_229 : vector<16xf32>
      %get3A_231 = arith.constant 6 : i32
      %get3A_232 = arith.index_cast %get3A_231 : i32 to index
      %get3A_233 = arith.constant 16 : index
      %get3A_234 = tpu.vector_load %arg7[%get3A_232, %get3A_233] {strides = array<i32>} : memref<104x32xf32, #tpu.memory_space<vmem>>, vector<1x16xf32>,
      %get3A_235 = vector.shape_cast %get3A_234 : vector<1x16xf32> to vector<16xf32>
      %add3A_236 = arith.addf %add3A_188, %get3A_235 : vector<16xf32>
      %get3A_237 = arith.constant 7 : i32
      %get3A_238 = arith.index_cast %get3A_237 : i32 to index
      %get3A_239 = arith.constant 0 : index
      %get3A_240 = tpu.vector_load %arg7[%get3A_238, %get3A_239] {strides = array<i32>} : memref<104x32xf32, #tpu.memory_space<vmem>>, vector<1x16xf32>,
      %get3A_241 = vector.shape_cast %get3A_240 : vector<1x16xf32> to vector<16xf32>
      %add3A_242 = arith.addf %add3A_194, %get3A_241 : vector<16xf32>
      %get3A_243 = arith.constant 7 : i32
      %get3A_244 = arith.index_cast %get3A_243 : i32 to index
      %get3A_245 = arith.constant 16 : index
      %get3A_246 = tpu.vector_load %arg7[%get3A_244, %get3A_245] {strides = array<i32>} : memref<104x32xf32, #tpu.memory_space<vmem>>, vector<1x16xf32>,
      %get3A_247 = vector.shape_cast %get3A_246 : vector<1x16xf32> to vector<16xf32>
      %add3A_248 = arith.addf %add3A_200, %get3A_247 : vector<16xf32>
      %get3A_249 = arith.constant 8 : i32
      %get3A_250 = arith.index_cast %get3A_249 : i32 to index
      %get3A_251 = arith.constant 0 : index
      %get3A_252 = tpu.vector_load %arg6[%get3A_250, %get3A_251] {strides = array<i32>} : memref<104x32xf32, #tpu.memory_space<vmem>>, vector<1x16xf32>,
      %get3A_253 = vector.shape_cast %get3A_252 : vector<1x16xf32> to vector<16xf32>
      %add3A_254 = arith.addf %add3A_206, %get3A_253 : vector<16xf32>
      %get3A_255 = arith.constant 8 : i32
      %get3A_256 = arith.index_cast %get3A_255 : i32 to index
      %get3A_257 = arith.constant 16 : index
      %get3A_258 = tpu.vector_load %arg6[%get3A_256, %get3A_257] {strides = array<i32>} : memref<104x32xf32, #tpu.memory_space<vmem>>, vector<1x16xf32>,
      %get3A_259 = vector.shape_cast %get3A_258 : vector<1x16xf32> to vector<16xf32>
      %add3A_260 = arith.addf %add3A_212, %get3A_259 : vector<16xf32>
      %get3A_261 = arith.constant 9 : i32
      %get3A_262 = arith.index_cast %get3A_261 : i32 to index
      %get3A_263 = arith.constant 0 : index
      %get3A_264 = tpu.vector_load %arg6[%get3A_262, %get3A_263] {strides = array<i32>} : memref<104x32xf32, #tpu.memory_space<vmem>>, vector<1x16xf32>,
      %get3A_265 = vector.shape_cast %get3A_264 : vector<1x16xf32> to vector<16xf32>
      %add3A_266 = arith.addf %add3A_218, %get3A_265 : vector<16xf32>
      %get3A_267 = arith.constant 9 : i32
      %get3A_268 = arith.index_cast %get3A_267 : i32 to index
      %get3A_269 = arith.constant 16 : index
      %get3A_270 = tpu.vector_load %arg6[%get3A_268, %get3A_269] {strides = array<i32>} : memref<104x32xf32, #tpu.memory_space<vmem>>, vector<1x16xf32>,
      %get3A_271 = vector.shape_cast %get3A_270 : vector<1x16xf32> to vector<16xf32>
      %add3A_272 = arith.addf %add3A_224, %get3A_271 : vector<16xf32>
      %get3A_273 = arith.constant 8 : i32
      %get3A_274 = arith.index_cast %get3A_273 : i32 to index
      %get3A_275 = arith.constant 0 : index
      %get3A_276 = tpu.vector_load %arg7[%get3A_274, %get3A_275] {strides = array<i32>} : memref<104x32xf32, #tpu.memory_space<vmem>>, vector<1x16xf32>,
      %get3A_277 = vector.shape_cast %get3A_276 : vector<1x16xf32> to vector<16xf32>
      %add3A_278 = arith.addf %add3A_230, %get3A_277 : vector<16xf32>
      %get3A_279 = arith.constant 8 : i32
      %get3A_280 = arith.index_cast %get3A_279 : i32 to index
      %get3A_281 = arith.constant 16 : index
      %get3A_282 = tpu.vector_load %arg7[%get3A_280, %get3A_281] {strides = array<i32>} : memref<104x32xf32, #tpu.memory_space<vmem>>, vector<1x16xf32>,
      %get3A_283 = vector.shape_cast %get3A_282 : vector<1x16xf32> to vector<16xf32>
      %add3A_284 = arith.addf %add3A_236, %get3A_283 : vector<16xf32>
      %get3A_285 = arith.constant 9 : i32
      %get3A_286 = arith.index_cast %get3A_285 : i32 to index
      %get3A_287 = arith.constant 0 : index
      %get3A_288 = tpu.vector_load %arg7[%get3A_286, %get3A_287] {strides = array<i32>} : memref<104x32xf32, #tpu.memory_space<vmem>>, vector<1x16xf32>,
      %get3A_289 = vector.shape_cast %get3A_288 : vector<1x16xf32> to vector<16xf32>
      %add3A_290 = arith.addf %add3A_242, %get3A_289 : vector<16xf32>
      %get3A_291 = arith.constant 9 : i32
      %get3A_292 = arith.index_cast %get3A_291 : i32 to index
      %get3A_293 = arith.constant 16 : index
      %get3A_294 = tpu.vector_load %arg7[%get3A_292, %get3A_293] {strides = array<i32>} : memref<104x32xf32, #tpu.memory_space<vmem>>, vector<1x16xf32>,
      %get3A_295 = vector.shape_cast %get3A_294 : vector<1x16xf32> to vector<16xf32>
      %add3A_296 = arith.addf %add3A_248, %get3A_295 : vector<16xf32>
      %get3A_297 = arith.constant 10 : i32
      %get3A_298 = arith.index_cast %get3A_297 : i32 to index
      %get3A_299 = arith.constant 0 : index
      %get3A_300 = tpu.vector_load %arg6[%get3A_298, %get3A_299] {strides = array<i32>} : memref<104x32xf32, #tpu.memory_space<vmem>>, vector<1x16xf32>,
      %get3A_301 = vector.shape_cast %get3A_300 : vector<1x16xf32> to vector<16xf32>
      %add3A_302 = arith.addf %add3A_254, %get3A_301 : vector<16xf32>
      %get3A_303 = arith.constant 10 : i32
      %get3A_304 = arith.index_cast %get3A_303 : i32 to index
      %get3A_305 = arith.constant 16 : index
      %get3A_306 = tpu.vector_load %arg6[%get3A_304, %get3A_305] {strides = array<i32>} : memref<104x32xf32, #tpu.memory_space<vmem>>, vector<1x16xf32>,
      %get3A_307 = vector.shape_cast %get3A_306 : vector<1x16xf32> to vector<16xf32>
      %add3A_308 = arith.addf %add3A_260, %get3A_307 : vector<16xf32>
      %get3A_309 = arith.constant 11 : i32
      %get3A_310 = arith.index_cast %get3A_309 : i32 to index
      %get3A_311 = arith.constant 0 : index
      %get3A_312 = tpu.vector_load %arg6[%get3A_310, %get3A_311] {strides = array<i32>} : memref<104x32xf32, #tpu.memory_space<vmem>>, vector<1x16xf32>,
      %get3A_313 = vector.shape_cast %get3A_312 : vector<1x16xf32> to vector<16xf32>
      %add3A_314 = arith.addf %add3A_266, %get3A_313 : vector<16xf32>
      %get3A_315 = arith.constant 11 : i32
      %get3A_316 = arith.index_cast %get3A_315 : i32 to index
      %get3A_317 = arith.constant 16 : index
      %get3A_318 = tpu.vector_load %arg6[%get3A_316, %get3A_317] {strides = array<i32>} : memref<104x32xf32, #tpu.memory_space<vmem>>, vector<1x16xf32>,
      %get3A_319 = vector.shape_cast %get3A_318 : vector<1x16xf32> to vector<16xf32>
      %add3A_320 = arith.addf %add3A_272, %get3A_319 : vector<16xf32>
      %get3A_321 = arith.constant 10 : i32
      %get3A_322 = arith.index_cast %get3A_321 : i32 to index
      %get3A_323 = arith.constant 0 : index
      %get3A_324 = tpu.vector_load %arg7[%get3A_322, %get3A_323] {strides = array<i32>} : memref<104x32xf32, #tpu.memory_space<vmem>>, vector<1x16xf32>,
      %get3A_325 = vector.shape_cast %get3A_324 : vector<1x16xf32> to vector<16xf32>
      %add3A_326 = arith.addf %add3A_278, %get3A_325 : vector<16xf32>
      %get3A_327 = arith.constant 10 : i32
      %get3A_328 = arith.index_cast %get3A_327 : i32 to index
      %get3A_329 = arith.constant 16 : index
      %get3A_330 = tpu.vector_load %arg7[%get3A_328, %get3A_329] {strides = array<i32>} : memref<104x32xf32, #tpu.memory_space<vmem>>, vector<1x16xf32>,
      %get3A_331 = vector.shape_cast %get3A_330 : vector<1x16xf32> to vector<16xf32>
      %add3A_332 = arith.addf %add3A_284, %get3A_331 : vector<16xf32>
      %get3A_333 = arith.constant 11 : i32
      %get3A_334 = arith.index_cast %get3A_333 : i32 to index
      %get3A_335 = arith.constant 0 : index
      %get3A_336 = tpu.vector_load %arg7[%get3A_334, %get3A_335] {strides = array<i32>} : memref<104x32xf32, #tpu.memory_space<vmem>>, vector<1x16xf32>,
      %get3A_337 = vector.shape_cast %get3A_336 : vector<1x16xf32> to vector<16xf32>
      %add3A_338 = arith.addf %add3A_290, %get3A_337 : vector<16xf32>
      %get3A_339 = arith.constant 11 : i32
      %get3A_340 = arith.index_cast %get3A_339 : i32 to index
      %get3A_341 = arith.constant 16 : index
      %get3A_342 = tpu.vector_load %arg7[%get3A_340, %get3A_341] {strides = array<i32>} : memref<104x32xf32, #tpu.memory_space<vmem>>, vector<1x16xf32>,
      %get3A_343 = vector.shape_cast %get3A_342 : vector<1x16xf32> to vector<16xf32>
      %add3A_344 = arith.addf %add3A_296, %get3A_343 : vector<16xf32>
      %get3A_345 = arith.constant 12 : i32
      %get3A_346 = arith.index_cast %get3A_345 : i32 to index
      %get3A_347 = arith.constant 0 : index
      %get3A_348 = tpu.vector_load %arg6[%get3A_346, %get3A_347] {strides = array<i32>} : memref<104x32xf32, #tpu.memory_space<vmem>>, vector<1x16xf32>,
      %get3A_349 = vector.shape_cast %get3A_348 : vector<1x16xf32> to vector<16xf32>
      %add3A_350 = arith.addf %add3A_302, %get3A_349 : vector<16xf32>
      %get3A_351 = arith.constant 12 : i32
      %get3A_352 = arith.index_cast %get3A_351 : i32 to index
      %get3A_353 = arith.constant 16 : index
      %get3A_354 = tpu.vector_load %arg6[%get3A_352, %get3A_353] {strides = array<i32>} : memref<104x32xf32, #tpu.memory_space<vmem>>, vector<1x16xf32>,
      %get3A_355 = vector.shape_cast %get3A_354 : vector<1x16xf32> to vector<16xf32>
      %add3A_356 = arith.addf %add3A_308, %get3A_355 : vector<16xf32>
      %get3A_357 = arith.constant 13 : i32
      %get3A_358 = arith.index_cast %get3A_357 : i32 to index
      %get3A_359 = arith.constant 0 : index
      %get3A_360 = tpu.vector_load %arg6[%get3A_358, %get3A_359] {strides = array<i32>} : memref<104x32xf32, #tpu.memory_space<vmem>>, vector<1x16xf32>,
      %get3A_361 = vector.shape_cast %get3A_360 : vector<1x16xf32> to vector<16xf32>
      %add3A_362 = arith.addf %add3A_314, %get3A_361 : vector<16xf32>
      %get3A_363 = arith.constant 13 : i32
      %get3A_364 = arith.index_cast %get3A_363 : i32 to index
      %get3A_365 = arith.constant 16 : index
      %get3A_366 = tpu.vector_load %arg6[%get3A_364, %get3A_365] {strides = array<i32>} : memref<104x32xf32, #tpu.memory_space<vmem>>, vector<1x16xf32>,
      %get3A_367 = vector.shape_cast %get3A_366 : vector<1x16xf32> to vector<16xf32>
      %add3A_368 = arith.addf %add3A_320, %get3A_367 : vector<16xf32>
      %get3A_369 = arith.constant 12 : i32
      %get3A_370 = arith.index_cast %get3A_369 : i32 to index
      %get3A_371 = arith.constant 0 : index
      %get3A_372 = tpu.vector_load %arg7[%get3A_370, %get3A_371] {strides = array<i32>} : memref<104x32xf32, #tpu.memory_space<vmem>>, vector<1x16xf32>,
      %get3A_373 = vector.shape_cast %get3A_372 : vector<1x16xf32> to vector<16xf32>
      %add3A_374 = arith.addf %add3A_326, %get3A_373 : vector<16xf32>
      %get3A_375 = arith.constant 12 : i32
      %get3A_376 = arith.index_cast %get3A_375 : i32 to index
      %get3A_377 = arith.constant 16 : index
      %get3A_378 = tpu.vector_load %arg7[%get3A_376, %get3A_377] {strides = array<i32>} : memref<104x32xf32, #tpu.memory_space<vmem>>, vector<1x16xf32>,
      %get3A_379 = vector.shape_cast %get3A_378 : vector<1x16xf32> to vector<16xf32>
      %add3A_380 = arith.addf %add3A_332, %get3A_379 : vector<16xf32>
      %get3A_381 = arith.constant 13 : i32
      %get3A_382 = arith.index_cast %get3A_381 : i32 to index
      %get3A_383 = arith.constant 0 : index
      %get3A_384 = tpu.vector_load %arg7[%get3A_382, %get3A_383] {strides = array<i32>} : memref<104x32xf32, #tpu.memory_space<vmem>>, vector<1x16xf32>,
      %get3A_385 = vector.shape_cast %get3A_384 : vector<1x16xf32> to vector<16xf32>
      %add3A_386 = arith.addf %add3A_338, %get3A_385 : vector<16xf32>
      %get3A_387 = arith.constant 13 : i32
      %get3A_388 = arith.index_cast %get3A_387 : i32 to index
      %get3A_389 = arith.constant 16 : index
      %get3A_390 = tpu.vector_load %arg7[%get3A_388, %get3A_389] {strides = array<i32>} : memref<104x32xf32, #tpu.memory_space<vmem>>, vector<1x16xf32>,
      %get3A_391 = vector.shape_cast %get3A_390 : vector<1x16xf32> to vector<16xf32>
      %add3A_392 = arith.addf %add3A_344, %get3A_391 : vector<16xf32>
      %get3A_393 = arith.constant 14 : i32
      %get3A_394 = arith.index_cast %get3A_393 : i32 to index
      %get3A_395 = arith.constant 0 : index
      %get3A_396 = tpu.vector_load %arg6[%get3A_394, %get3A_395] {strides = array<i32>} : memref<104x32xf32, #tpu.memory_space<vmem>>, vector<1x16xf32>,
      %get3A_397 = vector.shape_cast %get3A_396 : vector<1x16xf32> to vector<16xf32>
      %add3A_398 = arith.addf %add3A_350, %get3A_397 : vector<16xf32>
      %get3A_399 = arith.constant 14 : i32
      %get3A_400 = arith.index_cast %get3A_399 : i32 to index
      %get3A_401 = arith.constant 16 : index
      %get3A_402 = tpu.vector_load %arg6[%get3A_400, %get3A_401] {strides = array<i32>} : memref<104x32xf32, #tpu.memory_space<vmem>>, vector<1x16xf32>,
      %get3A_403 = vector.shape_cast %get3A_402 : vector<1x16xf32> to vector<16xf32>
      %add3A_404 = arith.addf %add3A_356, %get3A_403 : vector<16xf32>
      %get3A_405 = arith.constant 15 : i32
      %get3A_406 = arith.index_cast %get3A_405 : i32 to index
      %get3A_407 = arith.constant 0 : index
      %get3A_408 = tpu.vector_load %arg6[%get3A_406, %get3A_407] {strides = array<i32>} : memref<104x32xf32, #tpu.memory_space<vmem>>, vector<1x16xf32>,
      %get3A_409 = vector.shape_cast %get3A_408 : vector<1x16xf32> to vector<16xf32>
      %add3A_410 = arith.addf %add3A_362, %get3A_409 : vector<16xf32>
      %get3A_411 = arith.constant 15 : i32
      %get3A_412 = arith.index_cast %get3A_411 : i32 to index
      %get3A_413 = arith.constant 16 : index
      %get3A_414 = tpu.vector_load %arg6[%get3A_412, %get3A_413] {strides = array<i32>} : memref<104x32xf32, #tpu.memory_space<vmem>>, vector<1x16xf32>,
      %get3A_415 = vector.shape_cast %get3A_414 : vector<1x16xf32> to vector<16xf32>
      %add3A_416 = arith.addf %add3A_368, %get3A_415 : vector<16xf32>
      %get3A_417 = arith.constant 14 : i32
      %get3A_418 = arith.index_cast %get3A_417 : i32 to index
      %get3A_419 = arith.constant 0 : index
      %get3A_420 = tpu.vector_load %arg7[%get3A_418, %get3A_419] {strides = array<i32>} : memref<104x32xf32, #tpu.memory_space<vmem>>, vector<1x16xf32>,
      %get3A_421 = vector.shape_cast %get3A_420 : vector<1x16xf32> to vector<16xf32>
      %add3A_422 = arith.addf %add3A_374, %get3A_421 : vector<16xf32>
      %get3A_423 = arith.constant 14 : i32
      %get3A_424 = arith.index_cast %get3A_423 : i32 to index
      %get3A_425 = arith.constant 16 : index
      %get3A_426 = tpu.vector_load %arg7[%get3A_424, %get3A_425] {strides = array<i32>} : memref<104x32xf32, #tpu.memory_space<vmem>>, vector<1x16xf32>,
      %get3A_427 = vector.shape_cast %get3A_426 : vector<1x16xf32> to vector<16xf32>
      %add3A_428 = arith.addf %add3A_380, %get3A_427 : vector<16xf32>
      %get3A_429 = arith.constant 15 : i32
      %get3A_430 = arith.index_cast %get3A_429 : i32 to index
      %get3A_431 = arith.constant 0 : index
      %get3A_432 = tpu.vector_load %arg7[%get3A_430, %get3A_431] {strides = array<i32>} : memref<104x32xf32, #tpu.memory_space<vmem>>, vector<1x16xf32>,
      %get3A_433 = vector.shape_cast %get3A_432 : vector<1x16xf32> to vector<16xf32>
      %add3A_434 = arith.addf %add3A_386, %get3A_433 : vector<16xf32>
      %get3A_435 = arith.constant 15 : i32
      %get3A_436 = arith.index_cast %get3A_435 : i32 to index
      %get3A_437 = arith.constant 16 : index
      %get3A_438 = tpu.vector_load %arg7[%get3A_436, %get3A_437] {strides = array<i32>} : memref<104x32xf32, #tpu.memory_space<vmem>>, vector<1x16xf32>,
      %get3A_439 = vector.shape_cast %get3A_438 : vector<1x16xf32> to vector<16xf32>
      %add3A_440 = arith.addf %add3A_392, %get3A_439 : vector<16xf32>
      %get3A_441 = arith.constant 16 : i32
      %get3A_442 = arith.index_cast %get3A_441 : i32 to index
      %get3A_443 = arith.constant 0 : index
      %get3A_444 = tpu.vector_load %arg6[%get3A_442, %get3A_443] {strides = array<i32>} : memref<104x32xf32, #tpu.memory_space<vmem>>, vector<1x16xf32>,
      %get3A_445 = vector.shape_cast %get3A_444 : vector<1x16xf32> to vector<16xf32>
      %add3A_446 = arith.addf %add3A_398, %get3A_445 : vector<16xf32>
      %get3A_447 = arith.constant 16 : i32
      %get3A_448 = arith.index_cast %get3A_447 : i32 to index
      %get3A_449 = arith.constant 16 : index
      %get3A_450 = tpu.vector_load %arg6[%get3A_448, %get3A_449] {strides = array<i32>} : memref<104x32xf32, #tpu.memory_space<vmem>>, vector<1x16xf32>,
      %get3A_451 = vector.shape_cast %get3A_450 : vector<1x16xf32> to vector<16xf32>
      %add3A_452 = arith.addf %add3A_404, %get3A_451 : vector<16xf32>
      %get3A_453 = arith.constant 17 : i32
      %get3A_454 = arith.index_cast %get3A_453 : i32 to index
      %get3A_455 = arith.constant 0 : index
      %get3A_456 = tpu.vector_load %arg6[%get3A_454, %get3A_455] {strides = array<i32>} : memref<104x32xf32, #tpu.memory_space<vmem>>, vector<1x16xf32>,
      %get3A_457 = vector.shape_cast %get3A_456 : vector<1x16xf32> to vector<16xf32>
      %add3A_458 = arith.addf %add3A_410, %get3A_457 : vector<16xf32>
      %get3A_459 = arith.constant 17 : i32
      %get3A_460 = arith.index_cast %get3A_459 : i32 to index
      %get3A_461 = arith.constant 16 : index
      %get3A_462 = tpu.vector_load %arg6[%get3A_460, %get3A_461] {strides = array<i32>} : memref<104x32xf32, #tpu.memory_space<vmem>>, vector<1x16xf32>,
      %get3A_463 = vector.shape_cast %get3A_462 : vector<1x16xf32> to vector<16xf32>
      %add3A_464 = arith.addf %add3A_416, %get3A_463 : vector<16xf32>
      %get3A_465 = arith.constant 16 : i32
      %get3A_466 = arith.index_cast %get3A_465 : i32 to index
      %get3A_467 = arith.constant 0 : index
      %get3A_468 = tpu.vector_load %arg7[%get3A_466, %get3A_467] {strides = array<i32>} : memref<104x32xf32, #tpu.memory_space<vmem>>, vector<1x16xf32>,
      %get3A_469 = vector.shape_cast %get3A_468 : vector<1x16xf32> to vector<16xf32>
      %add3A_470 = arith.addf %add3A_422, %get3A_469 : vector<16xf32>
      %get3A_471 = arith.constant 16 : i32
      %get3A_472 = arith.index_cast %get3A_471 : i32 to index
      %get3A_473 = arith.constant 16 : index
      %get3A_474 = tpu.vector_load %arg7[%get3A_472, %get3A_473] {strides = array<i32>} : memref<104x32xf32, #tpu.memory_space<vmem>>, vector<1x16xf32>,
      %get3A_475 = vector.shape_cast %get3A_474 : vector<1x16xf32> to vector<16xf32>
      %add3A_476 = arith.addf %add3A_428, %get3A_475 : vector<16xf32>
      %get3A_477 = arith.constant 17 : i32
      %get3A_478 = arith.index_cast %get3A_477 : i32 to index
      %get3A_479 = arith.constant 0 : index
      %get3A_480 = tpu.vector_load %arg7[%get3A_478, %get3A_479] {strides = array<i32>} : memref<104x32xf32, #tpu.memory_space<vmem>>, vector<1x16xf32>,
      %get3A_481 = vector.shape_cast %get3A_480 : vector<1x16xf32> to vector<16xf32>
      %add3A_482 = arith.addf %add3A_434, %get3A_481 : vector<16xf32>
      %get3A_483 = arith.constant 17 : i32
      %get3A_484 = arith.index_cast %get3A_483 : i32 to index
      %get3A_485 = arith.constant 16 : index
      %get3A_486 = tpu.vector_load %arg7[%get3A_484, %get3A_485] {strides = array<i32>} : memref<104x32xf32, #tpu.memory_space<vmem>>, vector<1x16xf32>,
      %get3A_487 = vector.shape_cast %get3A_486 : vector<1x16xf32> to vector<16xf32>
      %add3A_488 = arith.addf %add3A_440, %get3A_487 : vector<16xf32>
      %get3A_489 = arith.constant 18 : i32
      %get3A_490 = arith.index_cast %get3A_489 : i32 to index
      %get3A_491 = arith.constant 0 : index
      %get3A_492 = tpu.vector_load %arg6[%get3A_490, %get3A_491] {strides = array<i32>} : memref<104x32xf32, #tpu.memory_space<vmem>>, vector<1x16xf32>,
      %get3A_493 = vector.shape_cast %get3A_492 : vector<1x16xf32> to vector<16xf32>
      %add3A_494 = arith.addf %add3A_446, %get3A_493 : vector<16xf32>
      %get3A_495 = arith.constant 18 : i32
      %get3A_496 = arith.index_cast %get3A_495 : i32 to index
      %get3A_497 = arith.constant 16 : index
      %get3A_498 = tpu.vector_load %arg6[%get3A_496, %get3A_497] {strides = array<i32>} : memref<104x32xf32, #tpu.memory_space<vmem>>, vector<1x16xf32>,
      %get3A_499 = vector.shape_cast %get3A_498 : vector<1x16xf32> to vector<16xf32>
      %add3A_500 = arith.addf %add3A_452, %get3A_499 : vector<16xf32>
      %get3A_501 = arith.constant 19 : i32
      %get3A_502 = arith.index_cast %get3A_501 : i32 to index
      %get3A_503 = arith.constant 0 : index
      %get3A_504 = tpu.vector_load %arg6[%get3A_502, %get3A_503] {strides = array<i32>} : memref<104x32xf32, #tpu.memory_space<vmem>>, vector<1x16xf32>,
      %get3A_505 = vector.shape_cast %get3A_504 : vector<1x16xf32> to vector<16xf32>
      %add3A_506 = arith.addf %add3A_458, %get3A_505 : vector<16xf32>
      %get3A_507 = arith.constant 19 : i32
      %get3A_508 = arith.index_cast %get3A_507 : i32 to index
      %get3A_509 = arith.constant 16 : index
      %get3A_510 = tpu.vector_load %arg6[%get3A_508, %get3A_509] {strides = array<i32>} : memref<104x32xf32, #tpu.memory_space<vmem>>, vector<1x16xf32>,
      %get3A_511 = vector.shape_cast %get3A_510 : vector<1x16xf32> to vector<16xf32>
      %add3A_512 = arith.addf %add3A_464, %get3A_511 : vector<16xf32>
      %get3A_513 = arith.constant 18 : i32
      %get3A_514 = arith.index_cast %get3A_513 : i32 to index
      %get3A_515 = arith.constant 0 : index
      %get3A_516 = tpu.vector_load %arg7[%get3A_514, %get3A_515] {strides = array<i32>} : memref<104x32xf32, #tpu.memory_space<vmem>>, vector<1x16xf32>,
      %get3A_517 = vector.shape_cast %get3A_516 : vector<1x16xf32> to vector<16xf32>
      %add3A_518 = arith.addf %add3A_470, %get3A_517 : vector<16xf32>
      %get3A_519 = arith.constant 18 : i32
      %get3A_520 = arith.index_cast %get3A_519 : i32 to index
      %get3A_521 = arith.constant 16 : index
      %get3A_522 = tpu.vector_load %arg7[%get3A_520, %get3A_521] {strides = array<i32>} : memref<104x32xf32, #tpu.memory_space<vmem>>, vector<1x16xf32>,
      %get3A_523 = vector.shape_cast %get3A_522 : vector<1x16xf32> to vector<16xf32>
      %add3A_524 = arith.addf %add3A_476, %get3A_523 : vector<16xf32>
      %get3A_525 = arith.constant 19 : i32
      %get3A_526 = arith.index_cast %get3A_525 : i32 to index
      %get3A_527 = arith.constant 0 : index
      %get3A_528 = tpu.vector_load %arg7[%get3A_526, %get3A_527] {strides = array<i32>} : memref<104x32xf32, #tpu.memory_space<vmem>>, vector<1x16xf32>,
      %get3A_529 = vector.shape_cast %get3A_528 : vector<1x16xf32> to vector<16xf32>
      %add3A_530 = arith.addf %add3A_482, %get3A_529 : vector<16xf32>
      %get3A_531 = arith.constant 19 : i32
      %get3A_532 = arith.index_cast %get3A_531 : i32 to index
      %get3A_533 = arith.constant 16 : index
      %get3A_534 = tpu.vector_load %arg7[%get3A_532, %get3A_533] {strides = array<i32>} : memref<104x32xf32, #tpu.memory_space<vmem>>, vector<1x16xf32>,
      %get3A_535 = vector.shape_cast %get3A_534 : vector<1x16xf32> to vector<16xf32>
      %add3A_536 = arith.addf %add3A_488, %get3A_535 : vector<16xf32>
      %get3A_537 = arith.constant 20 : i32
      %get3A_538 = arith.index_cast %get3A_537 : i32 to index
      %get3A_539 = arith.constant 0 : index
      %get3A_540 = tpu.vector_load %arg6[%get3A_538, %get3A_539] {strides = array<i32>} : memref<104x32xf32, #tpu.memory_space<vmem>>, vector<1x16xf32>,
      %get3A_541 = vector.shape_cast %get3A_540 : vector<1x16xf32> to vector<16xf32>
      %add3A_542 = arith.addf %add3A_494, %get3A_541 : vector<16xf32>
      %get3A_543 = arith.constant 20 : i32
      %get3A_544 = arith.index_cast %get3A_543 : i32 to index
      %get3A_545 = arith.constant 16 : index
      %get3A_546 = tpu.vector_load %arg6[%get3A_544, %get3A_545] {strides = array<i32>} : memref<104x32xf32, #tpu.memory_space<vmem>>, vector<1x16xf32>,
      %get3A_547 = vector.shape_cast %get3A_546 : vector<1x16xf32> to vector<16xf32>
      %add3A_548 = arith.addf %add3A_500, %get3A_547 : vector<16xf32>
      %get3A_549 = arith.constant 21 : i32
      %get3A_550 = arith.index_cast %get3A_549 : i32 to index
      %get3A_551 = arith.constant 0 : index
      %get3A_552 = tpu.vector_load %arg6[%get3A_550, %get3A_551] {strides = array<i32>} : memref<104x32xf32, #tpu.memory_space<vmem>>, vector<1x16xf32>,
      %get3A_553 = vector.shape_cast %get3A_552 : vector<1x16xf32> to vector<16xf32>
      %add3A_554 = arith.addf %add3A_506, %get3A_553 : vector<16xf32>
      %get3A_555 = arith.constant 21 : i32
      %get3A_556 = arith.index_cast %get3A_555 : i32 to index
      %get3A_557 = arith.constant 16 : index
      %get3A_558 = tpu.vector_load %arg6[%get3A_556, %get3A_557] {strides = array<i32>} : memref<104x32xf32, #tpu.memory_space<vmem>>, vector<1x16xf32>,
      %get3A_559 = vector.shape_cast %get3A_558 : vector<1x16xf32> to vector<16xf32>
      %add3A_560 = arith.addf %add3A_512, %get3A_559 : vector<16xf32>
      %get3A_561 = arith.constant 20 : i32
      %get3A_562 = arith.index_cast %get3A_561 : i32 to index
      %get3A_563 = arith.constant 0 : index
      %get3A_564 = tpu.vector_load %arg7[%get3A_562, %get3A_563] {strides = array<i32>} : memref<104x32xf32, #tpu.memory_space<vmem>>, vector<1x16xf32>,
      %get3A_565 = vector.shape_cast %get3A_564 : vector<1x16xf32> to vector<16xf32>
      %add3A_566 = arith.addf %add3A_518, %get3A_565 : vector<16xf32>
      %get3A_567 = arith.constant 20 : i32
      %get3A_568 = arith.index_cast %get3A_567 : i32 to index
      %get3A_569 = arith.constant 16 : index
      %get3A_570 = tpu.vector_load %arg7[%get3A_568, %get3A_569] {strides = array<i32>} : memref<104x32xf32, #tpu.memory_space<vmem>>, vector<1x16xf32>,
      %get3A_571 = vector.shape_cast %get3A_570 : vector<1x16xf32> to vector<16xf32>
      %add3A_572 = arith.addf %add3A_524, %get3A_571 : vector<16xf32>
      %get3A_573 = arith.constant 21 : i32
      %get3A_574 = arith.index_cast %get3A_573 : i32 to index
      %get3A_575 = arith.constant 0 : index
      %get3A_576 = tpu.vector_load %arg7[%get3A_574, %get3A_575] {strides = array<i32>} : memref<104x32xf32, #tpu.memory_space<vmem>>, vector<1x16xf32>,
      %get3A_577 = vector.shape_cast %get3A_576 : vector<1x16xf32> to vector<16xf32>
      %add3A_578 = arith.addf %add3A_530, %get3A_577 : vector<16xf32>
      %get3A_579 = arith.constant 21 : i32
      %get3A_580 = arith.index_cast %get3A_579 : i32 to index
      %get3A_581 = arith.constant 16 : index
      %get3A_582 = tpu.vector_load %arg7[%get3A_580, %get3A_581] {strides = array<i32>} : memref<104x32xf32, #tpu.memory_space<vmem>>, vector<1x16xf32>,
      %get3A_583 = vector.shape_cast %get3A_582 : vector<1x16xf32> to vector<16xf32>
      %add3A_584 = arith.addf %add3A_536, %get3A_583 : vector<16xf32>
      %get3A_585 = arith.constant 22 : i32
      %get3A_586 = arith.index_cast %get3A_585 : i32 to index
      %get3A_587 = arith.constant 0 : index
      %get3A_588 = tpu.vector_load %arg6[%get3A_586, %get3A_587] {strides = array<i32>} : memref<104x32xf32, #tpu.memory_space<vmem>>, vector<1x16xf32>,
      %get3A_589 = vector.shape_cast %get3A_588 : vector<1x16xf32> to vector<16xf32>
      %add3A_590 = arith.addf %add3A_542, %get3A_589 : vector<16xf32>
      %get3A_591 = arith.constant 22 : i32
      %get3A_592 = arith.index_cast %get3A_591 : i32 to index
      %get3A_593 = arith.constant 16 : index
      %get3A_594 = tpu.vector_load %arg6[%get3A_592, %get3A_593] {strides = array<i32>} : memref<104x32xf32, #tpu.memory_space<vmem>>, vector<1x16xf32>,
      %get3A_595 = vector.shape_cast %get3A_594 : vector<1x16xf32> to vector<16xf32>
      %add3A_596 = arith.addf %add3A_548, %get3A_595 : vector<16xf32>
      %get3A_597 = arith.constant 23 : i32
      %get3A_598 = arith.index_cast %get3A_597 : i32 to index
      %get3A_599 = arith.constant 0 : index
      %get3A_600 = tpu.vector_load %arg6[%get3A_598, %get3A_599] {strides = array<i32>} : memref<104x32xf32, #tpu.memory_space<vmem>>, vector<1x16xf32>,
      %get3A_601 = vector.shape_cast %get3A_600 : vector<1x16xf32> to vector<16xf32>
      %add3A_602 = arith.addf %add3A_554, %get3A_601 : vector<16xf32>
      %get3A_603 = arith.constant 23 : i32
      %get3A_604 = arith.index_cast %get3A_603 : i32 to index
      %get3A_605 = arith.constant 16 : index
      %get3A_606 = tpu.vector_load %arg6[%get3A_604, %get3A_605] {strides = array<i32>} : memref<104x32xf32, #tpu.memory_space<vmem>>, vector<1x16xf32>,
      %get3A_607 = vector.shape_cast %get3A_606 : vector<1x16xf32> to vector<16xf32>
      %add3A_608 = arith.addf %add3A_560, %get3A_607 : vector<16xf32>
      %get3A_609 = arith.constant 22 : i32
      %get3A_610 = arith.index_cast %get3A_609 : i32 to index
      %get3A_611 = arith.constant 0 : index
      %get3A_612 = tpu.vector_load %arg7[%get3A_610, %get3A_611] {strides = array<i32>} : memref<104x32xf32, #tpu.memory_space<vmem>>, vector<1x16xf32>,
      %get3A_613 = vector.shape_cast %get3A_612 : vector<1x16xf32> to vector<16xf32>
      %add3A_614 = arith.addf %add3A_566, %get3A_613 : vector<16xf32>
      %get3A_615 = arith.constant 22 : i32
      %get3A_616 = arith.index_cast %get3A_615 : i32 to index
      %get3A_617 = arith.constant 16 : index
      %get3A_618 = tpu.vector_load %arg7[%get3A_616, %get3A_617] {strides = array<i32>} : memref<104x32xf32, #tpu.memory_space<vmem>>, vector<1x16xf32>,
      %get3A_619 = vector.shape_cast %get3A_618 : vector<1x16xf32> to vector<16xf32>
      %add3A_620 = arith.addf %add3A_572, %get3A_619 : vector<16xf32>
      %get3A_621 = arith.constant 23 : i32
      %get3A_622 = arith.index_cast %get3A_621 : i32 to index
      %get3A_623 = arith.constant 0 : index
      %get3A_624 = tpu.vector_load %arg7[%get3A_622, %get3A_623] {strides = array<i32>} : memref<104x32xf32, #tpu.memory_space<vmem>>, vector<1x16xf32>,
      %get3A_625 = vector.shape_cast %get3A_624 : vector<1x16xf32> to vector<16xf32>
      %add3A_626 = arith.addf %add3A_578, %get3A_625 : vector<16xf32>
      %get3A_627 = arith.constant 23 : i32
      %get3A_628 = arith.index_cast %get3A_627 : i32 to index
      %get3A_629 = arith.constant 16 : index
      %get3A_630 = tpu.vector_load %arg7[%get3A_628, %get3A_629] {strides = array<i32>} : memref<104x32xf32, #tpu.memory_space<vmem>>, vector<1x16xf32>,
      %get3A_631 = vector.shape_cast %get3A_630 : vector<1x16xf32> to vector<16xf32>
      %add3A_632 = arith.addf %add3A_584, %get3A_631 : vector<16xf32>
      %get3A_633 = arith.constant 24 : i32
      %get3A_634 = arith.index_cast %get3A_633 : i32 to index
      %get3A_635 = arith.constant 0 : index
      %get3A_636 = tpu.vector_load %arg6[%get3A_634, %get3A_635] {strides = array<i32>} : memref<104x32xf32, #tpu.memory_space<vmem>>, vector<1x16xf32>,
      %get3A_637 = vector.shape_cast %get3A_636 : vector<1x16xf32> to vector<16xf32>
      %add3A_638 = arith.addf %add3A_590, %get3A_637 : vector<16xf32>
      %get3A_639 = arith.constant 24 : i32
      %get3A_640 = arith.index_cast %get3A_639 : i32 to index
      %get3A_641 = arith.constant 16 : index
      %get3A_642 = tpu.vector_load %arg6[%get3A_640, %get3A_641] {strides = array<i32>} : memref<104x32xf32, #tpu.memory_space<vmem>>, vector<1x16xf32>,
      %get3A_643 = vector.shape_cast %get3A_642 : vector<1x16xf32> to vector<16xf32>
      %add3A_644 = arith.addf %add3A_596, %get3A_643 : vector<16xf32>
      %get3A_645 = arith.constant 25 : i32
      %get3A_646 = arith.index_cast %get3A_645 : i32 to index
      %get3A_647 = arith.constant 0 : index
      %get3A_648 = tpu.vector_load %arg6[%get3A_646, %get3A_647] {strides = array<i32>} : memref<104x32xf32, #tpu.memory_space<vmem>>, vector<1x16xf32>,
      %get3A_649 = vector.shape_cast %get3A_648 : vector<1x16xf32> to vector<16xf32>
      %add3A_650 = arith.addf %add3A_602, %get3A_649 : vector<16xf32>
      %get3A_651 = arith.constant 25 : i32
      %get3A_652 = arith.index_cast %get3A_651 : i32 to index
      %get3A_653 = arith.constant 16 : index
      %get3A_654 = tpu.vector_load %arg6[%get3A_652, %get3A_653] {strides = array<i32>} : memref<104x32xf32, #tpu.memory_space<vmem>>, vector<1x16xf32>,
      %get3A_655 = vector.shape_cast %get3A_654 : vector<1x16xf32> to vector<16xf32>
      %add3A_656 = arith.addf %add3A_608, %get3A_655 : vector<16xf32>
      %get3A_657 = arith.constant 24 : i32
      %get3A_658 = arith.index_cast %get3A_657 : i32 to index
      %get3A_659 = arith.constant 0 : index
      %get3A_660 = tpu.vector_load %arg7[%get3A_658, %get3A_659] {strides = array<i32>} : memref<104x32xf32, #tpu.memory_space<vmem>>, vector<1x16xf32>,
      %get3A_661 = vector.shape_cast %get3A_660 : vector<1x16xf32> to vector<16xf32>
      %add3A_662 = arith.addf %add3A_614, %get3A_661 : vector<16xf32>
      %get3A_663 = arith.constant 24 : i32
      %get3A_664 = arith.index_cast %get3A_663 : i32 to index
      %get3A_665 = arith.constant 16 : index
      %get3A_666 = tpu.vector_load %arg7[%get3A_664, %get3A_665] {strides = array<i32>} : memref<104x32xf32, #tpu.memory_space<vmem>>, vector<1x16xf32>,
      %get3A_667 = vector.shape_cast %get3A_666 : vector<1x16xf32> to vector<16xf32>
      %add3A_668 = arith.addf %add3A_620, %get3A_667 : vector<16xf32>
      %get3A_669 = arith.constant 25 : i32
      %get3A_670 = arith.index_cast %get3A_669 : i32 to index
      %get3A_671 = arith.constant 0 : index
      %get3A_672 = tpu.vector_load %arg7[%get3A_670, %get3A_671] {strides = array<i32>} : memref<104x32xf32, #tpu.memory_space<vmem>>, vector<1x16xf32>,
      %get3A_673 = vector.shape_cast %get3A_672 : vector<1x16xf32> to vector<16xf32>
      %add3A_674 = arith.addf %add3A_626, %get3A_673 : vector<16xf32>
      %get3A_675 = arith.constant 25 : i32
      %get3A_676 = arith.index_cast %get3A_675 : i32 to index
      %get3A_677 = arith.constant 16 : index
      %get3A_678 = tpu.vector_load %arg7[%get3A_676, %get3A_677] {strides = array<i32>} : memref<104x32xf32, #tpu.memory_space<vmem>>, vector<1x16xf32>,
      %get3A_679 = vector.shape_cast %get3A_678 : vector<1x16xf32> to vector<16xf32>
      %add3A_680 = arith.addf %add3A_632, %get3A_679 : vector<16xf32>
      %get3A_681 = arith.constant 26 : i32
      %get3A_682 = arith.index_cast %get3A_681 : i32 to index
      %get3A_683 = arith.constant 0 : index
      %get3A_684 = tpu.vector_load %arg6[%get3A_682, %get3A_683] {strides = array<i32>} : memref<104x32xf32, #tpu.memory_space<vmem>>, vector<1x16xf32>,
      %get3A_685 = vector.shape_cast %get3A_684 : vector<1x16xf32> to vector<16xf32>
      %add3A_686 = arith.addf %add3A_638, %get3A_685 : vector<16xf32>
      %get3A_687 = arith.constant 26 : i32
      %get3A_688 = arith.index_cast %get3A_687 : i32 to index
      %get3A_689 = arith.constant 16 : index
      %get3A_690 = tpu.vector_load %arg6[%get3A_688, %get3A_689] {strides = array<i32>} : memref<104x32xf32, #tpu.memory_space<vmem>>, vector<1x16xf32>,
      %get3A_691 = vector.shape_cast %get3A_690 : vector<1x16xf32> to vector<16xf32>
      %add3A_692 = arith.addf %add3A_644, %get3A_691 : vector<16xf32>
      %get3A_693 = arith.constant 27 : i32
      %get3A_694 = arith.index_cast %get3A_693 : i32 to index
      %get3A_695 = arith.constant 0 : index
      %get3A_696 = tpu.vector_load %arg6[%get3A_694, %get3A_695] {strides = array<i32>} : memref<104x32xf32, #tpu.memory_space<vmem>>, vector<1x16xf32>,
      %get3A_697 = vector.shape_cast %get3A_696 : vector<1x16xf32> to vector<16xf32>
      %add3A_698 = arith.addf %add3A_650, %get3A_697 : vector<16xf32>
      %get3A_699 = arith.constant 27 : i32
      %get3A_700 = arith.index_cast %get3A_699 : i32 to index
      %get3A_701 = arith.constant 16 : index
      %get3A_702 = tpu.vector_load %arg6[%get3A_700, %get3A_701] {strides = array<i32>} : memref<104x32xf32, #tpu.memory_space<vmem>>, vector<1x16xf32>,
      %get3A_703 = vector.shape_cast %get3A_702 : vector<1x16xf32> to vector<16xf32>
      %add3A_704 = arith.addf %add3A_656, %get3A_703 : vector<16xf32>
      %get3A_705 = arith.constant 26 : i32
      %get3A_706 = arith.index_cast %get3A_705 : i32 to index
      %get3A_707 = arith.constant 0 : index
      %get3A_708 = tpu.vector_load %arg7[%get3A_706, %get3A_707] {strides = array<i32>} : memref<104x32xf32, #tpu.memory_space<vmem>>, vector<1x16xf32>,
      %get3A_709 = vector.shape_cast %get3A_708 : vector<1x16xf32> to vector<16xf32>
      %add3A_710 = arith.addf %add3A_662, %get3A_709 : vector<16xf32>
      %get3A_711 = arith.constant 26 : i32
      %get3A_712 = arith.index_cast %get3A_711 : i32 to index
      %get3A_713 = arith.constant 16 : index
      %get3A_714 = tpu.vector_load %arg7[%get3A_712, %get3A_713] {strides = array<i32>} : memref<104x32xf32, #tpu.memory_space<vmem>>, vector<1x16xf32>,
      %get3A_715 = vector.shape_cast %get3A_714 : vector<1x16xf32> to vector<16xf32>
      %add3A_716 = arith.addf %add3A_668, %get3A_715 : vector<16xf32>
      %get3A_717 = arith.constant 27 : i32
      %get3A_718 = arith.index_cast %get3A_717 : i32 to index
      %get3A_719 = arith.constant 0 : index
      %get3A_720 = tpu.vector_load %arg7[%get3A_718, %get3A_719] {strides = array<i32>} : memref<104x32xf32, #tpu.memory_space<vmem>>, vector<1x16xf32>,
      %get3A_721 = vector.shape_cast %get3A_720 : vector<1x16xf32> to vector<16xf32>
      %add3A_722 = arith.addf %add3A_674, %get3A_721 : vector<16xf32>
      %get3A_723 = arith.constant 27 : i32
      %get3A_724 = arith.index_cast %get3A_723 : i32 to index
      %get3A_725 = arith.constant 16 : index
      %get3A_726 = tpu.vector_load %arg7[%get3A_724, %get3A_725] {strides = array<i32>} : memref<104x32xf32, #tpu.memory_space<vmem>>, vector<1x16xf32>,
      %get3A_727 = vector.shape_cast %get3A_726 : vector<1x16xf32> to vector<16xf32>
      %add3A_728 = arith.addf %add3A_680, %get3A_727 : vector<16xf32>
      %get3A_729 = arith.constant 28 : i32
      %get3A_730 = arith.index_cast %get3A_729 : i32 to index
      %get3A_731 = arith.constant 0 : index
      %get3A_732 = tpu.vector_load %arg6[%get3A_730, %get3A_731] {strides = array<i32>} : memref<104x32xf32, #tpu.memory_space<vmem>>, vector<1x16xf32>,
      %get3A_733 = vector.shape_cast %get3A_732 : vector<1x16xf32> to vector<16xf32>
      %add3A_734 = arith.addf %add3A_686, %get3A_733 : vector<16xf32>
      %get3A_735 = arith.constant 28 : i32
      %get3A_736 = arith.index_cast %get3A_735 : i32 to index
      %get3A_737 = arith.constant 16 : index
      %get3A_738 = tpu.vector_load %arg6[%get3A_736, %get3A_737] {strides = array<i32>} : memref<104x32xf32, #tpu.memory_space<vmem>>, vector<1x16xf32>,
      %get3A_739 = vector.shape_cast %get3A_738 : vector<1x16xf32> to vector<16xf32>
      %add3A_740 = arith.addf %add3A_692, %get3A_739 : vector<16xf32>
      %get3A_741 = arith.constant 29 : i32
      %get3A_742 = arith.index_cast %get3A_741 : i32 to index
      %get3A_743 = arith.constant 0 : index
      %get3A_744 = tpu.vector_load %arg6[%get3A_742, %get3A_743] {strides = array<i32>} : memref<104x32xf32, #tpu.memory_space<vmem>>, vector<1x16xf32>,
      %get3A_745 = vector.shape_cast %get3A_744 : vector<1x16xf32> to vector<16xf32>
      %add3A_746 = arith.addf %add3A_698, %get3A_745 : vector<16xf32>
      %get3A_747 = arith.constant 29 : i32
      %get3A_748 = arith.index_cast %get3A_747 : i32 to index
      %get3A_749 = arith.constant 16 : index
      %get3A_750 = tpu.vector_load %arg6[%get3A_748, %get3A_749] {strides = array<i32>} : memref<104x32xf32, #tpu.memory_space<vmem>>, vector<1x16xf32>,
      %get3A_751 = vector.shape_cast %get3A_750 : vector<1x16xf32> to vector<16xf32>
      %add3A_752 = arith.addf %add3A_704, %get3A_751 : vector<16xf32>
      %get3A_753 = arith.constant 28 : i32
      %get3A_754 = arith.index_cast %get3A_753 : i32 to index
      %get3A_755 = arith.constant 0 : index
      %get3A_756 = tpu.vector_load %arg7[%get3A_754, %get3A_755] {strides = array<i32>} : memref<104x32xf32, #tpu.memory_space<vmem>>, vector<1x16xf32>,
      %get3A_757 = vector.shape_cast %get3A_756 : vector<1x16xf32> to vector<16xf32>
      %add3A_758 = arith.addf %add3A_710, %get3A_757 : vector<16xf32>
      %get3A_759 = arith.constant 28 : i32
      %get3A_760 = arith.index_cast %get3A_759 : i32 to index
      %get3A_761 = arith.constant 16 : index
      %get3A_762 = tpu.vector_load %arg7[%get3A_760, %get3A_761] {strides = array<i32>} : memref<104x32xf32, #tpu.memory_space<vmem>>, vector<1x16xf32>,
      %get3A_763 = vector.shape_cast %get3A_762 : vector<1x16xf32> to vector<16xf32>
      %add3A_764 = arith.addf %add3A_716, %get3A_763 : vector<16xf32>
      %get3A_765 = arith.constant 29 : i32
      %get3A_766 = arith.index_cast %get3A_765 : i32 to index
      %get3A_767 = arith.constant 0 : index
      %get3A_768 = tpu.vector_load %arg7[%get3A_766, %get3A_767] {strides = array<i32>} : memref<104x32xf32, #tpu.memory_space<vmem>>, vector<1x16xf32>,
      %get3A_769 = vector.shape_cast %get3A_768 : vector<1x16xf32> to vector<16xf32>
      %add3A_770 = arith.addf %add3A_722, %get3A_769 : vector<16xf32>
      %get3A_771 = arith.constant 29 : i32
      %get3A_772 = arith.index_cast %get3A_771 : i32 to index
      %get3A_773 = arith.constant 16 : index
      %get3A_774 = tpu.vector_load %arg7[%get3A_772, %get3A_773] {strides = array<i32>} : memref<104x32xf32, #tpu.memory_space<vmem>>, vector<1x16xf32>,
      %get3A_775 = vector.shape_cast %get3A_774 : vector<1x16xf32> to vector<16xf32>
      %add3A_776 = arith.addf %add3A_728, %get3A_775 : vector<16xf32>
      %get3A_777 = arith.constant 30 : i32
      %get3A_778 = arith.index_cast %get3A_777 : i32 to index
      %get3A_779 = arith.constant 0 : index
      %get3A_780 = tpu.vector_load %arg6[%get3A_778, %get3A_779] {strides = array<i32>} : memref<104x32xf32, #tpu.memory_space<vmem>>, vector<1x16xf32>,
      %get3A_781 = vector.shape_cast %get3A_780 : vector<1x16xf32> to vector<16xf32>
      %add3A_782 = arith.addf %add3A_734, %get3A_781 : vector<16xf32>
      %get3A_783 = arith.constant 30 : i32
      %get3A_784 = arith.index_cast %get3A_783 : i32 to index
      %get3A_785 = arith.constant 16 : index
      %get3A_786 = tpu.vector_load %arg6[%get3A_784, %get3A_785] {strides = array<i32>} : memref<104x32xf32, #tpu.memory_space<vmem>>, vector<1x16xf32>,
      %get3A_787 = vector.shape_cast %get3A_786 : vector<1x16xf32> to vector<16xf32>
      %add3A_788 = arith.addf %add3A_740, %get3A_787 : vector<16xf32>
      %get3A_789 = arith.constant 31 : i32
      %get3A_790 = arith.index_cast %get3A_789 : i32 to index
      %get3A_791 = arith.constant 0 : index
      %get3A_792 = tpu.vector_load %arg6[%get3A_790, %get3A_791] {strides = array<i32>} : memref<104x32xf32, #tpu.memory_space<vmem>>, vector<1x16xf32>,
      %get3A_793 = vector.shape_cast %get3A_792 : vector<1x16xf32> to vector<16xf32>
      %add3A_794 = arith.addf %add3A_746, %get3A_793 : vector<16xf32>
      %get3A_795 = arith.constant 31 : i32
      %get3A_796 = arith.index_cast %get3A_795 : i32 to index
      %get3A_797 = arith.constant 16 : index
      %get3A_798 = tpu.vector_load %arg6[%get3A_796, %get3A_797] {strides = array<i32>} : memref<104x32xf32, #tpu.memory_space<vmem>>, vector<1x16xf32>,
      %get3A_799 = vector.shape_cast %get3A_798 : vector<1x16xf32> to vector<16xf32>
      %add3A_800 = arith.addf %add3A_752, %get3A_799 : vector<16xf32>
      %get3A_801 = arith.constant 30 : i32
      %get3A_802 = arith.index_cast %get3A_801 : i32 to index
      %get3A_803 = arith.constant 0 : index
      %get3A_804 = tpu.vector_load %arg7[%get3A_802, %get3A_803] {strides = array<i32>} : memref<104x32xf32, #tpu.memory_space<vmem>>, vector<1x16xf32>,
      %get3A_805 = vector.shape_cast %get3A_804 : vector<1x16xf32> to vector<16xf32>
      %add3A_806 = arith.addf %add3A_758, %get3A_805 : vector<16xf32>
      %get3A_807 = arith.constant 30 : i32
      %get3A_808 = arith.index_cast %get3A_807 : i32 to index
      %get3A_809 = arith.constant 16 : index
      %get3A_810 = tpu.vector_load %arg7[%get3A_808, %get3A_809] {strides = array<i32>} : memref<104x32xf32, #tpu.memory_space<vmem>>, vector<1x16xf32>,
      %get3A_811 = vector.shape_cast %get3A_810 : vector<1x16xf32> to vector<16xf32>
      %add3A_812 = arith.addf %add3A_764, %get3A_811 : vector<16xf32>
      %get3A_813 = arith.constant 31 : i32
      %get3A_814 = arith.index_cast %get3A_813 : i32 to index
      %get3A_815 = arith.constant 0 : index
      %get3A_816 = tpu.vector_load %arg7[%get3A_814, %get3A_815] {strides = array<i32>} : memref<104x32xf32, #tpu.memory_space<vmem>>, vector<1x16xf32>,
      %get3A_817 = vector.shape_cast %get3A_816 : vector<1x16xf32> to vector<16xf32>
      %add3A_818 = arith.addf %add3A_770, %get3A_817 : vector<16xf32>
      %get3A_819 = arith.constant 31 : i32
      %get3A_820 = arith.index_cast %get3A_819 : i32 to index
      %get3A_821 = arith.constant 16 : index
      %get3A_822 = tpu.vector_load %arg7[%get3A_820, %get3A_821] {strides = array<i32>} : memref<104x32xf32, #tpu.memory_space<vmem>>, vector<1x16xf32>,
      %get3A_823 = vector.shape_cast %get3A_822 : vector<1x16xf32> to vector<16xf32>
      %add3A_824 = arith.addf %add3A_776, %get3A_823 : vector<16xf32>
      %get3A_825 = arith.constant 32 : i32
      %get3A_826 = arith.index_cast %get3A_825 : i32 to index
      %get3A_827 = arith.constant 0 : index
      %get3A_828 = tpu.vector_load %arg6[%get3A_826, %get3A_827] {strides = array<i32>} : memref<104x32xf32, #tpu.memory_space<vmem>>, vector<1x16xf32>,
      %get3A_829 = vector.shape_cast %get3A_828 : vector<1x16xf32> to vector<16xf32>
      %add3A_830 = arith.addf %add3A_782, %get3A_829 : vector<16xf32>
      %get3A_831 = arith.constant 32 : i32
      %get3A_832 = arith.index_cast %get3A_831 : i32 to index
      %get3A_833 = arith.constant 16 : index
      %get3A_834 = tpu.vector_load %arg6[%get3A_832, %get3A_833] {strides = array<i32>} : memref<104x32xf32, #tpu.memory_space<vmem>>, vector<1x16xf32>,
      %get3A_835 = vector.shape_cast %get3A_834 : vector<1x16xf32> to vector<16xf32>
      %add3A_836 = arith.addf %add3A_788, %get3A_835 : vector<16xf32>
      %get3A_837 = arith.constant 33 : i32
      %get3A_838 = arith.index_cast %get3A_837 : i32 to index
      %get3A_839 = arith.constant 0 : index
      %get3A_840 = tpu.vector_load %arg6[%get3A_838, %get3A_839] {strides = array<i32>} : memref<104x32xf32, #tpu.memory_space<vmem>>, vector<1x16xf32>,
      %get3A_841 = vector.shape_cast %get3A_840 : vector<1x16xf32> to vector<16xf32>
      %add3A_842 = arith.addf %add3A_794, %get3A_841 : vector<16xf32>
      %get3A_843 = arith.constant 33 : i32
      %get3A_844 = arith.index_cast %get3A_843 : i32 to index
      %get3A_845 = arith.constant 16 : index
      %get3A_846 = tpu.vector_load %arg6[%get3A_844, %get3A_845] {strides = array<i32>} : memref<104x32xf32, #tpu.memory_space<vmem>>, vector<1x16xf32>,
      %get3A_847 = vector.shape_cast %get3A_846 : vector<1x16xf32> to vector<16xf32>
      %add3A_848 = arith.addf %add3A_800, %get3A_847 : vector<16xf32>
      %get3A_849 = arith.constant 32 : i32
      %get3A_850 = arith.index_cast %get3A_849 : i32 to index
      %get3A_851 = arith.constant 0 : index
      %get3A_852 = tpu.vector_load %arg7[%get3A_850, %get3A_851] {strides = array<i32>} : memref<104x32xf32, #tpu.memory_space<vmem>>, vector<1x16xf32>,
      %get3A_853 = vector.shape_cast %get3A_852 : vector<1x16xf32> to vector<16xf32>
      %add3A_854 = arith.addf %add3A_806, %get3A_853 : vector<16xf32>
      %get3A_855 = arith.constant 32 : i32
      %get3A_856 = arith.index_cast %get3A_855 : i32 to index
      %get3A_857 = arith.constant 16 : index
      %get3A_858 = tpu.vector_load %arg7[%get3A_856, %get3A_857] {strides = array<i32>} : memref<104x32xf32, #tpu.memory_space<vmem>>, vector<1x16xf32>,
      %get3A_859 = vector.shape_cast %get3A_858 : vector<1x16xf32> to vector<16xf32>
      %add3A_860 = arith.addf %add3A_812, %get3A_859 : vector<16xf32>
      %get3A_861 = arith.constant 33 : i32
      %get3A_862 = arith.index_cast %get3A_861 : i32 to index
      %get3A_863 = arith.constant 0 : index
      %get3A_864 = tpu.vector_load %arg7[%get3A_862, %get3A_863] {strides = array<i32>} : memref<104x32xf32, #tpu.memory_space<vmem>>, vector<1x16xf32>,
      %get3A_865 = vector.shape_cast %get3A_864 : vector<1x16xf32> to vector<16xf32>
      %add3A_866 = arith.addf %add3A_818, %get3A_865 : vector<16xf32>
      %get3A_867 = arith.constant 33 : i32
      %get3A_868 = arith.index_cast %get3A_867 : i32 to index
      %get3A_869 = arith.constant 16 : index
      %get3A_870 = tpu.vector_load %arg7[%get3A_868, %get3A_869] {strides = array<i32>} : memref<104x32xf32, #tpu.memory_space<vmem>>, vector<1x16xf32>,
      %get3A_871 = vector.shape_cast %get3A_870 : vector<1x16xf32> to vector<16xf32>
      %add3A_872 = arith.addf %add3A_824, %get3A_871 : vector<16xf32>
      %get3A_873 = arith.constant 34 : i32
      %get3A_874 = arith.index_cast %get3A_873 : i32 to index
      %get3A_875 = arith.constant 0 : index
      %get3A_876 = tpu.vector_load %arg6[%get3A_874, %get3A_875] {strides = array<i32>} : memref<104x32xf32, #tpu.memory_space<vmem>>, vector<1x16xf32>,
      %get3A_877 = vector.shape_cast %get3A_876 : vector<1x16xf32> to vector<16xf32>
      %add3A_878 = arith.addf %add3A_830, %get3A_877 : vector<16xf32>
      %get3A_879 = arith.constant 34 : i32
      %get3A_880 = arith.index_cast %get3A_879 : i32 to index
      %get3A_881 = arith.constant 16 : index
      %get3A_882 = tpu.vector_load %arg6[%get3A_880, %get3A_881] {strides = array<i32>} : memref<104x32xf32, #tpu.memory_space<vmem>>, vector<1x16xf32>,
      %get3A_883 = vector.shape_cast %get3A_882 : vector<1x16xf32> to vector<16xf32>
      %add3A_884 = arith.addf %add3A_836, %get3A_883 : vector<16xf32>
      %get3A_885 = arith.constant 35 : i32
      %get3A_886 = arith.index_cast %get3A_885 : i32 to index
      %get3A_887 = arith.constant 0 : index
      %get3A_888 = tpu.vector_load %arg6[%get3A_886, %get3A_887] {strides = array<i32>} : memref<104x32xf32, #tpu.memory_space<vmem>>, vector<1x16xf32>,
      %get3A_889 = vector.shape_cast %get3A_888 : vector<1x16xf32> to vector<16xf32>
      %add3A_890 = arith.addf %add3A_842, %get3A_889 : vector<16xf32>
      %get3A_891 = arith.constant 35 : i32
      %get3A_892 = arith.index_cast %get3A_891 : i32 to index
      %get3A_893 = arith.constant 16 : index
      %get3A_894 = tpu.vector_load %arg6[%get3A_892, %get3A_893] {strides = array<i32>} : memref<104x32xf32, #tpu.memory_space<vmem>>, vector<1x16xf32>,
      %get3A_895 = vector.shape_cast %get3A_894 : vector<1x16xf32> to vector<16xf32>
      %add3A_896 = arith.addf %add3A_848, %get3A_895 : vector<16xf32>
      %get3A_897 = arith.constant 34 : i32
      %get3A_898 = arith.index_cast %get3A_897 : i32 to index
      %get3A_899 = arith.constant 0 : index
      %get3A_900 = tpu.vector_load %arg7[%get3A_898, %get3A_899] {strides = array<i32>} : memref<104x32xf32, #tpu.memory_space<vmem>>, vector<1x16xf32>,
      %get3A_901 = vector.shape_cast %get3A_900 : vector<1x16xf32> to vector<16xf32>
      %add3A_902 = arith.addf %add3A_854, %get3A_901 : vector<16xf32>
      %get3A_903 = arith.constant 34 : i32
      %get3A_904 = arith.index_cast %get3A_903 : i32 to index
      %get3A_905 = arith.constant 16 : index
      %get3A_906 = tpu.vector_load %arg7[%get3A_904, %get3A_905] {strides = array<i32>} : memref<104x32xf32, #tpu.memory_space<vmem>>, vector<1x16xf32>,
      %get3A_907 = vector.shape_cast %get3A_906 : vector<1x16xf32> to vector<16xf32>
      %add3A_908 = arith.addf %add3A_860, %get3A_907 : vector<16xf32>
      %get3A_909 = arith.constant 35 : i32
      %get3A_910 = arith.index_cast %get3A_909 : i32 to index
      %get3A_911 = arith.constant 0 : index
      %get3A_912 = tpu.vector_load %arg7[%get3A_910, %get3A_911] {strides = array<i32>} : memref<104x32xf32, #tpu.memory_space<vmem>>, vector<1x16xf32>,
      %get3A_913 = vector.shape_cast %get3A_912 : vector<1x16xf32> to vector<16xf32>
      %add3A_914 = arith.addf %add3A_866, %get3A_913 : vector<16xf32>
      %get3A_915 = arith.constant 35 : i32
      %get3A_916 = arith.index_cast %get3A_915 : i32 to index
      %get3A_917 = arith.constant 16 : index
      %get3A_918 = tpu.vector_load %arg7[%get3A_916, %get3A_917] {strides = array<i32>} : memref<104x32xf32, #tpu.memory_space<vmem>>, vector<1x16xf32>,
      %get3A_919 = vector.shape_cast %get3A_918 : vector<1x16xf32> to vector<16xf32>
      %add3A_920 = arith.addf %add3A_872, %get3A_919 : vector<16xf32>
      %get3A_921 = arith.constant 36 : i32
      %get3A_922 = arith.index_cast %get3A_921 : i32 to index
      %get3A_923 = arith.constant 0 : index
      %get3A_924 = tpu.vector_load %arg6[%get3A_922, %get3A_923] {strides = array<i32>} : memref<104x32xf32, #tpu.memory_space<vmem>>, vector<1x16xf32>,
      %get3A_925 = vector.shape_cast %get3A_924 : vector<1x16xf32> to vector<16xf32>
      %add3A_926 = arith.addf %add3A_878, %get3A_925 : vector<16xf32>
      %get3A_927 = arith.constant 36 : i32
      %get3A_928 = arith.index_cast %get3A_927 : i32 to index
      %get3A_929 = arith.constant 16 : index
      %get3A_930 = tpu.vector_load %arg6[%get3A_928, %get3A_929] {strides = array<i32>} : memref<104x32xf32, #tpu.memory_space<vmem>>, vector<1x16xf32>,
      %get3A_931 = vector.shape_cast %get3A_930 : vector<1x16xf32> to vector<16xf32>
      %add3A_932 = arith.addf %add3A_884, %get3A_931 : vector<16xf32>
      %get3A_933 = arith.constant 37 : i32
      %get3A_934 = arith.index_cast %get3A_933 : i32 to index
      %get3A_935 = arith.constant 0 : index
      %get3A_936 = tpu.vector_load %arg6[%get3A_934, %get3A_935] {strides = array<i32>} : memref<104x32xf32, #tpu.memory_space<vmem>>, vector<1x16xf32>,
      %get3A_937 = vector.shape_cast %get3A_936 : vector<1x16xf32> to vector<16xf32>
      %add3A_938 = arith.addf %add3A_890, %get3A_937 : vector<16xf32>
      %get3A_939 = arith.constant 37 : i32
      %get3A_940 = arith.index_cast %get3A_939 : i32 to index
      %get3A_941 = arith.constant 16 : index
      %get3A_942 = tpu.vector_load %arg6[%get3A_940, %get3A_941] {strides = array<i32>} : memref<104x32xf32, #tpu.memory_space<vmem>>, vector<1x16xf32>,
      %get3A_943 = vector.shape_cast %get3A_942 : vector<1x16xf32> to vector<16xf32>
      %add3A_944 = arith.addf %add3A_896, %get3A_943 : vector<16xf32>
      %get3A_945 = arith.constant 36 : i32
      %get3A_946 = arith.index_cast %get3A_945 : i32 to index
      %get3A_947 = arith.constant 0 : index
      %get3A_948 = tpu.vector_load %arg7[%get3A_946, %get3A_947] {strides = array<i32>} : memref<104x32xf32, #tpu.memory_space<vmem>>, vector<1x16xf32>,
      %get3A_949 = vector.shape_cast %get3A_948 : vector<1x16xf32> to vector<16xf32>
      %add3A_950 = arith.addf %add3A_902, %get3A_949 : vector<16xf32>
      %get3A_951 = arith.constant 36 : i32
      %get3A_952 = arith.index_cast %get3A_951 : i32 to index
      %get3A_953 = arith.constant 16 : index
      %get3A_954 = tpu.vector_load %arg7[%get3A_952, %get3A_953] {strides = array<i32>} : memref<104x32xf32, #tpu.memory_space<vmem>>, vector<1x16xf32>,
      %get3A_955 = vector.shape_cast %get3A_954 : vector<1x16xf32> to vector<16xf32>
      %add3A_956 = arith.addf %add3A_908, %get3A_955 : vector<16xf32>
      %get3A_957 = arith.constant 37 : i32
      %get3A_958 = arith.index_cast %get3A_957 : i32 to index
      %get3A_959 = arith.constant 0 : index
      %get3A_960 = tpu.vector_load %arg7[%get3A_958, %get3A_959] {strides = array<i32>} : memref<104x32xf32, #tpu.memory_space<vmem>>, vector<1x16xf32>,
      %get3A_961 = vector.shape_cast %get3A_960 : vector<1x16xf32> to vector<16xf32>
      %add3A_962 = arith.addf %add3A_914, %get3A_961 : vector<16xf32>
      %get3A_963 = arith.constant 37 : i32
      %get3A_964 = arith.index_cast %get3A_963 : i32 to index
      %get3A_965 = arith.constant 16 : index
      %get3A_966 = tpu.vector_load %arg7[%get3A_964, %get3A_965] {strides = array<i32>} : memref<104x32xf32, #tpu.memory_space<vmem>>, vector<1x16xf32>,
      %get3A_967 = vector.shape_cast %get3A_966 : vector<1x16xf32> to vector<16xf32>
      %add3A_968 = arith.addf %add3A_920, %get3A_967 : vector<16xf32>
      %get3A_969 = arith.constant 38 : i32
      %get3A_970 = arith.index_cast %get3A_969 : i32 to index
      %get3A_971 = arith.constant 0 : index
      %get3A_972 = tpu.vector_load %arg6[%get3A_970, %get3A_971] {strides = array<i32>} : memref<104x32xf32, #tpu.memory_space<vmem>>, vector<1x16xf32>,
      %get3A_973 = vector.shape_cast %get3A_972 : vector<1x16xf32> to vector<16xf32>
      %add3A_974 = arith.addf %add3A_926, %get3A_973 : vector<16xf32>
      %get3A_975 = arith.constant 38 : i32
      %get3A_976 = arith.index_cast %get3A_975 : i32 to index
      %get3A_977 = arith.constant 16 : index
      %get3A_978 = tpu.vector_load %arg6[%get3A_976, %get3A_977] {strides = array<i32>} : memref<104x32xf32, #tpu.memory_space<vmem>>, vector<1x16xf32>,
      %get3A_979 = vector.shape_cast %get3A_978 : vector<1x16xf32> to vector<16xf32>
      %add3A_980 = arith.addf %add3A_932, %get3A_979 : vector<16xf32>
      %get3A_981 = arith.constant 39 : i32
      %get3A_982 = arith.index_cast %get3A_981 : i32 to index
      %get3A_983 = arith.constant 0 : index
      %get3A_984 = tpu.vector_load %arg6[%get3A_982, %get3A_983] {strides = array<i32>} : memref<104x32xf32, #tpu.memory_space<vmem>>, vector<1x16xf32>,
      %get3A_985 = vector.shape_cast %get3A_984 : vector<1x16xf32> to vector<16xf32>
      %add3A_986 = arith.addf %add3A_938, %get3A_985 : vector<16xf32>
      %get3A_987 = arith.constant 39 : i32
      %get3A_988 = arith.index_cast %get3A_987 : i32 to index
      %get3A_989 = arith.constant 16 : index
      %get3A_990 = tpu.vector_load %arg6[%get3A_988, %get3A_989] {strides = array<i32>} : memref<104x32xf32, #tpu.memory_space<vmem>>, vector<1x16xf32>,
      %get3A_991 = vector.shape_cast %get3A_990 : vector<1x16xf32> to vector<16xf32>
      %add3A_992 = arith.addf %add3A_944, %get3A_991 : vector<16xf32>
      %get3A_993 = arith.constant 38 : i32
      %get3A_994 = arith.index_cast %get3A_993 : i32 to index
      %get3A_995 = arith.constant 0 : index
      %get3A_996 = tpu.vector_load %arg7[%get3A_994, %get3A_995] {strides = array<i32>} : memref<104x32xf32, #tpu.memory_space<vmem>>, vector<1x16xf32>,
      %get3A_997 = vector.shape_cast %get3A_996 : vector<1x16xf32> to vector<16xf32>
      %add3A_998 = arith.addf %add3A_950, %get3A_997 : vector<16xf32>
      %get3A_999 = arith.constant 38 : i32
      %get3A_1000 = arith.index_cast %get3A_999 : i32 to index
      %get3A_1001 = arith.constant 16 : index
      %get3A_1002 = tpu.vector_load %arg7[%get3A_1000, %get3A_1001] {strides = array<i32>} : memref<104x32xf32, #tpu.memory_space<vmem>>, vector<1x16xf32>,
      %get3A_1003 = vector.shape_cast %get3A_1002 : vector<1x16xf32> to vector<16xf32>
      %add3A_1004 = arith.addf %add3A_956, %get3A_1003 : vector<16xf32>
      %get3A_1005 = arith.constant 39 : i32
      %get3A_1006 = arith.index_cast %get3A_1005 : i32 to index
      %get3A_1007 = arith.constant 0 : index
      %get3A_1008 = tpu.vector_load %arg7[%get3A_1006, %get3A_1007] {strides = array<i32>} : memref<104x32xf32, #tpu.memory_space<vmem>>, vector<1x16xf32>,
      %get3A_1009 = vector.shape_cast %get3A_1008 : vector<1x16xf32> to vector<16xf32>
      %add3A_1010 = arith.addf %add3A_962, %get3A_1009 : vector<16xf32>
      %get3A_1011 = arith.constant 39 : i32
      %get3A_1012 = arith.index_cast %get3A_1011 : i32 to index
      %get3A_1013 = arith.constant 16 : index
      %get3A_1014 = tpu.vector_load %arg7[%get3A_1012, %get3A_1013] {strides = array<i32>} : memref<104x32xf32, #tpu.memory_space<vmem>>, vector<1x16xf32>,
      %get3A_1015 = vector.shape_cast %get3A_1014 : vector<1x16xf32> to vector<16xf32>
      %add3A_1016 = arith.addf %add3A_968, %get3A_1015 : vector<16xf32>
      %get3A_1017 = arith.constant 40 : i32
      %get3A_1018 = arith.index_cast %get3A_1017 : i32 to index
      %get3A_1019 = arith.constant 0 : index
      %get3A_1020 = tpu.vector_load %arg6[%get3A_1018, %get3A_1019] {strides = array<i32>} : memref<104x32xf32, #tpu.memory_space<vmem>>, vector<1x16xf32>,
      %get3A_1021 = vector.shape_cast %get3A_1020 : vector<1x16xf32> to vector<16xf32>
      %add3A_1022 = arith.addf %add3A_974, %get3A_1021 : vector<16xf32>
      %get3A_1023 = arith.constant 40 : i32
      %get3A_1024 = arith.index_cast %get3A_1023 : i32 to index
      %get3A_1025 = arith.constant 16 : index
      %get3A_1026 = tpu.vector_load %arg6[%get3A_1024, %get3A_1025] {strides = array<i32>} : memref<104x32xf32, #tpu.memory_space<vmem>>, vector<1x16xf32>,
      %get3A_1027 = vector.shape_cast %get3A_1026 : vector<1x16xf32> to vector<16xf32>
      %add3A_1028 = arith.addf %add3A_980, %get3A_1027 : vector<16xf32>
      %get3A_1029 = arith.constant 41 : i32
      %get3A_1030 = arith.index_cast %get3A_1029 : i32 to index
      %get3A_1031 = arith.constant 0 : index
      %get3A_1032 = tpu.vector_load %arg6[%get3A_1030, %get3A_1031] {strides = array<i32>} : memref<104x32xf32, #tpu.memory_space<vmem>>, vector<1x16xf32>,
      %get3A_1033 = vector.shape_cast %get3A_1032 : vector<1x16xf32> to vector<16xf32>
      %add3A_1034 = arith.addf %add3A_986, %get3A_1033 : vector<16xf32>
      %get3A_1035 = arith.constant 41 : i32
      %get3A_1036 = arith.index_cast %get3A_1035 : i32 to index
      %get3A_1037 = arith.constant 16 : index
      %get3A_1038 = tpu.vector_load %arg6[%get3A_1036, %get3A_1037] {strides = array<i32>} : memref<104x32xf32, #tpu.memory_space<vmem>>, vector<1x16xf32>,
      %get3A_1039 = vector.shape_cast %get3A_1038 : vector<1x16xf32> to vector<16xf32>
      %add3A_1040 = arith.addf %add3A_992, %get3A_1039 : vector<16xf32>
      %get3A_1041 = arith.constant 40 : i32
      %get3A_1042 = arith.index_cast %get3A_1041 : i32 to index
      %get3A_1043 = arith.constant 0 : index
      %get3A_1044 = tpu.vector_load %arg7[%get3A_1042, %get3A_1043] {strides = array<i32>} : memref<104x32xf32, #tpu.memory_space<vmem>>, vector<1x16xf32>,
      %get3A_1045 = vector.shape_cast %get3A_1044 : vector<1x16xf32> to vector<16xf32>
      %add3A_1046 = arith.addf %add3A_998, %get3A_1045 : vector<16xf32>
      %get3A_1047 = arith.constant 40 : i32
      %get3A_1048 = arith.index_cast %get3A_1047 : i32 to index
      %get3A_1049 = arith.constant 16 : index
      %get3A_1050 = tpu.vector_load %arg7[%get3A_1048, %get3A_1049] {strides = array<i32>} : memref<104x32xf32, #tpu.memory_space<vmem>>, vector<1x16xf32>,
      %get3A_1051 = vector.shape_cast %get3A_1050 : vector<1x16xf32> to vector<16xf32>
      %add3A_1052 = arith.addf %add3A_1004, %get3A_1051 : vector<16xf32>
      %get3A_1053 = arith.constant 41 : i32
      %get3A_1054 = arith.index_cast %get3A_1053 : i32 to index
      %get3A_1055 = arith.constant 0 : index
      %get3A_1056 = tpu.vector_load %arg7[%get3A_1054, %get3A_1055] {strides = array<i32>} : memref<104x32xf32, #tpu.memory_space<vmem>>, vector<1x16xf32>,
      %get3A_1057 = vector.shape_cast %get3A_1056 : vector<1x16xf32> to vector<16xf32>
      %add3A_1058 = arith.addf %add3A_1010, %get3A_1057 : vector<16xf32>
      %get3A_1059 = arith.constant 41 : i32
      %get3A_1060 = arith.index_cast %get3A_1059 : i32 to index
      %get3A_1061 = arith.constant 16 : index
      %get3A_1062 = tpu.vector_load %arg7[%get3A_1060, %get3A_1061] {strides = array<i32>} : memref<104x32xf32, #tpu.memory_space<vmem>>, vector<1x16xf32>,
      %get3A_1063 = vector.shape_cast %get3A_1062 : vector<1x16xf32> to vector<16xf32>
      %add3A_1064 = arith.addf %add3A_1016, %get3A_1063 : vector<16xf32>
      %get3A_1065 = arith.constant 42 : i32
      %get3A_1066 = arith.index_cast %get3A_1065 : i32 to index
      %get3A_1067 = arith.constant 0 : index
      %get3A_1068 = tpu.vector_load %arg6[%get3A_1066, %get3A_1067] {strides = array<i32>} : memref<104x32xf32, #tpu.memory_space<vmem>>, vector<1x16xf32>,
      %get3A_1069 = vector.shape_cast %get3A_1068 : vector<1x16xf32> to vector<16xf32>
      %add3A_1070 = arith.addf %add3A_1022, %get3A_1069 : vector<16xf32>
      %get3A_1071 = arith.constant 42 : i32
      %get3A_1072 = arith.index_cast %get3A_1071 : i32 to index
      %get3A_1073 = arith.constant 16 : index
      %get3A_1074 = tpu.vector_load %arg6[%get3A_1072, %get3A_1073] {strides = array<i32>} : memref<104x32xf32, #tpu.memory_space<vmem>>, vector<1x16xf32>,
      %get3A_1075 = vector.shape_cast %get3A_1074 : vector<1x16xf32> to vector<16xf32>
      %add3A_1076 = arith.addf %add3A_1028, %get3A_1075 : vector<16xf32>
      %get3A_1077 = arith.constant 43 : i32
      %get3A_1078 = arith.index_cast %get3A_1077 : i32 to index
      %get3A_1079 = arith.constant 0 : index
      %get3A_1080 = tpu.vector_load %arg6[%get3A_1078, %get3A_1079] {strides = array<i32>} : memref<104x32xf32, #tpu.memory_space<vmem>>, vector<1x16xf32>,
      %get3A_1081 = vector.shape_cast %get3A_1080 : vector<1x16xf32> to vector<16xf32>
      %add3A_1082 = arith.addf %add3A_1034, %get3A_1081 : vector<16xf32>
      %get3A_1083 = arith.constant 43 : i32
      %get3A_1084 = arith.index_cast %get3A_1083 : i32 to index
      %get3A_1085 = arith.constant 16 : index
      %get3A_1086 = tpu.vector_load %arg6[%get3A_1084, %get3A_1085] {strides = array<i32>} : memref<104x32xf32, #tpu.memory_space<vmem>>, vector<1x16xf32>,
      %get3A_1087 = vector.shape_cast %get3A_1086 : vector<1x16xf32> to vector<16xf32>
      %add3A_1088 = arith.addf %add3A_1040, %get3A_1087 : vector<16xf32>
      %get3A_1089 = arith.constant 42 : i32
      %get3A_1090 = arith.index_cast %get3A_1089 : i32 to index
      %get3A_1091 = arith.constant 0 : index
      %get3A_1092 = tpu.vector_load %arg7[%get3A_1090, %get3A_1091] {strides = array<i32>} : memref<104x32xf32, #tpu.memory_space<vmem>>, vector<1x16xf32>,
      %get3A_1093 = vector.shape_cast %get3A_1092 : vector<1x16xf32> to vector<16xf32>
      %add3A_1094 = arith.addf %add3A_1046, %get3A_1093 : vector<16xf32>
      %get3A_1095 = arith.constant 42 : i32
      %get3A_1096 = arith.index_cast %get3A_1095 : i32 to index
      %get3A_1097 = arith.constant 16 : index
      %get3A_1098 = tpu.vector_load %arg7[%get3A_1096, %get3A_1097] {strides = array<i32>} : memref<104x32xf32, #tpu.memory_space<vmem>>, vector<1x16xf32>,
      %get3A_1099 = vector.shape_cast %get3A_1098 : vector<1x16xf32> to vector<16xf32>
      %add3A_1100 = arith.addf %add3A_1052, %get3A_1099 : vector<16xf32>
      %get3A_1101 = arith.constant 43 : i32
      %get3A_1102 = arith.index_cast %get3A_1101 : i32 to index
      %get3A_1103 = arith.constant 0 : index
      %get3A_1104 = tpu.vector_load %arg7[%get3A_1102, %get3A_1103] {strides = array<i32>} : memref<104x32xf32, #tpu.memory_space<vmem>>, vector<1x16xf32>,
      %get3A_1105 = vector.shape_cast %get3A_1104 : vector<1x16xf32> to vector<16xf32>
      %add3A_1106 = arith.addf %add3A_1058, %get3A_1105 : vector<16xf32>
      %get3A_1107 = arith.constant 43 : i32
      %get3A_1108 = arith.index_cast %get3A_1107 : i32 to index
      %get3A_1109 = arith.constant 16 : index
      %get3A_1110 = tpu.vector_load %arg7[%get3A_1108, %get3A_1109] {strides = array<i32>} : memref<104x32xf32, #tpu.memory_space<vmem>>, vector<1x16xf32>,
      %get3A_1111 = vector.shape_cast %get3A_1110 : vector<1x16xf32> to vector<16xf32>
      %add3A_1112 = arith.addf %add3A_1064, %get3A_1111 : vector<16xf32>
      %get3A_1113 = arith.constant 44 : i32
      %get3A_1114 = arith.index_cast %get3A_1113 : i32 to index
      %get3A_1115 = arith.constant 0 : index
      %get3A_1116 = tpu.vector_load %arg6[%get3A_1114, %get3A_1115] {strides = array<i32>} : memref<104x32xf32, #tpu.memory_space<vmem>>, vector<1x16xf32>,
      %get3A_1117 = vector.shape_cast %get3A_1116 : vector<1x16xf32> to vector<16xf32>
      %add3A_1118 = arith.addf %add3A_1070, %get3A_1117 : vector<16xf32>
      %get3A_1119 = arith.constant 44 : i32
      %get3A_1120 = arith.index_cast %get3A_1119 : i32 to index
      %get3A_1121 = arith.constant 16 : index
      %get3A_1122 = tpu.vector_load %arg6[%get3A_1120, %get3A_1121] {strides = array<i32>} : memref<104x32xf32, #tpu.memory_space<vmem>>, vector<1x16xf32>,
      %get3A_1123 = vector.shape_cast %get3A_1122 : vector<1x16xf32> to vector<16xf32>
      %add3A_1124 = arith.addf %add3A_1076, %get3A_1123 : vector<16xf32>
      %get3A_1125 = arith.constant 45 : i32
      %get3A_1126 = arith.index_cast %get3A_1125 : i32 to index
      %get3A_1127 = arith.constant 0 : index
      %get3A_1128 = tpu.vector_load %arg6[%get3A_1126, %get3A_1127] {strides = array<i32>} : memref<104x32xf32, #tpu.memory_space<vmem>>, vector<1x16xf32>,
      %get3A_1129 = vector.shape_cast %get3A_1128 : vector<1x16xf32> to vector<16xf32>
      %add3A_1130 = arith.addf %add3A_1082, %get3A_1129 : vector<16xf32>
      %get3A_1131 = arith.constant 45 : i32
      %get3A_1132 = arith.index_cast %get3A_1131 : i32 to index
      %get3A_1133 = arith.constant 16 : index
      %get3A_1134 = tpu.vector_load %arg6[%get3A_1132, %get3A_1133] {strides = array<i32>} : memref<104x32xf32, #tpu.memory_space<vmem>>, vector<1x16xf32>,
      %get3A_1135 = vector.shape_cast %get3A_1134 : vector<1x16xf32> to vector<16xf32>
      %add3A_1136 = arith.addf %add3A_1088, %get3A_1135 : vector<16xf32>
      %get3A_1137 = arith.constant 44 : i32
      %get3A_1138 = arith.index_cast %get3A_1137 : i32 to index
      %get3A_1139 = arith.constant 0 : index
      %get3A_1140 = tpu.vector_load %arg7[%get3A_1138, %get3A_1139] {strides = array<i32>} : memref<104x32xf32, #tpu.memory_space<vmem>>, vector<1x16xf32>,
      %get3A_1141 = vector.shape_cast %get3A_1140 : vector<1x16xf32> to vector<16xf32>
      %add3A_1142 = arith.addf %add3A_1094, %get3A_1141 : vector<16xf32>
      %get3A_1143 = arith.constant 44 : i32
      %get3A_1144 = arith.index_cast %get3A_1143 : i32 to index
      %get3A_1145 = arith.constant 16 : index
      %get3A_1146 = tpu.vector_load %arg7[%get3A_1144, %get3A_1145] {strides = array<i32>} : memref<104x32xf32, #tpu.memory_space<vmem>>, vector<1x16xf32>,
      %get3A_1147 = vector.shape_cast %get3A_1146 : vector<1x16xf32> to vector<16xf32>
      %add3A_1148 = arith.addf %add3A_1100, %get3A_1147 : vector<16xf32>
      %get3A_1149 = arith.constant 45 : i32
      %get3A_1150 = arith.index_cast %get3A_1149 : i32 to index
      %get3A_1151 = arith.constant 0 : index
      %get3A_1152 = tpu.vector_load %arg7[%get3A_1150, %get3A_1151] {strides = array<i32>} : memref<104x32xf32, #tpu.memory_space<vmem>>, vector<1x16xf32>,
      %get3A_1153 = vector.shape_cast %get3A_1152 : vector<1x16xf32> to vector<16xf32>
      %add3A_1154 = arith.addf %add3A_1106, %get3A_1153 : vector<16xf32>
      %get3A_1155 = arith.constant 45 : i32
      %get3A_1156 = arith.index_cast %get3A_1155 : i32 to index
      %get3A_1157 = arith.constant 16 : index
      %get3A_1158 = tpu.vector_load %arg7[%get3A_1156, %get3A_1157] {strides = array<i32>} : memref<104x32xf32, #tpu.memory_space<vmem>>, vector<1x16xf32>,
      %get3A_1159 = vector.shape_cast %get3A_1158 : vector<1x16xf32> to vector<16xf32>
      %add3A_1160 = arith.addf %add3A_1112, %get3A_1159 : vector<16xf32>
      %get3A_1161 = arith.constant 46 : i32
      %get3A_1162 = arith.index_cast %get3A_1161 : i32 to index
      %get3A_1163 = arith.constant 0 : index
      %get3A_1164 = tpu.vector_load %arg6[%get3A_1162, %get3A_1163] {strides = array<i32>} : memref<104x32xf32, #tpu.memory_space<vmem>>, vector<1x16xf32>,
      %get3A_1165 = vector.shape_cast %get3A_1164 : vector<1x16xf32> to vector<16xf32>
      %add3A_1166 = arith.addf %add3A_1118, %get3A_1165 : vector<16xf32>
      %get3A_1167 = arith.constant 46 : i32
      %get3A_1168 = arith.index_cast %get3A_1167 : i32 to index
      %get3A_1169 = arith.constant 16 : index
      %get3A_1170 = tpu.vector_load %arg6[%get3A_1168, %get3A_1169] {strides = array<i32>} : memref<104x32xf32, #tpu.memory_space<vmem>>, vector<1x16xf32>,
      %get3A_1171 = vector.shape_cast %get3A_1170 : vector<1x16xf32> to vector<16xf32>
      %add3A_1172 = arith.addf %add3A_1124, %get3A_1171 : vector<16xf32>
      %get3A_1173 = arith.constant 47 : i32
      %get3A_1174 = arith.index_cast %get3A_1173 : i32 to index
      %get3A_1175 = arith.constant 0 : index
      %get3A_1176 = tpu.vector_load %arg6[%get3A_1174, %get3A_1175] {strides = array<i32>} : memref<104x32xf32, #tpu.memory_space<vmem>>, vector<1x16xf32>,
      %get3A_1177 = vector.shape_cast %get3A_1176 : vector<1x16xf32> to vector<16xf32>
      %add3A_1178 = arith.addf %add3A_1130, %get3A_1177 : vector<16xf32>
      %get3A_1179 = arith.constant 47 : i32
      %get3A_1180 = arith.index_cast %get3A_1179 : i32 to index
      %get3A_1181 = arith.constant 16 : index
      %get3A_1182 = tpu.vector_load %arg6[%get3A_1180, %get3A_1181] {strides = array<i32>} : memref<104x32xf32, #tpu.memory_space<vmem>>, vector<1x16xf32>,
      %get3A_1183 = vector.shape_cast %get3A_1182 : vector<1x16xf32> to vector<16xf32>
      %add3A_1184 = arith.addf %add3A_1136, %get3A_1183 : vector<16xf32>
      %get3A_1185 = arith.constant 46 : i32
      %get3A_1186 = arith.index_cast %get3A_1185 : i32 to index
      %get3A_1187 = arith.constant 0 : index
      %get3A_1188 = tpu.vector_load %arg7[%get3A_1186, %get3A_1187] {strides = array<i32>} : memref<104x32xf32, #tpu.memory_space<vmem>>, vector<1x16xf32>,
      %get3A_1189 = vector.shape_cast %get3A_1188 : vector<1x16xf32> to vector<16xf32>
      %add3A_1190 = arith.addf %add3A_1142, %get3A_1189 : vector<16xf32>
      %get3A_1191 = arith.constant 46 : i32
      %get3A_1192 = arith.index_cast %get3A_1191 : i32 to index
      %get3A_1193 = arith.constant 16 : index
      %get3A_1194 = tpu.vector_load %arg7[%get3A_1192, %get3A_1193] {strides = array<i32>} : memref<104x32xf32, #tpu.memory_space<vmem>>, vector<1x16xf32>,
      %get3A_1195 = vector.shape_cast %get3A_1194 : vector<1x16xf32> to vector<16xf32>
      %add3A_1196 = arith.addf %add3A_1148, %get3A_1195 : vector<16xf32>
      %get3A_1197 = arith.constant 47 : i32
      %get3A_1198 = arith.index_cast %get3A_1197 : i32 to index
      %get3A_1199 = arith.constant 0 : index
      %get3A_1200 = tpu.vector_load %arg7[%get3A_1198, %get3A_1199] {strides = array<i32>} : memref<104x32xf32, #tpu.memory_space<vmem>>, vector<1x16xf32>,
      %get3A_1201 = vector.shape_cast %get3A_1200 : vector<1x16xf32> to vector<16xf32>
      %add3A_1202 = arith.addf %add3A_1154, %get3A_1201 : vector<16xf32>
      %get3A_1203 = arith.constant 47 : i32
      %get3A_1204 = arith.index_cast %get3A_1203 : i32 to index
      %get3A_1205 = arith.constant 16 : index
      %get3A_1206 = tpu.vector_load %arg7[%get3A_1204, %get3A_1205] {strides = array<i32>} : memref<104x32xf32, #tpu.memory_space<vmem>>, vector<1x16xf32>,
      %get3A_1207 = vector.shape_cast %get3A_1206 : vector<1x16xf32> to vector<16xf32>
      %add3A_1208 = arith.addf %add3A_1160, %get3A_1207 : vector<16xf32>
      %get3A_1209 = arith.constant 48 : i32
      %get3A_1210 = arith.index_cast %get3A_1209 : i32 to index
      %get3A_1211 = arith.constant 0 : index
      %get3A_1212 = tpu.vector_load %arg6[%get3A_1210, %get3A_1211] {strides = array<i32>} : memref<104x32xf32, #tpu.memory_space<vmem>>, vector<1x16xf32>,
      %get3A_1213 = vector.shape_cast %get3A_1212 : vector<1x16xf32> to vector<16xf32>
      %add3A_1214 = arith.addf %add3A_1166, %get3A_1213 : vector<16xf32>
      %get3A_1215 = arith.constant 48 : i32
      %get3A_1216 = arith.index_cast %get3A_1215 : i32 to index
      %get3A_1217 = arith.constant 16 : index
      %get3A_1218 = tpu.vector_load %arg6[%get3A_1216, %get3A_1217] {strides = array<i32>} : memref<104x32xf32, #tpu.memory_space<vmem>>, vector<1x16xf32>,
      %get3A_1219 = vector.shape_cast %get3A_1218 : vector<1x16xf32> to vector<16xf32>
      %add3A_1220 = arith.addf %add3A_1172, %get3A_1219 : vector<16xf32>
      %get3A_1221 = arith.constant 49 : i32
      %get3A_1222 = arith.index_cast %get3A_1221 : i32 to index
      %get3A_1223 = arith.constant 0 : index
      %get3A_1224 = tpu.vector_load %arg6[%get3A_1222, %get3A_1223] {strides = array<i32>} : memref<104x32xf32, #tpu.memory_space<vmem>>, vector<1x16xf32>,
      %get3A_1225 = vector.shape_cast %get3A_1224 : vector<1x16xf32> to vector<16xf32>
      %add3A_1226 = arith.addf %add3A_1178, %get3A_1225 : vector<16xf32>
      %get3A_1227 = arith.constant 49 : i32
      %get3A_1228 = arith.index_cast %get3A_1227 : i32 to index
      %get3A_1229 = arith.constant 16 : index
      %get3A_1230 = tpu.vector_load %arg6[%get3A_1228, %get3A_1229] {strides = array<i32>} : memref<104x32xf32, #tpu.memory_space<vmem>>, vector<1x16xf32>,
      %get3A_1231 = vector.shape_cast %get3A_1230 : vector<1x16xf32> to vector<16xf32>
      %add3A_1232 = arith.addf %add3A_1184, %get3A_1231 : vector<16xf32>
      %get3A_1233 = arith.constant 48 : i32
      %get3A_1234 = arith.index_cast %get3A_1233 : i32 to index
      %get3A_1235 = arith.constant 0 : index
      %get3A_1236 = tpu.vector_load %arg7[%get3A_1234, %get3A_1235] {strides = array<i32>} : memref<104x32xf32, #tpu.memory_space<vmem>>, vector<1x16xf32>,
      %get3A_1237 = vector.shape_cast %get3A_1236 : vector<1x16xf32> to vector<16xf32>
      %add3A_1238 = arith.addf %add3A_1190, %get3A_1237 : vector<16xf32>
      %get3A_1239 = arith.constant 48 : i32
      %get3A_1240 = arith.index_cast %get3A_1239 : i32 to index
      %get3A_1241 = arith.constant 16 : index
      %get3A_1242 = tpu.vector_load %arg7[%get3A_1240, %get3A_1241] {strides = array<i32>} : memref<104x32xf32, #tpu.memory_space<vmem>>, vector<1x16xf32>,
      %get3A_1243 = vector.shape_cast %get3A_1242 : vector<1x16xf32> to vector<16xf32>
      %add3A_1244 = arith.addf %add3A_1196, %get3A_1243 : vector<16xf32>
      %get3A_1245 = arith.constant 49 : i32
      %get3A_1246 = arith.index_cast %get3A_1245 : i32 to index
      %get3A_1247 = arith.constant 0 : index
      %get3A_1248 = tpu.vector_load %arg7[%get3A_1246, %get3A_1247] {strides = array<i32>} : memref<104x32xf32, #tpu.memory_space<vmem>>, vector<1x16xf32>,
      %get3A_1249 = vector.shape_cast %get3A_1248 : vector<1x16xf32> to vector<16xf32>
      %add3A_1250 = arith.addf %add3A_1202, %get3A_1249 : vector<16xf32>
      %get3A_1251 = arith.constant 49 : i32
      %get3A_1252 = arith.index_cast %get3A_1251 : i32 to index
      %get3A_1253 = arith.constant 16 : index
      %get3A_1254 = tpu.vector_load %arg7[%get3A_1252, %get3A_1253] {strides = array<i32>} : memref<104x32xf32, #tpu.memory_space<vmem>>, vector<1x16xf32>,
      %get3A_1255 = vector.shape_cast %get3A_1254 : vector<1x16xf32> to vector<16xf32>
      %add3A_1256 = arith.addf %add3A_1208, %get3A_1255 : vector<16xf32>
      %get3A_1257 = arith.constant 50 : i32
      %get3A_1258 = arith.index_cast %get3A_1257 : i32 to index
      %get3A_1259 = arith.constant 0 : index
      %get3A_1260 = tpu.vector_load %arg6[%get3A_1258, %get3A_1259] {strides = array<i32>} : memref<104x32xf32, #tpu.memory_space<vmem>>, vector<1x16xf32>,
      %get3A_1261 = vector.shape_cast %get3A_1260 : vector<1x16xf32> to vector<16xf32>
      %add3A_1262 = arith.addf %add3A_1214, %get3A_1261 : vector<16xf32>
      %get3A_1263 = arith.constant 50 : i32
      %get3A_1264 = arith.index_cast %get3A_1263 : i32 to index
      %get3A_1265 = arith.constant 16 : index
      %get3A_1266 = tpu.vector_load %arg6[%get3A_1264, %get3A_1265] {strides = array<i32>} : memref<104x32xf32, #tpu.memory_space<vmem>>, vector<1x16xf32>,
      %get3A_1267 = vector.shape_cast %get3A_1266 : vector<1x16xf32> to vector<16xf32>
      %add3A_1268 = arith.addf %add3A_1220, %get3A_1267 : vector<16xf32>
      %get3A_1269 = arith.constant 51 : i32
      %get3A_1270 = arith.index_cast %get3A_1269 : i32 to index
      %get3A_1271 = arith.constant 0 : index
      %get3A_1272 = tpu.vector_load %arg6[%get3A_1270, %get3A_1271] {strides = array<i32>} : memref<104x32xf32, #tpu.memory_space<vmem>>, vector<1x16xf32>,
      %get3A_1273 = vector.shape_cast %get3A_1272 : vector<1x16xf32> to vector<16xf32>
      %add3A_1274 = arith.addf %add3A_1226, %get3A_1273 : vector<16xf32>
      %get3A_1275 = arith.constant 51 : i32
      %get3A_1276 = arith.index_cast %get3A_1275 : i32 to index
      %get3A_1277 = arith.constant 16 : index
      %get3A_1278 = tpu.vector_load %arg6[%get3A_1276, %get3A_1277] {strides = array<i32>} : memref<104x32xf32, #tpu.memory_space<vmem>>, vector<1x16xf32>,
      %get3A_1279 = vector.shape_cast %get3A_1278 : vector<1x16xf32> to vector<16xf32>
      %add3A_1280 = arith.addf %add3A_1232, %get3A_1279 : vector<16xf32>
      %get3A_1281 = arith.constant 50 : i32
      %get3A_1282 = arith.index_cast %get3A_1281 : i32 to index
      %get3A_1283 = arith.constant 0 : index
      %get3A_1284 = tpu.vector_load %arg7[%get3A_1282, %get3A_1283] {strides = array<i32>} : memref<104x32xf32, #tpu.memory_space<vmem>>, vector<1x16xf32>,
      %get3A_1285 = vector.shape_cast %get3A_1284 : vector<1x16xf32> to vector<16xf32>
      %add3A_1286 = arith.addf %add3A_1238, %get3A_1285 : vector<16xf32>
      %get3A_1287 = arith.constant 50 : i32
      %get3A_1288 = arith.index_cast %get3A_1287 : i32 to index
      %get3A_1289 = arith.constant 16 : index
      %get3A_1290 = tpu.vector_load %arg7[%get3A_1288, %get3A_1289] {strides = array<i32>} : memref<104x32xf32, #tpu.memory_space<vmem>>, vector<1x16xf32>,
      %get3A_1291 = vector.shape_cast %get3A_1290 : vector<1x16xf32> to vector<16xf32>
      %add3A_1292 = arith.addf %add3A_1244, %get3A_1291 : vector<16xf32>
      %get3A_1293 = arith.constant 51 : i32
      %get3A_1294 = arith.index_cast %get3A_1293 : i32 to index
      %get3A_1295 = arith.constant 0 : index
      %get3A_1296 = tpu.vector_load %arg7[%get3A_1294, %get3A_1295] {strides = array<i32>} : memref<104x32xf32, #tpu.memory_space<vmem>>, vector<1x16xf32>,
      %get3A_1297 = vector.shape_cast %get3A_1296 : vector<1x16xf32> to vector<16xf32>
      %add3A_1298 = arith.addf %add3A_1250, %get3A_1297 : vector<16xf32>
      %get3A_1299 = arith.constant 51 : i32
      %get3A_1300 = arith.index_cast %get3A_1299 : i32 to index
      %get3A_1301 = arith.constant 16 : index
      %get3A_1302 = tpu.vector_load %arg7[%get3A_1300, %get3A_1301] {strides = array<i32>} : memref<104x32xf32, #tpu.memory_space<vmem>>, vector<1x16xf32>,
      %get3A_1303 = vector.shape_cast %get3A_1302 : vector<1x16xf32> to vector<16xf32>
      %add3A_1304 = arith.addf %add3A_1256, %get3A_1303 : vector<16xf32>
      %get3A_1305 = arith.constant 52 : i32
      %get3A_1306 = arith.index_cast %get3A_1305 : i32 to index
      %get3A_1307 = arith.constant 0 : index
      %get3A_1308 = tpu.vector_load %arg6[%get3A_1306, %get3A_1307] {strides = array<i32>} : memref<104x32xf32, #tpu.memory_space<vmem>>, vector<1x16xf32>,
      %get3A_1309 = vector.shape_cast %get3A_1308 : vector<1x16xf32> to vector<16xf32>
      %add3A_1310 = arith.addf %add3A_1262, %get3A_1309 : vector<16xf32>
      %get3A_1311 = arith.constant 52 : i32
      %get3A_1312 = arith.index_cast %get3A_1311 : i32 to index
      %get3A_1313 = arith.constant 16 : index
      %get3A_1314 = tpu.vector_load %arg6[%get3A_1312, %get3A_1313] {strides = array<i32>} : memref<104x32xf32, #tpu.memory_space<vmem>>, vector<1x16xf32>,
      %get3A_1315 = vector.shape_cast %get3A_1314 : vector<1x16xf32> to vector<16xf32>
      %add3A_1316 = arith.addf %add3A_1268, %get3A_1315 : vector<16xf32>
      %get3A_1317 = arith.constant 53 : i32
      %get3A_1318 = arith.index_cast %get3A_1317 : i32 to index
      %get3A_1319 = arith.constant 0 : index
      %get3A_1320 = tpu.vector_load %arg6[%get3A_1318, %get3A_1319] {strides = array<i32>} : memref<104x32xf32, #tpu.memory_space<vmem>>, vector<1x16xf32>,
      %get3A_1321 = vector.shape_cast %get3A_1320 : vector<1x16xf32> to vector<16xf32>
      %add3A_1322 = arith.addf %add3A_1274, %get3A_1321 : vector<16xf32>
      %get3A_1323 = arith.constant 53 : i32
      %get3A_1324 = arith.index_cast %get3A_1323 : i32 to index
      %get3A_1325 = arith.constant 16 : index
      %get3A_1326 = tpu.vector_load %arg6[%get3A_1324, %get3A_1325] {strides = array<i32>} : memref<104x32xf32, #tpu.memory_space<vmem>>, vector<1x16xf32>,
      %get3A_1327 = vector.shape_cast %get3A_1326 : vector<1x16xf32> to vector<16xf32>
      %add3A_1328 = arith.addf %add3A_1280, %get3A_1327 : vector<16xf32>
      %get3A_1329 = arith.constant 52 : i32
      %get3A_1330 = arith.index_cast %get3A_1329 : i32 to index
      %get3A_1331 = arith.constant 0 : index
      %get3A_1332 = tpu.vector_load %arg7[%get3A_1330, %get3A_1331] {strides = array<i32>} : memref<104x32xf32, #tpu.memory_space<vmem>>, vector<1x16xf32>,
      %get3A_1333 = vector.shape_cast %get3A_1332 : vector<1x16xf32> to vector<16xf32>
      %add3A_1334 = arith.addf %add3A_1286, %get3A_1333 : vector<16xf32>
      %get3A_1335 = arith.constant 52 : i32
      %get3A_1336 = arith.index_cast %get3A_1335 : i32 to index
      %get3A_1337 = arith.constant 16 : index
      %get3A_1338 = tpu.vector_load %arg7[%get3A_1336, %get3A_1337] {strides = array<i32>} : memref<104x32xf32, #tpu.memory_space<vmem>>, vector<1x16xf32>,
      %get3A_1339 = vector.shape_cast %get3A_1338 : vector<1x16xf32> to vector<16xf32>
      %add3A_1340 = arith.addf %add3A_1292, %get3A_1339 : vector<16xf32>
      %get3A_1341 = arith.constant 53 : i32
      %get3A_1342 = arith.index_cast %get3A_1341 : i32 to index
      %get3A_1343 = arith.constant 0 : index
      %get3A_1344 = tpu.vector_load %arg7[%get3A_1342, %get3A_1343] {strides = array<i32>} : memref<104x32xf32, #tpu.memory_space<vmem>>, vector<1x16xf32>,
      %get3A_1345 = vector.shape_cast %get3A_1344 : vector<1x16xf32> to vector<16xf32>
      %add3A_1346 = arith.addf %add3A_1298, %get3A_1345 : vector<16xf32>
      %get3A_1347 = arith.constant 53 : i32
      %get3A_1348 = arith.index_cast %get3A_1347 : i32 to index
      %get3A_1349 = arith.constant 16 : index
      %get3A_1350 = tpu.vector_load %arg7[%get3A_1348, %get3A_1349] {strides = array<i32>} : memref<104x32xf32, #tpu.memory_space<vmem>>, vector<1x16xf32>,
      %get3A_1351 = vector.shape_cast %get3A_1350 : vector<1x16xf32> to vector<16xf32>
      %add3A_1352 = arith.addf %add3A_1304, %get3A_1351 : vector<16xf32>
      %get3A_1353 = arith.constant 54 : i32
      %get3A_1354 = arith.index_cast %get3A_1353 : i32 to index
      %get3A_1355 = arith.constant 0 : index
      %get3A_1356 = tpu.vector_load %arg6[%get3A_1354, %get3A_1355] {strides = array<i32>} : memref<104x32xf32, #tpu.memory_space<vmem>>, vector<1x16xf32>,
      %get3A_1357 = vector.shape_cast %get3A_1356 : vector<1x16xf32> to vector<16xf32>
      %add3A_1358 = arith.addf %add3A_1310, %get3A_1357 : vector<16xf32>
      %get3A_1359 = arith.constant 54 : i32
      %get3A_1360 = arith.index_cast %get3A_1359 : i32 to index
      %get3A_1361 = arith.constant 16 : index
      %get3A_1362 = tpu.vector_load %arg6[%get3A_1360, %get3A_1361] {strides = array<i32>} : memref<104x32xf32, #tpu.memory_space<vmem>>, vector<1x16xf32>,
      %get3A_1363 = vector.shape_cast %get3A_1362 : vector<1x16xf32> to vector<16xf32>
      %add3A_1364 = arith.addf %add3A_1316, %get3A_1363 : vector<16xf32>
      %get3A_1365 = arith.constant 55 : i32
      %get3A_1366 = arith.index_cast %get3A_1365 : i32 to index
      %get3A_1367 = arith.constant 0 : index
      %get3A_1368 = tpu.vector_load %arg6[%get3A_1366, %get3A_1367] {strides = array<i32>} : memref<104x32xf32, #tpu.memory_space<vmem>>, vector<1x16xf32>,
      %get3A_1369 = vector.shape_cast %get3A_1368 : vector<1x16xf32> to vector<16xf32>
      %add3A_1370 = arith.addf %add3A_1322, %get3A_1369 : vector<16xf32>
      %get3A_1371 = arith.constant 55 : i32
      %get3A_1372 = arith.index_cast %get3A_1371 : i32 to index
      %get3A_1373 = arith.constant 16 : index
      %get3A_1374 = tpu.vector_load %arg6[%get3A_1372, %get3A_1373] {strides = array<i32>} : memref<104x32xf32, #tpu.memory_space<vmem>>, vector<1x16xf32>,
      %get3A_1375 = vector.shape_cast %get3A_1374 : vector<1x16xf32> to vector<16xf32>
      %add3A_1376 = arith.addf %add3A_1328, %get3A_1375 : vector<16xf32>
      %get3A_1377 = arith.constant 54 : i32
      %get3A_1378 = arith.index_cast %get3A_1377 : i32 to index
      %get3A_1379 = arith.constant 0 : index
      %get3A_1380 = tpu.vector_load %arg7[%get3A_1378, %get3A_1379] {strides = array<i32>} : memref<104x32xf32, #tpu.memory_space<vmem>>, vector<1x16xf32>,
      %get3A_1381 = vector.shape_cast %get3A_1380 : vector<1x16xf32> to vector<16xf32>
      %add3A_1382 = arith.addf %add3A_1334, %get3A_1381 : vector<16xf32>
      %get3A_1383 = arith.constant 54 : i32
      %get3A_1384 = arith.index_cast %get3A_1383 : i32 to index
      %get3A_1385 = arith.constant 16 : index
      %get3A_1386 = tpu.vector_load %arg7[%get3A_1384, %get3A_1385] {strides = array<i32>} : memref<104x32xf32, #tpu.memory_space<vmem>>, vector<1x16xf32>,
      %get3A_1387 = vector.shape_cast %get3A_1386 : vector<1x16xf32> to vector<16xf32>
      %add3A_1388 = arith.addf %add3A_1340, %get3A_1387 : vector<16xf32>
      %get3A_1389 = arith.constant 55 : i32
      %get3A_1390 = arith.index_cast %get3A_1389 : i32 to index
      %get3A_1391 = arith.constant 0 : index
      %get3A_1392 = tpu.vector_load %arg7[%get3A_1390, %get3A_1391] {strides = array<i32>} : memref<104x32xf32, #tpu.memory_space<vmem>>, vector<1x16xf32>,
      %get3A_1393 = vector.shape_cast %get3A_1392 : vector<1x16xf32> to vector<16xf32>
      %add3A_1394 = arith.addf %add3A_1346, %get3A_1393 : vector<16xf32>
      %get3A_1395 = arith.constant 55 : i32
      %get3A_1396 = arith.index_cast %get3A_1395 : i32 to index
      %get3A_1397 = arith.constant 16 : index
      %get3A_1398 = tpu.vector_load %arg7[%get3A_1396, %get3A_1397] {strides = array<i32>} : memref<104x32xf32, #tpu.memory_space<vmem>>, vector<1x16xf32>,
      %get3A_1399 = vector.shape_cast %get3A_1398 : vector<1x16xf32> to vector<16xf32>
      %add3A_1400 = arith.addf %add3A_1352, %get3A_1399 : vector<16xf32>
      %get3A_1401 = arith.constant 56 : i32
      %get3A_1402 = arith.index_cast %get3A_1401 : i32 to index
      %get3A_1403 = arith.constant 0 : index
      %get3A_1404 = tpu.vector_load %arg6[%get3A_1402, %get3A_1403] {strides = array<i32>} : memref<104x32xf32, #tpu.memory_space<vmem>>, vector<1x16xf32>,
      %get3A_1405 = vector.shape_cast %get3A_1404 : vector<1x16xf32> to vector<16xf32>
      %add3A_1406 = arith.addf %add3A_1358, %get3A_1405 : vector<16xf32>
      %get3A_1407 = arith.constant 56 : i32
      %get3A_1408 = arith.index_cast %get3A_1407 : i32 to index
      %get3A_1409 = arith.constant 16 : index
      %get3A_1410 = tpu.vector_load %arg6[%get3A_1408, %get3A_1409] {strides = array<i32>} : memref<104x32xf32, #tpu.memory_space<vmem>>, vector<1x16xf32>,
      %get3A_1411 = vector.shape_cast %get3A_1410 : vector<1x16xf32> to vector<16xf32>
      %add3A_1412 = arith.addf %add3A_1364, %get3A_1411 : vector<16xf32>
      %get3A_1413 = arith.constant 57 : i32
      %get3A_1414 = arith.index_cast %get3A_1413 : i32 to index
      %get3A_1415 = arith.constant 0 : index
      %get3A_1416 = tpu.vector_load %arg6[%get3A_1414, %get3A_1415] {strides = array<i32>} : memref<104x32xf32, #tpu.memory_space<vmem>>, vector<1x16xf32>,
      %get3A_1417 = vector.shape_cast %get3A_1416 : vector<1x16xf32> to vector<16xf32>
      %add3A_1418 = arith.addf %add3A_1370, %get3A_1417 : vector<16xf32>
      %get3A_1419 = arith.constant 57 : i32
      %get3A_1420 = arith.index_cast %get3A_1419 : i32 to index
      %get3A_1421 = arith.constant 16 : index
      %get3A_1422 = tpu.vector_load %arg6[%get3A_1420, %get3A_1421] {strides = array<i32>} : memref<104x32xf32, #tpu.memory_space<vmem>>, vector<1x16xf32>,
      %get3A_1423 = vector.shape_cast %get3A_1422 : vector<1x16xf32> to vector<16xf32>
      %add3A_1424 = arith.addf %add3A_1376, %get3A_1423 : vector<16xf32>
      %get3A_1425 = arith.constant 56 : i32
      %get3A_1426 = arith.index_cast %get3A_1425 : i32 to index
      %get3A_1427 = arith.constant 0 : index
      %get3A_1428 = tpu.vector_load %arg7[%get3A_1426, %get3A_1427] {strides = array<i32>} : memref<104x32xf32, #tpu.memory_space<vmem>>, vector<1x16xf32>,
      %get3A_1429 = vector.shape_cast %get3A_1428 : vector<1x16xf32> to vector<16xf32>
      %add3A_1430 = arith.addf %add3A_1382, %get3A_1429 : vector<16xf32>
      %get3A_1431 = arith.constant 56 : i32
      %get3A_1432 = arith.index_cast %get3A_1431 : i32 to index
      %get3A_1433 = arith.constant 16 : index
      %get3A_1434 = tpu.vector_load %arg7[%get3A_1432, %get3A_1433] {strides = array<i32>} : memref<104x32xf32, #tpu.memory_space<vmem>>, vector<1x16xf32>,
      %get3A_1435 = vector.shape_cast %get3A_1434 : vector<1x16xf32> to vector<16xf32>
      %add3A_1436 = arith.addf %add3A_1388, %get3A_1435 : vector<16xf32>
      %get3A_1437 = arith.constant 57 : i32
      %get3A_1438 = arith.index_cast %get3A_1437 : i32 to index
      %get3A_1439 = arith.constant 0 : index
      %get3A_1440 = tpu.vector_load %arg7[%get3A_1438, %get3A_1439] {strides = array<i32>} : memref<104x32xf32, #tpu.memory_space<vmem>>, vector<1x16xf32>,
      %get3A_1441 = vector.shape_cast %get3A_1440 : vector<1x16xf32> to vector<16xf32>
      %add3A_1442 = arith.addf %add3A_1394, %get3A_1441 : vector<16xf32>
      %get3A_1443 = arith.constant 57 : i32
      %get3A_1444 = arith.index_cast %get3A_1443 : i32 to index
      %get3A_1445 = arith.constant 16 : index
      %get3A_1446 = tpu.vector_load %arg7[%get3A_1444, %get3A_1445] {strides = array<i32>} : memref<104x32xf32, #tpu.memory_space<vmem>>, vector<1x16xf32>,
      %get3A_1447 = vector.shape_cast %get3A_1446 : vector<1x16xf32> to vector<16xf32>
      %add3A_1448 = arith.addf %add3A_1400, %get3A_1447 : vector<16xf32>
      %get3A_1449 = arith.constant 58 : i32
      %get3A_1450 = arith.index_cast %get3A_1449 : i32 to index
      %get3A_1451 = arith.constant 0 : index
      %get3A_1452 = tpu.vector_load %arg6[%get3A_1450, %get3A_1451] {strides = array<i32>} : memref<104x32xf32, #tpu.memory_space<vmem>>, vector<1x16xf32>,
      %get3A_1453 = vector.shape_cast %get3A_1452 : vector<1x16xf32> to vector<16xf32>
      %add3A_1454 = arith.addf %add3A_1406, %get3A_1453 : vector<16xf32>
      %get3A_1455 = arith.constant 58 : i32
      %get3A_1456 = arith.index_cast %get3A_1455 : i32 to index
      %get3A_1457 = arith.constant 16 : index
      %get3A_1458 = tpu.vector_load %arg6[%get3A_1456, %get3A_1457] {strides = array<i32>} : memref<104x32xf32, #tpu.memory_space<vmem>>, vector<1x16xf32>,
      %get3A_1459 = vector.shape_cast %get3A_1458 : vector<1x16xf32> to vector<16xf32>
      %add3A_1460 = arith.addf %add3A_1412, %get3A_1459 : vector<16xf32>
      %get3A_1461 = arith.constant 59 : i32
      %get3A_1462 = arith.index_cast %get3A_1461 : i32 to index
      %get3A_1463 = arith.constant 0 : index
      %get3A_1464 = tpu.vector_load %arg6[%get3A_1462, %get3A_1463] {strides = array<i32>} : memref<104x32xf32, #tpu.memory_space<vmem>>, vector<1x16xf32>,
      %get3A_1465 = vector.shape_cast %get3A_1464 : vector<1x16xf32> to vector<16xf32>
      %add3A_1466 = arith.addf %add3A_1418, %get3A_1465 : vector<16xf32>
      %get3A_1467 = arith.constant 59 : i32
      %get3A_1468 = arith.index_cast %get3A_1467 : i32 to index
      %get3A_1469 = arith.constant 16 : index
      %get3A_1470 = tpu.vector_load %arg6[%get3A_1468, %get3A_1469] {strides = array<i32>} : memref<104x32xf32, #tpu.memory_space<vmem>>, vector<1x16xf32>,
      %get3A_1471 = vector.shape_cast %get3A_1470 : vector<1x16xf32> to vector<16xf32>
      %add3A_1472 = arith.addf %add3A_1424, %get3A_1471 : vector<16xf32>
      %get3A_1473 = arith.constant 58 : i32
      %get3A_1474 = arith.index_cast %get3A_1473 : i32 to index
      %get3A_1475 = arith.constant 0 : index
      %get3A_1476 = tpu.vector_load %arg7[%get3A_1474, %get3A_1475] {strides = array<i32>} : memref<104x32xf32, #tpu.memory_space<vmem>>, vector<1x16xf32>,
      %get3A_1477 = vector.shape_cast %get3A_1476 : vector<1x16xf32> to vector<16xf32>
      %add3A_1478 = arith.addf %add3A_1430, %get3A_1477 : vector<16xf32>
      %get3A_1479 = arith.constant 58 : i32
      %get3A_1480 = arith.index_cast %get3A_1479 : i32 to index
      %get3A_1481 = arith.constant 16 : index
      %get3A_1482 = tpu.vector_load %arg7[%get3A_1480, %get3A_1481] {strides = array<i32>} : memref<104x32xf32, #tpu.memory_space<vmem>>, vector<1x16xf32>,
      %get3A_1483 = vector.shape_cast %get3A_1482 : vector<1x16xf32> to vector<16xf32>
      %add3A_1484 = arith.addf %add3A_1436, %get3A_1483 : vector<16xf32>
      %get3A_1485 = arith.constant 59 : i32
      %get3A_1486 = arith.index_cast %get3A_1485 : i32 to index
      %get3A_1487 = arith.constant 0 : index
      %get3A_1488 = tpu.vector_load %arg7[%get3A_1486, %get3A_1487] {strides = array<i32>} : memref<104x32xf32, #tpu.memory_space<vmem>>, vector<1x16xf32>,
      %get3A_1489 = vector.shape_cast %get3A_1488 : vector<1x16xf32> to vector<16xf32>
      %add3A_1490 = arith.addf %add3A_1442, %get3A_1489 : vector<16xf32>
      %get3A_1491 = arith.constant 59 : i32
      %get3A_1492 = arith.index_cast %get3A_1491 : i32 to index
      %get3A_1493 = arith.constant 16 : index
      %get3A_1494 = tpu.vector_load %arg7[%get3A_1492, %get3A_1493] {strides = array<i32>} : memref<104x32xf32, #tpu.memory_space<vmem>>, vector<1x16xf32>,
      %get3A_1495 = vector.shape_cast %get3A_1494 : vector<1x16xf32> to vector<16xf32>
      %add3A_1496 = arith.addf %add3A_1448, %get3A_1495 : vector<16xf32>
      %get3A_1497 = arith.constant 60 : i32
      %get3A_1498 = arith.index_cast %get3A_1497 : i32 to index
      %get3A_1499 = arith.constant 0 : index
      %get3A_1500 = tpu.vector_load %arg6[%get3A_1498, %get3A_1499] {strides = array<i32>} : memref<104x32xf32, #tpu.memory_space<vmem>>, vector<1x16xf32>,
      %get3A_1501 = vector.shape_cast %get3A_1500 : vector<1x16xf32> to vector<16xf32>
      %add3A_1502 = arith.addf %add3A_1454, %get3A_1501 : vector<16xf32>
      %get3A_1503 = arith.constant 60 : i32
      %get3A_1504 = arith.index_cast %get3A_1503 : i32 to index
      %get3A_1505 = arith.constant 16 : index
      %get3A_1506 = tpu.vector_load %arg6[%get3A_1504, %get3A_1505] {strides = array<i32>} : memref<104x32xf32, #tpu.memory_space<vmem>>, vector<1x16xf32>,
      %get3A_1507 = vector.shape_cast %get3A_1506 : vector<1x16xf32> to vector<16xf32>
      %add3A_1508 = arith.addf %add3A_1460, %get3A_1507 : vector<16xf32>
      %get3A_1509 = arith.constant 61 : i32
      %get3A_1510 = arith.index_cast %get3A_1509 : i32 to index
      %get3A_1511 = arith.constant 0 : index
      %get3A_1512 = tpu.vector_load %arg6[%get3A_1510, %get3A_1511] {strides = array<i32>} : memref<104x32xf32, #tpu.memory_space<vmem>>, vector<1x16xf32>,
      %get3A_1513 = vector.shape_cast %get3A_1512 : vector<1x16xf32> to vector<16xf32>
      %add3A_1514 = arith.addf %add3A_1466, %get3A_1513 : vector<16xf32>
      %get3A_1515 = arith.constant 61 : i32
      %get3A_1516 = arith.index_cast %get3A_1515 : i32 to index
      %get3A_1517 = arith.constant 16 : index
      %get3A_1518 = tpu.vector_load %arg6[%get3A_1516, %get3A_1517] {strides = array<i32>} : memref<104x32xf32, #tpu.memory_space<vmem>>, vector<1x16xf32>,
      %get3A_1519 = vector.shape_cast %get3A_1518 : vector<1x16xf32> to vector<16xf32>
      %add3A_1520 = arith.addf %add3A_1472, %get3A_1519 : vector<16xf32>
      %get3A_1521 = arith.constant 60 : i32
      %get3A_1522 = arith.index_cast %get3A_1521 : i32 to index
      %get3A_1523 = arith.constant 0 : index
      %get3A_1524 = tpu.vector_load %arg7[%get3A_1522, %get3A_1523] {strides = array<i32>} : memref<104x32xf32, #tpu.memory_space<vmem>>, vector<1x16xf32>,
      %get3A_1525 = vector.shape_cast %get3A_1524 : vector<1x16xf32> to vector<16xf32>
      %add3A_1526 = arith.addf %add3A_1478, %get3A_1525 : vector<16xf32>
      %get3A_1527 = arith.constant 60 : i32
      %get3A_1528 = arith.index_cast %get3A_1527 : i32 to index
      %get3A_1529 = arith.constant 16 : index
      %get3A_1530 = tpu.vector_load %arg7[%get3A_1528, %get3A_1529] {strides = array<i32>} : memref<104x32xf32, #tpu.memory_space<vmem>>, vector<1x16xf32>,
      %get3A_1531 = vector.shape_cast %get3A_1530 : vector<1x16xf32> to vector<16xf32>
      %add3A_1532 = arith.addf %add3A_1484, %get3A_1531 : vector<16xf32>
      %get3A_1533 = arith.constant 61 : i32
      %get3A_1534 = arith.index_cast %get3A_1533 : i32 to index
      %get3A_1535 = arith.constant 0 : index
      %get3A_1536 = tpu.vector_load %arg7[%get3A_1534, %get3A_1535] {strides = array<i32>} : memref<104x32xf32, #tpu.memory_space<vmem>>, vector<1x16xf32>,
      %get3A_1537 = vector.shape_cast %get3A_1536 : vector<1x16xf32> to vector<16xf32>
      %add3A_1538 = arith.addf %add3A_1490, %get3A_1537 : vector<16xf32>
      %get3A_1539 = arith.constant 61 : i32
      %get3A_1540 = arith.index_cast %get3A_1539 : i32 to index
      %get3A_1541 = arith.constant 16 : index
      %get3A_1542 = tpu.vector_load %arg7[%get3A_1540, %get3A_1541] {strides = array<i32>} : memref<104x32xf32, #tpu.memory_space<vmem>>, vector<1x16xf32>,
      %get3A_1543 = vector.shape_cast %get3A_1542 : vector<1x16xf32> to vector<16xf32>
      %add3A_1544 = arith.addf %add3A_1496, %get3A_1543 : vector<16xf32>
      %get3A_1545 = arith.constant 62 : i32
      %get3A_1546 = arith.index_cast %get3A_1545 : i32 to index
      %get3A_1547 = arith.constant 0 : index
      %get3A_1548 = tpu.vector_load %arg6[%get3A_1546, %get3A_1547] {strides = array<i32>} : memref<104x32xf32, #tpu.memory_space<vmem>>, vector<1x16xf32>,
      %get3A_1549 = vector.shape_cast %get3A_1548 : vector<1x16xf32> to vector<16xf32>
      %add3A_1550 = arith.addf %add3A_1502, %get3A_1549 : vector<16xf32>
      %get3A_1551 = arith.constant 62 : i32
      %get3A_1552 = arith.index_cast %get3A_1551 : i32 to index
      %get3A_1553 = arith.constant 16 : index
      %get3A_1554 = tpu.vector_load %arg6[%get3A_1552, %get3A_1553] {strides = array<i32>} : memref<104x32xf32, #tpu.memory_space<vmem>>, vector<1x16xf32>,
      %get3A_1555 = vector.shape_cast %get3A_1554 : vector<1x16xf32> to vector<16xf32>
      %add3A_1556 = arith.addf %add3A_1508, %get3A_1555 : vector<16xf32>
      %get3A_1557 = arith.constant 63 : i32
      %get3A_1558 = arith.index_cast %get3A_1557 : i32 to index
      %get3A_1559 = arith.constant 0 : index
      %get3A_1560 = tpu.vector_load %arg6[%get3A_1558, %get3A_1559] {strides = array<i32>} : memref<104x32xf32, #tpu.memory_space<vmem>>, vector<1x16xf32>,
      %get3A_1561 = vector.shape_cast %get3A_1560 : vector<1x16xf32> to vector<16xf32>
      %add3A_1562 = arith.addf %add3A_1514, %get3A_1561 : vector<16xf32>
      %get3A_1563 = arith.constant 63 : i32
      %get3A_1564 = arith.index_cast %get3A_1563 : i32 to index
      %get3A_1565 = arith.constant 16 : index
      %get3A_1566 = tpu.vector_load %arg6[%get3A_1564, %get3A_1565] {strides = array<i32>} : memref<104x32xf32, #tpu.memory_space<vmem>>, vector<1x16xf32>,
      %get3A_1567 = vector.shape_cast %get3A_1566 : vector<1x16xf32> to vector<16xf32>
      %add3A_1568 = arith.addf %add3A_1520, %get3A_1567 : vector<16xf32>
      %get3A_1569 = arith.constant 62 : i32
      %get3A_1570 = arith.index_cast %get3A_1569 : i32 to index
      %get3A_1571 = arith.constant 0 : index
      %get3A_1572 = tpu.vector_load %arg7[%get3A_1570, %get3A_1571] {strides = array<i32>} : memref<104x32xf32, #tpu.memory_space<vmem>>, vector<1x16xf32>,
      %get3A_1573 = vector.shape_cast %get3A_1572 : vector<1x16xf32> to vector<16xf32>
      %add3A_1574 = arith.addf %add3A_1526, %get3A_1573 : vector<16xf32>
      %get3A_1575 = arith.constant 62 : i32
      %get3A_1576 = arith.index_cast %get3A_1575 : i32 to index
      %get3A_1577 = arith.constant 16 : index
      %get3A_1578 = tpu.vector_load %arg7[%get3A_1576, %get3A_1577] {strides = array<i32>} : memref<104x32xf32, #tpu.memory_space<vmem>>, vector<1x16xf32>,
      %get3A_1579 = vector.shape_cast %get3A_1578 : vector<1x16xf32> to vector<16xf32>
      %add3A_1580 = arith.addf %add3A_1532, %get3A_1579 : vector<16xf32>
      %get3A_1581 = arith.constant 63 : i32
      %get3A_1582 = arith.index_cast %get3A_1581 : i32 to index
      %get3A_1583 = arith.constant 0 : index
      %get3A_1584 = tpu.vector_load %arg7[%get3A_1582, %get3A_1583] {strides = array<i32>} : memref<104x32xf32, #tpu.memory_space<vmem>>, vector<1x16xf32>,
      %get3A_1585 = vector.shape_cast %get3A_1584 : vector<1x16xf32> to vector<16xf32>
      %add3A_1586 = arith.addf %add3A_1538, %get3A_1585 : vector<16xf32>
      %get3A_1587 = arith.constant 63 : i32
      %get3A_1588 = arith.index_cast %get3A_1587 : i32 to index
      %get3A_1589 = arith.constant 16 : index
      %get3A_1590 = tpu.vector_load %arg7[%get3A_1588, %get3A_1589] {strides = array<i32>} : memref<104x32xf32, #tpu.memory_space<vmem>>, vector<1x16xf32>,
      %get3A_1591 = vector.shape_cast %get3A_1590 : vector<1x16xf32> to vector<16xf32>
      %add3A_1592 = arith.addf %add3A_1544, %get3A_1591 : vector<16xf32>
      %get3A_1593 = arith.constant 64 : i32
      %get3A_1594 = arith.index_cast %get3A_1593 : i32 to index
      %get3A_1595 = arith.constant 0 : index
      %get3A_1596 = tpu.vector_load %arg6[%get3A_1594, %get3A_1595] {strides = array<i32>} : memref<104x32xf32, #tpu.memory_space<vmem>>, vector<1x16xf32>,
      %get3A_1597 = vector.shape_cast %get3A_1596 : vector<1x16xf32> to vector<16xf32>
      %add3A_1598 = arith.addf %add3A_1550, %get3A_1597 : vector<16xf32>
      %get3A_1599 = arith.constant 64 : i32
      %get3A_1600 = arith.index_cast %get3A_1599 : i32 to index
      %get3A_1601 = arith.constant 16 : index
      %get3A_1602 = tpu.vector_load %arg6[%get3A_1600, %get3A_1601] {strides = array<i32>} : memref<104x32xf32, #tpu.memory_space<vmem>>, vector<1x16xf32>,
      %get3A_1603 = vector.shape_cast %get3A_1602 : vector<1x16xf32> to vector<16xf32>
      %add3A_1604 = arith.addf %add3A_1556, %get3A_1603 : vector<16xf32>
      %get3A_1605 = arith.constant 65 : i32
      %get3A_1606 = arith.index_cast %get3A_1605 : i32 to index
      %get3A_1607 = arith.constant 0 : index
      %get3A_1608 = tpu.vector_load %arg6[%get3A_1606, %get3A_1607] {strides = array<i32>} : memref<104x32xf32, #tpu.memory_space<vmem>>, vector<1x16xf32>,
      %get3A_1609 = vector.shape_cast %get3A_1608 : vector<1x16xf32> to vector<16xf32>
      %add3A_1610 = arith.addf %add3A_1562, %get3A_1609 : vector<16xf32>
      %get3A_1611 = arith.constant 65 : i32
      %get3A_1612 = arith.index_cast %get3A_1611 : i32 to index
      %get3A_1613 = arith.constant 16 : index
      %get3A_1614 = tpu.vector_load %arg6[%get3A_1612, %get3A_1613] {strides = array<i32>} : memref<104x32xf32, #tpu.memory_space<vmem>>, vector<1x16xf32>,
      %get3A_1615 = vector.shape_cast %get3A_1614 : vector<1x16xf32> to vector<16xf32>
      %add3A_1616 = arith.addf %add3A_1568, %get3A_1615 : vector<16xf32>
      %get3A_1617 = arith.constant 64 : i32
      %get3A_1618 = arith.index_cast %get3A_1617 : i32 to index
      %get3A_1619 = arith.constant 0 : index
      %get3A_1620 = tpu.vector_load %arg7[%get3A_1618, %get3A_1619] {strides = array<i32>} : memref<104x32xf32, #tpu.memory_space<vmem>>, vector<1x16xf32>,
      %get3A_1621 = vector.shape_cast %get3A_1620 : vector<1x16xf32> to vector<16xf32>
      %add3A_1622 = arith.addf %add3A_1574, %get3A_1621 : vector<16xf32>
      %get3A_1623 = arith.constant 64 : i32
      %get3A_1624 = arith.index_cast %get3A_1623 : i32 to index
      %get3A_1625 = arith.constant 16 : index
      %get3A_1626 = tpu.vector_load %arg7[%get3A_1624, %get3A_1625] {strides = array<i32>} : memref<104x32xf32, #tpu.memory_space<vmem>>, vector<1x16xf32>,
      %get3A_1627 = vector.shape_cast %get3A_1626 : vector<1x16xf32> to vector<16xf32>
      %add3A_1628 = arith.addf %add3A_1580, %get3A_1627 : vector<16xf32>
      %get3A_1629 = arith.constant 65 : i32
      %get3A_1630 = arith.index_cast %get3A_1629 : i32 to index
      %get3A_1631 = arith.constant 0 : index
      %get3A_1632 = tpu.vector_load %arg7[%get3A_1630, %get3A_1631] {strides = array<i32>} : memref<104x32xf32, #tpu.memory_space<vmem>>, vector<1x16xf32>,
      %get3A_1633 = vector.shape_cast %get3A_1632 : vector<1x16xf32> to vector<16xf32>
      %add3A_1634 = arith.addf %add3A_1586, %get3A_1633 : vector<16xf32>
      %get3A_1635 = arith.constant 65 : i32
      %get3A_1636 = arith.index_cast %get3A_1635 : i32 to index
      %get3A_1637 = arith.constant 16 : index
      %get3A_1638 = tpu.vector_load %arg7[%get3A_1636, %get3A_1637] {strides = array<i32>} : memref<104x32xf32, #tpu.memory_space<vmem>>, vector<1x16xf32>,
      %get3A_1639 = vector.shape_cast %get3A_1638 : vector<1x16xf32> to vector<16xf32>
      %add3A_1640 = arith.addf %add3A_1592, %get3A_1639 : vector<16xf32>
      %get3A_1641 = arith.constant 66 : i32
      %get3A_1642 = arith.index_cast %get3A_1641 : i32 to index
      %get3A_1643 = arith.constant 0 : index
      %get3A_1644 = tpu.vector_load %arg6[%get3A_1642, %get3A_1643] {strides = array<i32>} : memref<104x32xf32, #tpu.memory_space<vmem>>, vector<1x16xf32>,
      %get3A_1645 = vector.shape_cast %get3A_1644 : vector<1x16xf32> to vector<16xf32>
      %add3A_1646 = arith.addf %add3A_1598, %get3A_1645 : vector<16xf32>
      %get3A_1647 = arith.constant 66 : i32
      %get3A_1648 = arith.index_cast %get3A_1647 : i32 to index
      %get3A_1649 = arith.constant 16 : index
      %get3A_1650 = tpu.vector_load %arg6[%get3A_1648, %get3A_1649] {strides = array<i32>} : memref<104x32xf32, #tpu.memory_space<vmem>>, vector<1x16xf32>,
      %get3A_1651 = vector.shape_cast %get3A_1650 : vector<1x16xf32> to vector<16xf32>
      %add3A_1652 = arith.addf %add3A_1604, %get3A_1651 : vector<16xf32>
      %get3A_1653 = arith.constant 67 : i32
      %get3A_1654 = arith.index_cast %get3A_1653 : i32 to index
      %get3A_1655 = arith.constant 0 : index
      %get3A_1656 = tpu.vector_load %arg6[%get3A_1654, %get3A_1655] {strides = array<i32>} : memref<104x32xf32, #tpu.memory_space<vmem>>, vector<1x16xf32>,
      %get3A_1657 = vector.shape_cast %get3A_1656 : vector<1x16xf32> to vector<16xf32>
      %add3A_1658 = arith.addf %add3A_1610, %get3A_1657 : vector<16xf32>
      %get3A_1659 = arith.constant 67 : i32
      %get3A_1660 = arith.index_cast %get3A_1659 : i32 to index
      %get3A_1661 = arith.constant 16 : index
      %get3A_1662 = tpu.vector_load %arg6[%get3A_1660, %get3A_1661] {strides = array<i32>} : memref<104x32xf32, #tpu.memory_space<vmem>>, vector<1x16xf32>,
      %get3A_1663 = vector.shape_cast %get3A_1662 : vector<1x16xf32> to vector<16xf32>
      %add3A_1664 = arith.addf %add3A_1616, %get3A_1663 : vector<16xf32>
      %get3A_1665 = arith.constant 66 : i32
      %get3A_1666 = arith.index_cast %get3A_1665 : i32 to index
      %get3A_1667 = arith.constant 0 : index
      %get3A_1668 = tpu.vector_load %arg7[%get3A_1666, %get3A_1667] {strides = array<i32>} : memref<104x32xf32, #tpu.memory_space<vmem>>, vector<1x16xf32>,
      %get3A_1669 = vector.shape_cast %get3A_1668 : vector<1x16xf32> to vector<16xf32>
      %add3A_1670 = arith.addf %add3A_1622, %get3A_1669 : vector<16xf32>
      %get3A_1671 = arith.constant 66 : i32
      %get3A_1672 = arith.index_cast %get3A_1671 : i32 to index
      %get3A_1673 = arith.constant 16 : index
      %get3A_1674 = tpu.vector_load %arg7[%get3A_1672, %get3A_1673] {strides = array<i32>} : memref<104x32xf32, #tpu.memory_space<vmem>>, vector<1x16xf32>,
      %get3A_1675 = vector.shape_cast %get3A_1674 : vector<1x16xf32> to vector<16xf32>
      %add3A_1676 = arith.addf %add3A_1628, %get3A_1675 : vector<16xf32>
      %get3A_1677 = arith.constant 67 : i32
      %get3A_1678 = arith.index_cast %get3A_1677 : i32 to index
      %get3A_1679 = arith.constant 0 : index
      %get3A_1680 = tpu.vector_load %arg7[%get3A_1678, %get3A_1679] {strides = array<i32>} : memref<104x32xf32, #tpu.memory_space<vmem>>, vector<1x16xf32>,
      %get3A_1681 = vector.shape_cast %get3A_1680 : vector<1x16xf32> to vector<16xf32>
      %add3A_1682 = arith.addf %add3A_1634, %get3A_1681 : vector<16xf32>
      %get3A_1683 = arith.constant 67 : i32
      %get3A_1684 = arith.index_cast %get3A_1683 : i32 to index
      %get3A_1685 = arith.constant 16 : index
      %get3A_1686 = tpu.vector_load %arg7[%get3A_1684, %get3A_1685] {strides = array<i32>} : memref<104x32xf32, #tpu.memory_space<vmem>>, vector<1x16xf32>,
      %get3A_1687 = vector.shape_cast %get3A_1686 : vector<1x16xf32> to vector<16xf32>
      %add3A_1688 = arith.addf %add3A_1640, %get3A_1687 : vector<16xf32>
      %get3A_1689 = arith.constant 68 : i32
      %get3A_1690 = arith.index_cast %get3A_1689 : i32 to index
      %get3A_1691 = arith.constant 0 : index
      %get3A_1692 = tpu.vector_load %arg6[%get3A_1690, %get3A_1691] {strides = array<i32>} : memref<104x32xf32, #tpu.memory_space<vmem>>, vector<1x16xf32>,
      %get3A_1693 = vector.shape_cast %get3A_1692 : vector<1x16xf32> to vector<16xf32>
      %add3A_1694 = arith.addf %add3A_1646, %get3A_1693 : vector<16xf32>
      %get3A_1695 = arith.constant 68 : i32
      %get3A_1696 = arith.index_cast %get3A_1695 : i32 to index
      %get3A_1697 = arith.constant 16 : index
      %get3A_1698 = tpu.vector_load %arg6[%get3A_1696, %get3A_1697] {strides = array<i32>} : memref<104x32xf32, #tpu.memory_space<vmem>>, vector<1x16xf32>,
      %get3A_1699 = vector.shape_cast %get3A_1698 : vector<1x16xf32> to vector<16xf32>
      %add3A_1700 = arith.addf %add3A_1652, %get3A_1699 : vector<16xf32>
      %get3A_1701 = arith.constant 69 : i32
      %get3A_1702 = arith.index_cast %get3A_1701 : i32 to index
      %get3A_1703 = arith.constant 0 : index
      %get3A_1704 = tpu.vector_load %arg6[%get3A_1702, %get3A_1703] {strides = array<i32>} : memref<104x32xf32, #tpu.memory_space<vmem>>, vector<1x16xf32>,
      %get3A_1705 = vector.shape_cast %get3A_1704 : vector<1x16xf32> to vector<16xf32>
      %add3A_1706 = arith.addf %add3A_1658, %get3A_1705 : vector<16xf32>
      %get3A_1707 = arith.constant 69 : i32
      %get3A_1708 = arith.index_cast %get3A_1707 : i32 to index
      %get3A_1709 = arith.constant 16 : index
      %get3A_1710 = tpu.vector_load %arg6[%get3A_1708, %get3A_1709] {strides = array<i32>} : memref<104x32xf32, #tpu.memory_space<vmem>>, vector<1x16xf32>,
      %get3A_1711 = vector.shape_cast %get3A_1710 : vector<1x16xf32> to vector<16xf32>
      %add3A_1712 = arith.addf %add3A_1664, %get3A_1711 : vector<16xf32>
      %get3A_1713 = arith.constant 68 : i32
      %get3A_1714 = arith.index_cast %get3A_1713 : i32 to index
      %get3A_1715 = arith.constant 0 : index
      %get3A_1716 = tpu.vector_load %arg7[%get3A_1714, %get3A_1715] {strides = array<i32>} : memref<104x32xf32, #tpu.memory_space<vmem>>, vector<1x16xf32>,
      %get3A_1717 = vector.shape_cast %get3A_1716 : vector<1x16xf32> to vector<16xf32>
      %add3A_1718 = arith.addf %add3A_1670, %get3A_1717 : vector<16xf32>
      %get3A_1719 = arith.constant 68 : i32
      %get3A_1720 = arith.index_cast %get3A_1719 : i32 to index
      %get3A_1721 = arith.constant 16 : index
      %get3A_1722 = tpu.vector_load %arg7[%get3A_1720, %get3A_1721] {strides = array<i32>} : memref<104x32xf32, #tpu.memory_space<vmem>>, vector<1x16xf32>,
      %get3A_1723 = vector.shape_cast %get3A_1722 : vector<1x16xf32> to vector<16xf32>
      %add3A_1724 = arith.addf %add3A_1676, %get3A_1723 : vector<16xf32>
      %get3A_1725 = arith.constant 69 : i32
      %get3A_1726 = arith.index_cast %get3A_1725 : i32 to index
      %get3A_1727 = arith.constant 0 : index
      %get3A_1728 = tpu.vector_load %arg7[%get3A_1726, %get3A_1727] {strides = array<i32>} : memref<104x32xf32, #tpu.memory_space<vmem>>, vector<1x16xf32>,
      %get3A_1729 = vector.shape_cast %get3A_1728 : vector<1x16xf32> to vector<16xf32>
      %add3A_1730 = arith.addf %add3A_1682, %get3A_1729 : vector<16xf32>
      %get3A_1731 = arith.constant 69 : i32
      %get3A_1732 = arith.index_cast %get3A_1731 : i32 to index
      %get3A_1733 = arith.constant 16 : index
      %get3A_1734 = tpu.vector_load %arg7[%get3A_1732, %get3A_1733] {strides = array<i32>} : memref<104x32xf32, #tpu.memory_space<vmem>>, vector<1x16xf32>,
      %get3A_1735 = vector.shape_cast %get3A_1734 : vector<1x16xf32> to vector<16xf32>
      %add3A_1736 = arith.addf %add3A_1688, %get3A_1735 : vector<16xf32>
      %get3A_1737 = arith.constant 70 : i32
      %get3A_1738 = arith.index_cast %get3A_1737 : i32 to index
      %get3A_1739 = arith.constant 0 : index
      %get3A_1740 = tpu.vector_load %arg6[%get3A_1738, %get3A_1739] {strides = array<i32>} : memref<104x32xf32, #tpu.memory_space<vmem>>, vector<1x16xf32>,
      %get3A_1741 = vector.shape_cast %get3A_1740 : vector<1x16xf32> to vector<16xf32>
      %add3A_1742 = arith.addf %add3A_1694, %get3A_1741 : vector<16xf32>
      %get3A_1743 = arith.constant 70 : i32
      %get3A_1744 = arith.index_cast %get3A_1743 : i32 to index
      %get3A_1745 = arith.constant 16 : index
      %get3A_1746 = tpu.vector_load %arg6[%get3A_1744, %get3A_1745] {strides = array<i32>} : memref<104x32xf32, #tpu.memory_space<vmem>>, vector<1x16xf32>,
      %get3A_1747 = vector.shape_cast %get3A_1746 : vector<1x16xf32> to vector<16xf32>
      %add3A_1748 = arith.addf %add3A_1700, %get3A_1747 : vector<16xf32>
      %get3A_1749 = arith.constant 71 : i32
      %get3A_1750 = arith.index_cast %get3A_1749 : i32 to index
      %get3A_1751 = arith.constant 0 : index
      %get3A_1752 = tpu.vector_load %arg6[%get3A_1750, %get3A_1751] {strides = array<i32>} : memref<104x32xf32, #tpu.memory_space<vmem>>, vector<1x16xf32>,
      %get3A_1753 = vector.shape_cast %get3A_1752 : vector<1x16xf32> to vector<16xf32>
      %add3A_1754 = arith.addf %add3A_1706, %get3A_1753 : vector<16xf32>
      %get3A_1755 = arith.constant 71 : i32
      %get3A_1756 = arith.index_cast %get3A_1755 : i32 to index
      %get3A_1757 = arith.constant 16 : index
      %get3A_1758 = tpu.vector_load %arg6[%get3A_1756, %get3A_1757] {strides = array<i32>} : memref<104x32xf32, #tpu.memory_space<vmem>>, vector<1x16xf32>,
      %get3A_1759 = vector.shape_cast %get3A_1758 : vector<1x16xf32> to vector<16xf32>
      %add3A_1760 = arith.addf %add3A_1712, %get3A_1759 : vector<16xf32>
      %get3A_1761 = arith.constant 70 : i32
      %get3A_1762 = arith.index_cast %get3A_1761 : i32 to index
      %get3A_1763 = arith.constant 0 : index
      %get3A_1764 = tpu.vector_load %arg7[%get3A_1762, %get3A_1763] {strides = array<i32>} : memref<104x32xf32, #tpu.memory_space<vmem>>, vector<1x16xf32>,
      %get3A_1765 = vector.shape_cast %get3A_1764 : vector<1x16xf32> to vector<16xf32>
      %add3A_1766 = arith.addf %add3A_1718, %get3A_1765 : vector<16xf32>
      %get3A_1767 = arith.constant 70 : i32
      %get3A_1768 = arith.index_cast %get3A_1767 : i32 to index
      %get3A_1769 = arith.constant 16 : index
      %get3A_1770 = tpu.vector_load %arg7[%get3A_1768, %get3A_1769] {strides = array<i32>} : memref<104x32xf32, #tpu.memory_space<vmem>>, vector<1x16xf32>,
      %get3A_1771 = vector.shape_cast %get3A_1770 : vector<1x16xf32> to vector<16xf32>
      %add3A_1772 = arith.addf %add3A_1724, %get3A_1771 : vector<16xf32>
      %get3A_1773 = arith.constant 71 : i32
      %get3A_1774 = arith.index_cast %get3A_1773 : i32 to index
      %get3A_1775 = arith.constant 0 : index
      %get3A_1776 = tpu.vector_load %arg7[%get3A_1774, %get3A_1775] {strides = array<i32>} : memref<104x32xf32, #tpu.memory_space<vmem>>, vector<1x16xf32>,
      %get3A_1777 = vector.shape_cast %get3A_1776 : vector<1x16xf32> to vector<16xf32>
      %add3A_1778 = arith.addf %add3A_1730, %get3A_1777 : vector<16xf32>
      %get3A_1779 = arith.constant 71 : i32
      %get3A_1780 = arith.index_cast %get3A_1779 : i32 to index
      %get3A_1781 = arith.constant 16 : index
      %get3A_1782 = tpu.vector_load %arg7[%get3A_1780, %get3A_1781] {strides = array<i32>} : memref<104x32xf32, #tpu.memory_space<vmem>>, vector<1x16xf32>,
      %get3A_1783 = vector.shape_cast %get3A_1782 : vector<1x16xf32> to vector<16xf32>
      %add3A_1784 = arith.addf %add3A_1736, %get3A_1783 : vector<16xf32>
      %get3A_1785 = arith.constant 72 : i32
      %get3A_1786 = arith.index_cast %get3A_1785 : i32 to index
      %get3A_1787 = arith.constant 0 : index
      %get3A_1788 = tpu.vector_load %arg6[%get3A_1786, %get3A_1787] {strides = array<i32>} : memref<104x32xf32, #tpu.memory_space<vmem>>, vector<1x16xf32>,
      %get3A_1789 = vector.shape_cast %get3A_1788 : vector<1x16xf32> to vector<16xf32>
      %add3A_1790 = arith.addf %add3A_1742, %get3A_1789 : vector<16xf32>
      %get3A_1791 = arith.constant 72 : i32
      %get3A_1792 = arith.index_cast %get3A_1791 : i32 to index
      %get3A_1793 = arith.constant 16 : index
      %get3A_1794 = tpu.vector_load %arg6[%get3A_1792, %get3A_1793] {strides = array<i32>} : memref<104x32xf32, #tpu.memory_space<vmem>>, vector<1x16xf32>,
      %get3A_1795 = vector.shape_cast %get3A_1794 : vector<1x16xf32> to vector<16xf32>
      %add3A_1796 = arith.addf %add3A_1748, %get3A_1795 : vector<16xf32>
      %get3A_1797 = arith.constant 73 : i32
      %get3A_1798 = arith.index_cast %get3A_1797 : i32 to index
      %get3A_1799 = arith.constant 0 : index
      %get3A_1800 = tpu.vector_load %arg6[%get3A_1798, %get3A_1799] {strides = array<i32>} : memref<104x32xf32, #tpu.memory_space<vmem>>, vector<1x16xf32>,
      %get3A_1801 = vector.shape_cast %get3A_1800 : vector<1x16xf32> to vector<16xf32>
      %add3A_1802 = arith.addf %add3A_1754, %get3A_1801 : vector<16xf32>
      %get3A_1803 = arith.constant 73 : i32
      %get3A_1804 = arith.index_cast %get3A_1803 : i32 to index
      %get3A_1805 = arith.constant 16 : index
      %get3A_1806 = tpu.vector_load %arg6[%get3A_1804, %get3A_1805] {strides = array<i32>} : memref<104x32xf32, #tpu.memory_space<vmem>>, vector<1x16xf32>,
      %get3A_1807 = vector.shape_cast %get3A_1806 : vector<1x16xf32> to vector<16xf32>
      %add3A_1808 = arith.addf %add3A_1760, %get3A_1807 : vector<16xf32>
      %get3A_1809 = arith.constant 72 : i32
      %get3A_1810 = arith.index_cast %get3A_1809 : i32 to index
      %get3A_1811 = arith.constant 0 : index
      %get3A_1812 = tpu.vector_load %arg7[%get3A_1810, %get3A_1811] {strides = array<i32>} : memref<104x32xf32, #tpu.memory_space<vmem>>, vector<1x16xf32>,
      %get3A_1813 = vector.shape_cast %get3A_1812 : vector<1x16xf32> to vector<16xf32>
      %add3A_1814 = arith.addf %add3A_1766, %get3A_1813 : vector<16xf32>
      %get3A_1815 = arith.constant 72 : i32
      %get3A_1816 = arith.index_cast %get3A_1815 : i32 to index
      %get3A_1817 = arith.constant 16 : index
      %get3A_1818 = tpu.vector_load %arg7[%get3A_1816, %get3A_1817] {strides = array<i32>} : memref<104x32xf32, #tpu.memory_space<vmem>>, vector<1x16xf32>,
      %get3A_1819 = vector.shape_cast %get3A_1818 : vector<1x16xf32> to vector<16xf32>
      %add3A_1820 = arith.addf %add3A_1772, %get3A_1819 : vector<16xf32>
      %get3A_1821 = arith.constant 73 : i32
      %get3A_1822 = arith.index_cast %get3A_1821 : i32 to index
      %get3A_1823 = arith.constant 0 : index
      %get3A_1824 = tpu.vector_load %arg7[%get3A_1822, %get3A_1823] {strides = array<i32>} : memref<104x32xf32, #tpu.memory_space<vmem>>, vector<1x16xf32>,
      %get3A_1825 = vector.shape_cast %get3A_1824 : vector<1x16xf32> to vector<16xf32>
      %add3A_1826 = arith.addf %add3A_1778, %get3A_1825 : vector<16xf32>
      %get3A_1827 = arith.constant 73 : i32
      %get3A_1828 = arith.index_cast %get3A_1827 : i32 to index
      %get3A_1829 = arith.constant 16 : index
      %get3A_1830 = tpu.vector_load %arg7[%get3A_1828, %get3A_1829] {strides = array<i32>} : memref<104x32xf32, #tpu.memory_space<vmem>>, vector<1x16xf32>,
      %get3A_1831 = vector.shape_cast %get3A_1830 : vector<1x16xf32> to vector<16xf32>
      %add3A_1832 = arith.addf %add3A_1784, %get3A_1831 : vector<16xf32>
      %get3A_1833 = arith.constant 74 : i32
      %get3A_1834 = arith.index_cast %get3A_1833 : i32 to index
      %get3A_1835 = arith.constant 0 : index
      %get3A_1836 = tpu.vector_load %arg6[%get3A_1834, %get3A_1835] {strides = array<i32>} : memref<104x32xf32, #tpu.memory_space<vmem>>, vector<1x16xf32>,
      %get3A_1837 = vector.shape_cast %get3A_1836 : vector<1x16xf32> to vector<16xf32>
      %add3A_1838 = arith.addf %add3A_1790, %get3A_1837 : vector<16xf32>
      %get3A_1839 = arith.constant 74 : i32
      %get3A_1840 = arith.index_cast %get3A_1839 : i32 to index
      %get3A_1841 = arith.constant 16 : index
      %get3A_1842 = tpu.vector_load %arg6[%get3A_1840, %get3A_1841] {strides = array<i32>} : memref<104x32xf32, #tpu.memory_space<vmem>>, vector<1x16xf32>,
      %get3A_1843 = vector.shape_cast %get3A_1842 : vector<1x16xf32> to vector<16xf32>
      %add3A_1844 = arith.addf %add3A_1796, %get3A_1843 : vector<16xf32>
      %get3A_1845 = arith.constant 75 : i32
      %get3A_1846 = arith.index_cast %get3A_1845 : i32 to index
      %get3A_1847 = arith.constant 0 : index
      %get3A_1848 = tpu.vector_load %arg6[%get3A_1846, %get3A_1847] {strides = array<i32>} : memref<104x32xf32, #tpu.memory_space<vmem>>, vector<1x16xf32>,
      %get3A_1849 = vector.shape_cast %get3A_1848 : vector<1x16xf32> to vector<16xf32>
      %add3A_1850 = arith.addf %add3A_1802, %get3A_1849 : vector<16xf32>
      %get3A_1851 = arith.constant 75 : i32
      %get3A_1852 = arith.index_cast %get3A_1851 : i32 to index
      %get3A_1853 = arith.constant 16 : index
      %get3A_1854 = tpu.vector_load %arg6[%get3A_1852, %get3A_1853] {strides = array<i32>} : memref<104x32xf32, #tpu.memory_space<vmem>>, vector<1x16xf32>,
      %get3A_1855 = vector.shape_cast %get3A_1854 : vector<1x16xf32> to vector<16xf32>
      %add3A_1856 = arith.addf %add3A_1808, %get3A_1855 : vector<16xf32>
      %get3A_1857 = arith.constant 74 : i32
      %get3A_1858 = arith.index_cast %get3A_1857 : i32 to index
      %get3A_1859 = arith.constant 0 : index
      %get3A_1860 = tpu.vector_load %arg7[%get3A_1858, %get3A_1859] {strides = array<i32>} : memref<104x32xf32, #tpu.memory_space<vmem>>, vector<1x16xf32>,
      %get3A_1861 = vector.shape_cast %get3A_1860 : vector<1x16xf32> to vector<16xf32>
      %add3A_1862 = arith.addf %add3A_1814, %get3A_1861 : vector<16xf32>
      %get3A_1863 = arith.constant 74 : i32
      %get3A_1864 = arith.index_cast %get3A_1863 : i32 to index
      %get3A_1865 = arith.constant 16 : index
      %get3A_1866 = tpu.vector_load %arg7[%get3A_1864, %get3A_1865] {strides = array<i32>} : memref<104x32xf32, #tpu.memory_space<vmem>>, vector<1x16xf32>,
      %get3A_1867 = vector.shape_cast %get3A_1866 : vector<1x16xf32> to vector<16xf32>
      %add3A_1868 = arith.addf %add3A_1820, %get3A_1867 : vector<16xf32>
      %get3A_1869 = arith.constant 75 : i32
      %get3A_1870 = arith.index_cast %get3A_1869 : i32 to index
      %get3A_1871 = arith.constant 0 : index
      %get3A_1872 = tpu.vector_load %arg7[%get3A_1870, %get3A_1871] {strides = array<i32>} : memref<104x32xf32, #tpu.memory_space<vmem>>, vector<1x16xf32>,
      %get3A_1873 = vector.shape_cast %get3A_1872 : vector<1x16xf32> to vector<16xf32>
      %add3A_1874 = arith.addf %add3A_1826, %get3A_1873 : vector<16xf32>
      %get3A_1875 = arith.constant 75 : i32
      %get3A_1876 = arith.index_cast %get3A_1875 : i32 to index
      %get3A_1877 = arith.constant 16 : index
      %get3A_1878 = tpu.vector_load %arg7[%get3A_1876, %get3A_1877] {strides = array<i32>} : memref<104x32xf32, #tpu.memory_space<vmem>>, vector<1x16xf32>,
      %get3A_1879 = vector.shape_cast %get3A_1878 : vector<1x16xf32> to vector<16xf32>
      %add3A_1880 = arith.addf %add3A_1832, %get3A_1879 : vector<16xf32>
      %get3A_1881 = arith.constant 76 : i32
      %get3A_1882 = arith.index_cast %get3A_1881 : i32 to index
      %get3A_1883 = arith.constant 0 : index
      %get3A_1884 = tpu.vector_load %arg6[%get3A_1882, %get3A_1883] {strides = array<i32>} : memref<104x32xf32, #tpu.memory_space<vmem>>, vector<1x16xf32>,
      %get3A_1885 = vector.shape_cast %get3A_1884 : vector<1x16xf32> to vector<16xf32>
      %add3A_1886 = arith.addf %add3A_1838, %get3A_1885 : vector<16xf32>
      %get3A_1887 = arith.constant 76 : i32
      %get3A_1888 = arith.index_cast %get3A_1887 : i32 to index
      %get3A_1889 = arith.constant 16 : index
      %get3A_1890 = tpu.vector_load %arg6[%get3A_1888, %get3A_1889] {strides = array<i32>} : memref<104x32xf32, #tpu.memory_space<vmem>>, vector<1x16xf32>,
      %get3A_1891 = vector.shape_cast %get3A_1890 : vector<1x16xf32> to vector<16xf32>
      %add3A_1892 = arith.addf %add3A_1844, %get3A_1891 : vector<16xf32>
      %get3A_1893 = arith.constant 77 : i32
      %get3A_1894 = arith.index_cast %get3A_1893 : i32 to index
      %get3A_1895 = arith.constant 0 : index
      %get3A_1896 = tpu.vector_load %arg6[%get3A_1894, %get3A_1895] {strides = array<i32>} : memref<104x32xf32, #tpu.memory_space<vmem>>, vector<1x16xf32>,
      %get3A_1897 = vector.shape_cast %get3A_1896 : vector<1x16xf32> to vector<16xf32>
      %add3A_1898 = arith.addf %add3A_1850, %get3A_1897 : vector<16xf32>
      %get3A_1899 = arith.constant 77 : i32
      %get3A_1900 = arith.index_cast %get3A_1899 : i32 to index
      %get3A_1901 = arith.constant 16 : index
      %get3A_1902 = tpu.vector_load %arg6[%get3A_1900, %get3A_1901] {strides = array<i32>} : memref<104x32xf32, #tpu.memory_space<vmem>>, vector<1x16xf32>,
      %get3A_1903 = vector.shape_cast %get3A_1902 : vector<1x16xf32> to vector<16xf32>
      %add3A_1904 = arith.addf %add3A_1856, %get3A_1903 : vector<16xf32>
      %get3A_1905 = arith.constant 76 : i32
      %get3A_1906 = arith.index_cast %get3A_1905 : i32 to index
      %get3A_1907 = arith.constant 0 : index
      %get3A_1908 = tpu.vector_load %arg7[%get3A_1906, %get3A_1907] {strides = array<i32>} : memref<104x32xf32, #tpu.memory_space<vmem>>, vector<1x16xf32>,
      %get3A_1909 = vector.shape_cast %get3A_1908 : vector<1x16xf32> to vector<16xf32>
      %add3A_1910 = arith.addf %add3A_1862, %get3A_1909 : vector<16xf32>
      %get3A_1911 = arith.constant 76 : i32
      %get3A_1912 = arith.index_cast %get3A_1911 : i32 to index
      %get3A_1913 = arith.constant 16 : index
      %get3A_1914 = tpu.vector_load %arg7[%get3A_1912, %get3A_1913] {strides = array<i32>} : memref<104x32xf32, #tpu.memory_space<vmem>>, vector<1x16xf32>,
      %get3A_1915 = vector.shape_cast %get3A_1914 : vector<1x16xf32> to vector<16xf32>
      %add3A_1916 = arith.addf %add3A_1868, %get3A_1915 : vector<16xf32>
      %get3A_1917 = arith.constant 77 : i32
      %get3A_1918 = arith.index_cast %get3A_1917 : i32 to index
      %get3A_1919 = arith.constant 0 : index
      %get3A_1920 = tpu.vector_load %arg7[%get3A_1918, %get3A_1919] {strides = array<i32>} : memref<104x32xf32, #tpu.memory_space<vmem>>, vector<1x16xf32>,
      %get3A_1921 = vector.shape_cast %get3A_1920 : vector<1x16xf32> to vector<16xf32>
      %add3A_1922 = arith.addf %add3A_1874, %get3A_1921 : vector<16xf32>
      %get3A_1923 = arith.constant 77 : i32
      %get3A_1924 = arith.index_cast %get3A_1923 : i32 to index
      %get3A_1925 = arith.constant 16 : index
      %get3A_1926 = tpu.vector_load %arg7[%get3A_1924, %get3A_1925] {strides = array<i32>} : memref<104x32xf32, #tpu.memory_space<vmem>>, vector<1x16xf32>,
      %get3A_1927 = vector.shape_cast %get3A_1926 : vector<1x16xf32> to vector<16xf32>
      %add3A_1928 = arith.addf %add3A_1880, %get3A_1927 : vector<16xf32>
      %get3A_1929 = arith.constant 78 : i32
      %get3A_1930 = arith.index_cast %get3A_1929 : i32 to index
      %get3A_1931 = arith.constant 0 : index
      %get3A_1932 = tpu.vector_load %arg6[%get3A_1930, %get3A_1931] {strides = array<i32>} : memref<104x32xf32, #tpu.memory_space<vmem>>, vector<1x16xf32>,
      %get3A_1933 = vector.shape_cast %get3A_1932 : vector<1x16xf32> to vector<16xf32>
      %add3A_1934 = arith.addf %add3A_1886, %get3A_1933 : vector<16xf32>
      %get3A_1935 = arith.constant 78 : i32
      %get3A_1936 = arith.index_cast %get3A_1935 : i32 to index
      %get3A_1937 = arith.constant 16 : index
      %get3A_1938 = tpu.vector_load %arg6[%get3A_1936, %get3A_1937] {strides = array<i32>} : memref<104x32xf32, #tpu.memory_space<vmem>>, vector<1x16xf32>,
      %get3A_1939 = vector.shape_cast %get3A_1938 : vector<1x16xf32> to vector<16xf32>
      %add3A_1940 = arith.addf %add3A_1892, %get3A_1939 : vector<16xf32>
      %get3A_1941 = arith.constant 79 : i32
      %get3A_1942 = arith.index_cast %get3A_1941 : i32 to index
      %get3A_1943 = arith.constant 0 : index
      %get3A_1944 = tpu.vector_load %arg6[%get3A_1942, %get3A_1943] {strides = array<i32>} : memref<104x32xf32, #tpu.memory_space<vmem>>, vector<1x16xf32>,
      %get3A_1945 = vector.shape_cast %get3A_1944 : vector<1x16xf32> to vector<16xf32>
      %add3A_1946 = arith.addf %add3A_1898, %get3A_1945 : vector<16xf32>
      %get3A_1947 = arith.constant 79 : i32
      %get3A_1948 = arith.index_cast %get3A_1947 : i32 to index
      %get3A_1949 = arith.constant 16 : index
      %get3A_1950 = tpu.vector_load %arg6[%get3A_1948, %get3A_1949] {strides = array<i32>} : memref<104x32xf32, #tpu.memory_space<vmem>>, vector<1x16xf32>,
      %get3A_1951 = vector.shape_cast %get3A_1950 : vector<1x16xf32> to vector<16xf32>
      %add3A_1952 = arith.addf %add3A_1904, %get3A_1951 : vector<16xf32>
      %get3A_1953 = arith.constant 78 : i32
      %get3A_1954 = arith.index_cast %get3A_1953 : i32 to index
      %get3A_1955 = arith.constant 0 : index
      %get3A_1956 = tpu.vector_load %arg7[%get3A_1954, %get3A_1955] {strides = array<i32>} : memref<104x32xf32, #tpu.memory_space<vmem>>, vector<1x16xf32>,
      %get3A_1957 = vector.shape_cast %get3A_1956 : vector<1x16xf32> to vector<16xf32>
      %add3A_1958 = arith.addf %add3A_1910, %get3A_1957 : vector<16xf32>
      %get3A_1959 = arith.constant 78 : i32
      %get3A_1960 = arith.index_cast %get3A_1959 : i32 to index
      %get3A_1961 = arith.constant 16 : index
      %get3A_1962 = tpu.vector_load %arg7[%get3A_1960, %get3A_1961] {strides = array<i32>} : memref<104x32xf32, #tpu.memory_space<vmem>>, vector<1x16xf32>,
      %get3A_1963 = vector.shape_cast %get3A_1962 : vector<1x16xf32> to vector<16xf32>
      %add3A_1964 = arith.addf %add3A_1916, %get3A_1963 : vector<16xf32>
      %get3A_1965 = arith.constant 79 : i32
      %get3A_1966 = arith.index_cast %get3A_1965 : i32 to index
      %get3A_1967 = arith.constant 0 : index
      %get3A_1968 = tpu.vector_load %arg7[%get3A_1966, %get3A_1967] {strides = array<i32>} : memref<104x32xf32, #tpu.memory_space<vmem>>, vector<1x16xf32>,
      %get3A_1969 = vector.shape_cast %get3A_1968 : vector<1x16xf32> to vector<16xf32>
      %add3A_1970 = arith.addf %add3A_1922, %get3A_1969 : vector<16xf32>
      %get3A_1971 = arith.constant 79 : i32
      %get3A_1972 = arith.index_cast %get3A_1971 : i32 to index
      %get3A_1973 = arith.constant 16 : index
      %get3A_1974 = tpu.vector_load %arg7[%get3A_1972, %get3A_1973] {strides = array<i32>} : memref<104x32xf32, #tpu.memory_space<vmem>>, vector<1x16xf32>,
      %get3A_1975 = vector.shape_cast %get3A_1974 : vector<1x16xf32> to vector<16xf32>
      %add3A_1976 = arith.addf %add3A_1928, %get3A_1975 : vector<16xf32>
      %get3A_1977 = arith.constant 80 : i32
      %get3A_1978 = arith.index_cast %get3A_1977 : i32 to index
      %get3A_1979 = arith.constant 0 : index
      %get3A_1980 = tpu.vector_load %arg6[%get3A_1978, %get3A_1979] {strides = array<i32>} : memref<104x32xf32, #tpu.memory_space<vmem>>, vector<1x16xf32>,
      %get3A_1981 = vector.shape_cast %get3A_1980 : vector<1x16xf32> to vector<16xf32>
      %add3A_1982 = arith.addf %add3A_1934, %get3A_1981 : vector<16xf32>
      %get3A_1983 = arith.constant 80 : i32
      %get3A_1984 = arith.index_cast %get3A_1983 : i32 to index
      %get3A_1985 = arith.constant 16 : index
      %get3A_1986 = tpu.vector_load %arg6[%get3A_1984, %get3A_1985] {strides = array<i32>} : memref<104x32xf32, #tpu.memory_space<vmem>>, vector<1x16xf32>,
      %get3A_1987 = vector.shape_cast %get3A_1986 : vector<1x16xf32> to vector<16xf32>
      %add3A_1988 = arith.addf %add3A_1940, %get3A_1987 : vector<16xf32>
      %get3A_1989 = arith.constant 81 : i32
      %get3A_1990 = arith.index_cast %get3A_1989 : i32 to index
      %get3A_1991 = arith.constant 0 : index
      %get3A_1992 = tpu.vector_load %arg6[%get3A_1990, %get3A_1991] {strides = array<i32>} : memref<104x32xf32, #tpu.memory_space<vmem>>, vector<1x16xf32>,
      %get3A_1993 = vector.shape_cast %get3A_1992 : vector<1x16xf32> to vector<16xf32>
      %add3A_1994 = arith.addf %add3A_1946, %get3A_1993 : vector<16xf32>
      %get3A_1995 = arith.constant 81 : i32
      %get3A_1996 = arith.index_cast %get3A_1995 : i32 to index
      %get3A_1997 = arith.constant 16 : index
      %get3A_1998 = tpu.vector_load %arg6[%get3A_1996, %get3A_1997] {strides = array<i32>} : memref<104x32xf32, #tpu.memory_space<vmem>>, vector<1x16xf32>,
      %get3A_1999 = vector.shape_cast %get3A_1998 : vector<1x16xf32> to vector<16xf32>
      %add3A_2000 = arith.addf %add3A_1952, %get3A_1999 : vector<16xf32>
      %get3A_2001 = arith.constant 80 : i32
      %get3A_2002 = arith.index_cast %get3A_2001 : i32 to index
      %get3A_2003 = arith.constant 0 : index
      %get3A_2004 = tpu.vector_load %arg7[%get3A_2002, %get3A_2003] {strides = array<i32>} : memref<104x32xf32, #tpu.memory_space<vmem>>, vector<1x16xf32>,
      %get3A_2005 = vector.shape_cast %get3A_2004 : vector<1x16xf32> to vector<16xf32>
      %add3A_2006 = arith.addf %add3A_1958, %get3A_2005 : vector<16xf32>
      %get3A_2007 = arith.constant 80 : i32
      %get3A_2008 = arith.index_cast %get3A_2007 : i32 to index
      %get3A_2009 = arith.constant 16 : index
      %get3A_2010 = tpu.vector_load %arg7[%get3A_2008, %get3A_2009] {strides = array<i32>} : memref<104x32xf32, #tpu.memory_space<vmem>>, vector<1x16xf32>,
      %get3A_2011 = vector.shape_cast %get3A_2010 : vector<1x16xf32> to vector<16xf32>
      %add3A_2012 = arith.addf %add3A_1964, %get3A_2011 : vector<16xf32>
      %get3A_2013 = arith.constant 81 : i32
      %get3A_2014 = arith.index_cast %get3A_2013 : i32 to index
      %get3A_2015 = arith.constant 0 : index
      %get3A_2016 = tpu.vector_load %arg7[%get3A_2014, %get3A_2015] {strides = array<i32>} : memref<104x32xf32, #tpu.memory_space<vmem>>, vector<1x16xf32>,
      %get3A_2017 = vector.shape_cast %get3A_2016 : vector<1x16xf32> to vector<16xf32>
      %add3A_2018 = arith.addf %add3A_1970, %get3A_2017 : vector<16xf32>
      %get3A_2019 = arith.constant 81 : i32
      %get3A_2020 = arith.index_cast %get3A_2019 : i32 to index
      %get3A_2021 = arith.constant 16 : index
      %get3A_2022 = tpu.vector_load %arg7[%get3A_2020, %get3A_2021] {strides = array<i32>} : memref<104x32xf32, #tpu.memory_space<vmem>>, vector<1x16xf32>,
      %get3A_2023 = vector.shape_cast %get3A_2022 : vector<1x16xf32> to vector<16xf32>
      %add3A_2024 = arith.addf %add3A_1976, %get3A_2023 : vector<16xf32>
      %get3A_2025 = arith.constant 82 : i32
      %get3A_2026 = arith.index_cast %get3A_2025 : i32 to index
      %get3A_2027 = arith.constant 0 : index
      %get3A_2028 = tpu.vector_load %arg6[%get3A_2026, %get3A_2027] {strides = array<i32>} : memref<104x32xf32, #tpu.memory_space<vmem>>, vector<1x16xf32>,
      %get3A_2029 = vector.shape_cast %get3A_2028 : vector<1x16xf32> to vector<16xf32>
      %add3A_2030 = arith.addf %add3A_1982, %get3A_2029 : vector<16xf32>
      %get3A_2031 = arith.constant 82 : i32
      %get3A_2032 = arith.index_cast %get3A_2031 : i32 to index
      %get3A_2033 = arith.constant 16 : index
      %get3A_2034 = tpu.vector_load %arg6[%get3A_2032, %get3A_2033] {strides = array<i32>} : memref<104x32xf32, #tpu.memory_space<vmem>>, vector<1x16xf32>,
      %get3A_2035 = vector.shape_cast %get3A_2034 : vector<1x16xf32> to vector<16xf32>
      %add3A_2036 = arith.addf %add3A_1988, %get3A_2035 : vector<16xf32>
      %get3A_2037 = arith.constant 83 : i32
      %get3A_2038 = arith.index_cast %get3A_2037 : i32 to index
      %get3A_2039 = arith.constant 0 : index
      %get3A_2040 = tpu.vector_load %arg6[%get3A_2038, %get3A_2039] {strides = array<i32>} : memref<104x32xf32, #tpu.memory_space<vmem>>, vector<1x16xf32>,
      %get3A_2041 = vector.shape_cast %get3A_2040 : vector<1x16xf32> to vector<16xf32>
      %add3A_2042 = arith.addf %add3A_1994, %get3A_2041 : vector<16xf32>
      %get3A_2043 = arith.constant 83 : i32
      %get3A_2044 = arith.index_cast %get3A_2043 : i32 to index
      %get3A_2045 = arith.constant 16 : index
      %get3A_2046 = tpu.vector_load %arg6[%get3A_2044, %get3A_2045] {strides = array<i32>} : memref<104x32xf32, #tpu.memory_space<vmem>>, vector<1x16xf32>,
      %get3A_2047 = vector.shape_cast %get3A_2046 : vector<1x16xf32> to vector<16xf32>
      %add3A_2048 = arith.addf %add3A_2000, %get3A_2047 : vector<16xf32>
      %get3A_2049 = arith.constant 82 : i32
      %get3A_2050 = arith.index_cast %get3A_2049 : i32 to index
      %get3A_2051 = arith.constant 0 : index
      %get3A_2052 = tpu.vector_load %arg7[%get3A_2050, %get3A_2051] {strides = array<i32>} : memref<104x32xf32, #tpu.memory_space<vmem>>, vector<1x16xf32>,
      %get3A_2053 = vector.shape_cast %get3A_2052 : vector<1x16xf32> to vector<16xf32>
      %add3A_2054 = arith.addf %add3A_2006, %get3A_2053 : vector<16xf32>
      %get3A_2055 = arith.constant 82 : i32
      %get3A_2056 = arith.index_cast %get3A_2055 : i32 to index
      %get3A_2057 = arith.constant 16 : index
      %get3A_2058 = tpu.vector_load %arg7[%get3A_2056, %get3A_2057] {strides = array<i32>} : memref<104x32xf32, #tpu.memory_space<vmem>>, vector<1x16xf32>,
      %get3A_2059 = vector.shape_cast %get3A_2058 : vector<1x16xf32> to vector<16xf32>
      %add3A_2060 = arith.addf %add3A_2012, %get3A_2059 : vector<16xf32>
      %get3A_2061 = arith.constant 83 : i32
      %get3A_2062 = arith.index_cast %get3A_2061 : i32 to index
      %get3A_2063 = arith.constant 0 : index
      %get3A_2064 = tpu.vector_load %arg7[%get3A_2062, %get3A_2063] {strides = array<i32>} : memref<104x32xf32, #tpu.memory_space<vmem>>, vector<1x16xf32>,
      %get3A_2065 = vector.shape_cast %get3A_2064 : vector<1x16xf32> to vector<16xf32>
      %add3A_2066 = arith.addf %add3A_2018, %get3A_2065 : vector<16xf32>
      %get3A_2067 = arith.constant 83 : i32
      %get3A_2068 = arith.index_cast %get3A_2067 : i32 to index
      %get3A_2069 = arith.constant 16 : index
      %get3A_2070 = tpu.vector_load %arg7[%get3A_2068, %get3A_2069] {strides = array<i32>} : memref<104x32xf32, #tpu.memory_space<vmem>>, vector<1x16xf32>,
      %get3A_2071 = vector.shape_cast %get3A_2070 : vector<1x16xf32> to vector<16xf32>
      %add3A_2072 = arith.addf %add3A_2024, %get3A_2071 : vector<16xf32>
      %get3A_2073 = arith.constant 84 : i32
      %get3A_2074 = arith.index_cast %get3A_2073 : i32 to index
      %get3A_2075 = arith.constant 0 : index
      %get3A_2076 = tpu.vector_load %arg6[%get3A_2074, %get3A_2075] {strides = array<i32>} : memref<104x32xf32, #tpu.memory_space<vmem>>, vector<1x16xf32>,
      %get3A_2077 = vector.shape_cast %get3A_2076 : vector<1x16xf32> to vector<16xf32>
      %add3A_2078 = arith.addf %add3A_2030, %get3A_2077 : vector<16xf32>
      %get3A_2079 = arith.constant 84 : i32
      %get3A_2080 = arith.index_cast %get3A_2079 : i32 to index
      %get3A_2081 = arith.constant 16 : index
      %get3A_2082 = tpu.vector_load %arg6[%get3A_2080, %get3A_2081] {strides = array<i32>} : memref<104x32xf32, #tpu.memory_space<vmem>>, vector<1x16xf32>,
      %get3A_2083 = vector.shape_cast %get3A_2082 : vector<1x16xf32> to vector<16xf32>
      %add3A_2084 = arith.addf %add3A_2036, %get3A_2083 : vector<16xf32>
      %get3A_2085 = arith.constant 85 : i32
      %get3A_2086 = arith.index_cast %get3A_2085 : i32 to index
      %get3A_2087 = arith.constant 0 : index
      %get3A_2088 = tpu.vector_load %arg6[%get3A_2086, %get3A_2087] {strides = array<i32>} : memref<104x32xf32, #tpu.memory_space<vmem>>, vector<1x16xf32>,
      %get3A_2089 = vector.shape_cast %get3A_2088 : vector<1x16xf32> to vector<16xf32>
      %add3A_2090 = arith.addf %add3A_2042, %get3A_2089 : vector<16xf32>
      %get3A_2091 = arith.constant 85 : i32
      %get3A_2092 = arith.index_cast %get3A_2091 : i32 to index
      %get3A_2093 = arith.constant 16 : index
      %get3A_2094 = tpu.vector_load %arg6[%get3A_2092, %get3A_2093] {strides = array<i32>} : memref<104x32xf32, #tpu.memory_space<vmem>>, vector<1x16xf32>,
      %get3A_2095 = vector.shape_cast %get3A_2094 : vector<1x16xf32> to vector<16xf32>
      %add3A_2096 = arith.addf %add3A_2048, %get3A_2095 : vector<16xf32>
      %get3A_2097 = arith.constant 84 : i32
      %get3A_2098 = arith.index_cast %get3A_2097 : i32 to index
      %get3A_2099 = arith.constant 0 : index
      %get3A_2100 = tpu.vector_load %arg7[%get3A_2098, %get3A_2099] {strides = array<i32>} : memref<104x32xf32, #tpu.memory_space<vmem>>, vector<1x16xf32>,
      %get3A_2101 = vector.shape_cast %get3A_2100 : vector<1x16xf32> to vector<16xf32>
      %add3A_2102 = arith.addf %add3A_2054, %get3A_2101 : vector<16xf32>
      %get3A_2103 = arith.constant 84 : i32
      %get3A_2104 = arith.index_cast %get3A_2103 : i32 to index
      %get3A_2105 = arith.constant 16 : index
      %get3A_2106 = tpu.vector_load %arg7[%get3A_2104, %get3A_2105] {strides = array<i32>} : memref<104x32xf32, #tpu.memory_space<vmem>>, vector<1x16xf32>,
      %get3A_2107 = vector.shape_cast %get3A_2106 : vector<1x16xf32> to vector<16xf32>
      %add3A_2108 = arith.addf %add3A_2060, %get3A_2107 : vector<16xf32>
      %get3A_2109 = arith.constant 85 : i32
      %get3A_2110 = arith.index_cast %get3A_2109 : i32 to index
      %get3A_2111 = arith.constant 0 : index
      %get3A_2112 = tpu.vector_load %arg7[%get3A_2110, %get3A_2111] {strides = array<i32>} : memref<104x32xf32, #tpu.memory_space<vmem>>, vector<1x16xf32>,
      %get3A_2113 = vector.shape_cast %get3A_2112 : vector<1x16xf32> to vector<16xf32>
      %add3A_2114 = arith.addf %add3A_2066, %get3A_2113 : vector<16xf32>
      %get3A_2115 = arith.constant 85 : i32
      %get3A_2116 = arith.index_cast %get3A_2115 : i32 to index
      %get3A_2117 = arith.constant 16 : index
      %get3A_2118 = tpu.vector_load %arg7[%get3A_2116, %get3A_2117] {strides = array<i32>} : memref<104x32xf32, #tpu.memory_space<vmem>>, vector<1x16xf32>,
      %get3A_2119 = vector.shape_cast %get3A_2118 : vector<1x16xf32> to vector<16xf32>
      %add3A_2120 = arith.addf %add3A_2072, %get3A_2119 : vector<16xf32>
      %get3A_2121 = arith.constant 86 : i32
      %get3A_2122 = arith.index_cast %get3A_2121 : i32 to index
      %get3A_2123 = arith.constant 0 : index
      %get3A_2124 = tpu.vector_load %arg6[%get3A_2122, %get3A_2123] {strides = array<i32>} : memref<104x32xf32, #tpu.memory_space<vmem>>, vector<1x16xf32>,
      %get3A_2125 = vector.shape_cast %get3A_2124 : vector<1x16xf32> to vector<16xf32>
      %add3A_2126 = arith.addf %add3A_2078, %get3A_2125 : vector<16xf32>
      %get3A_2127 = arith.constant 86 : i32
      %get3A_2128 = arith.index_cast %get3A_2127 : i32 to index
      %get3A_2129 = arith.constant 16 : index
      %get3A_2130 = tpu.vector_load %arg6[%get3A_2128, %get3A_2129] {strides = array<i32>} : memref<104x32xf32, #tpu.memory_space<vmem>>, vector<1x16xf32>,
      %get3A_2131 = vector.shape_cast %get3A_2130 : vector<1x16xf32> to vector<16xf32>
      %add3A_2132 = arith.addf %add3A_2084, %get3A_2131 : vector<16xf32>
      %get3A_2133 = arith.constant 87 : i32
      %get3A_2134 = arith.index_cast %get3A_2133 : i32 to index
      %get3A_2135 = arith.constant 0 : index
      %get3A_2136 = tpu.vector_load %arg6[%get3A_2134, %get3A_2135] {strides = array<i32>} : memref<104x32xf32, #tpu.memory_space<vmem>>, vector<1x16xf32>,
      %get3A_2137 = vector.shape_cast %get3A_2136 : vector<1x16xf32> to vector<16xf32>
      %add3A_2138 = arith.addf %add3A_2090, %get3A_2137 : vector<16xf32>
      %get3A_2139 = arith.constant 87 : i32
      %get3A_2140 = arith.index_cast %get3A_2139 : i32 to index
      %get3A_2141 = arith.constant 16 : index
      %get3A_2142 = tpu.vector_load %arg6[%get3A_2140, %get3A_2141] {strides = array<i32>} : memref<104x32xf32, #tpu.memory_space<vmem>>, vector<1x16xf32>,
      %get3A_2143 = vector.shape_cast %get3A_2142 : vector<1x16xf32> to vector<16xf32>
      %add3A_2144 = arith.addf %add3A_2096, %get3A_2143 : vector<16xf32>
      %get3A_2145 = arith.constant 86 : i32
      %get3A_2146 = arith.index_cast %get3A_2145 : i32 to index
      %get3A_2147 = arith.constant 0 : index
      %get3A_2148 = tpu.vector_load %arg7[%get3A_2146, %get3A_2147] {strides = array<i32>} : memref<104x32xf32, #tpu.memory_space<vmem>>, vector<1x16xf32>,
      %get3A_2149 = vector.shape_cast %get3A_2148 : vector<1x16xf32> to vector<16xf32>
      %add3A_2150 = arith.addf %add3A_2102, %get3A_2149 : vector<16xf32>
      %get3A_2151 = arith.constant 86 : i32
      %get3A_2152 = arith.index_cast %get3A_2151 : i32 to index
      %get3A_2153 = arith.constant 16 : index
      %get3A_2154 = tpu.vector_load %arg7[%get3A_2152, %get3A_2153] {strides = array<i32>} : memref<104x32xf32, #tpu.memory_space<vmem>>, vector<1x16xf32>,
      %get3A_2155 = vector.shape_cast %get3A_2154 : vector<1x16xf32> to vector<16xf32>
      %add3A_2156 = arith.addf %add3A_2108, %get3A_2155 : vector<16xf32>
      %get3A_2157 = arith.constant 87 : i32
      %get3A_2158 = arith.index_cast %get3A_2157 : i32 to index
      %get3A_2159 = arith.constant 0 : index
      %get3A_2160 = tpu.vector_load %arg7[%get3A_2158, %get3A_2159] {strides = array<i32>} : memref<104x32xf32, #tpu.memory_space<vmem>>, vector<1x16xf32>,
      %get3A_2161 = vector.shape_cast %get3A_2160 : vector<1x16xf32> to vector<16xf32>
      %add3A_2162 = arith.addf %add3A_2114, %get3A_2161 : vector<16xf32>
      %get3A_2163 = arith.constant 87 : i32
      %get3A_2164 = arith.index_cast %get3A_2163 : i32 to index
      %get3A_2165 = arith.constant 16 : index
      %get3A_2166 = tpu.vector_load %arg7[%get3A_2164, %get3A_2165] {strides = array<i32>} : memref<104x32xf32, #tpu.memory_space<vmem>>, vector<1x16xf32>,
      %get3A_2167 = vector.shape_cast %get3A_2166 : vector<1x16xf32> to vector<16xf32>
      %add3A_2168 = arith.addf %add3A_2120, %get3A_2167 : vector<16xf32>
      %get3A_2169 = arith.constant 88 : i32
      %get3A_2170 = arith.index_cast %get3A_2169 : i32 to index
      %get3A_2171 = arith.constant 0 : index
      %get3A_2172 = tpu.vector_load %arg6[%get3A_2170, %get3A_2171] {strides = array<i32>} : memref<104x32xf32, #tpu.memory_space<vmem>>, vector<1x16xf32>,
      %get3A_2173 = vector.shape_cast %get3A_2172 : vector<1x16xf32> to vector<16xf32>
      %add3A_2174 = arith.addf %add3A_2126, %get3A_2173 : vector<16xf32>
      %get3A_2175 = arith.constant 88 : i32
      %get3A_2176 = arith.index_cast %get3A_2175 : i32 to index
      %get3A_2177 = arith.constant 16 : index
      %get3A_2178 = tpu.vector_load %arg6[%get3A_2176, %get3A_2177] {strides = array<i32>} : memref<104x32xf32, #tpu.memory_space<vmem>>, vector<1x16xf32>,
      %get3A_2179 = vector.shape_cast %get3A_2178 : vector<1x16xf32> to vector<16xf32>
      %add3A_2180 = arith.addf %add3A_2132, %get3A_2179 : vector<16xf32>
      %get3A_2181 = arith.constant 89 : i32
      %get3A_2182 = arith.index_cast %get3A_2181 : i32 to index
      %get3A_2183 = arith.constant 0 : index
      %get3A_2184 = tpu.vector_load %arg6[%get3A_2182, %get3A_2183] {strides = array<i32>} : memref<104x32xf32, #tpu.memory_space<vmem>>, vector<1x16xf32>,
      %get3A_2185 = vector.shape_cast %get3A_2184 : vector<1x16xf32> to vector<16xf32>
      %add3A_2186 = arith.addf %add3A_2138, %get3A_2185 : vector<16xf32>
      %get3A_2187 = arith.constant 89 : i32
      %get3A_2188 = arith.index_cast %get3A_2187 : i32 to index
      %get3A_2189 = arith.constant 16 : index
      %get3A_2190 = tpu.vector_load %arg6[%get3A_2188, %get3A_2189] {strides = array<i32>} : memref<104x32xf32, #tpu.memory_space<vmem>>, vector<1x16xf32>,
      %get3A_2191 = vector.shape_cast %get3A_2190 : vector<1x16xf32> to vector<16xf32>
      %add3A_2192 = arith.addf %add3A_2144, %get3A_2191 : vector<16xf32>
      %get3A_2193 = arith.constant 88 : i32
      %get3A_2194 = arith.index_cast %get3A_2193 : i32 to index
      %get3A_2195 = arith.constant 0 : index
      %get3A_2196 = tpu.vector_load %arg7[%get3A_2194, %get3A_2195] {strides = array<i32>} : memref<104x32xf32, #tpu.memory_space<vmem>>, vector<1x16xf32>,
      %get3A_2197 = vector.shape_cast %get3A_2196 : vector<1x16xf32> to vector<16xf32>
      %add3A_2198 = arith.addf %add3A_2150, %get3A_2197 : vector<16xf32>
      %get3A_2199 = arith.constant 88 : i32
      %get3A_2200 = arith.index_cast %get3A_2199 : i32 to index
      %get3A_2201 = arith.constant 16 : index
      %get3A_2202 = tpu.vector_load %arg7[%get3A_2200, %get3A_2201] {strides = array<i32>} : memref<104x32xf32, #tpu.memory_space<vmem>>, vector<1x16xf32>,
      %get3A_2203 = vector.shape_cast %get3A_2202 : vector<1x16xf32> to vector<16xf32>
      %add3A_2204 = arith.addf %add3A_2156, %get3A_2203 : vector<16xf32>
      %get3A_2205 = arith.constant 89 : i32
      %get3A_2206 = arith.index_cast %get3A_2205 : i32 to index
      %get3A_2207 = arith.constant 0 : index
      %get3A_2208 = tpu.vector_load %arg7[%get3A_2206, %get3A_2207] {strides = array<i32>} : memref<104x32xf32, #tpu.memory_space<vmem>>, vector<1x16xf32>,
      %get3A_2209 = vector.shape_cast %get3A_2208 : vector<1x16xf32> to vector<16xf32>
      %add3A_2210 = arith.addf %add3A_2162, %get3A_2209 : vector<16xf32>
      %get3A_2211 = arith.constant 89 : i32
      %get3A_2212 = arith.index_cast %get3A_2211 : i32 to index
      %get3A_2213 = arith.constant 16 : index
      %get3A_2214 = tpu.vector_load %arg7[%get3A_2212, %get3A_2213] {strides = array<i32>} : memref<104x32xf32, #tpu.memory_space<vmem>>, vector<1x16xf32>,
      %get3A_2215 = vector.shape_cast %get3A_2214 : vector<1x16xf32> to vector<16xf32>
      %add3A_2216 = arith.addf %add3A_2168, %get3A_2215 : vector<16xf32>
      %get3A_2217 = arith.constant 90 : i32
      %get3A_2218 = arith.index_cast %get3A_2217 : i32 to index
      %get3A_2219 = arith.constant 0 : index
      %get3A_2220 = tpu.vector_load %arg6[%get3A_2218, %get3A_2219] {strides = array<i32>} : memref<104x32xf32, #tpu.memory_space<vmem>>, vector<1x16xf32>,
      %get3A_2221 = vector.shape_cast %get3A_2220 : vector<1x16xf32> to vector<16xf32>
      %add3A_2222 = arith.addf %add3A_2174, %get3A_2221 : vector<16xf32>
      %get3A_2223 = arith.constant 90 : i32
      %get3A_2224 = arith.index_cast %get3A_2223 : i32 to index
      %get3A_2225 = arith.constant 16 : index
      %get3A_2226 = tpu.vector_load %arg6[%get3A_2224, %get3A_2225] {strides = array<i32>} : memref<104x32xf32, #tpu.memory_space<vmem>>, vector<1x16xf32>,
      %get3A_2227 = vector.shape_cast %get3A_2226 : vector<1x16xf32> to vector<16xf32>
      %add3A_2228 = arith.addf %add3A_2180, %get3A_2227 : vector<16xf32>
      %get3A_2229 = arith.constant 91 : i32
      %get3A_2230 = arith.index_cast %get3A_2229 : i32 to index
      %get3A_2231 = arith.constant 0 : index
      %get3A_2232 = tpu.vector_load %arg6[%get3A_2230, %get3A_2231] {strides = array<i32>} : memref<104x32xf32, #tpu.memory_space<vmem>>, vector<1x16xf32>,
      %get3A_2233 = vector.shape_cast %get3A_2232 : vector<1x16xf32> to vector<16xf32>
      %add3A_2234 = arith.addf %add3A_2186, %get3A_2233 : vector<16xf32>
      %get3A_2235 = arith.constant 91 : i32
      %get3A_2236 = arith.index_cast %get3A_2235 : i32 to index
      %get3A_2237 = arith.constant 16 : index
      %get3A_2238 = tpu.vector_load %arg6[%get3A_2236, %get3A_2237] {strides = array<i32>} : memref<104x32xf32, #tpu.memory_space<vmem>>, vector<1x16xf32>,
      %get3A_2239 = vector.shape_cast %get3A_2238 : vector<1x16xf32> to vector<16xf32>
      %add3A_2240 = arith.addf %add3A_2192, %get3A_2239 : vector<16xf32>
      %get3A_2241 = arith.constant 90 : i32
      %get3A_2242 = arith.index_cast %get3A_2241 : i32 to index
      %get3A_2243 = arith.constant 0 : index
      %get3A_2244 = tpu.vector_load %arg7[%get3A_2242, %get3A_2243] {strides = array<i32>} : memref<104x32xf32, #tpu.memory_space<vmem>>, vector<1x16xf32>,
      %get3A_2245 = vector.shape_cast %get3A_2244 : vector<1x16xf32> to vector<16xf32>
      %add3A_2246 = arith.addf %add3A_2198, %get3A_2245 : vector<16xf32>
      %get3A_2247 = arith.constant 90 : i32
      %get3A_2248 = arith.index_cast %get3A_2247 : i32 to index
      %get3A_2249 = arith.constant 16 : index
      %get3A_2250 = tpu.vector_load %arg7[%get3A_2248, %get3A_2249] {strides = array<i32>} : memref<104x32xf32, #tpu.memory_space<vmem>>, vector<1x16xf32>,
      %get3A_2251 = vector.shape_cast %get3A_2250 : vector<1x16xf32> to vector<16xf32>
      %add3A_2252 = arith.addf %add3A_2204, %get3A_2251 : vector<16xf32>
      %get3A_2253 = arith.constant 91 : i32
      %get3A_2254 = arith.index_cast %get3A_2253 : i32 to index
      %get3A_2255 = arith.constant 0 : index
      %get3A_2256 = tpu.vector_load %arg7[%get3A_2254, %get3A_2255] {strides = array<i32>} : memref<104x32xf32, #tpu.memory_space<vmem>>, vector<1x16xf32>,
      %get3A_2257 = vector.shape_cast %get3A_2256 : vector<1x16xf32> to vector<16xf32>
      %add3A_2258 = arith.addf %add3A_2210, %get3A_2257 : vector<16xf32>
      %get3A_2259 = arith.constant 91 : i32
      %get3A_2260 = arith.index_cast %get3A_2259 : i32 to index
      %get3A_2261 = arith.constant 16 : index
      %get3A_2262 = tpu.vector_load %arg7[%get3A_2260, %get3A_2261] {strides = array<i32>} : memref<104x32xf32, #tpu.memory_space<vmem>>, vector<1x16xf32>,
      %get3A_2263 = vector.shape_cast %get3A_2262 : vector<1x16xf32> to vector<16xf32>
      %add3A_2264 = arith.addf %add3A_2216, %get3A_2263 : vector<16xf32>
      %get3A_2265 = arith.constant 92 : i32
      %get3A_2266 = arith.index_cast %get3A_2265 : i32 to index
      %get3A_2267 = arith.constant 0 : index
      %get3A_2268 = tpu.vector_load %arg6[%get3A_2266, %get3A_2267] {strides = array<i32>} : memref<104x32xf32, #tpu.memory_space<vmem>>, vector<1x16xf32>,
      %get3A_2269 = vector.shape_cast %get3A_2268 : vector<1x16xf32> to vector<16xf32>
      %add3A_2270 = arith.addf %add3A_2222, %get3A_2269 : vector<16xf32>
      %get3A_2271 = arith.constant 92 : i32
      %get3A_2272 = arith.index_cast %get3A_2271 : i32 to index
      %get3A_2273 = arith.constant 16 : index
      %get3A_2274 = tpu.vector_load %arg6[%get3A_2272, %get3A_2273] {strides = array<i32>} : memref<104x32xf32, #tpu.memory_space<vmem>>, vector<1x16xf32>,
      %get3A_2275 = vector.shape_cast %get3A_2274 : vector<1x16xf32> to vector<16xf32>
      %add3A_2276 = arith.addf %add3A_2228, %get3A_2275 : vector<16xf32>
      %get3A_2277 = arith.constant 93 : i32
      %get3A_2278 = arith.index_cast %get3A_2277 : i32 to index
      %get3A_2279 = arith.constant 0 : index
      %get3A_2280 = tpu.vector_load %arg6[%get3A_2278, %get3A_2279] {strides = array<i32>} : memref<104x32xf32, #tpu.memory_space<vmem>>, vector<1x16xf32>,
      %get3A_2281 = vector.shape_cast %get3A_2280 : vector<1x16xf32> to vector<16xf32>
      %add3A_2282 = arith.addf %add3A_2234, %get3A_2281 : vector<16xf32>
      %get3A_2283 = arith.constant 93 : i32
      %get3A_2284 = arith.index_cast %get3A_2283 : i32 to index
      %get3A_2285 = arith.constant 16 : index
      %get3A_2286 = tpu.vector_load %arg6[%get3A_2284, %get3A_2285] {strides = array<i32>} : memref<104x32xf32, #tpu.memory_space<vmem>>, vector<1x16xf32>,
      %get3A_2287 = vector.shape_cast %get3A_2286 : vector<1x16xf32> to vector<16xf32>
      %add3A_2288 = arith.addf %add3A_2240, %get3A_2287 : vector<16xf32>
      %get3A_2289 = arith.constant 92 : i32
      %get3A_2290 = arith.index_cast %get3A_2289 : i32 to index
      %get3A_2291 = arith.constant 0 : index
      %get3A_2292 = tpu.vector_load %arg7[%get3A_2290, %get3A_2291] {strides = array<i32>} : memref<104x32xf32, #tpu.memory_space<vmem>>, vector<1x16xf32>,
      %get3A_2293 = vector.shape_cast %get3A_2292 : vector<1x16xf32> to vector<16xf32>
      %add3A_2294 = arith.addf %add3A_2246, %get3A_2293 : vector<16xf32>
      %get3A_2295 = arith.constant 92 : i32
      %get3A_2296 = arith.index_cast %get3A_2295 : i32 to index
      %get3A_2297 = arith.constant 16 : index
      %get3A_2298 = tpu.vector_load %arg7[%get3A_2296, %get3A_2297] {strides = array<i32>} : memref<104x32xf32, #tpu.memory_space<vmem>>, vector<1x16xf32>,
      %get3A_2299 = vector.shape_cast %get3A_2298 : vector<1x16xf32> to vector<16xf32>
      %add3A_2300 = arith.addf %add3A_2252, %get3A_2299 : vector<16xf32>
      %get3A_2301 = arith.constant 93 : i32
      %get3A_2302 = arith.index_cast %get3A_2301 : i32 to index
      %get3A_2303 = arith.constant 0 : index
      %get3A_2304 = tpu.vector_load %arg7[%get3A_2302, %get3A_2303] {strides = array<i32>} : memref<104x32xf32, #tpu.memory_space<vmem>>, vector<1x16xf32>,
      %get3A_2305 = vector.shape_cast %get3A_2304 : vector<1x16xf32> to vector<16xf32>
      %add3A_2306 = arith.addf %add3A_2258, %get3A_2305 : vector<16xf32>
      %get3A_2307 = arith.constant 93 : i32
      %get3A_2308 = arith.index_cast %get3A_2307 : i32 to index
      %get3A_2309 = arith.constant 16 : index
      %get3A_2310 = tpu.vector_load %arg7[%get3A_2308, %get3A_2309] {strides = array<i32>} : memref<104x32xf32, #tpu.memory_space<vmem>>, vector<1x16xf32>,
      %get3A_2311 = vector.shape_cast %get3A_2310 : vector<1x16xf32> to vector<16xf32>
      %add3A_2312 = arith.addf %add3A_2264, %get3A_2311 : vector<16xf32>
      %get3A_2313 = arith.constant 94 : i32
      %get3A_2314 = arith.index_cast %get3A_2313 : i32 to index
      %get3A_2315 = arith.constant 0 : index
      %get3A_2316 = tpu.vector_load %arg6[%get3A_2314, %get3A_2315] {strides = array<i32>} : memref<104x32xf32, #tpu.memory_space<vmem>>, vector<1x16xf32>,
      %get3A_2317 = vector.shape_cast %get3A_2316 : vector<1x16xf32> to vector<16xf32>
      %add3A_2318 = arith.addf %add3A_2270, %get3A_2317 : vector<16xf32>
      %get3A_2319 = arith.constant 94 : i32
      %get3A_2320 = arith.index_cast %get3A_2319 : i32 to index
      %get3A_2321 = arith.constant 16 : index
      %get3A_2322 = tpu.vector_load %arg6[%get3A_2320, %get3A_2321] {strides = array<i32>} : memref<104x32xf32, #tpu.memory_space<vmem>>, vector<1x16xf32>,
      %get3A_2323 = vector.shape_cast %get3A_2322 : vector<1x16xf32> to vector<16xf32>
      %add3A_2324 = arith.addf %add3A_2276, %get3A_2323 : vector<16xf32>
      %get3A_2325 = arith.constant 95 : i32
      %get3A_2326 = arith.index_cast %get3A_2325 : i32 to index
      %get3A_2327 = arith.constant 0 : index
      %get3A_2328 = tpu.vector_load %arg6[%get3A_2326, %get3A_2327] {strides = array<i32>} : memref<104x32xf32, #tpu.memory_space<vmem>>, vector<1x16xf32>,
      %get3A_2329 = vector.shape_cast %get3A_2328 : vector<1x16xf32> to vector<16xf32>
      %add3A_2330 = arith.addf %add3A_2282, %get3A_2329 : vector<16xf32>
      %get3A_2331 = arith.constant 95 : i32
      %get3A_2332 = arith.index_cast %get3A_2331 : i32 to index
      %get3A_2333 = arith.constant 16 : index
      %get3A_2334 = tpu.vector_load %arg6[%get3A_2332, %get3A_2333] {strides = array<i32>} : memref<104x32xf32, #tpu.memory_space<vmem>>, vector<1x16xf32>,
      %get3A_2335 = vector.shape_cast %get3A_2334 : vector<1x16xf32> to vector<16xf32>
      %add3A_2336 = arith.addf %add3A_2288, %get3A_2335 : vector<16xf32>
      %get3A_2337 = arith.constant 94 : i32
      %get3A_2338 = arith.index_cast %get3A_2337 : i32 to index
      %get3A_2339 = arith.constant 0 : index
      %get3A_2340 = tpu.vector_load %arg7[%get3A_2338, %get3A_2339] {strides = array<i32>} : memref<104x32xf32, #tpu.memory_space<vmem>>, vector<1x16xf32>,
      %get3A_2341 = vector.shape_cast %get3A_2340 : vector<1x16xf32> to vector<16xf32>
      %add3A_2342 = arith.addf %add3A_2294, %get3A_2341 : vector<16xf32>
      %get3A_2343 = arith.constant 94 : i32
      %get3A_2344 = arith.index_cast %get3A_2343 : i32 to index
      %get3A_2345 = arith.constant 16 : index
      %get3A_2346 = tpu.vector_load %arg7[%get3A_2344, %get3A_2345] {strides = array<i32>} : memref<104x32xf32, #tpu.memory_space<vmem>>, vector<1x16xf32>,
      %get3A_2347 = vector.shape_cast %get3A_2346 : vector<1x16xf32> to vector<16xf32>
      %add3A_2348 = arith.addf %add3A_2300, %get3A_2347 : vector<16xf32>
      %get3A_2349 = arith.constant 95 : i32
      %get3A_2350 = arith.index_cast %get3A_2349 : i32 to index
      %get3A_2351 = arith.constant 0 : index
      %get3A_2352 = tpu.vector_load %arg7[%get3A_2350, %get3A_2351] {strides = array<i32>} : memref<104x32xf32, #tpu.memory_space<vmem>>, vector<1x16xf32>,
      %get3A_2353 = vector.shape_cast %get3A_2352 : vector<1x16xf32> to vector<16xf32>
      %add3A_2354 = arith.addf %add3A_2306, %get3A_2353 : vector<16xf32>
      %get3A_2355 = arith.constant 95 : i32
      %get3A_2356 = arith.index_cast %get3A_2355 : i32 to index
      %get3A_2357 = arith.constant 16 : index
      %get3A_2358 = tpu.vector_load %arg7[%get3A_2356, %get3A_2357] {strides = array<i32>} : memref<104x32xf32, #tpu.memory_space<vmem>>, vector<1x16xf32>,
      %get3A_2359 = vector.shape_cast %get3A_2358 : vector<1x16xf32> to vector<16xf32>
      %add3A_2360 = arith.addf %add3A_2312, %get3A_2359 : vector<16xf32>
      %get3A_2361 = arith.constant 96 : i32
      %get3A_2362 = arith.index_cast %get3A_2361 : i32 to index
      %get3A_2363 = arith.constant 0 : index
      %get3A_2364 = tpu.vector_load %arg6[%get3A_2362, %get3A_2363] {strides = array<i32>} : memref<104x32xf32, #tpu.memory_space<vmem>>, vector<1x16xf32>,
      %get3A_2365 = vector.shape_cast %get3A_2364 : vector<1x16xf32> to vector<16xf32>
      %add3A_2366 = arith.addf %add3A_2318, %get3A_2365 : vector<16xf32>
      %get3A_2367 = arith.constant 96 : i32
      %get3A_2368 = arith.index_cast %get3A_2367 : i32 to index
      %get3A_2369 = arith.constant 16 : index
      %get3A_2370 = tpu.vector_load %arg6[%get3A_2368, %get3A_2369] {strides = array<i32>} : memref<104x32xf32, #tpu.memory_space<vmem>>, vector<1x16xf32>,
      %get3A_2371 = vector.shape_cast %get3A_2370 : vector<1x16xf32> to vector<16xf32>
      %add3A_2372 = arith.addf %add3A_2324, %get3A_2371 : vector<16xf32>
      %get3A_2373 = arith.constant 97 : i32
      %get3A_2374 = arith.index_cast %get3A_2373 : i32 to index
      %get3A_2375 = arith.constant 0 : index
      %get3A_2376 = tpu.vector_load %arg6[%get3A_2374, %get3A_2375] {strides = array<i32>} : memref<104x32xf32, #tpu.memory_space<vmem>>, vector<1x16xf32>,
      %get3A_2377 = vector.shape_cast %get3A_2376 : vector<1x16xf32> to vector<16xf32>
      %add3A_2378 = arith.addf %add3A_2330, %get3A_2377 : vector<16xf32>
      %get3A_2379 = arith.constant 97 : i32
      %get3A_2380 = arith.index_cast %get3A_2379 : i32 to index
      %get3A_2381 = arith.constant 16 : index
      %get3A_2382 = tpu.vector_load %arg6[%get3A_2380, %get3A_2381] {strides = array<i32>} : memref<104x32xf32, #tpu.memory_space<vmem>>, vector<1x16xf32>,
      %get3A_2383 = vector.shape_cast %get3A_2382 : vector<1x16xf32> to vector<16xf32>
      %add3A_2384 = arith.addf %add3A_2336, %get3A_2383 : vector<16xf32>
      %get3A_2385 = arith.constant 98 : i32
      %get3A_2386 = arith.index_cast %get3A_2385 : i32 to index
      %get3A_2387 = arith.constant 0 : index
      %get3A_2388 = tpu.vector_load %arg6[%get3A_2386, %get3A_2387] {strides = array<i32>} : memref<104x32xf32, #tpu.memory_space<vmem>>, vector<1x16xf32>,
      %get3A_2389 = vector.shape_cast %get3A_2388 : vector<1x16xf32> to vector<16xf32>
      %add3A_2390 = arith.addf %add3A_2366, %get3A_2389 : vector<16xf32>
      %get3A_2391 = arith.constant 98 : i32
      %get3A_2392 = arith.index_cast %get3A_2391 : i32 to index
      %get3A_2393 = arith.constant 16 : index
      %get3A_2394 = tpu.vector_load %arg6[%get3A_2392, %get3A_2393] {strides = array<i32>} : memref<104x32xf32, #tpu.memory_space<vmem>>, vector<1x16xf32>,
      %get3A_2395 = vector.shape_cast %get3A_2394 : vector<1x16xf32> to vector<16xf32>
      %add3A_2396 = arith.addf %add3A_2372, %get3A_2395 : vector<16xf32>
      %get3A_2397 = arith.constant 99 : i32
      %get3A_2398 = arith.index_cast %get3A_2397 : i32 to index
      %get3A_2399 = arith.constant 0 : index
      %get3A_2400 = tpu.vector_load %arg6[%get3A_2398, %get3A_2399] {strides = array<i32>} : memref<104x32xf32, #tpu.memory_space<vmem>>, vector<1x16xf32>,
      %get3A_2401 = vector.shape_cast %get3A_2400 : vector<1x16xf32> to vector<16xf32>
      %add3A_2402 = arith.addf %add3A_2378, %get3A_2401 : vector<16xf32>
      %get3A_2403 = arith.constant 99 : i32
      %get3A_2404 = arith.index_cast %get3A_2403 : i32 to index
      %get3A_2405 = arith.constant 16 : index
      %get3A_2406 = tpu.vector_load %arg6[%get3A_2404, %get3A_2405] {strides = array<i32>} : memref<104x32xf32, #tpu.memory_space<vmem>>, vector<1x16xf32>,
      %get3A_2407 = vector.shape_cast %get3A_2406 : vector<1x16xf32> to vector<16xf32>
      %add3A_2408 = arith.addf %add3A_2384, %get3A_2407 : vector<16xf32>
      %get3A_2409 = arith.constant 100 : i32
      %get3A_2410 = arith.index_cast %get3A_2409 : i32 to index
      %get3A_2411 = arith.constant 0 : index
      %get3A_2412 = tpu.vector_load %arg6[%get3A_2410, %get3A_2411] {strides = array<i32>} : memref<104x32xf32, #tpu.memory_space<vmem>>, vector<1x16xf32>,
      %get3A_2413 = vector.shape_cast %get3A_2412 : vector<1x16xf32> to vector<16xf32>
      %add3A_2414 = arith.addf %add3A_2390, %get3A_2413 : vector<16xf32>
      %get3A_2415 = arith.constant 100 : i32
      %get3A_2416 = arith.index_cast %get3A_2415 : i32 to index
      %get3A_2417 = arith.constant 16 : index
      %get3A_2418 = tpu.vector_load %arg6[%get3A_2416, %get3A_2417] {strides = array<i32>} : memref<104x32xf32, #tpu.memory_space<vmem>>, vector<1x16xf32>,
      %get3A_2419 = vector.shape_cast %get3A_2418 : vector<1x16xf32> to vector<16xf32>
      %add3A_2420 = arith.addf %add3A_2396, %get3A_2419 : vector<16xf32>
      %get3A_2421 = arith.constant 101 : i32
      %get3A_2422 = arith.index_cast %get3A_2421 : i32 to index
      %get3A_2423 = arith.constant 0 : index
      %get3A_2424 = tpu.vector_load %arg6[%get3A_2422, %get3A_2423] {strides = array<i32>} : memref<104x32xf32, #tpu.memory_space<vmem>>, vector<1x16xf32>,
      %get3A_2425 = vector.shape_cast %get3A_2424 : vector<1x16xf32> to vector<16xf32>
      %add3A_2426 = arith.addf %add3A_2402, %get3A_2425 : vector<16xf32>
      %get3A_2427 = arith.constant 101 : i32
      %get3A_2428 = arith.index_cast %get3A_2427 : i32 to index
      %get3A_2429 = arith.constant 16 : index
      %get3A_2430 = tpu.vector_load %arg6[%get3A_2428, %get3A_2429] {strides = array<i32>} : memref<104x32xf32, #tpu.memory_space<vmem>>, vector<1x16xf32>,
      %get3A_2431 = vector.shape_cast %get3A_2430 : vector<1x16xf32> to vector<16xf32>
      %add3A_2432 = arith.addf %add3A_2408, %get3A_2431 : vector<16xf32>
      %get3A_2433 = arith.constant 102 : i32
      %get3A_2434 = arith.index_cast %get3A_2433 : i32 to index
      %get3A_2435 = arith.constant 0 : index
      %get3A_2436 = tpu.vector_load %arg6[%get3A_2434, %get3A_2435] {strides = array<i32>} : memref<104x32xf32, #tpu.memory_space<vmem>>, vector<1x16xf32>,
      %get3A_2437 = vector.shape_cast %get3A_2436 : vector<1x16xf32> to vector<16xf32>
      %add3A_2438 = arith.addf %add3A_2414, %get3A_2437 : vector<16xf32>
      %get3A_2439 = arith.constant 102 : i32
      %get3A_2440 = arith.index_cast %get3A_2439 : i32 to index
      %get3A_2441 = arith.constant 16 : index
      %get3A_2442 = tpu.vector_load %arg6[%get3A_2440, %get3A_2441] {strides = array<i32>} : memref<104x32xf32, #tpu.memory_space<vmem>>, vector<1x16xf32>,
      %get3A_2443 = vector.shape_cast %get3A_2442 : vector<1x16xf32> to vector<16xf32>
      %add3A_2444 = arith.addf %add3A_2420, %get3A_2443 : vector<16xf32>
      %get3A_2445 = arith.constant 103 : i32
      %get3A_2446 = arith.index_cast %get3A_2445 : i32 to index
      %get3A_2447 = arith.constant 0 : index
      %get3A_2448 = tpu.vector_load %arg6[%get3A_2446, %get3A_2447] {strides = array<i32>} : memref<104x32xf32, #tpu.memory_space<vmem>>, vector<1x16xf32>,
      %get3A_2449 = vector.shape_cast %get3A_2448 : vector<1x16xf32> to vector<16xf32>
      %add3A_2450 = arith.addf %add3A_2426, %get3A_2449 : vector<16xf32>
      %get3A_2451 = arith.constant 103 : i32
      %get3A_2452 = arith.index_cast %get3A_2451 : i32 to index
      %get3A_2453 = arith.constant 16 : index
      %get3A_2454 = tpu.vector_load %arg6[%get3A_2452, %get3A_2453] {strides = array<i32>} : memref<104x32xf32, #tpu.memory_space<vmem>>, vector<1x16xf32>,
      %get3A_2455 = vector.shape_cast %get3A_2454 : vector<1x16xf32> to vector<16xf32>
      %add3A_2456 = arith.addf %add3A_2432, %get3A_2455 : vector<16xf32>
      %add3A_2457 = arith.addf %add3A_2438, %add3A_2450 : vector<16xf32>
      %add3A_2458 = arith.addf %add3A_2342, %add3A_2354 : vector<16xf32>
      %add3A_2459 = arith.addf %add3A_2457, %add3A_2458 : vector<16xf32>
      %swap3A = arith.index_cast %mul3A_56 : i32 to index
      %swap3A_2460 = arith.constant 0 : index
      %swap3A_2461 = tpu.vector_load %arg10[%swap3A, %swap3A_2460] {strides = array<i32>} : memref<128x32xf32, #tpu.memory_space<vmem>>, vector<1x16xf32>,
      %swap3A_2462 = vector.shape_cast %swap3A_2461 : vector<1x16xf32> to vector<16xf32>
      %swap3A_2463 = vector.shape_cast %add3A_2459 : vector<16xf32> to vector<1x16xf32>
      tpu.vector_store %arg10[%swap3A, %swap3A_2460], %swap3A_2463 {strides = array<i32>} : memref<128x32xf32, #tpu.memory_space<vmem>>, vector<1x16xf32>,
      %add3A_2464 = arith.addf %add3A_2444, %add3A_2456 : vector<16xf32>
      %add3A_2465 = arith.addf %add3A_2348, %add3A_2360 : vector<16xf32>
      %add3A_2466 = arith.addf %add3A_2464, %add3A_2465 : vector<16xf32>
      %swap3A_2467 = arith.index_cast %mul3A_56 : i32 to index
      %swap3A_2468 = arith.constant 16 : index
      %swap3A_2469 = tpu.vector_load %arg10[%swap3A_2467, %swap3A_2468] {strides = array<i32>} : memref<128x32xf32, #tpu.memory_space<vmem>>, vector<1x16xf32>,
      %swap3A_2470 = vector.shape_cast %swap3A_2469 : vector<1x16xf32> to vector<16xf32>
      %swap3A_2471 = vector.shape_cast %add3A_2466 : vector<16xf32> to vector<1x16xf32>
      tpu.vector_store %arg10[%swap3A_2467, %swap3A_2468], %swap3A_2471 {strides = array<i32>} : memref<128x32xf32, #tpu.memory_space<vmem>>, vector<1x16xf32>,
      %lt3A = arith.constant 63 : i32
      %lt3A_2472 = arith.cmpi slt, %scan3A_24, %lt3A : i32
      %convert_element_type3A = arith.extui %lt3A_2472 : i1 to i32
      %cond3A = arith.constant 0 : i32
      %cond3A_2473 = arith.cmpi ne, %convert_element_type3A, %cond3A : i32
      scf.if %cond3A_2473 {
        %mul3A_4909 = arith.constant 4 : i32
        %mul3A_4910 = arith.muli %mul3A_4909, %scan3A_24 : i32
        %add3A_4911 = arith.constant 4 : i32
        %add3A_4912 = arith.addi %mul3A_4910, %add3A_4911 : i32
        %dma_start3A_4913 = arith.constant 0 : i32
        %dma_start3A_4914 = tpu.memref_slice %arg5[%add3A_4912, %dma_start3A_4913] : memref<256x104xi32, #tpu.memory_space<vmem>> -> memref<1x104xi32, #tpu.memory_space<vmem>>
        %dma_start3A_4915 = tpu.memref_squeeze %dma_start3A_4914 : memref<1x104xi32, #tpu.memory_space<vmem>> -> memref<104xi32, #tpu.memory_space<vmem>>
        %dma_start3A_4916 = arith.constant 0 : i32
        %dma_start3A_4917 = arith.constant 0 : i32
        %dma_start3A_4918 = tpu.memref_slice %arg2[%dma_start3A_4916, %dma_start3A_4917] : memref<1000000x32xf32, #tpu.memory_space<hbm>> -> memref<1000000x32xf32, #tpu.memory_space<hbm>>
        tpu.enqueue_indirect_dma source(%dma_start3A_4918 : memref<1000000x32xf32, #tpu.memory_space<hbm>>) target(%arg6 : memref<104x32xf32, #tpu.memory_space<vmem>>) offsets(%dma_start3A_4915 : memref<104xi32, #tpu.memory_space<vmem>>) semaphore(%arg11 : memref<!tpu.dma_semaphore, #tpu.memory_space<semaphore_mem>>)
        %add3A_4919 = arith.constant 1 : i32
        %add3A_4920 = arith.addi %add3A_4912, %add3A_4919 : i32
        %dma_start3A_4921 = arith.constant 0 : i32
        %dma_start3A_4922 = tpu.memref_slice %arg5[%add3A_4920, %dma_start3A_4921] : memref<256x104xi32, #tpu.memory_space<vmem>> -> memref<1x104xi32, #tpu.memory_space<vmem>>
        %dma_start3A_4923 = tpu.memref_squeeze %dma_start3A_4922 : memref<1x104xi32, #tpu.memory_space<vmem>> -> memref<104xi32, #tpu.memory_space<vmem>>
        %dma_start3A_4924 = arith.constant 0 : i32
        %dma_start3A_4925 = arith.constant 0 : i32
        %dma_start3A_4926 = tpu.memref_slice %arg2[%dma_start3A_4924, %dma_start3A_4925] : memref<1000000x32xf32, #tpu.memory_space<hbm>> -> memref<1000000x32xf32, #tpu.memory_space<hbm>>
        tpu.enqueue_indirect_dma source(%dma_start3A_4926 : memref<1000000x32xf32, #tpu.memory_space<hbm>>) target(%arg7 : memref<104x32xf32, #tpu.memory_space<vmem>>) offsets(%dma_start3A_4923 : memref<104xi32, #tpu.memory_space<vmem>>) semaphore(%arg11 : memref<!tpu.dma_semaphore, #tpu.memory_space<semaphore_mem>>)
      } else {
      }
      %dma_wait3A_2474 = arith.constant 0 : i32
      %dma_wait3A_2475 = arith.constant 0 : i32
      %dma_wait3A_2476 = tpu.memref_slice %arg2[%dma_wait3A_2474, %dma_wait3A_2475] : memref<1000000x32xf32, #tpu.memory_space<hbm>> -> memref<104x32xf32, #tpu.memory_space<hbm>>
      %dma_wait3A_2477 = arith.constant 0 : i32
      %dma_wait3A_2478 = arith.constant 0 : i32
      %dma_wait3A_2479 = tpu.memref_slice %arg2[%dma_wait3A_2477, %dma_wait3A_2478] : memref<1000000x32xf32, #tpu.memory_space<hbm>> -> memref<104x32xf32, #tpu.memory_space<hbm>>
      tpu.wait_dma2 semaphore(%arg12 : memref<!tpu.dma_semaphore, #tpu.memory_space<semaphore_mem>>) src(%dma_wait3A_2479 : memref<104x32xf32, #tpu.memory_space<hbm>>) dst(%arg8 : memref<104x32xf32, #tpu.memory_space<vmem>>)
      %dma_wait3A_2480 = arith.constant 0 : i32
      %dma_wait3A_2481 = arith.constant 0 : i32
      %dma_wait3A_2482 = tpu.memref_slice %arg2[%dma_wait3A_2480, %dma_wait3A_2481] : memref<1000000x32xf32, #tpu.memory_space<hbm>> -> memref<104x32xf32, #tpu.memory_space<hbm>>
      %dma_wait3A_2483 = arith.constant 0 : i32
      %dma_wait3A_2484 = arith.constant 0 : i32
      %dma_wait3A_2485 = tpu.memref_slice %arg2[%dma_wait3A_2483, %dma_wait3A_2484] : memref<1000000x32xf32, #tpu.memory_space<hbm>> -> memref<104x32xf32, #tpu.memory_space<hbm>>
      tpu.wait_dma2 semaphore(%arg12 : memref<!tpu.dma_semaphore, #tpu.memory_space<semaphore_mem>>) src(%dma_wait3A_2485 : memref<104x32xf32, #tpu.memory_space<hbm>>) dst(%arg9 : memref<104x32xf32, #tpu.memory_space<vmem>>)
      %mul3A_2486 = arith.constant 2 : i32
      %mul3A_2487 = arith.muli %mul3A_2486, %scan3A_24 : i32
      %add3A_2488 = arith.constant 1 : i32
      %add3A_2489 = arith.addi %mul3A_2487, %add3A_2488 : i32
      %broadcast_in_dim3A_2490 = arith.constant 0.000000e+00 : f32
      %broadcast_in_dim3A_2491 = vector.broadcast %broadcast_in_dim3A_2490 : f32 to vector<16xf32>
      %get3A_2492 = arith.constant 0 : i32
      %get3A_2493 = arith.index_cast %get3A_2492 : i32 to index
      %get3A_2494 = arith.constant 0 : index
      %get3A_2495 = tpu.vector_load %arg8[%get3A_2493, %get3A_2494] {strides = array<i32>} : memref<104x32xf32, #tpu.memory_space<vmem>>, vector<1x16xf32>,
      %get3A_2496 = vector.shape_cast %get3A_2495 : vector<1x16xf32> to vector<16xf32>
      %add3A_2497 = arith.addf %broadcast_in_dim3A_2491, %get3A_2496 : vector<16xf32>
      %get3A_2498 = arith.constant 0 : i32
      %get3A_2499 = arith.index_cast %get3A_2498 : i32 to index
      %get3A_2500 = arith.constant 16 : index
      %get3A_2501 = tpu.vector_load %arg8[%get3A_2499, %get3A_2500] {strides = array<i32>} : memref<104x32xf32, #tpu.memory_space<vmem>>, vector<1x16xf32>,
      %get3A_2502 = vector.shape_cast %get3A_2501 : vector<1x16xf32> to vector<16xf32>
      %add3A_2503 = arith.addf %broadcast_in_dim3A_2491, %get3A_2502 : vector<16xf32>
      %get3A_2504 = arith.constant 1 : i32
      %get3A_2505 = arith.index_cast %get3A_2504 : i32 to index
      %get3A_2506 = arith.constant 0 : index
      %get3A_2507 = tpu.vector_load %arg8[%get3A_2505, %get3A_2506] {strides = array<i32>} : memref<104x32xf32, #tpu.memory_space<vmem>>, vector<1x16xf32>,
      %get3A_2508 = vector.shape_cast %get3A_2507 : vector<1x16xf32> to vector<16xf32>
      %add3A_2509 = arith.addf %broadcast_in_dim3A_2491, %get3A_2508 : vector<16xf32>
      %get3A_2510 = arith.constant 1 : i32
      %get3A_2511 = arith.index_cast %get3A_2510 : i32 to index
      %get3A_2512 = arith.constant 16 : index
      %get3A_2513 = tpu.vector_load %arg8[%get3A_2511, %get3A_2512] {strides = array<i32>} : memref<104x32xf32, #tpu.memory_space<vmem>>, vector<1x16xf32>,
      %get3A_2514 = vector.shape_cast %get3A_2513 : vector<1x16xf32> to vector<16xf32>
      %add3A_2515 = arith.addf %broadcast_in_dim3A_2491, %get3A_2514 : vector<16xf32>
      %get3A_2516 = arith.constant 0 : i32
      %get3A_2517 = arith.index_cast %get3A_2516 : i32 to index
      %get3A_2518 = arith.constant 0 : index
      %get3A_2519 = tpu.vector_load %arg9[%get3A_2517, %get3A_2518] {strides = array<i32>} : memref<104x32xf32, #tpu.memory_space<vmem>>, vector<1x16xf32>,
      %get3A_2520 = vector.shape_cast %get3A_2519 : vector<1x16xf32> to vector<16xf32>
      %add3A_2521 = arith.addf %broadcast_in_dim3A_2491, %get3A_2520 : vector<16xf32>
      %get3A_2522 = arith.constant 0 : i32
      %get3A_2523 = arith.index_cast %get3A_2522 : i32 to index
      %get3A_2524 = arith.constant 16 : index
      %get3A_2525 = tpu.vector_load %arg9[%get3A_2523, %get3A_2524] {strides = array<i32>} : memref<104x32xf32, #tpu.memory_space<vmem>>, vector<1x16xf32>,
      %get3A_2526 = vector.shape_cast %get3A_2525 : vector<1x16xf32> to vector<16xf32>
      %add3A_2527 = arith.addf %broadcast_in_dim3A_2491, %get3A_2526 : vector<16xf32>
      %get3A_2528 = arith.constant 1 : i32
      %get3A_2529 = arith.index_cast %get3A_2528 : i32 to index
      %get3A_2530 = arith.constant 0 : index
      %get3A_2531 = tpu.vector_load %arg9[%get3A_2529, %get3A_2530] {strides = array<i32>} : memref<104x32xf32, #tpu.memory_space<vmem>>, vector<1x16xf32>,
      %get3A_2532 = vector.shape_cast %get3A_2531 : vector<1x16xf32> to vector<16xf32>
      %add3A_2533 = arith.addf %broadcast_in_dim3A_2491, %get3A_2532 : vector<16xf32>
      %get3A_2534 = arith.constant 1 : i32
      %get3A_2535 = arith.index_cast %get3A_2534 : i32 to index
      %get3A_2536 = arith.constant 16 : index
      %get3A_2537 = tpu.vector_load %arg9[%get3A_2535, %get3A_2536] {strides = array<i32>} : memref<104x32xf32, #tpu.memory_space<vmem>>, vector<1x16xf32>,
      %get3A_2538 = vector.shape_cast %get3A_2537 : vector<1x16xf32> to vector<16xf32>
      %add3A_2539 = arith.addf %broadcast_in_dim3A_2491, %get3A_2538 : vector<16xf32>
      %get3A_2540 = arith.constant 2 : i32
      %get3A_2541 = arith.index_cast %get3A_2540 : i32 to index
      %get3A_2542 = arith.constant 0 : index
      %get3A_2543 = tpu.vector_load %arg8[%get3A_2541, %get3A_2542] {strides = array<i32>} : memref<104x32xf32, #tpu.memory_space<vmem>>, vector<1x16xf32>,
      %get3A_2544 = vector.shape_cast %get3A_2543 : vector<1x16xf32> to vector<16xf32>
      %add3A_2545 = arith.addf %add3A_2497, %get3A_2544 : vector<16xf32>
      %get3A_2546 = arith.constant 2 : i32
      %get3A_2547 = arith.index_cast %get3A_2546 : i32 to index
      %get3A_2548 = arith.constant 16 : index
      %get3A_2549 = tpu.vector_load %arg8[%get3A_2547, %get3A_2548] {strides = array<i32>} : memref<104x32xf32, #tpu.memory_space<vmem>>, vector<1x16xf32>,
      %get3A_2550 = vector.shape_cast %get3A_2549 : vector<1x16xf32> to vector<16xf32>
      %add3A_2551 = arith.addf %add3A_2503, %get3A_2550 : vector<16xf32>
      %get3A_2552 = arith.constant 3 : i32
      %get3A_2553 = arith.index_cast %get3A_2552 : i32 to index
      %get3A_2554 = arith.constant 0 : index
      %get3A_2555 = tpu.vector_load %arg8[%get3A_2553, %get3A_2554] {strides = array<i32>} : memref<104x32xf32, #tpu.memory_space<vmem>>, vector<1x16xf32>,
      %get3A_2556 = vector.shape_cast %get3A_2555 : vector<1x16xf32> to vector<16xf32>
      %add3A_2557 = arith.addf %add3A_2509, %get3A_2556 : vector<16xf32>
      %get3A_2558 = arith.constant 3 : i32
      %get3A_2559 = arith.index_cast %get3A_2558 : i32 to index
      %get3A_2560 = arith.constant 16 : index
      %get3A_2561 = tpu.vector_load %arg8[%get3A_2559, %get3A_2560] {strides = array<i32>} : memref<104x32xf32, #tpu.memory_space<vmem>>, vector<1x16xf32>,
      %get3A_2562 = vector.shape_cast %get3A_2561 : vector<1x16xf32> to vector<16xf32>
      %add3A_2563 = arith.addf %add3A_2515, %get3A_2562 : vector<16xf32>
      %get3A_2564 = arith.constant 2 : i32
      %get3A_2565 = arith.index_cast %get3A_2564 : i32 to index
      %get3A_2566 = arith.constant 0 : index
      %get3A_2567 = tpu.vector_load %arg9[%get3A_2565, %get3A_2566] {strides = array<i32>} : memref<104x32xf32, #tpu.memory_space<vmem>>, vector<1x16xf32>,
      %get3A_2568 = vector.shape_cast %get3A_2567 : vector<1x16xf32> to vector<16xf32>
      %add3A_2569 = arith.addf %add3A_2521, %get3A_2568 : vector<16xf32>
      %get3A_2570 = arith.constant 2 : i32
      %get3A_2571 = arith.index_cast %get3A_2570 : i32 to index
      %get3A_2572 = arith.constant 16 : index
      %get3A_2573 = tpu.vector_load %arg9[%get3A_2571, %get3A_2572] {strides = array<i32>} : memref<104x32xf32, #tpu.memory_space<vmem>>, vector<1x16xf32>,
      %get3A_2574 = vector.shape_cast %get3A_2573 : vector<1x16xf32> to vector<16xf32>
      %add3A_2575 = arith.addf %add3A_2527, %get3A_2574 : vector<16xf32>
      %get3A_2576 = arith.constant 3 : i32
      %get3A_2577 = arith.index_cast %get3A_2576 : i32 to index
      %get3A_2578 = arith.constant 0 : index
      %get3A_2579 = tpu.vector_load %arg9[%get3A_2577, %get3A_2578] {strides = array<i32>} : memref<104x32xf32, #tpu.memory_space<vmem>>, vector<1x16xf32>,
      %get3A_2580 = vector.shape_cast %get3A_2579 : vector<1x16xf32> to vector<16xf32>
      %add3A_2581 = arith.addf %add3A_2533, %get3A_2580 : vector<16xf32>
      %get3A_2582 = arith.constant 3 : i32
      %get3A_2583 = arith.index_cast %get3A_2582 : i32 to index
      %get3A_2584 = arith.constant 16 : index
      %get3A_2585 = tpu.vector_load %arg9[%get3A_2583, %get3A_2584] {strides = array<i32>} : memref<104x32xf32, #tpu.memory_space<vmem>>, vector<1x16xf32>,
      %get3A_2586 = vector.shape_cast %get3A_2585 : vector<1x16xf32> to vector<16xf32>
      %add3A_2587 = arith.addf %add3A_2539, %get3A_2586 : vector<16xf32>
      %get3A_2588 = arith.constant 4 : i32
      %get3A_2589 = arith.index_cast %get3A_2588 : i32 to index
      %get3A_2590 = arith.constant 0 : index
      %get3A_2591 = tpu.vector_load %arg8[%get3A_2589, %get3A_2590] {strides = array<i32>} : memref<104x32xf32, #tpu.memory_space<vmem>>, vector<1x16xf32>,
      %get3A_2592 = vector.shape_cast %get3A_2591 : vector<1x16xf32> to vector<16xf32>
      %add3A_2593 = arith.addf %add3A_2545, %get3A_2592 : vector<16xf32>
      %get3A_2594 = arith.constant 4 : i32
      %get3A_2595 = arith.index_cast %get3A_2594 : i32 to index
      %get3A_2596 = arith.constant 16 : index
      %get3A_2597 = tpu.vector_load %arg8[%get3A_2595, %get3A_2596] {strides = array<i32>} : memref<104x32xf32, #tpu.memory_space<vmem>>, vector<1x16xf32>,
      %get3A_2598 = vector.shape_cast %get3A_2597 : vector<1x16xf32> to vector<16xf32>
      %add3A_2599 = arith.addf %add3A_2551, %get3A_2598 : vector<16xf32>
      %get3A_2600 = arith.constant 5 : i32
      %get3A_2601 = arith.index_cast %get3A_2600 : i32 to index
      %get3A_2602 = arith.constant 0 : index
      %get3A_2603 = tpu.vector_load %arg8[%get3A_2601, %get3A_2602] {strides = array<i32>} : memref<104x32xf32, #tpu.memory_space<vmem>>, vector<1x16xf32>,
      %get3A_2604 = vector.shape_cast %get3A_2603 : vector<1x16xf32> to vector<16xf32>
      %add3A_2605 = arith.addf %add3A_2557, %get3A_2604 : vector<16xf32>
      %get3A_2606 = arith.constant 5 : i32
      %get3A_2607 = arith.index_cast %get3A_2606 : i32 to index
      %get3A_2608 = arith.constant 16 : index
      %get3A_2609 = tpu.vector_load %arg8[%get3A_2607, %get3A_2608] {strides = array<i32>} : memref<104x32xf32, #tpu.memory_space<vmem>>, vector<1x16xf32>,
      %get3A_2610 = vector.shape_cast %get3A_2609 : vector<1x16xf32> to vector<16xf32>
      %add3A_2611 = arith.addf %add3A_2563, %get3A_2610 : vector<16xf32>
      %get3A_2612 = arith.constant 4 : i32
      %get3A_2613 = arith.index_cast %get3A_2612 : i32 to index
      %get3A_2614 = arith.constant 0 : index
      %get3A_2615 = tpu.vector_load %arg9[%get3A_2613, %get3A_2614] {strides = array<i32>} : memref<104x32xf32, #tpu.memory_space<vmem>>, vector<1x16xf32>,
      %get3A_2616 = vector.shape_cast %get3A_2615 : vector<1x16xf32> to vector<16xf32>
      %add3A_2617 = arith.addf %add3A_2569, %get3A_2616 : vector<16xf32>
      %get3A_2618 = arith.constant 4 : i32
      %get3A_2619 = arith.index_cast %get3A_2618 : i32 to index
      %get3A_2620 = arith.constant 16 : index
      %get3A_2621 = tpu.vector_load %arg9[%get3A_2619, %get3A_2620] {strides = array<i32>} : memref<104x32xf32, #tpu.memory_space<vmem>>, vector<1x16xf32>,
      %get3A_2622 = vector.shape_cast %get3A_2621 : vector<1x16xf32> to vector<16xf32>
      %add3A_2623 = arith.addf %add3A_2575, %get3A_2622 : vector<16xf32>
      %get3A_2624 = arith.constant 5 : i32
      %get3A_2625 = arith.index_cast %get3A_2624 : i32 to index
      %get3A_2626 = arith.constant 0 : index
      %get3A_2627 = tpu.vector_load %arg9[%get3A_2625, %get3A_2626] {strides = array<i32>} : memref<104x32xf32, #tpu.memory_space<vmem>>, vector<1x16xf32>,
      %get3A_2628 = vector.shape_cast %get3A_2627 : vector<1x16xf32> to vector<16xf32>
      %add3A_2629 = arith.addf %add3A_2581, %get3A_2628 : vector<16xf32>
      %get3A_2630 = arith.constant 5 : i32
      %get3A_2631 = arith.index_cast %get3A_2630 : i32 to index
      %get3A_2632 = arith.constant 16 : index
      %get3A_2633 = tpu.vector_load %arg9[%get3A_2631, %get3A_2632] {strides = array<i32>} : memref<104x32xf32, #tpu.memory_space<vmem>>, vector<1x16xf32>,
      %get3A_2634 = vector.shape_cast %get3A_2633 : vector<1x16xf32> to vector<16xf32>
      %add3A_2635 = arith.addf %add3A_2587, %get3A_2634 : vector<16xf32>
      %get3A_2636 = arith.constant 6 : i32
      %get3A_2637 = arith.index_cast %get3A_2636 : i32 to index
      %get3A_2638 = arith.constant 0 : index
      %get3A_2639 = tpu.vector_load %arg8[%get3A_2637, %get3A_2638] {strides = array<i32>} : memref<104x32xf32, #tpu.memory_space<vmem>>, vector<1x16xf32>,
      %get3A_2640 = vector.shape_cast %get3A_2639 : vector<1x16xf32> to vector<16xf32>
      %add3A_2641 = arith.addf %add3A_2593, %get3A_2640 : vector<16xf32>
      %get3A_2642 = arith.constant 6 : i32
      %get3A_2643 = arith.index_cast %get3A_2642 : i32 to index
      %get3A_2644 = arith.constant 16 : index
      %get3A_2645 = tpu.vector_load %arg8[%get3A_2643, %get3A_2644] {strides = array<i32>} : memref<104x32xf32, #tpu.memory_space<vmem>>, vector<1x16xf32>,
      %get3A_2646 = vector.shape_cast %get3A_2645 : vector<1x16xf32> to vector<16xf32>
      %add3A_2647 = arith.addf %add3A_2599, %get3A_2646 : vector<16xf32>
      %get3A_2648 = arith.constant 7 : i32
      %get3A_2649 = arith.index_cast %get3A_2648 : i32 to index
      %get3A_2650 = arith.constant 0 : index
      %get3A_2651 = tpu.vector_load %arg8[%get3A_2649, %get3A_2650] {strides = array<i32>} : memref<104x32xf32, #tpu.memory_space<vmem>>, vector<1x16xf32>,
      %get3A_2652 = vector.shape_cast %get3A_2651 : vector<1x16xf32> to vector<16xf32>
      %add3A_2653 = arith.addf %add3A_2605, %get3A_2652 : vector<16xf32>
      %get3A_2654 = arith.constant 7 : i32
      %get3A_2655 = arith.index_cast %get3A_2654 : i32 to index
      %get3A_2656 = arith.constant 16 : index
      %get3A_2657 = tpu.vector_load %arg8[%get3A_2655, %get3A_2656] {strides = array<i32>} : memref<104x32xf32, #tpu.memory_space<vmem>>, vector<1x16xf32>,
      %get3A_2658 = vector.shape_cast %get3A_2657 : vector<1x16xf32> to vector<16xf32>
      %add3A_2659 = arith.addf %add3A_2611, %get3A_2658 : vector<16xf32>
      %get3A_2660 = arith.constant 6 : i32
      %get3A_2661 = arith.index_cast %get3A_2660 : i32 to index
      %get3A_2662 = arith.constant 0 : index
      %get3A_2663 = tpu.vector_load %arg9[%get3A_2661, %get3A_2662] {strides = array<i32>} : memref<104x32xf32, #tpu.memory_space<vmem>>, vector<1x16xf32>,
      %get3A_2664 = vector.shape_cast %get3A_2663 : vector<1x16xf32> to vector<16xf32>
      %add3A_2665 = arith.addf %add3A_2617, %get3A_2664 : vector<16xf32>
      %get3A_2666 = arith.constant 6 : i32
      %get3A_2667 = arith.index_cast %get3A_2666 : i32 to index
      %get3A_2668 = arith.constant 16 : index
      %get3A_2669 = tpu.vector_load %arg9[%get3A_2667, %get3A_2668] {strides = array<i32>} : memref<104x32xf32, #tpu.memory_space<vmem>>, vector<1x16xf32>,
      %get3A_2670 = vector.shape_cast %get3A_2669 : vector<1x16xf32> to vector<16xf32>
      %add3A_2671 = arith.addf %add3A_2623, %get3A_2670 : vector<16xf32>
      %get3A_2672 = arith.constant 7 : i32
      %get3A_2673 = arith.index_cast %get3A_2672 : i32 to index
      %get3A_2674 = arith.constant 0 : index
      %get3A_2675 = tpu.vector_load %arg9[%get3A_2673, %get3A_2674] {strides = array<i32>} : memref<104x32xf32, #tpu.memory_space<vmem>>, vector<1x16xf32>,
      %get3A_2676 = vector.shape_cast %get3A_2675 : vector<1x16xf32> to vector<16xf32>
      %add3A_2677 = arith.addf %add3A_2629, %get3A_2676 : vector<16xf32>
      %get3A_2678 = arith.constant 7 : i32
      %get3A_2679 = arith.index_cast %get3A_2678 : i32 to index
      %get3A_2680 = arith.constant 16 : index
      %get3A_2681 = tpu.vector_load %arg9[%get3A_2679, %get3A_2680] {strides = array<i32>} : memref<104x32xf32, #tpu.memory_space<vmem>>, vector<1x16xf32>,
      %get3A_2682 = vector.shape_cast %get3A_2681 : vector<1x16xf32> to vector<16xf32>
      %add3A_2683 = arith.addf %add3A_2635, %get3A_2682 : vector<16xf32>
      %get3A_2684 = arith.constant 8 : i32
      %get3A_2685 = arith.index_cast %get3A_2684 : i32 to index
      %get3A_2686 = arith.constant 0 : index
      %get3A_2687 = tpu.vector_load %arg8[%get3A_2685, %get3A_2686] {strides = array<i32>} : memref<104x32xf32, #tpu.memory_space<vmem>>, vector<1x16xf32>,
      %get3A_2688 = vector.shape_cast %get3A_2687 : vector<1x16xf32> to vector<16xf32>
      %add3A_2689 = arith.addf %add3A_2641, %get3A_2688 : vector<16xf32>
      %get3A_2690 = arith.constant 8 : i32
      %get3A_2691 = arith.index_cast %get3A_2690 : i32 to index
      %get3A_2692 = arith.constant 16 : index
      %get3A_2693 = tpu.vector_load %arg8[%get3A_2691, %get3A_2692] {strides = array<i32>} : memref<104x32xf32, #tpu.memory_space<vmem>>, vector<1x16xf32>,
      %get3A_2694 = vector.shape_cast %get3A_2693 : vector<1x16xf32> to vector<16xf32>
      %add3A_2695 = arith.addf %add3A_2647, %get3A_2694 : vector<16xf32>
      %get3A_2696 = arith.constant 9 : i32
      %get3A_2697 = arith.index_cast %get3A_2696 : i32 to index
      %get3A_2698 = arith.constant 0 : index
      %get3A_2699 = tpu.vector_load %arg8[%get3A_2697, %get3A_2698] {strides = array<i32>} : memref<104x32xf32, #tpu.memory_space<vmem>>, vector<1x16xf32>,
      %get3A_2700 = vector.shape_cast %get3A_2699 : vector<1x16xf32> to vector<16xf32>
      %add3A_2701 = arith.addf %add3A_2653, %get3A_2700 : vector<16xf32>
      %get3A_2702 = arith.constant 9 : i32
      %get3A_2703 = arith.index_cast %get3A_2702 : i32 to index
      %get3A_2704 = arith.constant 16 : index
      %get3A_2705 = tpu.vector_load %arg8[%get3A_2703, %get3A_2704] {strides = array<i32>} : memref<104x32xf32, #tpu.memory_space<vmem>>, vector<1x16xf32>,
      %get3A_2706 = vector.shape_cast %get3A_2705 : vector<1x16xf32> to vector<16xf32>
      %add3A_2707 = arith.addf %add3A_2659, %get3A_2706 : vector<16xf32>
      %get3A_2708 = arith.constant 8 : i32
      %get3A_2709 = arith.index_cast %get3A_2708 : i32 to index
      %get3A_2710 = arith.constant 0 : index
      %get3A_2711 = tpu.vector_load %arg9[%get3A_2709, %get3A_2710] {strides = array<i32>} : memref<104x32xf32, #tpu.memory_space<vmem>>, vector<1x16xf32>,
      %get3A_2712 = vector.shape_cast %get3A_2711 : vector<1x16xf32> to vector<16xf32>
      %add3A_2713 = arith.addf %add3A_2665, %get3A_2712 : vector<16xf32>
      %get3A_2714 = arith.constant 8 : i32
      %get3A_2715 = arith.index_cast %get3A_2714 : i32 to index
      %get3A_2716 = arith.constant 16 : index
      %get3A_2717 = tpu.vector_load %arg9[%get3A_2715, %get3A_2716] {strides = array<i32>} : memref<104x32xf32, #tpu.memory_space<vmem>>, vector<1x16xf32>,
      %get3A_2718 = vector.shape_cast %get3A_2717 : vector<1x16xf32> to vector<16xf32>
      %add3A_2719 = arith.addf %add3A_2671, %get3A_2718 : vector<16xf32>
      %get3A_2720 = arith.constant 9 : i32
      %get3A_2721 = arith.index_cast %get3A_2720 : i32 to index
      %get3A_2722 = arith.constant 0 : index
      %get3A_2723 = tpu.vector_load %arg9[%get3A_2721, %get3A_2722] {strides = array<i32>} : memref<104x32xf32, #tpu.memory_space<vmem>>, vector<1x16xf32>,
      %get3A_2724 = vector.shape_cast %get3A_2723 : vector<1x16xf32> to vector<16xf32>
      %add3A_2725 = arith.addf %add3A_2677, %get3A_2724 : vector<16xf32>
      %get3A_2726 = arith.constant 9 : i32
      %get3A_2727 = arith.index_cast %get3A_2726 : i32 to index
      %get3A_2728 = arith.constant 16 : index
      %get3A_2729 = tpu.vector_load %arg9[%get3A_2727, %get3A_2728] {strides = array<i32>} : memref<104x32xf32, #tpu.memory_space<vmem>>, vector<1x16xf32>,
      %get3A_2730 = vector.shape_cast %get3A_2729 : vector<1x16xf32> to vector<16xf32>
      %add3A_2731 = arith.addf %add3A_2683, %get3A_2730 : vector<16xf32>
      %get3A_2732 = arith.constant 10 : i32
      %get3A_2733 = arith.index_cast %get3A_2732 : i32 to index
      %get3A_2734 = arith.constant 0 : index
      %get3A_2735 = tpu.vector_load %arg8[%get3A_2733, %get3A_2734] {strides = array<i32>} : memref<104x32xf32, #tpu.memory_space<vmem>>, vector<1x16xf32>,
      %get3A_2736 = vector.shape_cast %get3A_2735 : vector<1x16xf32> to vector<16xf32>
      %add3A_2737 = arith.addf %add3A_2689, %get3A_2736 : vector<16xf32>
      %get3A_2738 = arith.constant 10 : i32
      %get3A_2739 = arith.index_cast %get3A_2738 : i32 to index
      %get3A_2740 = arith.constant 16 : index
      %get3A_2741 = tpu.vector_load %arg8[%get3A_2739, %get3A_2740] {strides = array<i32>} : memref<104x32xf32, #tpu.memory_space<vmem>>, vector<1x16xf32>,
      %get3A_2742 = vector.shape_cast %get3A_2741 : vector<1x16xf32> to vector<16xf32>
      %add3A_2743 = arith.addf %add3A_2695, %get3A_2742 : vector<16xf32>
      %get3A_2744 = arith.constant 11 : i32
      %get3A_2745 = arith.index_cast %get3A_2744 : i32 to index
      %get3A_2746 = arith.constant 0 : index
      %get3A_2747 = tpu.vector_load %arg8[%get3A_2745, %get3A_2746] {strides = array<i32>} : memref<104x32xf32, #tpu.memory_space<vmem>>, vector<1x16xf32>,
      %get3A_2748 = vector.shape_cast %get3A_2747 : vector<1x16xf32> to vector<16xf32>
      %add3A_2749 = arith.addf %add3A_2701, %get3A_2748 : vector<16xf32>
      %get3A_2750 = arith.constant 11 : i32
      %get3A_2751 = arith.index_cast %get3A_2750 : i32 to index
      %get3A_2752 = arith.constant 16 : index
      %get3A_2753 = tpu.vector_load %arg8[%get3A_2751, %get3A_2752] {strides = array<i32>} : memref<104x32xf32, #tpu.memory_space<vmem>>, vector<1x16xf32>,
      %get3A_2754 = vector.shape_cast %get3A_2753 : vector<1x16xf32> to vector<16xf32>
      %add3A_2755 = arith.addf %add3A_2707, %get3A_2754 : vector<16xf32>
      %get3A_2756 = arith.constant 10 : i32
      %get3A_2757 = arith.index_cast %get3A_2756 : i32 to index
      %get3A_2758 = arith.constant 0 : index
      %get3A_2759 = tpu.vector_load %arg9[%get3A_2757, %get3A_2758] {strides = array<i32>} : memref<104x32xf32, #tpu.memory_space<vmem>>, vector<1x16xf32>,
      %get3A_2760 = vector.shape_cast %get3A_2759 : vector<1x16xf32> to vector<16xf32>
      %add3A_2761 = arith.addf %add3A_2713, %get3A_2760 : vector<16xf32>
      %get3A_2762 = arith.constant 10 : i32
      %get3A_2763 = arith.index_cast %get3A_2762 : i32 to index
      %get3A_2764 = arith.constant 16 : index
      %get3A_2765 = tpu.vector_load %arg9[%get3A_2763, %get3A_2764] {strides = array<i32>} : memref<104x32xf32, #tpu.memory_space<vmem>>, vector<1x16xf32>,
      %get3A_2766 = vector.shape_cast %get3A_2765 : vector<1x16xf32> to vector<16xf32>
      %add3A_2767 = arith.addf %add3A_2719, %get3A_2766 : vector<16xf32>
      %get3A_2768 = arith.constant 11 : i32
      %get3A_2769 = arith.index_cast %get3A_2768 : i32 to index
      %get3A_2770 = arith.constant 0 : index
      %get3A_2771 = tpu.vector_load %arg9[%get3A_2769, %get3A_2770] {strides = array<i32>} : memref<104x32xf32, #tpu.memory_space<vmem>>, vector<1x16xf32>,
      %get3A_2772 = vector.shape_cast %get3A_2771 : vector<1x16xf32> to vector<16xf32>
      %add3A_2773 = arith.addf %add3A_2725, %get3A_2772 : vector<16xf32>
      %get3A_2774 = arith.constant 11 : i32
      %get3A_2775 = arith.index_cast %get3A_2774 : i32 to index
      %get3A_2776 = arith.constant 16 : index
      %get3A_2777 = tpu.vector_load %arg9[%get3A_2775, %get3A_2776] {strides = array<i32>} : memref<104x32xf32, #tpu.memory_space<vmem>>, vector<1x16xf32>,
      %get3A_2778 = vector.shape_cast %get3A_2777 : vector<1x16xf32> to vector<16xf32>
      %add3A_2779 = arith.addf %add3A_2731, %get3A_2778 : vector<16xf32>
      %get3A_2780 = arith.constant 12 : i32
      %get3A_2781 = arith.index_cast %get3A_2780 : i32 to index
      %get3A_2782 = arith.constant 0 : index
      %get3A_2783 = tpu.vector_load %arg8[%get3A_2781, %get3A_2782] {strides = array<i32>} : memref<104x32xf32, #tpu.memory_space<vmem>>, vector<1x16xf32>,
      %get3A_2784 = vector.shape_cast %get3A_2783 : vector<1x16xf32> to vector<16xf32>
      %add3A_2785 = arith.addf %add3A_2737, %get3A_2784 : vector<16xf32>
      %get3A_2786 = arith.constant 12 : i32
      %get3A_2787 = arith.index_cast %get3A_2786 : i32 to index
      %get3A_2788 = arith.constant 16 : index
      %get3A_2789 = tpu.vector_load %arg8[%get3A_2787, %get3A_2788] {strides = array<i32>} : memref<104x32xf32, #tpu.memory_space<vmem>>, vector<1x16xf32>,
      %get3A_2790 = vector.shape_cast %get3A_2789 : vector<1x16xf32> to vector<16xf32>
      %add3A_2791 = arith.addf %add3A_2743, %get3A_2790 : vector<16xf32>
      %get3A_2792 = arith.constant 13 : i32
      %get3A_2793 = arith.index_cast %get3A_2792 : i32 to index
      %get3A_2794 = arith.constant 0 : index
      %get3A_2795 = tpu.vector_load %arg8[%get3A_2793, %get3A_2794] {strides = array<i32>} : memref<104x32xf32, #tpu.memory_space<vmem>>, vector<1x16xf32>,
      %get3A_2796 = vector.shape_cast %get3A_2795 : vector<1x16xf32> to vector<16xf32>
      %add3A_2797 = arith.addf %add3A_2749, %get3A_2796 : vector<16xf32>
      %get3A_2798 = arith.constant 13 : i32
      %get3A_2799 = arith.index_cast %get3A_2798 : i32 to index
      %get3A_2800 = arith.constant 16 : index
      %get3A_2801 = tpu.vector_load %arg8[%get3A_2799, %get3A_2800] {strides = array<i32>} : memref<104x32xf32, #tpu.memory_space<vmem>>, vector<1x16xf32>,
      %get3A_2802 = vector.shape_cast %get3A_2801 : vector<1x16xf32> to vector<16xf32>
      %add3A_2803 = arith.addf %add3A_2755, %get3A_2802 : vector<16xf32>
      %get3A_2804 = arith.constant 12 : i32
      %get3A_2805 = arith.index_cast %get3A_2804 : i32 to index
      %get3A_2806 = arith.constant 0 : index
      %get3A_2807 = tpu.vector_load %arg9[%get3A_2805, %get3A_2806] {strides = array<i32>} : memref<104x32xf32, #tpu.memory_space<vmem>>, vector<1x16xf32>,
      %get3A_2808 = vector.shape_cast %get3A_2807 : vector<1x16xf32> to vector<16xf32>
      %add3A_2809 = arith.addf %add3A_2761, %get3A_2808 : vector<16xf32>
      %get3A_2810 = arith.constant 12 : i32
      %get3A_2811 = arith.index_cast %get3A_2810 : i32 to index
      %get3A_2812 = arith.constant 16 : index
      %get3A_2813 = tpu.vector_load %arg9[%get3A_2811, %get3A_2812] {strides = array<i32>} : memref<104x32xf32, #tpu.memory_space<vmem>>, vector<1x16xf32>,
      %get3A_2814 = vector.shape_cast %get3A_2813 : vector<1x16xf32> to vector<16xf32>
      %add3A_2815 = arith.addf %add3A_2767, %get3A_2814 : vector<16xf32>
      %get3A_2816 = arith.constant 13 : i32
      %get3A_2817 = arith.index_cast %get3A_2816 : i32 to index
      %get3A_2818 = arith.constant 0 : index
      %get3A_2819 = tpu.vector_load %arg9[%get3A_2817, %get3A_2818] {strides = array<i32>} : memref<104x32xf32, #tpu.memory_space<vmem>>, vector<1x16xf32>,
      %get3A_2820 = vector.shape_cast %get3A_2819 : vector<1x16xf32> to vector<16xf32>
      %add3A_2821 = arith.addf %add3A_2773, %get3A_2820 : vector<16xf32>
      %get3A_2822 = arith.constant 13 : i32
      %get3A_2823 = arith.index_cast %get3A_2822 : i32 to index
      %get3A_2824 = arith.constant 16 : index
      %get3A_2825 = tpu.vector_load %arg9[%get3A_2823, %get3A_2824] {strides = array<i32>} : memref<104x32xf32, #tpu.memory_space<vmem>>, vector<1x16xf32>,
      %get3A_2826 = vector.shape_cast %get3A_2825 : vector<1x16xf32> to vector<16xf32>
      %add3A_2827 = arith.addf %add3A_2779, %get3A_2826 : vector<16xf32>
      %get3A_2828 = arith.constant 14 : i32
      %get3A_2829 = arith.index_cast %get3A_2828 : i32 to index
      %get3A_2830 = arith.constant 0 : index
      %get3A_2831 = tpu.vector_load %arg8[%get3A_2829, %get3A_2830] {strides = array<i32>} : memref<104x32xf32, #tpu.memory_space<vmem>>, vector<1x16xf32>,
      %get3A_2832 = vector.shape_cast %get3A_2831 : vector<1x16xf32> to vector<16xf32>
      %add3A_2833 = arith.addf %add3A_2785, %get3A_2832 : vector<16xf32>
      %get3A_2834 = arith.constant 14 : i32
      %get3A_2835 = arith.index_cast %get3A_2834 : i32 to index
      %get3A_2836 = arith.constant 16 : index
      %get3A_2837 = tpu.vector_load %arg8[%get3A_2835, %get3A_2836] {strides = array<i32>} : memref<104x32xf32, #tpu.memory_space<vmem>>, vector<1x16xf32>,
      %get3A_2838 = vector.shape_cast %get3A_2837 : vector<1x16xf32> to vector<16xf32>
      %add3A_2839 = arith.addf %add3A_2791, %get3A_2838 : vector<16xf32>
      %get3A_2840 = arith.constant 15 : i32
      %get3A_2841 = arith.index_cast %get3A_2840 : i32 to index
      %get3A_2842 = arith.constant 0 : index
      %get3A_2843 = tpu.vector_load %arg8[%get3A_2841, %get3A_2842] {strides = array<i32>} : memref<104x32xf32, #tpu.memory_space<vmem>>, vector<1x16xf32>,
      %get3A_2844 = vector.shape_cast %get3A_2843 : vector<1x16xf32> to vector<16xf32>
      %add3A_2845 = arith.addf %add3A_2797, %get3A_2844 : vector<16xf32>
      %get3A_2846 = arith.constant 15 : i32
      %get3A_2847 = arith.index_cast %get3A_2846 : i32 to index
      %get3A_2848 = arith.constant 16 : index
      %get3A_2849 = tpu.vector_load %arg8[%get3A_2847, %get3A_2848] {strides = array<i32>} : memref<104x32xf32, #tpu.memory_space<vmem>>, vector<1x16xf32>,
      %get3A_2850 = vector.shape_cast %get3A_2849 : vector<1x16xf32> to vector<16xf32>
      %add3A_2851 = arith.addf %add3A_2803, %get3A_2850 : vector<16xf32>
      %get3A_2852 = arith.constant 14 : i32
      %get3A_2853 = arith.index_cast %get3A_2852 : i32 to index
      %get3A_2854 = arith.constant 0 : index
      %get3A_2855 = tpu.vector_load %arg9[%get3A_2853, %get3A_2854] {strides = array<i32>} : memref<104x32xf32, #tpu.memory_space<vmem>>, vector<1x16xf32>,
      %get3A_2856 = vector.shape_cast %get3A_2855 : vector<1x16xf32> to vector<16xf32>
      %add3A_2857 = arith.addf %add3A_2809, %get3A_2856 : vector<16xf32>
      %get3A_2858 = arith.constant 14 : i32
      %get3A_2859 = arith.index_cast %get3A_2858 : i32 to index
      %get3A_2860 = arith.constant 16 : index
      %get3A_2861 = tpu.vector_load %arg9[%get3A_2859, %get3A_2860] {strides = array<i32>} : memref<104x32xf32, #tpu.memory_space<vmem>>, vector<1x16xf32>,
      %get3A_2862 = vector.shape_cast %get3A_2861 : vector<1x16xf32> to vector<16xf32>
      %add3A_2863 = arith.addf %add3A_2815, %get3A_2862 : vector<16xf32>
      %get3A_2864 = arith.constant 15 : i32
      %get3A_2865 = arith.index_cast %get3A_2864 : i32 to index
      %get3A_2866 = arith.constant 0 : index
      %get3A_2867 = tpu.vector_load %arg9[%get3A_2865, %get3A_2866] {strides = array<i32>} : memref<104x32xf32, #tpu.memory_space<vmem>>, vector<1x16xf32>,
      %get3A_2868 = vector.shape_cast %get3A_2867 : vector<1x16xf32> to vector<16xf32>
      %add3A_2869 = arith.addf %add3A_2821, %get3A_2868 : vector<16xf32>
      %get3A_2870 = arith.constant 15 : i32
      %get3A_2871 = arith.index_cast %get3A_2870 : i32 to index
      %get3A_2872 = arith.constant 16 : index
      %get3A_2873 = tpu.vector_load %arg9[%get3A_2871, %get3A_2872] {strides = array<i32>} : memref<104x32xf32, #tpu.memory_space<vmem>>, vector<1x16xf32>,
      %get3A_2874 = vector.shape_cast %get3A_2873 : vector<1x16xf32> to vector<16xf32>
      %add3A_2875 = arith.addf %add3A_2827, %get3A_2874 : vector<16xf32>
      %get3A_2876 = arith.constant 16 : i32
      %get3A_2877 = arith.index_cast %get3A_2876 : i32 to index
      %get3A_2878 = arith.constant 0 : index
      %get3A_2879 = tpu.vector_load %arg8[%get3A_2877, %get3A_2878] {strides = array<i32>} : memref<104x32xf32, #tpu.memory_space<vmem>>, vector<1x16xf32>,
      %get3A_2880 = vector.shape_cast %get3A_2879 : vector<1x16xf32> to vector<16xf32>
      %add3A_2881 = arith.addf %add3A_2833, %get3A_2880 : vector<16xf32>
      %get3A_2882 = arith.constant 16 : i32
      %get3A_2883 = arith.index_cast %get3A_2882 : i32 to index
      %get3A_2884 = arith.constant 16 : index
      %get3A_2885 = tpu.vector_load %arg8[%get3A_2883, %get3A_2884] {strides = array<i32>} : memref<104x32xf32, #tpu.memory_space<vmem>>, vector<1x16xf32>,
      %get3A_2886 = vector.shape_cast %get3A_2885 : vector<1x16xf32> to vector<16xf32>
      %add3A_2887 = arith.addf %add3A_2839, %get3A_2886 : vector<16xf32>
      %get3A_2888 = arith.constant 17 : i32
      %get3A_2889 = arith.index_cast %get3A_2888 : i32 to index
      %get3A_2890 = arith.constant 0 : index
      %get3A_2891 = tpu.vector_load %arg8[%get3A_2889, %get3A_2890] {strides = array<i32>} : memref<104x32xf32, #tpu.memory_space<vmem>>, vector<1x16xf32>,
      %get3A_2892 = vector.shape_cast %get3A_2891 : vector<1x16xf32> to vector<16xf32>
      %add3A_2893 = arith.addf %add3A_2845, %get3A_2892 : vector<16xf32>
      %get3A_2894 = arith.constant 17 : i32
      %get3A_2895 = arith.index_cast %get3A_2894 : i32 to index
      %get3A_2896 = arith.constant 16 : index
      %get3A_2897 = tpu.vector_load %arg8[%get3A_2895, %get3A_2896] {strides = array<i32>} : memref<104x32xf32, #tpu.memory_space<vmem>>, vector<1x16xf32>,
      %get3A_2898 = vector.shape_cast %get3A_2897 : vector<1x16xf32> to vector<16xf32>
      %add3A_2899 = arith.addf %add3A_2851, %get3A_2898 : vector<16xf32>
      %get3A_2900 = arith.constant 16 : i32
      %get3A_2901 = arith.index_cast %get3A_2900 : i32 to index
      %get3A_2902 = arith.constant 0 : index
      %get3A_2903 = tpu.vector_load %arg9[%get3A_2901, %get3A_2902] {strides = array<i32>} : memref<104x32xf32, #tpu.memory_space<vmem>>, vector<1x16xf32>,
      %get3A_2904 = vector.shape_cast %get3A_2903 : vector<1x16xf32> to vector<16xf32>
      %add3A_2905 = arith.addf %add3A_2857, %get3A_2904 : vector<16xf32>
      %get3A_2906 = arith.constant 16 : i32
      %get3A_2907 = arith.index_cast %get3A_2906 : i32 to index
      %get3A_2908 = arith.constant 16 : index
      %get3A_2909 = tpu.vector_load %arg9[%get3A_2907, %get3A_2908] {strides = array<i32>} : memref<104x32xf32, #tpu.memory_space<vmem>>, vector<1x16xf32>,
      %get3A_2910 = vector.shape_cast %get3A_2909 : vector<1x16xf32> to vector<16xf32>
      %add3A_2911 = arith.addf %add3A_2863, %get3A_2910 : vector<16xf32>
      %get3A_2912 = arith.constant 17 : i32
      %get3A_2913 = arith.index_cast %get3A_2912 : i32 to index
      %get3A_2914 = arith.constant 0 : index
      %get3A_2915 = tpu.vector_load %arg9[%get3A_2913, %get3A_2914] {strides = array<i32>} : memref<104x32xf32, #tpu.memory_space<vmem>>, vector<1x16xf32>,
      %get3A_2916 = vector.shape_cast %get3A_2915 : vector<1x16xf32> to vector<16xf32>
      %add3A_2917 = arith.addf %add3A_2869, %get3A_2916 : vector<16xf32>
      %get3A_2918 = arith.constant 17 : i32
      %get3A_2919 = arith.index_cast %get3A_2918 : i32 to index
      %get3A_2920 = arith.constant 16 : index
      %get3A_2921 = tpu.vector_load %arg9[%get3A_2919, %get3A_2920] {strides = array<i32>} : memref<104x32xf32, #tpu.memory_space<vmem>>, vector<1x16xf32>,
      %get3A_2922 = vector.shape_cast %get3A_2921 : vector<1x16xf32> to vector<16xf32>
      %add3A_2923 = arith.addf %add3A_2875, %get3A_2922 : vector<16xf32>
      %get3A_2924 = arith.constant 18 : i32
      %get3A_2925 = arith.index_cast %get3A_2924 : i32 to index
      %get3A_2926 = arith.constant 0 : index
      %get3A_2927 = tpu.vector_load %arg8[%get3A_2925, %get3A_2926] {strides = array<i32>} : memref<104x32xf32, #tpu.memory_space<vmem>>, vector<1x16xf32>,
      %get3A_2928 = vector.shape_cast %get3A_2927 : vector<1x16xf32> to vector<16xf32>
      %add3A_2929 = arith.addf %add3A_2881, %get3A_2928 : vector<16xf32>
      %get3A_2930 = arith.constant 18 : i32
      %get3A_2931 = arith.index_cast %get3A_2930 : i32 to index
      %get3A_2932 = arith.constant 16 : index
      %get3A_2933 = tpu.vector_load %arg8[%get3A_2931, %get3A_2932] {strides = array<i32>} : memref<104x32xf32, #tpu.memory_space<vmem>>, vector<1x16xf32>,
      %get3A_2934 = vector.shape_cast %get3A_2933 : vector<1x16xf32> to vector<16xf32>
      %add3A_2935 = arith.addf %add3A_2887, %get3A_2934 : vector<16xf32>
      %get3A_2936 = arith.constant 19 : i32
      %get3A_2937 = arith.index_cast %get3A_2936 : i32 to index
      %get3A_2938 = arith.constant 0 : index
      %get3A_2939 = tpu.vector_load %arg8[%get3A_2937, %get3A_2938] {strides = array<i32>} : memref<104x32xf32, #tpu.memory_space<vmem>>, vector<1x16xf32>,
      %get3A_2940 = vector.shape_cast %get3A_2939 : vector<1x16xf32> to vector<16xf32>
      %add3A_2941 = arith.addf %add3A_2893, %get3A_2940 : vector<16xf32>
      %get3A_2942 = arith.constant 19 : i32
      %get3A_2943 = arith.index_cast %get3A_2942 : i32 to index
      %get3A_2944 = arith.constant 16 : index
      %get3A_2945 = tpu.vector_load %arg8[%get3A_2943, %get3A_2944] {strides = array<i32>} : memref<104x32xf32, #tpu.memory_space<vmem>>, vector<1x16xf32>,
      %get3A_2946 = vector.shape_cast %get3A_2945 : vector<1x16xf32> to vector<16xf32>
      %add3A_2947 = arith.addf %add3A_2899, %get3A_2946 : vector<16xf32>
      %get3A_2948 = arith.constant 18 : i32
      %get3A_2949 = arith.index_cast %get3A_2948 : i32 to index
      %get3A_2950 = arith.constant 0 : index
      %get3A_2951 = tpu.vector_load %arg9[%get3A_2949, %get3A_2950] {strides = array<i32>} : memref<104x32xf32, #tpu.memory_space<vmem>>, vector<1x16xf32>,
      %get3A_2952 = vector.shape_cast %get3A_2951 : vector<1x16xf32> to vector<16xf32>
      %add3A_2953 = arith.addf %add3A_2905, %get3A_2952 : vector<16xf32>
      %get3A_2954 = arith.constant 18 : i32
      %get3A_2955 = arith.index_cast %get3A_2954 : i32 to index
      %get3A_2956 = arith.constant 16 : index
      %get3A_2957 = tpu.vector_load %arg9[%get3A_2955, %get3A_2956] {strides = array<i32>} : memref<104x32xf32, #tpu.memory_space<vmem>>, vector<1x16xf32>,
      %get3A_2958 = vector.shape_cast %get3A_2957 : vector<1x16xf32> to vector<16xf32>
      %add3A_2959 = arith.addf %add3A_2911, %get3A_2958 : vector<16xf32>
      %get3A_2960 = arith.constant 19 : i32
      %get3A_2961 = arith.index_cast %get3A_2960 : i32 to index
      %get3A_2962 = arith.constant 0 : index
      %get3A_2963 = tpu.vector_load %arg9[%get3A_2961, %get3A_2962] {strides = array<i32>} : memref<104x32xf32, #tpu.memory_space<vmem>>, vector<1x16xf32>,
      %get3A_2964 = vector.shape_cast %get3A_2963 : vector<1x16xf32> to vector<16xf32>
      %add3A_2965 = arith.addf %add3A_2917, %get3A_2964 : vector<16xf32>
      %get3A_2966 = arith.constant 19 : i32
      %get3A_2967 = arith.index_cast %get3A_2966 : i32 to index
      %get3A_2968 = arith.constant 16 : index
      %get3A_2969 = tpu.vector_load %arg9[%get3A_2967, %get3A_2968] {strides = array<i32>} : memref<104x32xf32, #tpu.memory_space<vmem>>, vector<1x16xf32>,
      %get3A_2970 = vector.shape_cast %get3A_2969 : vector<1x16xf32> to vector<16xf32>
      %add3A_2971 = arith.addf %add3A_2923, %get3A_2970 : vector<16xf32>
      %get3A_2972 = arith.constant 20 : i32
      %get3A_2973 = arith.index_cast %get3A_2972 : i32 to index
      %get3A_2974 = arith.constant 0 : index
      %get3A_2975 = tpu.vector_load %arg8[%get3A_2973, %get3A_2974] {strides = array<i32>} : memref<104x32xf32, #tpu.memory_space<vmem>>, vector<1x16xf32>,
      %get3A_2976 = vector.shape_cast %get3A_2975 : vector<1x16xf32> to vector<16xf32>
      %add3A_2977 = arith.addf %add3A_2929, %get3A_2976 : vector<16xf32>
      %get3A_2978 = arith.constant 20 : i32
      %get3A_2979 = arith.index_cast %get3A_2978 : i32 to index
      %get3A_2980 = arith.constant 16 : index
      %get3A_2981 = tpu.vector_load %arg8[%get3A_2979, %get3A_2980] {strides = array<i32>} : memref<104x32xf32, #tpu.memory_space<vmem>>, vector<1x16xf32>,
      %get3A_2982 = vector.shape_cast %get3A_2981 : vector<1x16xf32> to vector<16xf32>
      %add3A_2983 = arith.addf %add3A_2935, %get3A_2982 : vector<16xf32>
      %get3A_2984 = arith.constant 21 : i32
      %get3A_2985 = arith.index_cast %get3A_2984 : i32 to index
      %get3A_2986 = arith.constant 0 : index
      %get3A_2987 = tpu.vector_load %arg8[%get3A_2985, %get3A_2986] {strides = array<i32>} : memref<104x32xf32, #tpu.memory_space<vmem>>, vector<1x16xf32>,
      %get3A_2988 = vector.shape_cast %get3A_2987 : vector<1x16xf32> to vector<16xf32>
      %add3A_2989 = arith.addf %add3A_2941, %get3A_2988 : vector<16xf32>
      %get3A_2990 = arith.constant 21 : i32
      %get3A_2991 = arith.index_cast %get3A_2990 : i32 to index
      %get3A_2992 = arith.constant 16 : index
      %get3A_2993 = tpu.vector_load %arg8[%get3A_2991, %get3A_2992] {strides = array<i32>} : memref<104x32xf32, #tpu.memory_space<vmem>>, vector<1x16xf32>,
      %get3A_2994 = vector.shape_cast %get3A_2993 : vector<1x16xf32> to vector<16xf32>
      %add3A_2995 = arith.addf %add3A_2947, %get3A_2994 : vector<16xf32>
      %get3A_2996 = arith.constant 20 : i32
      %get3A_2997 = arith.index_cast %get3A_2996 : i32 to index
      %get3A_2998 = arith.constant 0 : index
      %get3A_2999 = tpu.vector_load %arg9[%get3A_2997, %get3A_2998] {strides = array<i32>} : memref<104x32xf32, #tpu.memory_space<vmem>>, vector<1x16xf32>,
      %get3A_3000 = vector.shape_cast %get3A_2999 : vector<1x16xf32> to vector<16xf32>
      %add3A_3001 = arith.addf %add3A_2953, %get3A_3000 : vector<16xf32>
      %get3A_3002 = arith.constant 20 : i32
      %get3A_3003 = arith.index_cast %get3A_3002 : i32 to index
      %get3A_3004 = arith.constant 16 : index
      %get3A_3005 = tpu.vector_load %arg9[%get3A_3003, %get3A_3004] {strides = array<i32>} : memref<104x32xf32, #tpu.memory_space<vmem>>, vector<1x16xf32>,
      %get3A_3006 = vector.shape_cast %get3A_3005 : vector<1x16xf32> to vector<16xf32>
      %add3A_3007 = arith.addf %add3A_2959, %get3A_3006 : vector<16xf32>
      %get3A_3008 = arith.constant 21 : i32
      %get3A_3009 = arith.index_cast %get3A_3008 : i32 to index
      %get3A_3010 = arith.constant 0 : index
      %get3A_3011 = tpu.vector_load %arg9[%get3A_3009, %get3A_3010] {strides = array<i32>} : memref<104x32xf32, #tpu.memory_space<vmem>>, vector<1x16xf32>,
      %get3A_3012 = vector.shape_cast %get3A_3011 : vector<1x16xf32> to vector<16xf32>
      %add3A_3013 = arith.addf %add3A_2965, %get3A_3012 : vector<16xf32>
      %get3A_3014 = arith.constant 21 : i32
      %get3A_3015 = arith.index_cast %get3A_3014 : i32 to index
      %get3A_3016 = arith.constant 16 : index
      %get3A_3017 = tpu.vector_load %arg9[%get3A_3015, %get3A_3016] {strides = array<i32>} : memref<104x32xf32, #tpu.memory_space<vmem>>, vector<1x16xf32>,
      %get3A_3018 = vector.shape_cast %get3A_3017 : vector<1x16xf32> to vector<16xf32>
      %add3A_3019 = arith.addf %add3A_2971, %get3A_3018 : vector<16xf32>
      %get3A_3020 = arith.constant 22 : i32
      %get3A_3021 = arith.index_cast %get3A_3020 : i32 to index
      %get3A_3022 = arith.constant 0 : index
      %get3A_3023 = tpu.vector_load %arg8[%get3A_3021, %get3A_3022] {strides = array<i32>} : memref<104x32xf32, #tpu.memory_space<vmem>>, vector<1x16xf32>,
      %get3A_3024 = vector.shape_cast %get3A_3023 : vector<1x16xf32> to vector<16xf32>
      %add3A_3025 = arith.addf %add3A_2977, %get3A_3024 : vector<16xf32>
      %get3A_3026 = arith.constant 22 : i32
      %get3A_3027 = arith.index_cast %get3A_3026 : i32 to index
      %get3A_3028 = arith.constant 16 : index
      %get3A_3029 = tpu.vector_load %arg8[%get3A_3027, %get3A_3028] {strides = array<i32>} : memref<104x32xf32, #tpu.memory_space<vmem>>, vector<1x16xf32>,
      %get3A_3030 = vector.shape_cast %get3A_3029 : vector<1x16xf32> to vector<16xf32>
      %add3A_3031 = arith.addf %add3A_2983, %get3A_3030 : vector<16xf32>
      %get3A_3032 = arith.constant 23 : i32
      %get3A_3033 = arith.index_cast %get3A_3032 : i32 to index
      %get3A_3034 = arith.constant 0 : index
      %get3A_3035 = tpu.vector_load %arg8[%get3A_3033, %get3A_3034] {strides = array<i32>} : memref<104x32xf32, #tpu.memory_space<vmem>>, vector<1x16xf32>,
      %get3A_3036 = vector.shape_cast %get3A_3035 : vector<1x16xf32> to vector<16xf32>
      %add3A_3037 = arith.addf %add3A_2989, %get3A_3036 : vector<16xf32>
      %get3A_3038 = arith.constant 23 : i32
      %get3A_3039 = arith.index_cast %get3A_3038 : i32 to index
      %get3A_3040 = arith.constant 16 : index
      %get3A_3041 = tpu.vector_load %arg8[%get3A_3039, %get3A_3040] {strides = array<i32>} : memref<104x32xf32, #tpu.memory_space<vmem>>, vector<1x16xf32>,
      %get3A_3042 = vector.shape_cast %get3A_3041 : vector<1x16xf32> to vector<16xf32>
      %add3A_3043 = arith.addf %add3A_2995, %get3A_3042 : vector<16xf32>
      %get3A_3044 = arith.constant 22 : i32
      %get3A_3045 = arith.index_cast %get3A_3044 : i32 to index
      %get3A_3046 = arith.constant 0 : index
      %get3A_3047 = tpu.vector_load %arg9[%get3A_3045, %get3A_3046] {strides = array<i32>} : memref<104x32xf32, #tpu.memory_space<vmem>>, vector<1x16xf32>,
      %get3A_3048 = vector.shape_cast %get3A_3047 : vector<1x16xf32> to vector<16xf32>
      %add3A_3049 = arith.addf %add3A_3001, %get3A_3048 : vector<16xf32>
      %get3A_3050 = arith.constant 22 : i32
      %get3A_3051 = arith.index_cast %get3A_3050 : i32 to index
      %get3A_3052 = arith.constant 16 : index
      %get3A_3053 = tpu.vector_load %arg9[%get3A_3051, %get3A_3052] {strides = array<i32>} : memref<104x32xf32, #tpu.memory_space<vmem>>, vector<1x16xf32>,
      %get3A_3054 = vector.shape_cast %get3A_3053 : vector<1x16xf32> to vector<16xf32>
      %add3A_3055 = arith.addf %add3A_3007, %get3A_3054 : vector<16xf32>
      %get3A_3056 = arith.constant 23 : i32
      %get3A_3057 = arith.index_cast %get3A_3056 : i32 to index
      %get3A_3058 = arith.constant 0 : index
      %get3A_3059 = tpu.vector_load %arg9[%get3A_3057, %get3A_3058] {strides = array<i32>} : memref<104x32xf32, #tpu.memory_space<vmem>>, vector<1x16xf32>,
      %get3A_3060 = vector.shape_cast %get3A_3059 : vector<1x16xf32> to vector<16xf32>
      %add3A_3061 = arith.addf %add3A_3013, %get3A_3060 : vector<16xf32>
      %get3A_3062 = arith.constant 23 : i32
      %get3A_3063 = arith.index_cast %get3A_3062 : i32 to index
      %get3A_3064 = arith.constant 16 : index
      %get3A_3065 = tpu.vector_load %arg9[%get3A_3063, %get3A_3064] {strides = array<i32>} : memref<104x32xf32, #tpu.memory_space<vmem>>, vector<1x16xf32>,
      %get3A_3066 = vector.shape_cast %get3A_3065 : vector<1x16xf32> to vector<16xf32>
      %add3A_3067 = arith.addf %add3A_3019, %get3A_3066 : vector<16xf32>
      %get3A_3068 = arith.constant 24 : i32
      %get3A_3069 = arith.index_cast %get3A_3068 : i32 to index
      %get3A_3070 = arith.constant 0 : index
      %get3A_3071 = tpu.vector_load %arg8[%get3A_3069, %get3A_3070] {strides = array<i32>} : memref<104x32xf32, #tpu.memory_space<vmem>>, vector<1x16xf32>,
      %get3A_3072 = vector.shape_cast %get3A_3071 : vector<1x16xf32> to vector<16xf32>
      %add3A_3073 = arith.addf %add3A_3025, %get3A_3072 : vector<16xf32>
      %get3A_3074 = arith.constant 24 : i32
      %get3A_3075 = arith.index_cast %get3A_3074 : i32 to index
      %get3A_3076 = arith.constant 16 : index
      %get3A_3077 = tpu.vector_load %arg8[%get3A_3075, %get3A_3076] {strides = array<i32>} : memref<104x32xf32, #tpu.memory_space<vmem>>, vector<1x16xf32>,
      %get3A_3078 = vector.shape_cast %get3A_3077 : vector<1x16xf32> to vector<16xf32>
      %add3A_3079 = arith.addf %add3A_3031, %get3A_3078 : vector<16xf32>
      %get3A_3080 = arith.constant 25 : i32
      %get3A_3081 = arith.index_cast %get3A_3080 : i32 to index
      %get3A_3082 = arith.constant 0 : index
      %get3A_3083 = tpu.vector_load %arg8[%get3A_3081, %get3A_3082] {strides = array<i32>} : memref<104x32xf32, #tpu.memory_space<vmem>>, vector<1x16xf32>,
      %get3A_3084 = vector.shape_cast %get3A_3083 : vector<1x16xf32> to vector<16xf32>
      %add3A_3085 = arith.addf %add3A_3037, %get3A_3084 : vector<16xf32>
      %get3A_3086 = arith.constant 25 : i32
      %get3A_3087 = arith.index_cast %get3A_3086 : i32 to index
      %get3A_3088 = arith.constant 16 : index
      %get3A_3089 = tpu.vector_load %arg8[%get3A_3087, %get3A_3088] {strides = array<i32>} : memref<104x32xf32, #tpu.memory_space<vmem>>, vector<1x16xf32>,
      %get3A_3090 = vector.shape_cast %get3A_3089 : vector<1x16xf32> to vector<16xf32>
      %add3A_3091 = arith.addf %add3A_3043, %get3A_3090 : vector<16xf32>
      %get3A_3092 = arith.constant 24 : i32
      %get3A_3093 = arith.index_cast %get3A_3092 : i32 to index
      %get3A_3094 = arith.constant 0 : index
      %get3A_3095 = tpu.vector_load %arg9[%get3A_3093, %get3A_3094] {strides = array<i32>} : memref<104x32xf32, #tpu.memory_space<vmem>>, vector<1x16xf32>,
      %get3A_3096 = vector.shape_cast %get3A_3095 : vector<1x16xf32> to vector<16xf32>
      %add3A_3097 = arith.addf %add3A_3049, %get3A_3096 : vector<16xf32>
      %get3A_3098 = arith.constant 24 : i32
      %get3A_3099 = arith.index_cast %get3A_3098 : i32 to index
      %get3A_3100 = arith.constant 16 : index
      %get3A_3101 = tpu.vector_load %arg9[%get3A_3099, %get3A_3100] {strides = array<i32>} : memref<104x32xf32, #tpu.memory_space<vmem>>, vector<1x16xf32>,
      %get3A_3102 = vector.shape_cast %get3A_3101 : vector<1x16xf32> to vector<16xf32>
      %add3A_3103 = arith.addf %add3A_3055, %get3A_3102 : vector<16xf32>
      %get3A_3104 = arith.constant 25 : i32
      %get3A_3105 = arith.index_cast %get3A_3104 : i32 to index
      %get3A_3106 = arith.constant 0 : index
      %get3A_3107 = tpu.vector_load %arg9[%get3A_3105, %get3A_3106] {strides = array<i32>} : memref<104x32xf32, #tpu.memory_space<vmem>>, vector<1x16xf32>,
      %get3A_3108 = vector.shape_cast %get3A_3107 : vector<1x16xf32> to vector<16xf32>
      %add3A_3109 = arith.addf %add3A_3061, %get3A_3108 : vector<16xf32>
      %get3A_3110 = arith.constant 25 : i32
      %get3A_3111 = arith.index_cast %get3A_3110 : i32 to index
      %get3A_3112 = arith.constant 16 : index
      %get3A_3113 = tpu.vector_load %arg9[%get3A_3111, %get3A_3112] {strides = array<i32>} : memref<104x32xf32, #tpu.memory_space<vmem>>, vector<1x16xf32>,
      %get3A_3114 = vector.shape_cast %get3A_3113 : vector<1x16xf32> to vector<16xf32>
      %add3A_3115 = arith.addf %add3A_3067, %get3A_3114 : vector<16xf32>
      %get3A_3116 = arith.constant 26 : i32
      %get3A_3117 = arith.index_cast %get3A_3116 : i32 to index
      %get3A_3118 = arith.constant 0 : index
      %get3A_3119 = tpu.vector_load %arg8[%get3A_3117, %get3A_3118] {strides = array<i32>} : memref<104x32xf32, #tpu.memory_space<vmem>>, vector<1x16xf32>,
      %get3A_3120 = vector.shape_cast %get3A_3119 : vector<1x16xf32> to vector<16xf32>
      %add3A_3121 = arith.addf %add3A_3073, %get3A_3120 : vector<16xf32>
      %get3A_3122 = arith.constant 26 : i32
      %get3A_3123 = arith.index_cast %get3A_3122 : i32 to index
      %get3A_3124 = arith.constant 16 : index
      %get3A_3125 = tpu.vector_load %arg8[%get3A_3123, %get3A_3124] {strides = array<i32>} : memref<104x32xf32, #tpu.memory_space<vmem>>, vector<1x16xf32>,
      %get3A_3126 = vector.shape_cast %get3A_3125 : vector<1x16xf32> to vector<16xf32>
      %add3A_3127 = arith.addf %add3A_3079, %get3A_3126 : vector<16xf32>
      %get3A_3128 = arith.constant 27 : i32
      %get3A_3129 = arith.index_cast %get3A_3128 : i32 to index
      %get3A_3130 = arith.constant 0 : index
      %get3A_3131 = tpu.vector_load %arg8[%get3A_3129, %get3A_3130] {strides = array<i32>} : memref<104x32xf32, #tpu.memory_space<vmem>>, vector<1x16xf32>,
      %get3A_3132 = vector.shape_cast %get3A_3131 : vector<1x16xf32> to vector<16xf32>
      %add3A_3133 = arith.addf %add3A_3085, %get3A_3132 : vector<16xf32>
      %get3A_3134 = arith.constant 27 : i32
      %get3A_3135 = arith.index_cast %get3A_3134 : i32 to index
      %get3A_3136 = arith.constant 16 : index
      %get3A_3137 = tpu.vector_load %arg8[%get3A_3135, %get3A_3136] {strides = array<i32>} : memref<104x32xf32, #tpu.memory_space<vmem>>, vector<1x16xf32>,
      %get3A_3138 = vector.shape_cast %get3A_3137 : vector<1x16xf32> to vector<16xf32>
      %add3A_3139 = arith.addf %add3A_3091, %get3A_3138 : vector<16xf32>
      %get3A_3140 = arith.constant 26 : i32
      %get3A_3141 = arith.index_cast %get3A_3140 : i32 to index
      %get3A_3142 = arith.constant 0 : index
      %get3A_3143 = tpu.vector_load %arg9[%get3A_3141, %get3A_3142] {strides = array<i32>} : memref<104x32xf32, #tpu.memory_space<vmem>>, vector<1x16xf32>,
      %get3A_3144 = vector.shape_cast %get3A_3143 : vector<1x16xf32> to vector<16xf32>
      %add3A_3145 = arith.addf %add3A_3097, %get3A_3144 : vector<16xf32>
      %get3A_3146 = arith.constant 26 : i32
      %get3A_3147 = arith.index_cast %get3A_3146 : i32 to index
      %get3A_3148 = arith.constant 16 : index
      %get3A_3149 = tpu.vector_load %arg9[%get3A_3147, %get3A_3148] {strides = array<i32>} : memref<104x32xf32, #tpu.memory_space<vmem>>, vector<1x16xf32>,
      %get3A_3150 = vector.shape_cast %get3A_3149 : vector<1x16xf32> to vector<16xf32>
      %add3A_3151 = arith.addf %add3A_3103, %get3A_3150 : vector<16xf32>
      %get3A_3152 = arith.constant 27 : i32
      %get3A_3153 = arith.index_cast %get3A_3152 : i32 to index
      %get3A_3154 = arith.constant 0 : index
      %get3A_3155 = tpu.vector_load %arg9[%get3A_3153, %get3A_3154] {strides = array<i32>} : memref<104x32xf32, #tpu.memory_space<vmem>>, vector<1x16xf32>,
      %get3A_3156 = vector.shape_cast %get3A_3155 : vector<1x16xf32> to vector<16xf32>
      %add3A_3157 = arith.addf %add3A_3109, %get3A_3156 : vector<16xf32>
      %get3A_3158 = arith.constant 27 : i32
      %get3A_3159 = arith.index_cast %get3A_3158 : i32 to index
      %get3A_3160 = arith.constant 16 : index
      %get3A_3161 = tpu.vector_load %arg9[%get3A_3159, %get3A_3160] {strides = array<i32>} : memref<104x32xf32, #tpu.memory_space<vmem>>, vector<1x16xf32>,
      %get3A_3162 = vector.shape_cast %get3A_3161 : vector<1x16xf32> to vector<16xf32>
      %add3A_3163 = arith.addf %add3A_3115, %get3A_3162 : vector<16xf32>
      %get3A_3164 = arith.constant 28 : i32
      %get3A_3165 = arith.index_cast %get3A_3164 : i32 to index
      %get3A_3166 = arith.constant 0 : index
      %get3A_3167 = tpu.vector_load %arg8[%get3A_3165, %get3A_3166] {strides = array<i32>} : memref<104x32xf32, #tpu.memory_space<vmem>>, vector<1x16xf32>,
      %get3A_3168 = vector.shape_cast %get3A_3167 : vector<1x16xf32> to vector<16xf32>
      %add3A_3169 = arith.addf %add3A_3121, %get3A_3168 : vector<16xf32>
      %get3A_3170 = arith.constant 28 : i32
      %get3A_3171 = arith.index_cast %get3A_3170 : i32 to index
      %get3A_3172 = arith.constant 16 : index
      %get3A_3173 = tpu.vector_load %arg8[%get3A_3171, %get3A_3172] {strides = array<i32>} : memref<104x32xf32, #tpu.memory_space<vmem>>, vector<1x16xf32>,
      %get3A_3174 = vector.shape_cast %get3A_3173 : vector<1x16xf32> to vector<16xf32>
      %add3A_3175 = arith.addf %add3A_3127, %get3A_3174 : vector<16xf32>
      %get3A_3176 = arith.constant 29 : i32
      %get3A_3177 = arith.index_cast %get3A_3176 : i32 to index
      %get3A_3178 = arith.constant 0 : index
      %get3A_3179 = tpu.vector_load %arg8[%get3A_3177, %get3A_3178] {strides = array<i32>} : memref<104x32xf32, #tpu.memory_space<vmem>>, vector<1x16xf32>,
      %get3A_3180 = vector.shape_cast %get3A_3179 : vector<1x16xf32> to vector<16xf32>
      %add3A_3181 = arith.addf %add3A_3133, %get3A_3180 : vector<16xf32>
      %get3A_3182 = arith.constant 29 : i32
      %get3A_3183 = arith.index_cast %get3A_3182 : i32 to index
      %get3A_3184 = arith.constant 16 : index
      %get3A_3185 = tpu.vector_load %arg8[%get3A_3183, %get3A_3184] {strides = array<i32>} : memref<104x32xf32, #tpu.memory_space<vmem>>, vector<1x16xf32>,
      %get3A_3186 = vector.shape_cast %get3A_3185 : vector<1x16xf32> to vector<16xf32>
      %add3A_3187 = arith.addf %add3A_3139, %get3A_3186 : vector<16xf32>
      %get3A_3188 = arith.constant 28 : i32
      %get3A_3189 = arith.index_cast %get3A_3188 : i32 to index
      %get3A_3190 = arith.constant 0 : index
      %get3A_3191 = tpu.vector_load %arg9[%get3A_3189, %get3A_3190] {strides = array<i32>} : memref<104x32xf32, #tpu.memory_space<vmem>>, vector<1x16xf32>,
      %get3A_3192 = vector.shape_cast %get3A_3191 : vector<1x16xf32> to vector<16xf32>
      %add3A_3193 = arith.addf %add3A_3145, %get3A_3192 : vector<16xf32>
      %get3A_3194 = arith.constant 28 : i32
      %get3A_3195 = arith.index_cast %get3A_3194 : i32 to index
      %get3A_3196 = arith.constant 16 : index
      %get3A_3197 = tpu.vector_load %arg9[%get3A_3195, %get3A_3196] {strides = array<i32>} : memref<104x32xf32, #tpu.memory_space<vmem>>, vector<1x16xf32>,
      %get3A_3198 = vector.shape_cast %get3A_3197 : vector<1x16xf32> to vector<16xf32>
      %add3A_3199 = arith.addf %add3A_3151, %get3A_3198 : vector<16xf32>
      %get3A_3200 = arith.constant 29 : i32
      %get3A_3201 = arith.index_cast %get3A_3200 : i32 to index
      %get3A_3202 = arith.constant 0 : index
      %get3A_3203 = tpu.vector_load %arg9[%get3A_3201, %get3A_3202] {strides = array<i32>} : memref<104x32xf32, #tpu.memory_space<vmem>>, vector<1x16xf32>,
      %get3A_3204 = vector.shape_cast %get3A_3203 : vector<1x16xf32> to vector<16xf32>
      %add3A_3205 = arith.addf %add3A_3157, %get3A_3204 : vector<16xf32>
      %get3A_3206 = arith.constant 29 : i32
      %get3A_3207 = arith.index_cast %get3A_3206 : i32 to index
      %get3A_3208 = arith.constant 16 : index
      %get3A_3209 = tpu.vector_load %arg9[%get3A_3207, %get3A_3208] {strides = array<i32>} : memref<104x32xf32, #tpu.memory_space<vmem>>, vector<1x16xf32>,
      %get3A_3210 = vector.shape_cast %get3A_3209 : vector<1x16xf32> to vector<16xf32>
      %add3A_3211 = arith.addf %add3A_3163, %get3A_3210 : vector<16xf32>
      %get3A_3212 = arith.constant 30 : i32
      %get3A_3213 = arith.index_cast %get3A_3212 : i32 to index
      %get3A_3214 = arith.constant 0 : index
      %get3A_3215 = tpu.vector_load %arg8[%get3A_3213, %get3A_3214] {strides = array<i32>} : memref<104x32xf32, #tpu.memory_space<vmem>>, vector<1x16xf32>,
      %get3A_3216 = vector.shape_cast %get3A_3215 : vector<1x16xf32> to vector<16xf32>
      %add3A_3217 = arith.addf %add3A_3169, %get3A_3216 : vector<16xf32>
      %get3A_3218 = arith.constant 30 : i32
      %get3A_3219 = arith.index_cast %get3A_3218 : i32 to index
      %get3A_3220 = arith.constant 16 : index
      %get3A_3221 = tpu.vector_load %arg8[%get3A_3219, %get3A_3220] {strides = array<i32>} : memref<104x32xf32, #tpu.memory_space<vmem>>, vector<1x16xf32>,
      %get3A_3222 = vector.shape_cast %get3A_3221 : vector<1x16xf32> to vector<16xf32>
      %add3A_3223 = arith.addf %add3A_3175, %get3A_3222 : vector<16xf32>
      %get3A_3224 = arith.constant 31 : i32
      %get3A_3225 = arith.index_cast %get3A_3224 : i32 to index
      %get3A_3226 = arith.constant 0 : index
      %get3A_3227 = tpu.vector_load %arg8[%get3A_3225, %get3A_3226] {strides = array<i32>} : memref<104x32xf32, #tpu.memory_space<vmem>>, vector<1x16xf32>,
      %get3A_3228 = vector.shape_cast %get3A_3227 : vector<1x16xf32> to vector<16xf32>
      %add3A_3229 = arith.addf %add3A_3181, %get3A_3228 : vector<16xf32>
      %get3A_3230 = arith.constant 31 : i32
      %get3A_3231 = arith.index_cast %get3A_3230 : i32 to index
      %get3A_3232 = arith.constant 16 : index
      %get3A_3233 = tpu.vector_load %arg8[%get3A_3231, %get3A_3232] {strides = array<i32>} : memref<104x32xf32, #tpu.memory_space<vmem>>, vector<1x16xf32>,
      %get3A_3234 = vector.shape_cast %get3A_3233 : vector<1x16xf32> to vector<16xf32>
      %add3A_3235 = arith.addf %add3A_3187, %get3A_3234 : vector<16xf32>
      %get3A_3236 = arith.constant 30 : i32
      %get3A_3237 = arith.index_cast %get3A_3236 : i32 to index
      %get3A_3238 = arith.constant 0 : index
      %get3A_3239 = tpu.vector_load %arg9[%get3A_3237, %get3A_3238] {strides = array<i32>} : memref<104x32xf32, #tpu.memory_space<vmem>>, vector<1x16xf32>,
      %get3A_3240 = vector.shape_cast %get3A_3239 : vector<1x16xf32> to vector<16xf32>
      %add3A_3241 = arith.addf %add3A_3193, %get3A_3240 : vector<16xf32>
      %get3A_3242 = arith.constant 30 : i32
      %get3A_3243 = arith.index_cast %get3A_3242 : i32 to index
      %get3A_3244 = arith.constant 16 : index
      %get3A_3245 = tpu.vector_load %arg9[%get3A_3243, %get3A_3244] {strides = array<i32>} : memref<104x32xf32, #tpu.memory_space<vmem>>, vector<1x16xf32>,
      %get3A_3246 = vector.shape_cast %get3A_3245 : vector<1x16xf32> to vector<16xf32>
      %add3A_3247 = arith.addf %add3A_3199, %get3A_3246 : vector<16xf32>
      %get3A_3248 = arith.constant 31 : i32
      %get3A_3249 = arith.index_cast %get3A_3248 : i32 to index
      %get3A_3250 = arith.constant 0 : index
      %get3A_3251 = tpu.vector_load %arg9[%get3A_3249, %get3A_3250] {strides = array<i32>} : memref<104x32xf32, #tpu.memory_space<vmem>>, vector<1x16xf32>,
      %get3A_3252 = vector.shape_cast %get3A_3251 : vector<1x16xf32> to vector<16xf32>
      %add3A_3253 = arith.addf %add3A_3205, %get3A_3252 : vector<16xf32>
      %get3A_3254 = arith.constant 31 : i32
      %get3A_3255 = arith.index_cast %get3A_3254 : i32 to index
      %get3A_3256 = arith.constant 16 : index
      %get3A_3257 = tpu.vector_load %arg9[%get3A_3255, %get3A_3256] {strides = array<i32>} : memref<104x32xf32, #tpu.memory_space<vmem>>, vector<1x16xf32>,
      %get3A_3258 = vector.shape_cast %get3A_3257 : vector<1x16xf32> to vector<16xf32>
      %add3A_3259 = arith.addf %add3A_3211, %get3A_3258 : vector<16xf32>
      %get3A_3260 = arith.constant 32 : i32
      %get3A_3261 = arith.index_cast %get3A_3260 : i32 to index
      %get3A_3262 = arith.constant 0 : index
      %get3A_3263 = tpu.vector_load %arg8[%get3A_3261, %get3A_3262] {strides = array<i32>} : memref<104x32xf32, #tpu.memory_space<vmem>>, vector<1x16xf32>,
      %get3A_3264 = vector.shape_cast %get3A_3263 : vector<1x16xf32> to vector<16xf32>
      %add3A_3265 = arith.addf %add3A_3217, %get3A_3264 : vector<16xf32>
      %get3A_3266 = arith.constant 32 : i32
      %get3A_3267 = arith.index_cast %get3A_3266 : i32 to index
      %get3A_3268 = arith.constant 16 : index
      %get3A_3269 = tpu.vector_load %arg8[%get3A_3267, %get3A_3268] {strides = array<i32>} : memref<104x32xf32, #tpu.memory_space<vmem>>, vector<1x16xf32>,
      %get3A_3270 = vector.shape_cast %get3A_3269 : vector<1x16xf32> to vector<16xf32>
      %add3A_3271 = arith.addf %add3A_3223, %get3A_3270 : vector<16xf32>
      %get3A_3272 = arith.constant 33 : i32
      %get3A_3273 = arith.index_cast %get3A_3272 : i32 to index
      %get3A_3274 = arith.constant 0 : index
      %get3A_3275 = tpu.vector_load %arg8[%get3A_3273, %get3A_3274] {strides = array<i32>} : memref<104x32xf32, #tpu.memory_space<vmem>>, vector<1x16xf32>,
      %get3A_3276 = vector.shape_cast %get3A_3275 : vector<1x16xf32> to vector<16xf32>
      %add3A_3277 = arith.addf %add3A_3229, %get3A_3276 : vector<16xf32>
      %get3A_3278 = arith.constant 33 : i32
      %get3A_3279 = arith.index_cast %get3A_3278 : i32 to index
      %get3A_3280 = arith.constant 16 : index
      %get3A_3281 = tpu.vector_load %arg8[%get3A_3279, %get3A_3280] {strides = array<i32>} : memref<104x32xf32, #tpu.memory_space<vmem>>, vector<1x16xf32>,
      %get3A_3282 = vector.shape_cast %get3A_3281 : vector<1x16xf32> to vector<16xf32>
      %add3A_3283 = arith.addf %add3A_3235, %get3A_3282 : vector<16xf32>
      %get3A_3284 = arith.constant 32 : i32
      %get3A_3285 = arith.index_cast %get3A_3284 : i32 to index
      %get3A_3286 = arith.constant 0 : index
      %get3A_3287 = tpu.vector_load %arg9[%get3A_3285, %get3A_3286] {strides = array<i32>} : memref<104x32xf32, #tpu.memory_space<vmem>>, vector<1x16xf32>,
      %get3A_3288 = vector.shape_cast %get3A_3287 : vector<1x16xf32> to vector<16xf32>
      %add3A_3289 = arith.addf %add3A_3241, %get3A_3288 : vector<16xf32>
      %get3A_3290 = arith.constant 32 : i32
      %get3A_3291 = arith.index_cast %get3A_3290 : i32 to index
      %get3A_3292 = arith.constant 16 : index
      %get3A_3293 = tpu.vector_load %arg9[%get3A_3291, %get3A_3292] {strides = array<i32>} : memref<104x32xf32, #tpu.memory_space<vmem>>, vector<1x16xf32>,
      %get3A_3294 = vector.shape_cast %get3A_3293 : vector<1x16xf32> to vector<16xf32>
      %add3A_3295 = arith.addf %add3A_3247, %get3A_3294 : vector<16xf32>
      %get3A_3296 = arith.constant 33 : i32
      %get3A_3297 = arith.index_cast %get3A_3296 : i32 to index
      %get3A_3298 = arith.constant 0 : index
      %get3A_3299 = tpu.vector_load %arg9[%get3A_3297, %get3A_3298] {strides = array<i32>} : memref<104x32xf32, #tpu.memory_space<vmem>>, vector<1x16xf32>,
      %get3A_3300 = vector.shape_cast %get3A_3299 : vector<1x16xf32> to vector<16xf32>
      %add3A_3301 = arith.addf %add3A_3253, %get3A_3300 : vector<16xf32>
      %get3A_3302 = arith.constant 33 : i32
      %get3A_3303 = arith.index_cast %get3A_3302 : i32 to index
      %get3A_3304 = arith.constant 16 : index
      %get3A_3305 = tpu.vector_load %arg9[%get3A_3303, %get3A_3304] {strides = array<i32>} : memref<104x32xf32, #tpu.memory_space<vmem>>, vector<1x16xf32>,
      %get3A_3306 = vector.shape_cast %get3A_3305 : vector<1x16xf32> to vector<16xf32>
      %add3A_3307 = arith.addf %add3A_3259, %get3A_3306 : vector<16xf32>
      %get3A_3308 = arith.constant 34 : i32
      %get3A_3309 = arith.index_cast %get3A_3308 : i32 to index
      %get3A_3310 = arith.constant 0 : index
      %get3A_3311 = tpu.vector_load %arg8[%get3A_3309, %get3A_3310] {strides = array<i32>} : memref<104x32xf32, #tpu.memory_space<vmem>>, vector<1x16xf32>,
      %get3A_3312 = vector.shape_cast %get3A_3311 : vector<1x16xf32> to vector<16xf32>
      %add3A_3313 = arith.addf %add3A_3265, %get3A_3312 : vector<16xf32>
      %get3A_3314 = arith.constant 34 : i32
      %get3A_3315 = arith.index_cast %get3A_3314 : i32 to index
      %get3A_3316 = arith.constant 16 : index
      %get3A_3317 = tpu.vector_load %arg8[%get3A_3315, %get3A_3316] {strides = array<i32>} : memref<104x32xf32, #tpu.memory_space<vmem>>, vector<1x16xf32>,
      %get3A_3318 = vector.shape_cast %get3A_3317 : vector<1x16xf32> to vector<16xf32>
      %add3A_3319 = arith.addf %add3A_3271, %get3A_3318 : vector<16xf32>
      %get3A_3320 = arith.constant 35 : i32
      %get3A_3321 = arith.index_cast %get3A_3320 : i32 to index
      %get3A_3322 = arith.constant 0 : index
      %get3A_3323 = tpu.vector_load %arg8[%get3A_3321, %get3A_3322] {strides = array<i32>} : memref<104x32xf32, #tpu.memory_space<vmem>>, vector<1x16xf32>,
      %get3A_3324 = vector.shape_cast %get3A_3323 : vector<1x16xf32> to vector<16xf32>
      %add3A_3325 = arith.addf %add3A_3277, %get3A_3324 : vector<16xf32>
      %get3A_3326 = arith.constant 35 : i32
      %get3A_3327 = arith.index_cast %get3A_3326 : i32 to index
      %get3A_3328 = arith.constant 16 : index
      %get3A_3329 = tpu.vector_load %arg8[%get3A_3327, %get3A_3328] {strides = array<i32>} : memref<104x32xf32, #tpu.memory_space<vmem>>, vector<1x16xf32>,
      %get3A_3330 = vector.shape_cast %get3A_3329 : vector<1x16xf32> to vector<16xf32>
      %add3A_3331 = arith.addf %add3A_3283, %get3A_3330 : vector<16xf32>
      %get3A_3332 = arith.constant 34 : i32
      %get3A_3333 = arith.index_cast %get3A_3332 : i32 to index
      %get3A_3334 = arith.constant 0 : index
      %get3A_3335 = tpu.vector_load %arg9[%get3A_3333, %get3A_3334] {strides = array<i32>} : memref<104x32xf32, #tpu.memory_space<vmem>>, vector<1x16xf32>,
      %get3A_3336 = vector.shape_cast %get3A_3335 : vector<1x16xf32> to vector<16xf32>
      %add3A_3337 = arith.addf %add3A_3289, %get3A_3336 : vector<16xf32>
      %get3A_3338 = arith.constant 34 : i32
      %get3A_3339 = arith.index_cast %get3A_3338 : i32 to index
      %get3A_3340 = arith.constant 16 : index
      %get3A_3341 = tpu.vector_load %arg9[%get3A_3339, %get3A_3340] {strides = array<i32>} : memref<104x32xf32, #tpu.memory_space<vmem>>, vector<1x16xf32>,
      %get3A_3342 = vector.shape_cast %get3A_3341 : vector<1x16xf32> to vector<16xf32>
      %add3A_3343 = arith.addf %add3A_3295, %get3A_3342 : vector<16xf32>
      %get3A_3344 = arith.constant 35 : i32
      %get3A_3345 = arith.index_cast %get3A_3344 : i32 to index
      %get3A_3346 = arith.constant 0 : index
      %get3A_3347 = tpu.vector_load %arg9[%get3A_3345, %get3A_3346] {strides = array<i32>} : memref<104x32xf32, #tpu.memory_space<vmem>>, vector<1x16xf32>,
      %get3A_3348 = vector.shape_cast %get3A_3347 : vector<1x16xf32> to vector<16xf32>
      %add3A_3349 = arith.addf %add3A_3301, %get3A_3348 : vector<16xf32>
      %get3A_3350 = arith.constant 35 : i32
      %get3A_3351 = arith.index_cast %get3A_3350 : i32 to index
      %get3A_3352 = arith.constant 16 : index
      %get3A_3353 = tpu.vector_load %arg9[%get3A_3351, %get3A_3352] {strides = array<i32>} : memref<104x32xf32, #tpu.memory_space<vmem>>, vector<1x16xf32>,
      %get3A_3354 = vector.shape_cast %get3A_3353 : vector<1x16xf32> to vector<16xf32>
      %add3A_3355 = arith.addf %add3A_3307, %get3A_3354 : vector<16xf32>
      %get3A_3356 = arith.constant 36 : i32
      %get3A_3357 = arith.index_cast %get3A_3356 : i32 to index
      %get3A_3358 = arith.constant 0 : index
      %get3A_3359 = tpu.vector_load %arg8[%get3A_3357, %get3A_3358] {strides = array<i32>} : memref<104x32xf32, #tpu.memory_space<vmem>>, vector<1x16xf32>,
      %get3A_3360 = vector.shape_cast %get3A_3359 : vector<1x16xf32> to vector<16xf32>
      %add3A_3361 = arith.addf %add3A_3313, %get3A_3360 : vector<16xf32>
      %get3A_3362 = arith.constant 36 : i32
      %get3A_3363 = arith.index_cast %get3A_3362 : i32 to index
      %get3A_3364 = arith.constant 16 : index
      %get3A_3365 = tpu.vector_load %arg8[%get3A_3363, %get3A_3364] {strides = array<i32>} : memref<104x32xf32, #tpu.memory_space<vmem>>, vector<1x16xf32>,
      %get3A_3366 = vector.shape_cast %get3A_3365 : vector<1x16xf32> to vector<16xf32>
      %add3A_3367 = arith.addf %add3A_3319, %get3A_3366 : vector<16xf32>
      %get3A_3368 = arith.constant 37 : i32
      %get3A_3369 = arith.index_cast %get3A_3368 : i32 to index
      %get3A_3370 = arith.constant 0 : index
      %get3A_3371 = tpu.vector_load %arg8[%get3A_3369, %get3A_3370] {strides = array<i32>} : memref<104x32xf32, #tpu.memory_space<vmem>>, vector<1x16xf32>,
      %get3A_3372 = vector.shape_cast %get3A_3371 : vector<1x16xf32> to vector<16xf32>
      %add3A_3373 = arith.addf %add3A_3325, %get3A_3372 : vector<16xf32>
      %get3A_3374 = arith.constant 37 : i32
      %get3A_3375 = arith.index_cast %get3A_3374 : i32 to index
      %get3A_3376 = arith.constant 16 : index
      %get3A_3377 = tpu.vector_load %arg8[%get3A_3375, %get3A_3376] {strides = array<i32>} : memref<104x32xf32, #tpu.memory_space<vmem>>, vector<1x16xf32>,
      %get3A_3378 = vector.shape_cast %get3A_3377 : vector<1x16xf32> to vector<16xf32>
      %add3A_3379 = arith.addf %add3A_3331, %get3A_3378 : vector<16xf32>
      %get3A_3380 = arith.constant 36 : i32
      %get3A_3381 = arith.index_cast %get3A_3380 : i32 to index
      %get3A_3382 = arith.constant 0 : index
      %get3A_3383 = tpu.vector_load %arg9[%get3A_3381, %get3A_3382] {strides = array<i32>} : memref<104x32xf32, #tpu.memory_space<vmem>>, vector<1x16xf32>,
      %get3A_3384 = vector.shape_cast %get3A_3383 : vector<1x16xf32> to vector<16xf32>
      %add3A_3385 = arith.addf %add3A_3337, %get3A_3384 : vector<16xf32>
      %get3A_3386 = arith.constant 36 : i32
      %get3A_3387 = arith.index_cast %get3A_3386 : i32 to index
      %get3A_3388 = arith.constant 16 : index
      %get3A_3389 = tpu.vector_load %arg9[%get3A_3387, %get3A_3388] {strides = array<i32>} : memref<104x32xf32, #tpu.memory_space<vmem>>, vector<1x16xf32>,
      %get3A_3390 = vector.shape_cast %get3A_3389 : vector<1x16xf32> to vector<16xf32>
      %add3A_3391 = arith.addf %add3A_3343, %get3A_3390 : vector<16xf32>
      %get3A_3392 = arith.constant 37 : i32
      %get3A_3393 = arith.index_cast %get3A_3392 : i32 to index
      %get3A_3394 = arith.constant 0 : index
      %get3A_3395 = tpu.vector_load %arg9[%get3A_3393, %get3A_3394] {strides = array<i32>} : memref<104x32xf32, #tpu.memory_space<vmem>>, vector<1x16xf32>,
      %get3A_3396 = vector.shape_cast %get3A_3395 : vector<1x16xf32> to vector<16xf32>
      %add3A_3397 = arith.addf %add3A_3349, %get3A_3396 : vector<16xf32>
      %get3A_3398 = arith.constant 37 : i32
      %get3A_3399 = arith.index_cast %get3A_3398 : i32 to index
      %get3A_3400 = arith.constant 16 : index
      %get3A_3401 = tpu.vector_load %arg9[%get3A_3399, %get3A_3400] {strides = array<i32>} : memref<104x32xf32, #tpu.memory_space<vmem>>, vector<1x16xf32>,
      %get3A_3402 = vector.shape_cast %get3A_3401 : vector<1x16xf32> to vector<16xf32>
      %add3A_3403 = arith.addf %add3A_3355, %get3A_3402 : vector<16xf32>
      %get3A_3404 = arith.constant 38 : i32
      %get3A_3405 = arith.index_cast %get3A_3404 : i32 to index
      %get3A_3406 = arith.constant 0 : index
      %get3A_3407 = tpu.vector_load %arg8[%get3A_3405, %get3A_3406] {strides = array<i32>} : memref<104x32xf32, #tpu.memory_space<vmem>>, vector<1x16xf32>,
      %get3A_3408 = vector.shape_cast %get3A_3407 : vector<1x16xf32> to vector<16xf32>
      %add3A_3409 = arith.addf %add3A_3361, %get3A_3408 : vector<16xf32>
      %get3A_3410 = arith.constant 38 : i32
      %get3A_3411 = arith.index_cast %get3A_3410 : i32 to index
      %get3A_3412 = arith.constant 16 : index
      %get3A_3413 = tpu.vector_load %arg8[%get3A_3411, %get3A_3412] {strides = array<i32>} : memref<104x32xf32, #tpu.memory_space<vmem>>, vector<1x16xf32>,
      %get3A_3414 = vector.shape_cast %get3A_3413 : vector<1x16xf32> to vector<16xf32>
      %add3A_3415 = arith.addf %add3A_3367, %get3A_3414 : vector<16xf32>
      %get3A_3416 = arith.constant 39 : i32
      %get3A_3417 = arith.index_cast %get3A_3416 : i32 to index
      %get3A_3418 = arith.constant 0 : index
      %get3A_3419 = tpu.vector_load %arg8[%get3A_3417, %get3A_3418] {strides = array<i32>} : memref<104x32xf32, #tpu.memory_space<vmem>>, vector<1x16xf32>,
      %get3A_3420 = vector.shape_cast %get3A_3419 : vector<1x16xf32> to vector<16xf32>
      %add3A_3421 = arith.addf %add3A_3373, %get3A_3420 : vector<16xf32>
      %get3A_3422 = arith.constant 39 : i32
      %get3A_3423 = arith.index_cast %get3A_3422 : i32 to index
      %get3A_3424 = arith.constant 16 : index
      %get3A_3425 = tpu.vector_load %arg8[%get3A_3423, %get3A_3424] {strides = array<i32>} : memref<104x32xf32, #tpu.memory_space<vmem>>, vector<1x16xf32>,
      %get3A_3426 = vector.shape_cast %get3A_3425 : vector<1x16xf32> to vector<16xf32>
      %add3A_3427 = arith.addf %add3A_3379, %get3A_3426 : vector<16xf32>
      %get3A_3428 = arith.constant 38 : i32
      %get3A_3429 = arith.index_cast %get3A_3428 : i32 to index
      %get3A_3430 = arith.constant 0 : index
      %get3A_3431 = tpu.vector_load %arg9[%get3A_3429, %get3A_3430] {strides = array<i32>} : memref<104x32xf32, #tpu.memory_space<vmem>>, vector<1x16xf32>,
      %get3A_3432 = vector.shape_cast %get3A_3431 : vector<1x16xf32> to vector<16xf32>
      %add3A_3433 = arith.addf %add3A_3385, %get3A_3432 : vector<16xf32>
      %get3A_3434 = arith.constant 38 : i32
      %get3A_3435 = arith.index_cast %get3A_3434 : i32 to index
      %get3A_3436 = arith.constant 16 : index
      %get3A_3437 = tpu.vector_load %arg9[%get3A_3435, %get3A_3436] {strides = array<i32>} : memref<104x32xf32, #tpu.memory_space<vmem>>, vector<1x16xf32>,
      %get3A_3438 = vector.shape_cast %get3A_3437 : vector<1x16xf32> to vector<16xf32>
      %add3A_3439 = arith.addf %add3A_3391, %get3A_3438 : vector<16xf32>
      %get3A_3440 = arith.constant 39 : i32
      %get3A_3441 = arith.index_cast %get3A_3440 : i32 to index
      %get3A_3442 = arith.constant 0 : index
      %get3A_3443 = tpu.vector_load %arg9[%get3A_3441, %get3A_3442] {strides = array<i32>} : memref<104x32xf32, #tpu.memory_space<vmem>>, vector<1x16xf32>,
      %get3A_3444 = vector.shape_cast %get3A_3443 : vector<1x16xf32> to vector<16xf32>
      %add3A_3445 = arith.addf %add3A_3397, %get3A_3444 : vector<16xf32>
      %get3A_3446 = arith.constant 39 : i32
      %get3A_3447 = arith.index_cast %get3A_3446 : i32 to index
      %get3A_3448 = arith.constant 16 : index
      %get3A_3449 = tpu.vector_load %arg9[%get3A_3447, %get3A_3448] {strides = array<i32>} : memref<104x32xf32, #tpu.memory_space<vmem>>, vector<1x16xf32>,
      %get3A_3450 = vector.shape_cast %get3A_3449 : vector<1x16xf32> to vector<16xf32>
      %add3A_3451 = arith.addf %add3A_3403, %get3A_3450 : vector<16xf32>
      %get3A_3452 = arith.constant 40 : i32
      %get3A_3453 = arith.index_cast %get3A_3452 : i32 to index
      %get3A_3454 = arith.constant 0 : index
      %get3A_3455 = tpu.vector_load %arg8[%get3A_3453, %get3A_3454] {strides = array<i32>} : memref<104x32xf32, #tpu.memory_space<vmem>>, vector<1x16xf32>,
      %get3A_3456 = vector.shape_cast %get3A_3455 : vector<1x16xf32> to vector<16xf32>
      %add3A_3457 = arith.addf %add3A_3409, %get3A_3456 : vector<16xf32>
      %get3A_3458 = arith.constant 40 : i32
      %get3A_3459 = arith.index_cast %get3A_3458 : i32 to index
      %get3A_3460 = arith.constant 16 : index
      %get3A_3461 = tpu.vector_load %arg8[%get3A_3459, %get3A_3460] {strides = array<i32>} : memref<104x32xf32, #tpu.memory_space<vmem>>, vector<1x16xf32>,
      %get3A_3462 = vector.shape_cast %get3A_3461 : vector<1x16xf32> to vector<16xf32>
      %add3A_3463 = arith.addf %add3A_3415, %get3A_3462 : vector<16xf32>
      %get3A_3464 = arith.constant 41 : i32
      %get3A_3465 = arith.index_cast %get3A_3464 : i32 to index
      %get3A_3466 = arith.constant 0 : index
      %get3A_3467 = tpu.vector_load %arg8[%get3A_3465, %get3A_3466] {strides = array<i32>} : memref<104x32xf32, #tpu.memory_space<vmem>>, vector<1x16xf32>,
      %get3A_3468 = vector.shape_cast %get3A_3467 : vector<1x16xf32> to vector<16xf32>
      %add3A_3469 = arith.addf %add3A_3421, %get3A_3468 : vector<16xf32>
      %get3A_3470 = arith.constant 41 : i32
      %get3A_3471 = arith.index_cast %get3A_3470 : i32 to index
      %get3A_3472 = arith.constant 16 : index
      %get3A_3473 = tpu.vector_load %arg8[%get3A_3471, %get3A_3472] {strides = array<i32>} : memref<104x32xf32, #tpu.memory_space<vmem>>, vector<1x16xf32>,
      %get3A_3474 = vector.shape_cast %get3A_3473 : vector<1x16xf32> to vector<16xf32>
      %add3A_3475 = arith.addf %add3A_3427, %get3A_3474 : vector<16xf32>
      %get3A_3476 = arith.constant 40 : i32
      %get3A_3477 = arith.index_cast %get3A_3476 : i32 to index
      %get3A_3478 = arith.constant 0 : index
      %get3A_3479 = tpu.vector_load %arg9[%get3A_3477, %get3A_3478] {strides = array<i32>} : memref<104x32xf32, #tpu.memory_space<vmem>>, vector<1x16xf32>,
      %get3A_3480 = vector.shape_cast %get3A_3479 : vector<1x16xf32> to vector<16xf32>
      %add3A_3481 = arith.addf %add3A_3433, %get3A_3480 : vector<16xf32>
      %get3A_3482 = arith.constant 40 : i32
      %get3A_3483 = arith.index_cast %get3A_3482 : i32 to index
      %get3A_3484 = arith.constant 16 : index
      %get3A_3485 = tpu.vector_load %arg9[%get3A_3483, %get3A_3484] {strides = array<i32>} : memref<104x32xf32, #tpu.memory_space<vmem>>, vector<1x16xf32>,
      %get3A_3486 = vector.shape_cast %get3A_3485 : vector<1x16xf32> to vector<16xf32>
      %add3A_3487 = arith.addf %add3A_3439, %get3A_3486 : vector<16xf32>
      %get3A_3488 = arith.constant 41 : i32
      %get3A_3489 = arith.index_cast %get3A_3488 : i32 to index
      %get3A_3490 = arith.constant 0 : index
      %get3A_3491 = tpu.vector_load %arg9[%get3A_3489, %get3A_3490] {strides = array<i32>} : memref<104x32xf32, #tpu.memory_space<vmem>>, vector<1x16xf32>,
      %get3A_3492 = vector.shape_cast %get3A_3491 : vector<1x16xf32> to vector<16xf32>
      %add3A_3493 = arith.addf %add3A_3445, %get3A_3492 : vector<16xf32>
      %get3A_3494 = arith.constant 41 : i32
      %get3A_3495 = arith.index_cast %get3A_3494 : i32 to index
      %get3A_3496 = arith.constant 16 : index
      %get3A_3497 = tpu.vector_load %arg9[%get3A_3495, %get3A_3496] {strides = array<i32>} : memref<104x32xf32, #tpu.memory_space<vmem>>, vector<1x16xf32>,
      %get3A_3498 = vector.shape_cast %get3A_3497 : vector<1x16xf32> to vector<16xf32>
      %add3A_3499 = arith.addf %add3A_3451, %get3A_3498 : vector<16xf32>
      %get3A_3500 = arith.constant 42 : i32
      %get3A_3501 = arith.index_cast %get3A_3500 : i32 to index
      %get3A_3502 = arith.constant 0 : index
      %get3A_3503 = tpu.vector_load %arg8[%get3A_3501, %get3A_3502] {strides = array<i32>} : memref<104x32xf32, #tpu.memory_space<vmem>>, vector<1x16xf32>,
      %get3A_3504 = vector.shape_cast %get3A_3503 : vector<1x16xf32> to vector<16xf32>
      %add3A_3505 = arith.addf %add3A_3457, %get3A_3504 : vector<16xf32>
      %get3A_3506 = arith.constant 42 : i32
      %get3A_3507 = arith.index_cast %get3A_3506 : i32 to index
      %get3A_3508 = arith.constant 16 : index
      %get3A_3509 = tpu.vector_load %arg8[%get3A_3507, %get3A_3508] {strides = array<i32>} : memref<104x32xf32, #tpu.memory_space<vmem>>, vector<1x16xf32>,
      %get3A_3510 = vector.shape_cast %get3A_3509 : vector<1x16xf32> to vector<16xf32>
      %add3A_3511 = arith.addf %add3A_3463, %get3A_3510 : vector<16xf32>
      %get3A_3512 = arith.constant 43 : i32
      %get3A_3513 = arith.index_cast %get3A_3512 : i32 to index
      %get3A_3514 = arith.constant 0 : index
      %get3A_3515 = tpu.vector_load %arg8[%get3A_3513, %get3A_3514] {strides = array<i32>} : memref<104x32xf32, #tpu.memory_space<vmem>>, vector<1x16xf32>,
      %get3A_3516 = vector.shape_cast %get3A_3515 : vector<1x16xf32> to vector<16xf32>
      %add3A_3517 = arith.addf %add3A_3469, %get3A_3516 : vector<16xf32>
      %get3A_3518 = arith.constant 43 : i32
      %get3A_3519 = arith.index_cast %get3A_3518 : i32 to index
      %get3A_3520 = arith.constant 16 : index
      %get3A_3521 = tpu.vector_load %arg8[%get3A_3519, %get3A_3520] {strides = array<i32>} : memref<104x32xf32, #tpu.memory_space<vmem>>, vector<1x16xf32>,
      %get3A_3522 = vector.shape_cast %get3A_3521 : vector<1x16xf32> to vector<16xf32>
      %add3A_3523 = arith.addf %add3A_3475, %get3A_3522 : vector<16xf32>
      %get3A_3524 = arith.constant 42 : i32
      %get3A_3525 = arith.index_cast %get3A_3524 : i32 to index
      %get3A_3526 = arith.constant 0 : index
      %get3A_3527 = tpu.vector_load %arg9[%get3A_3525, %get3A_3526] {strides = array<i32>} : memref<104x32xf32, #tpu.memory_space<vmem>>, vector<1x16xf32>,
      %get3A_3528 = vector.shape_cast %get3A_3527 : vector<1x16xf32> to vector<16xf32>
      %add3A_3529 = arith.addf %add3A_3481, %get3A_3528 : vector<16xf32>
      %get3A_3530 = arith.constant 42 : i32
      %get3A_3531 = arith.index_cast %get3A_3530 : i32 to index
      %get3A_3532 = arith.constant 16 : index
      %get3A_3533 = tpu.vector_load %arg9[%get3A_3531, %get3A_3532] {strides = array<i32>} : memref<104x32xf32, #tpu.memory_space<vmem>>, vector<1x16xf32>,
      %get3A_3534 = vector.shape_cast %get3A_3533 : vector<1x16xf32> to vector<16xf32>
      %add3A_3535 = arith.addf %add3A_3487, %get3A_3534 : vector<16xf32>
      %get3A_3536 = arith.constant 43 : i32
      %get3A_3537 = arith.index_cast %get3A_3536 : i32 to index
      %get3A_3538 = arith.constant 0 : index
      %get3A_3539 = tpu.vector_load %arg9[%get3A_3537, %get3A_3538] {strides = array<i32>} : memref<104x32xf32, #tpu.memory_space<vmem>>, vector<1x16xf32>,
      %get3A_3540 = vector.shape_cast %get3A_3539 : vector<1x16xf32> to vector<16xf32>
      %add3A_3541 = arith.addf %add3A_3493, %get3A_3540 : vector<16xf32>
      %get3A_3542 = arith.constant 43 : i32
      %get3A_3543 = arith.index_cast %get3A_3542 : i32 to index
      %get3A_3544 = arith.constant 16 : index
      %get3A_3545 = tpu.vector_load %arg9[%get3A_3543, %get3A_3544] {strides = array<i32>} : memref<104x32xf32, #tpu.memory_space<vmem>>, vector<1x16xf32>,
      %get3A_3546 = vector.shape_cast %get3A_3545 : vector<1x16xf32> to vector<16xf32>
      %add3A_3547 = arith.addf %add3A_3499, %get3A_3546 : vector<16xf32>
      %get3A_3548 = arith.constant 44 : i32
      %get3A_3549 = arith.index_cast %get3A_3548 : i32 to index
      %get3A_3550 = arith.constant 0 : index
      %get3A_3551 = tpu.vector_load %arg8[%get3A_3549, %get3A_3550] {strides = array<i32>} : memref<104x32xf32, #tpu.memory_space<vmem>>, vector<1x16xf32>,
      %get3A_3552 = vector.shape_cast %get3A_3551 : vector<1x16xf32> to vector<16xf32>
      %add3A_3553 = arith.addf %add3A_3505, %get3A_3552 : vector<16xf32>
      %get3A_3554 = arith.constant 44 : i32
      %get3A_3555 = arith.index_cast %get3A_3554 : i32 to index
      %get3A_3556 = arith.constant 16 : index
      %get3A_3557 = tpu.vector_load %arg8[%get3A_3555, %get3A_3556] {strides = array<i32>} : memref<104x32xf32, #tpu.memory_space<vmem>>, vector<1x16xf32>,
      %get3A_3558 = vector.shape_cast %get3A_3557 : vector<1x16xf32> to vector<16xf32>
      %add3A_3559 = arith.addf %add3A_3511, %get3A_3558 : vector<16xf32>
      %get3A_3560 = arith.constant 45 : i32
      %get3A_3561 = arith.index_cast %get3A_3560 : i32 to index
      %get3A_3562 = arith.constant 0 : index
      %get3A_3563 = tpu.vector_load %arg8[%get3A_3561, %get3A_3562] {strides = array<i32>} : memref<104x32xf32, #tpu.memory_space<vmem>>, vector<1x16xf32>,
      %get3A_3564 = vector.shape_cast %get3A_3563 : vector<1x16xf32> to vector<16xf32>
      %add3A_3565 = arith.addf %add3A_3517, %get3A_3564 : vector<16xf32>
      %get3A_3566 = arith.constant 45 : i32
      %get3A_3567 = arith.index_cast %get3A_3566 : i32 to index
      %get3A_3568 = arith.constant 16 : index
      %get3A_3569 = tpu.vector_load %arg8[%get3A_3567, %get3A_3568] {strides = array<i32>} : memref<104x32xf32, #tpu.memory_space<vmem>>, vector<1x16xf32>,
      %get3A_3570 = vector.shape_cast %get3A_3569 : vector<1x16xf32> to vector<16xf32>
      %add3A_3571 = arith.addf %add3A_3523, %get3A_3570 : vector<16xf32>
      %get3A_3572 = arith.constant 44 : i32
      %get3A_3573 = arith.index_cast %get3A_3572 : i32 to index
      %get3A_3574 = arith.constant 0 : index
      %get3A_3575 = tpu.vector_load %arg9[%get3A_3573, %get3A_3574] {strides = array<i32>} : memref<104x32xf32, #tpu.memory_space<vmem>>, vector<1x16xf32>,
      %get3A_3576 = vector.shape_cast %get3A_3575 : vector<1x16xf32> to vector<16xf32>
      %add3A_3577 = arith.addf %add3A_3529, %get3A_3576 : vector<16xf32>
      %get3A_3578 = arith.constant 44 : i32
      %get3A_3579 = arith.index_cast %get3A_3578 : i32 to index
      %get3A_3580 = arith.constant 16 : index
      %get3A_3581 = tpu.vector_load %arg9[%get3A_3579, %get3A_3580] {strides = array<i32>} : memref<104x32xf32, #tpu.memory_space<vmem>>, vector<1x16xf32>,
      %get3A_3582 = vector.shape_cast %get3A_3581 : vector<1x16xf32> to vector<16xf32>
      %add3A_3583 = arith.addf %add3A_3535, %get3A_3582 : vector<16xf32>
      %get3A_3584 = arith.constant 45 : i32
      %get3A_3585 = arith.index_cast %get3A_3584 : i32 to index
      %get3A_3586 = arith.constant 0 : index
      %get3A_3587 = tpu.vector_load %arg9[%get3A_3585, %get3A_3586] {strides = array<i32>} : memref<104x32xf32, #tpu.memory_space<vmem>>, vector<1x16xf32>,
      %get3A_3588 = vector.shape_cast %get3A_3587 : vector<1x16xf32> to vector<16xf32>
      %add3A_3589 = arith.addf %add3A_3541, %get3A_3588 : vector<16xf32>
      %get3A_3590 = arith.constant 45 : i32
      %get3A_3591 = arith.index_cast %get3A_3590 : i32 to index
      %get3A_3592 = arith.constant 16 : index
      %get3A_3593 = tpu.vector_load %arg9[%get3A_3591, %get3A_3592] {strides = array<i32>} : memref<104x32xf32, #tpu.memory_space<vmem>>, vector<1x16xf32>,
      %get3A_3594 = vector.shape_cast %get3A_3593 : vector<1x16xf32> to vector<16xf32>
      %add3A_3595 = arith.addf %add3A_3547, %get3A_3594 : vector<16xf32>
      %get3A_3596 = arith.constant 46 : i32
      %get3A_3597 = arith.index_cast %get3A_3596 : i32 to index
      %get3A_3598 = arith.constant 0 : index
      %get3A_3599 = tpu.vector_load %arg8[%get3A_3597, %get3A_3598] {strides = array<i32>} : memref<104x32xf32, #tpu.memory_space<vmem>>, vector<1x16xf32>,
      %get3A_3600 = vector.shape_cast %get3A_3599 : vector<1x16xf32> to vector<16xf32>
      %add3A_3601 = arith.addf %add3A_3553, %get3A_3600 : vector<16xf32>
      %get3A_3602 = arith.constant 46 : i32
      %get3A_3603 = arith.index_cast %get3A_3602 : i32 to index
      %get3A_3604 = arith.constant 16 : index
      %get3A_3605 = tpu.vector_load %arg8[%get3A_3603, %get3A_3604] {strides = array<i32>} : memref<104x32xf32, #tpu.memory_space<vmem>>, vector<1x16xf32>,
      %get3A_3606 = vector.shape_cast %get3A_3605 : vector<1x16xf32> to vector<16xf32>
      %add3A_3607 = arith.addf %add3A_3559, %get3A_3606 : vector<16xf32>
      %get3A_3608 = arith.constant 47 : i32
      %get3A_3609 = arith.index_cast %get3A_3608 : i32 to index
      %get3A_3610 = arith.constant 0 : index
      %get3A_3611 = tpu.vector_load %arg8[%get3A_3609, %get3A_3610] {strides = array<i32>} : memref<104x32xf32, #tpu.memory_space<vmem>>, vector<1x16xf32>,
      %get3A_3612 = vector.shape_cast %get3A_3611 : vector<1x16xf32> to vector<16xf32>
      %add3A_3613 = arith.addf %add3A_3565, %get3A_3612 : vector<16xf32>
      %get3A_3614 = arith.constant 47 : i32
      %get3A_3615 = arith.index_cast %get3A_3614 : i32 to index
      %get3A_3616 = arith.constant 16 : index
      %get3A_3617 = tpu.vector_load %arg8[%get3A_3615, %get3A_3616] {strides = array<i32>} : memref<104x32xf32, #tpu.memory_space<vmem>>, vector<1x16xf32>,
      %get3A_3618 = vector.shape_cast %get3A_3617 : vector<1x16xf32> to vector<16xf32>
      %add3A_3619 = arith.addf %add3A_3571, %get3A_3618 : vector<16xf32>
      %get3A_3620 = arith.constant 46 : i32
      %get3A_3621 = arith.index_cast %get3A_3620 : i32 to index
      %get3A_3622 = arith.constant 0 : index
      %get3A_3623 = tpu.vector_load %arg9[%get3A_3621, %get3A_3622] {strides = array<i32>} : memref<104x32xf32, #tpu.memory_space<vmem>>, vector<1x16xf32>,
      %get3A_3624 = vector.shape_cast %get3A_3623 : vector<1x16xf32> to vector<16xf32>
      %add3A_3625 = arith.addf %add3A_3577, %get3A_3624 : vector<16xf32>
      %get3A_3626 = arith.constant 46 : i32
      %get3A_3627 = arith.index_cast %get3A_3626 : i32 to index
      %get3A_3628 = arith.constant 16 : index
      %get3A_3629 = tpu.vector_load %arg9[%get3A_3627, %get3A_3628] {strides = array<i32>} : memref<104x32xf32, #tpu.memory_space<vmem>>, vector<1x16xf32>,
      %get3A_3630 = vector.shape_cast %get3A_3629 : vector<1x16xf32> to vector<16xf32>
      %add3A_3631 = arith.addf %add3A_3583, %get3A_3630 : vector<16xf32>
      %get3A_3632 = arith.constant 47 : i32
      %get3A_3633 = arith.index_cast %get3A_3632 : i32 to index
      %get3A_3634 = arith.constant 0 : index
      %get3A_3635 = tpu.vector_load %arg9[%get3A_3633, %get3A_3634] {strides = array<i32>} : memref<104x32xf32, #tpu.memory_space<vmem>>, vector<1x16xf32>,
      %get3A_3636 = vector.shape_cast %get3A_3635 : vector<1x16xf32> to vector<16xf32>
      %add3A_3637 = arith.addf %add3A_3589, %get3A_3636 : vector<16xf32>
      %get3A_3638 = arith.constant 47 : i32
      %get3A_3639 = arith.index_cast %get3A_3638 : i32 to index
      %get3A_3640 = arith.constant 16 : index
      %get3A_3641 = tpu.vector_load %arg9[%get3A_3639, %get3A_3640] {strides = array<i32>} : memref<104x32xf32, #tpu.memory_space<vmem>>, vector<1x16xf32>,
      %get3A_3642 = vector.shape_cast %get3A_3641 : vector<1x16xf32> to vector<16xf32>
      %add3A_3643 = arith.addf %add3A_3595, %get3A_3642 : vector<16xf32>
      %get3A_3644 = arith.constant 48 : i32
      %get3A_3645 = arith.index_cast %get3A_3644 : i32 to index
      %get3A_3646 = arith.constant 0 : index
      %get3A_3647 = tpu.vector_load %arg8[%get3A_3645, %get3A_3646] {strides = array<i32>} : memref<104x32xf32, #tpu.memory_space<vmem>>, vector<1x16xf32>,
      %get3A_3648 = vector.shape_cast %get3A_3647 : vector<1x16xf32> to vector<16xf32>
      %add3A_3649 = arith.addf %add3A_3601, %get3A_3648 : vector<16xf32>
      %get3A_3650 = arith.constant 48 : i32
      %get3A_3651 = arith.index_cast %get3A_3650 : i32 to index
      %get3A_3652 = arith.constant 16 : index
      %get3A_3653 = tpu.vector_load %arg8[%get3A_3651, %get3A_3652] {strides = array<i32>} : memref<104x32xf32, #tpu.memory_space<vmem>>, vector<1x16xf32>,
      %get3A_3654 = vector.shape_cast %get3A_3653 : vector<1x16xf32> to vector<16xf32>
      %add3A_3655 = arith.addf %add3A_3607, %get3A_3654 : vector<16xf32>
      %get3A_3656 = arith.constant 49 : i32
      %get3A_3657 = arith.index_cast %get3A_3656 : i32 to index
      %get3A_3658 = arith.constant 0 : index
      %get3A_3659 = tpu.vector_load %arg8[%get3A_3657, %get3A_3658] {strides = array<i32>} : memref<104x32xf32, #tpu.memory_space<vmem>>, vector<1x16xf32>,
      %get3A_3660 = vector.shape_cast %get3A_3659 : vector<1x16xf32> to vector<16xf32>
      %add3A_3661 = arith.addf %add3A_3613, %get3A_3660 : vector<16xf32>
      %get3A_3662 = arith.constant 49 : i32
      %get3A_3663 = arith.index_cast %get3A_3662 : i32 to index
      %get3A_3664 = arith.constant 16 : index
      %get3A_3665 = tpu.vector_load %arg8[%get3A_3663, %get3A_3664] {strides = array<i32>} : memref<104x32xf32, #tpu.memory_space<vmem>>, vector<1x16xf32>,
      %get3A_3666 = vector.shape_cast %get3A_3665 : vector<1x16xf32> to vector<16xf32>
      %add3A_3667 = arith.addf %add3A_3619, %get3A_3666 : vector<16xf32>
      %get3A_3668 = arith.constant 48 : i32
      %get3A_3669 = arith.index_cast %get3A_3668 : i32 to index
      %get3A_3670 = arith.constant 0 : index
      %get3A_3671 = tpu.vector_load %arg9[%get3A_3669, %get3A_3670] {strides = array<i32>} : memref<104x32xf32, #tpu.memory_space<vmem>>, vector<1x16xf32>,
      %get3A_3672 = vector.shape_cast %get3A_3671 : vector<1x16xf32> to vector<16xf32>
      %add3A_3673 = arith.addf %add3A_3625, %get3A_3672 : vector<16xf32>
      %get3A_3674 = arith.constant 48 : i32
      %get3A_3675 = arith.index_cast %get3A_3674 : i32 to index
      %get3A_3676 = arith.constant 16 : index
      %get3A_3677 = tpu.vector_load %arg9[%get3A_3675, %get3A_3676] {strides = array<i32>} : memref<104x32xf32, #tpu.memory_space<vmem>>, vector<1x16xf32>,
      %get3A_3678 = vector.shape_cast %get3A_3677 : vector<1x16xf32> to vector<16xf32>
      %add3A_3679 = arith.addf %add3A_3631, %get3A_3678 : vector<16xf32>
      %get3A_3680 = arith.constant 49 : i32
      %get3A_3681 = arith.index_cast %get3A_3680 : i32 to index
      %get3A_3682 = arith.constant 0 : index
      %get3A_3683 = tpu.vector_load %arg9[%get3A_3681, %get3A_3682] {strides = array<i32>} : memref<104x32xf32, #tpu.memory_space<vmem>>, vector<1x16xf32>,
      %get3A_3684 = vector.shape_cast %get3A_3683 : vector<1x16xf32> to vector<16xf32>
      %add3A_3685 = arith.addf %add3A_3637, %get3A_3684 : vector<16xf32>
      %get3A_3686 = arith.constant 49 : i32
      %get3A_3687 = arith.index_cast %get3A_3686 : i32 to index
      %get3A_3688 = arith.constant 16 : index
      %get3A_3689 = tpu.vector_load %arg9[%get3A_3687, %get3A_3688] {strides = array<i32>} : memref<104x32xf32, #tpu.memory_space<vmem>>, vector<1x16xf32>,
      %get3A_3690 = vector.shape_cast %get3A_3689 : vector<1x16xf32> to vector<16xf32>
      %add3A_3691 = arith.addf %add3A_3643, %get3A_3690 : vector<16xf32>
      %get3A_3692 = arith.constant 50 : i32
      %get3A_3693 = arith.index_cast %get3A_3692 : i32 to index
      %get3A_3694 = arith.constant 0 : index
      %get3A_3695 = tpu.vector_load %arg8[%get3A_3693, %get3A_3694] {strides = array<i32>} : memref<104x32xf32, #tpu.memory_space<vmem>>, vector<1x16xf32>,
      %get3A_3696 = vector.shape_cast %get3A_3695 : vector<1x16xf32> to vector<16xf32>
      %add3A_3697 = arith.addf %add3A_3649, %get3A_3696 : vector<16xf32>
      %get3A_3698 = arith.constant 50 : i32
      %get3A_3699 = arith.index_cast %get3A_3698 : i32 to index
      %get3A_3700 = arith.constant 16 : index
      %get3A_3701 = tpu.vector_load %arg8[%get3A_3699, %get3A_3700] {strides = array<i32>} : memref<104x32xf32, #tpu.memory_space<vmem>>, vector<1x16xf32>,
      %get3A_3702 = vector.shape_cast %get3A_3701 : vector<1x16xf32> to vector<16xf32>
      %add3A_3703 = arith.addf %add3A_3655, %get3A_3702 : vector<16xf32>
      %get3A_3704 = arith.constant 51 : i32
      %get3A_3705 = arith.index_cast %get3A_3704 : i32 to index
      %get3A_3706 = arith.constant 0 : index
      %get3A_3707 = tpu.vector_load %arg8[%get3A_3705, %get3A_3706] {strides = array<i32>} : memref<104x32xf32, #tpu.memory_space<vmem>>, vector<1x16xf32>,
      %get3A_3708 = vector.shape_cast %get3A_3707 : vector<1x16xf32> to vector<16xf32>
      %add3A_3709 = arith.addf %add3A_3661, %get3A_3708 : vector<16xf32>
      %get3A_3710 = arith.constant 51 : i32
      %get3A_3711 = arith.index_cast %get3A_3710 : i32 to index
      %get3A_3712 = arith.constant 16 : index
      %get3A_3713 = tpu.vector_load %arg8[%get3A_3711, %get3A_3712] {strides = array<i32>} : memref<104x32xf32, #tpu.memory_space<vmem>>, vector<1x16xf32>,
      %get3A_3714 = vector.shape_cast %get3A_3713 : vector<1x16xf32> to vector<16xf32>
      %add3A_3715 = arith.addf %add3A_3667, %get3A_3714 : vector<16xf32>
      %get3A_3716 = arith.constant 50 : i32
      %get3A_3717 = arith.index_cast %get3A_3716 : i32 to index
      %get3A_3718 = arith.constant 0 : index
      %get3A_3719 = tpu.vector_load %arg9[%get3A_3717, %get3A_3718] {strides = array<i32>} : memref<104x32xf32, #tpu.memory_space<vmem>>, vector<1x16xf32>,
      %get3A_3720 = vector.shape_cast %get3A_3719 : vector<1x16xf32> to vector<16xf32>
      %add3A_3721 = arith.addf %add3A_3673, %get3A_3720 : vector<16xf32>
      %get3A_3722 = arith.constant 50 : i32
      %get3A_3723 = arith.index_cast %get3A_3722 : i32 to index
      %get3A_3724 = arith.constant 16 : index
      %get3A_3725 = tpu.vector_load %arg9[%get3A_3723, %get3A_3724] {strides = array<i32>} : memref<104x32xf32, #tpu.memory_space<vmem>>, vector<1x16xf32>,
      %get3A_3726 = vector.shape_cast %get3A_3725 : vector<1x16xf32> to vector<16xf32>
      %add3A_3727 = arith.addf %add3A_3679, %get3A_3726 : vector<16xf32>
      %get3A_3728 = arith.constant 51 : i32
      %get3A_3729 = arith.index_cast %get3A_3728 : i32 to index
      %get3A_3730 = arith.constant 0 : index
      %get3A_3731 = tpu.vector_load %arg9[%get3A_3729, %get3A_3730] {strides = array<i32>} : memref<104x32xf32, #tpu.memory_space<vmem>>, vector<1x16xf32>,
      %get3A_3732 = vector.shape_cast %get3A_3731 : vector<1x16xf32> to vector<16xf32>
      %add3A_3733 = arith.addf %add3A_3685, %get3A_3732 : vector<16xf32>
      %get3A_3734 = arith.constant 51 : i32
      %get3A_3735 = arith.index_cast %get3A_3734 : i32 to index
      %get3A_3736 = arith.constant 16 : index
      %get3A_3737 = tpu.vector_load %arg9[%get3A_3735, %get3A_3736] {strides = array<i32>} : memref<104x32xf32, #tpu.memory_space<vmem>>, vector<1x16xf32>,
      %get3A_3738 = vector.shape_cast %get3A_3737 : vector<1x16xf32> to vector<16xf32>
      %add3A_3739 = arith.addf %add3A_3691, %get3A_3738 : vector<16xf32>
      %get3A_3740 = arith.constant 52 : i32
      %get3A_3741 = arith.index_cast %get3A_3740 : i32 to index
      %get3A_3742 = arith.constant 0 : index
      %get3A_3743 = tpu.vector_load %arg8[%get3A_3741, %get3A_3742] {strides = array<i32>} : memref<104x32xf32, #tpu.memory_space<vmem>>, vector<1x16xf32>,
      %get3A_3744 = vector.shape_cast %get3A_3743 : vector<1x16xf32> to vector<16xf32>
      %add3A_3745 = arith.addf %add3A_3697, %get3A_3744 : vector<16xf32>
      %get3A_3746 = arith.constant 52 : i32
      %get3A_3747 = arith.index_cast %get3A_3746 : i32 to index
      %get3A_3748 = arith.constant 16 : index
      %get3A_3749 = tpu.vector_load %arg8[%get3A_3747, %get3A_3748] {strides = array<i32>} : memref<104x32xf32, #tpu.memory_space<vmem>>, vector<1x16xf32>,
      %get3A_3750 = vector.shape_cast %get3A_3749 : vector<1x16xf32> to vector<16xf32>
      %add3A_3751 = arith.addf %add3A_3703, %get3A_3750 : vector<16xf32>
      %get3A_3752 = arith.constant 53 : i32
      %get3A_3753 = arith.index_cast %get3A_3752 : i32 to index
      %get3A_3754 = arith.constant 0 : index
      %get3A_3755 = tpu.vector_load %arg8[%get3A_3753, %get3A_3754] {strides = array<i32>} : memref<104x32xf32, #tpu.memory_space<vmem>>, vector<1x16xf32>,
      %get3A_3756 = vector.shape_cast %get3A_3755 : vector<1x16xf32> to vector<16xf32>
      %add3A_3757 = arith.addf %add3A_3709, %get3A_3756 : vector<16xf32>
      %get3A_3758 = arith.constant 53 : i32
      %get3A_3759 = arith.index_cast %get3A_3758 : i32 to index
      %get3A_3760 = arith.constant 16 : index
      %get3A_3761 = tpu.vector_load %arg8[%get3A_3759, %get3A_3760] {strides = array<i32>} : memref<104x32xf32, #tpu.memory_space<vmem>>, vector<1x16xf32>,
      %get3A_3762 = vector.shape_cast %get3A_3761 : vector<1x16xf32> to vector<16xf32>
      %add3A_3763 = arith.addf %add3A_3715, %get3A_3762 : vector<16xf32>
      %get3A_3764 = arith.constant 52 : i32
      %get3A_3765 = arith.index_cast %get3A_3764 : i32 to index
      %get3A_3766 = arith.constant 0 : index
      %get3A_3767 = tpu.vector_load %arg9[%get3A_3765, %get3A_3766] {strides = array<i32>} : memref<104x32xf32, #tpu.memory_space<vmem>>, vector<1x16xf32>,
      %get3A_3768 = vector.shape_cast %get3A_3767 : vector<1x16xf32> to vector<16xf32>
      %add3A_3769 = arith.addf %add3A_3721, %get3A_3768 : vector<16xf32>
      %get3A_3770 = arith.constant 52 : i32
      %get3A_3771 = arith.index_cast %get3A_3770 : i32 to index
      %get3A_3772 = arith.constant 16 : index
      %get3A_3773 = tpu.vector_load %arg9[%get3A_3771, %get3A_3772] {strides = array<i32>} : memref<104x32xf32, #tpu.memory_space<vmem>>, vector<1x16xf32>,
      %get3A_3774 = vector.shape_cast %get3A_3773 : vector<1x16xf32> to vector<16xf32>
      %add3A_3775 = arith.addf %add3A_3727, %get3A_3774 : vector<16xf32>
      %get3A_3776 = arith.constant 53 : i32
      %get3A_3777 = arith.index_cast %get3A_3776 : i32 to index
      %get3A_3778 = arith.constant 0 : index
      %get3A_3779 = tpu.vector_load %arg9[%get3A_3777, %get3A_3778] {strides = array<i32>} : memref<104x32xf32, #tpu.memory_space<vmem>>, vector<1x16xf32>,
      %get3A_3780 = vector.shape_cast %get3A_3779 : vector<1x16xf32> to vector<16xf32>
      %add3A_3781 = arith.addf %add3A_3733, %get3A_3780 : vector<16xf32>
      %get3A_3782 = arith.constant 53 : i32
      %get3A_3783 = arith.index_cast %get3A_3782 : i32 to index
      %get3A_3784 = arith.constant 16 : index
      %get3A_3785 = tpu.vector_load %arg9[%get3A_3783, %get3A_3784] {strides = array<i32>} : memref<104x32xf32, #tpu.memory_space<vmem>>, vector<1x16xf32>,
      %get3A_3786 = vector.shape_cast %get3A_3785 : vector<1x16xf32> to vector<16xf32>
      %add3A_3787 = arith.addf %add3A_3739, %get3A_3786 : vector<16xf32>
      %get3A_3788 = arith.constant 54 : i32
      %get3A_3789 = arith.index_cast %get3A_3788 : i32 to index
      %get3A_3790 = arith.constant 0 : index
      %get3A_3791 = tpu.vector_load %arg8[%get3A_3789, %get3A_3790] {strides = array<i32>} : memref<104x32xf32, #tpu.memory_space<vmem>>, vector<1x16xf32>,
      %get3A_3792 = vector.shape_cast %get3A_3791 : vector<1x16xf32> to vector<16xf32>
      %add3A_3793 = arith.addf %add3A_3745, %get3A_3792 : vector<16xf32>
      %get3A_3794 = arith.constant 54 : i32
      %get3A_3795 = arith.index_cast %get3A_3794 : i32 to index
      %get3A_3796 = arith.constant 16 : index
      %get3A_3797 = tpu.vector_load %arg8[%get3A_3795, %get3A_3796] {strides = array<i32>} : memref<104x32xf32, #tpu.memory_space<vmem>>, vector<1x16xf32>,
      %get3A_3798 = vector.shape_cast %get3A_3797 : vector<1x16xf32> to vector<16xf32>
      %add3A_3799 = arith.addf %add3A_3751, %get3A_3798 : vector<16xf32>
      %get3A_3800 = arith.constant 55 : i32
      %get3A_3801 = arith.index_cast %get3A_3800 : i32 to index
      %get3A_3802 = arith.constant 0 : index
      %get3A_3803 = tpu.vector_load %arg8[%get3A_3801, %get3A_3802] {strides = array<i32>} : memref<104x32xf32, #tpu.memory_space<vmem>>, vector<1x16xf32>,
      %get3A_3804 = vector.shape_cast %get3A_3803 : vector<1x16xf32> to vector<16xf32>
      %add3A_3805 = arith.addf %add3A_3757, %get3A_3804 : vector<16xf32>
      %get3A_3806 = arith.constant 55 : i32
      %get3A_3807 = arith.index_cast %get3A_3806 : i32 to index
      %get3A_3808 = arith.constant 16 : index
      %get3A_3809 = tpu.vector_load %arg8[%get3A_3807, %get3A_3808] {strides = array<i32>} : memref<104x32xf32, #tpu.memory_space<vmem>>, vector<1x16xf32>,
      %get3A_3810 = vector.shape_cast %get3A_3809 : vector<1x16xf32> to vector<16xf32>
      %add3A_3811 = arith.addf %add3A_3763, %get3A_3810 : vector<16xf32>
      %get3A_3812 = arith.constant 54 : i32
      %get3A_3813 = arith.index_cast %get3A_3812 : i32 to index
      %get3A_3814 = arith.constant 0 : index
      %get3A_3815 = tpu.vector_load %arg9[%get3A_3813, %get3A_3814] {strides = array<i32>} : memref<104x32xf32, #tpu.memory_space<vmem>>, vector<1x16xf32>,
      %get3A_3816 = vector.shape_cast %get3A_3815 : vector<1x16xf32> to vector<16xf32>
      %add3A_3817 = arith.addf %add3A_3769, %get3A_3816 : vector<16xf32>
      %get3A_3818 = arith.constant 54 : i32
      %get3A_3819 = arith.index_cast %get3A_3818 : i32 to index
      %get3A_3820 = arith.constant 16 : index
      %get3A_3821 = tpu.vector_load %arg9[%get3A_3819, %get3A_3820] {strides = array<i32>} : memref<104x32xf32, #tpu.memory_space<vmem>>, vector<1x16xf32>,
      %get3A_3822 = vector.shape_cast %get3A_3821 : vector<1x16xf32> to vector<16xf32>
      %add3A_3823 = arith.addf %add3A_3775, %get3A_3822 : vector<16xf32>
      %get3A_3824 = arith.constant 55 : i32
      %get3A_3825 = arith.index_cast %get3A_3824 : i32 to index
      %get3A_3826 = arith.constant 0 : index
      %get3A_3827 = tpu.vector_load %arg9[%get3A_3825, %get3A_3826] {strides = array<i32>} : memref<104x32xf32, #tpu.memory_space<vmem>>, vector<1x16xf32>,
      %get3A_3828 = vector.shape_cast %get3A_3827 : vector<1x16xf32> to vector<16xf32>
      %add3A_3829 = arith.addf %add3A_3781, %get3A_3828 : vector<16xf32>
      %get3A_3830 = arith.constant 55 : i32
      %get3A_3831 = arith.index_cast %get3A_3830 : i32 to index
      %get3A_3832 = arith.constant 16 : index
      %get3A_3833 = tpu.vector_load %arg9[%get3A_3831, %get3A_3832] {strides = array<i32>} : memref<104x32xf32, #tpu.memory_space<vmem>>, vector<1x16xf32>,
      %get3A_3834 = vector.shape_cast %get3A_3833 : vector<1x16xf32> to vector<16xf32>
      %add3A_3835 = arith.addf %add3A_3787, %get3A_3834 : vector<16xf32>
      %get3A_3836 = arith.constant 56 : i32
      %get3A_3837 = arith.index_cast %get3A_3836 : i32 to index
      %get3A_3838 = arith.constant 0 : index
      %get3A_3839 = tpu.vector_load %arg8[%get3A_3837, %get3A_3838] {strides = array<i32>} : memref<104x32xf32, #tpu.memory_space<vmem>>, vector<1x16xf32>,
      %get3A_3840 = vector.shape_cast %get3A_3839 : vector<1x16xf32> to vector<16xf32>
      %add3A_3841 = arith.addf %add3A_3793, %get3A_3840 : vector<16xf32>
      %get3A_3842 = arith.constant 56 : i32
      %get3A_3843 = arith.index_cast %get3A_3842 : i32 to index
      %get3A_3844 = arith.constant 16 : index
      %get3A_3845 = tpu.vector_load %arg8[%get3A_3843, %get3A_3844] {strides = array<i32>} : memref<104x32xf32, #tpu.memory_space<vmem>>, vector<1x16xf32>,
      %get3A_3846 = vector.shape_cast %get3A_3845 : vector<1x16xf32> to vector<16xf32>
      %add3A_3847 = arith.addf %add3A_3799, %get3A_3846 : vector<16xf32>
      %get3A_3848 = arith.constant 57 : i32
      %get3A_3849 = arith.index_cast %get3A_3848 : i32 to index
      %get3A_3850 = arith.constant 0 : index
      %get3A_3851 = tpu.vector_load %arg8[%get3A_3849, %get3A_3850] {strides = array<i32>} : memref<104x32xf32, #tpu.memory_space<vmem>>, vector<1x16xf32>,
      %get3A_3852 = vector.shape_cast %get3A_3851 : vector<1x16xf32> to vector<16xf32>
      %add3A_3853 = arith.addf %add3A_3805, %get3A_3852 : vector<16xf32>
      %get3A_3854 = arith.constant 57 : i32
      %get3A_3855 = arith.index_cast %get3A_3854 : i32 to index
      %get3A_3856 = arith.constant 16 : index
      %get3A_3857 = tpu.vector_load %arg8[%get3A_3855, %get3A_3856] {strides = array<i32>} : memref<104x32xf32, #tpu.memory_space<vmem>>, vector<1x16xf32>,
      %get3A_3858 = vector.shape_cast %get3A_3857 : vector<1x16xf32> to vector<16xf32>
      %add3A_3859 = arith.addf %add3A_3811, %get3A_3858 : vector<16xf32>
      %get3A_3860 = arith.constant 56 : i32
      %get3A_3861 = arith.index_cast %get3A_3860 : i32 to index
      %get3A_3862 = arith.constant 0 : index
      %get3A_3863 = tpu.vector_load %arg9[%get3A_3861, %get3A_3862] {strides = array<i32>} : memref<104x32xf32, #tpu.memory_space<vmem>>, vector<1x16xf32>,
      %get3A_3864 = vector.shape_cast %get3A_3863 : vector<1x16xf32> to vector<16xf32>
      %add3A_3865 = arith.addf %add3A_3817, %get3A_3864 : vector<16xf32>
      %get3A_3866 = arith.constant 56 : i32
      %get3A_3867 = arith.index_cast %get3A_3866 : i32 to index
      %get3A_3868 = arith.constant 16 : index
      %get3A_3869 = tpu.vector_load %arg9[%get3A_3867, %get3A_3868] {strides = array<i32>} : memref<104x32xf32, #tpu.memory_space<vmem>>, vector<1x16xf32>,
      %get3A_3870 = vector.shape_cast %get3A_3869 : vector<1x16xf32> to vector<16xf32>
      %add3A_3871 = arith.addf %add3A_3823, %get3A_3870 : vector<16xf32>
      %get3A_3872 = arith.constant 57 : i32
      %get3A_3873 = arith.index_cast %get3A_3872 : i32 to index
      %get3A_3874 = arith.constant 0 : index
      %get3A_3875 = tpu.vector_load %arg9[%get3A_3873, %get3A_3874] {strides = array<i32>} : memref<104x32xf32, #tpu.memory_space<vmem>>, vector<1x16xf32>,
      %get3A_3876 = vector.shape_cast %get3A_3875 : vector<1x16xf32> to vector<16xf32>
      %add3A_3877 = arith.addf %add3A_3829, %get3A_3876 : vector<16xf32>
      %get3A_3878 = arith.constant 57 : i32
      %get3A_3879 = arith.index_cast %get3A_3878 : i32 to index
      %get3A_3880 = arith.constant 16 : index
      %get3A_3881 = tpu.vector_load %arg9[%get3A_3879, %get3A_3880] {strides = array<i32>} : memref<104x32xf32, #tpu.memory_space<vmem>>, vector<1x16xf32>,
      %get3A_3882 = vector.shape_cast %get3A_3881 : vector<1x16xf32> to vector<16xf32>
      %add3A_3883 = arith.addf %add3A_3835, %get3A_3882 : vector<16xf32>
      %get3A_3884 = arith.constant 58 : i32
      %get3A_3885 = arith.index_cast %get3A_3884 : i32 to index
      %get3A_3886 = arith.constant 0 : index
      %get3A_3887 = tpu.vector_load %arg8[%get3A_3885, %get3A_3886] {strides = array<i32>} : memref<104x32xf32, #tpu.memory_space<vmem>>, vector<1x16xf32>,
      %get3A_3888 = vector.shape_cast %get3A_3887 : vector<1x16xf32> to vector<16xf32>
      %add3A_3889 = arith.addf %add3A_3841, %get3A_3888 : vector<16xf32>
      %get3A_3890 = arith.constant 58 : i32
      %get3A_3891 = arith.index_cast %get3A_3890 : i32 to index
      %get3A_3892 = arith.constant 16 : index
      %get3A_3893 = tpu.vector_load %arg8[%get3A_3891, %get3A_3892] {strides = array<i32>} : memref<104x32xf32, #tpu.memory_space<vmem>>, vector<1x16xf32>,
      %get3A_3894 = vector.shape_cast %get3A_3893 : vector<1x16xf32> to vector<16xf32>
      %add3A_3895 = arith.addf %add3A_3847, %get3A_3894 : vector<16xf32>
      %get3A_3896 = arith.constant 59 : i32
      %get3A_3897 = arith.index_cast %get3A_3896 : i32 to index
      %get3A_3898 = arith.constant 0 : index
      %get3A_3899 = tpu.vector_load %arg8[%get3A_3897, %get3A_3898] {strides = array<i32>} : memref<104x32xf32, #tpu.memory_space<vmem>>, vector<1x16xf32>,
      %get3A_3900 = vector.shape_cast %get3A_3899 : vector<1x16xf32> to vector<16xf32>
      %add3A_3901 = arith.addf %add3A_3853, %get3A_3900 : vector<16xf32>
      %get3A_3902 = arith.constant 59 : i32
      %get3A_3903 = arith.index_cast %get3A_3902 : i32 to index
      %get3A_3904 = arith.constant 16 : index
      %get3A_3905 = tpu.vector_load %arg8[%get3A_3903, %get3A_3904] {strides = array<i32>} : memref<104x32xf32, #tpu.memory_space<vmem>>, vector<1x16xf32>,
      %get3A_3906 = vector.shape_cast %get3A_3905 : vector<1x16xf32> to vector<16xf32>
      %add3A_3907 = arith.addf %add3A_3859, %get3A_3906 : vector<16xf32>
      %get3A_3908 = arith.constant 58 : i32
      %get3A_3909 = arith.index_cast %get3A_3908 : i32 to index
      %get3A_3910 = arith.constant 0 : index
      %get3A_3911 = tpu.vector_load %arg9[%get3A_3909, %get3A_3910] {strides = array<i32>} : memref<104x32xf32, #tpu.memory_space<vmem>>, vector<1x16xf32>,
      %get3A_3912 = vector.shape_cast %get3A_3911 : vector<1x16xf32> to vector<16xf32>
      %add3A_3913 = arith.addf %add3A_3865, %get3A_3912 : vector<16xf32>
      %get3A_3914 = arith.constant 58 : i32
      %get3A_3915 = arith.index_cast %get3A_3914 : i32 to index
      %get3A_3916 = arith.constant 16 : index
      %get3A_3917 = tpu.vector_load %arg9[%get3A_3915, %get3A_3916] {strides = array<i32>} : memref<104x32xf32, #tpu.memory_space<vmem>>, vector<1x16xf32>,
      %get3A_3918 = vector.shape_cast %get3A_3917 : vector<1x16xf32> to vector<16xf32>
      %add3A_3919 = arith.addf %add3A_3871, %get3A_3918 : vector<16xf32>
      %get3A_3920 = arith.constant 59 : i32
      %get3A_3921 = arith.index_cast %get3A_3920 : i32 to index
      %get3A_3922 = arith.constant 0 : index
      %get3A_3923 = tpu.vector_load %arg9[%get3A_3921, %get3A_3922] {strides = array<i32>} : memref<104x32xf32, #tpu.memory_space<vmem>>, vector<1x16xf32>,
      %get3A_3924 = vector.shape_cast %get3A_3923 : vector<1x16xf32> to vector<16xf32>
      %add3A_3925 = arith.addf %add3A_3877, %get3A_3924 : vector<16xf32>
      %get3A_3926 = arith.constant 59 : i32
      %get3A_3927 = arith.index_cast %get3A_3926 : i32 to index
      %get3A_3928 = arith.constant 16 : index
      %get3A_3929 = tpu.vector_load %arg9[%get3A_3927, %get3A_3928] {strides = array<i32>} : memref<104x32xf32, #tpu.memory_space<vmem>>, vector<1x16xf32>,
      %get3A_3930 = vector.shape_cast %get3A_3929 : vector<1x16xf32> to vector<16xf32>
      %add3A_3931 = arith.addf %add3A_3883, %get3A_3930 : vector<16xf32>
      %get3A_3932 = arith.constant 60 : i32
      %get3A_3933 = arith.index_cast %get3A_3932 : i32 to index
      %get3A_3934 = arith.constant 0 : index
      %get3A_3935 = tpu.vector_load %arg8[%get3A_3933, %get3A_3934] {strides = array<i32>} : memref<104x32xf32, #tpu.memory_space<vmem>>, vector<1x16xf32>,
      %get3A_3936 = vector.shape_cast %get3A_3935 : vector<1x16xf32> to vector<16xf32>
      %add3A_3937 = arith.addf %add3A_3889, %get3A_3936 : vector<16xf32>
      %get3A_3938 = arith.constant 60 : i32
      %get3A_3939 = arith.index_cast %get3A_3938 : i32 to index
      %get3A_3940 = arith.constant 16 : index
      %get3A_3941 = tpu.vector_load %arg8[%get3A_3939, %get3A_3940] {strides = array<i32>} : memref<104x32xf32, #tpu.memory_space<vmem>>, vector<1x16xf32>,
      %get3A_3942 = vector.shape_cast %get3A_3941 : vector<1x16xf32> to vector<16xf32>
      %add3A_3943 = arith.addf %add3A_3895, %get3A_3942 : vector<16xf32>
      %get3A_3944 = arith.constant 61 : i32
      %get3A_3945 = arith.index_cast %get3A_3944 : i32 to index
      %get3A_3946 = arith.constant 0 : index
      %get3A_3947 = tpu.vector_load %arg8[%get3A_3945, %get3A_3946] {strides = array<i32>} : memref<104x32xf32, #tpu.memory_space<vmem>>, vector<1x16xf32>,
      %get3A_3948 = vector.shape_cast %get3A_3947 : vector<1x16xf32> to vector<16xf32>
      %add3A_3949 = arith.addf %add3A_3901, %get3A_3948 : vector<16xf32>
      %get3A_3950 = arith.constant 61 : i32
      %get3A_3951 = arith.index_cast %get3A_3950 : i32 to index
      %get3A_3952 = arith.constant 16 : index
      %get3A_3953 = tpu.vector_load %arg8[%get3A_3951, %get3A_3952] {strides = array<i32>} : memref<104x32xf32, #tpu.memory_space<vmem>>, vector<1x16xf32>,
      %get3A_3954 = vector.shape_cast %get3A_3953 : vector<1x16xf32> to vector<16xf32>
      %add3A_3955 = arith.addf %add3A_3907, %get3A_3954 : vector<16xf32>
      %get3A_3956 = arith.constant 60 : i32
      %get3A_3957 = arith.index_cast %get3A_3956 : i32 to index
      %get3A_3958 = arith.constant 0 : index
      %get3A_3959 = tpu.vector_load %arg9[%get3A_3957, %get3A_3958] {strides = array<i32>} : memref<104x32xf32, #tpu.memory_space<vmem>>, vector<1x16xf32>,
      %get3A_3960 = vector.shape_cast %get3A_3959 : vector<1x16xf32> to vector<16xf32>
      %add3A_3961 = arith.addf %add3A_3913, %get3A_3960 : vector<16xf32>
      %get3A_3962 = arith.constant 60 : i32
      %get3A_3963 = arith.index_cast %get3A_3962 : i32 to index
      %get3A_3964 = arith.constant 16 : index
      %get3A_3965 = tpu.vector_load %arg9[%get3A_3963, %get3A_3964] {strides = array<i32>} : memref<104x32xf32, #tpu.memory_space<vmem>>, vector<1x16xf32>,
      %get3A_3966 = vector.shape_cast %get3A_3965 : vector<1x16xf32> to vector<16xf32>
      %add3A_3967 = arith.addf %add3A_3919, %get3A_3966 : vector<16xf32>
      %get3A_3968 = arith.constant 61 : i32
      %get3A_3969 = arith.index_cast %get3A_3968 : i32 to index
      %get3A_3970 = arith.constant 0 : index
      %get3A_3971 = tpu.vector_load %arg9[%get3A_3969, %get3A_3970] {strides = array<i32>} : memref<104x32xf32, #tpu.memory_space<vmem>>, vector<1x16xf32>,
      %get3A_3972 = vector.shape_cast %get3A_3971 : vector<1x16xf32> to vector<16xf32>
      %add3A_3973 = arith.addf %add3A_3925, %get3A_3972 : vector<16xf32>
      %get3A_3974 = arith.constant 61 : i32
      %get3A_3975 = arith.index_cast %get3A_3974 : i32 to index
      %get3A_3976 = arith.constant 16 : index
      %get3A_3977 = tpu.vector_load %arg9[%get3A_3975, %get3A_3976] {strides = array<i32>} : memref<104x32xf32, #tpu.memory_space<vmem>>, vector<1x16xf32>,
      %get3A_3978 = vector.shape_cast %get3A_3977 : vector<1x16xf32> to vector<16xf32>
      %add3A_3979 = arith.addf %add3A_3931, %get3A_3978 : vector<16xf32>
      %get3A_3980 = arith.constant 62 : i32
      %get3A_3981 = arith.index_cast %get3A_3980 : i32 to index
      %get3A_3982 = arith.constant 0 : index
      %get3A_3983 = tpu.vector_load %arg8[%get3A_3981, %get3A_3982] {strides = array<i32>} : memref<104x32xf32, #tpu.memory_space<vmem>>, vector<1x16xf32>,
      %get3A_3984 = vector.shape_cast %get3A_3983 : vector<1x16xf32> to vector<16xf32>
      %add3A_3985 = arith.addf %add3A_3937, %get3A_3984 : vector<16xf32>
      %get3A_3986 = arith.constant 62 : i32
      %get3A_3987 = arith.index_cast %get3A_3986 : i32 to index
      %get3A_3988 = arith.constant 16 : index
      %get3A_3989 = tpu.vector_load %arg8[%get3A_3987, %get3A_3988] {strides = array<i32>} : memref<104x32xf32, #tpu.memory_space<vmem>>, vector<1x16xf32>,
      %get3A_3990 = vector.shape_cast %get3A_3989 : vector<1x16xf32> to vector<16xf32>
      %add3A_3991 = arith.addf %add3A_3943, %get3A_3990 : vector<16xf32>
      %get3A_3992 = arith.constant 63 : i32
      %get3A_3993 = arith.index_cast %get3A_3992 : i32 to index
      %get3A_3994 = arith.constant 0 : index
      %get3A_3995 = tpu.vector_load %arg8[%get3A_3993, %get3A_3994] {strides = array<i32>} : memref<104x32xf32, #tpu.memory_space<vmem>>, vector<1x16xf32>,
      %get3A_3996 = vector.shape_cast %get3A_3995 : vector<1x16xf32> to vector<16xf32>
      %add3A_3997 = arith.addf %add3A_3949, %get3A_3996 : vector<16xf32>
      %get3A_3998 = arith.constant 63 : i32
      %get3A_3999 = arith.index_cast %get3A_3998 : i32 to index
      %get3A_4000 = arith.constant 16 : index
      %get3A_4001 = tpu.vector_load %arg8[%get3A_3999, %get3A_4000] {strides = array<i32>} : memref<104x32xf32, #tpu.memory_space<vmem>>, vector<1x16xf32>,
      %get3A_4002 = vector.shape_cast %get3A_4001 : vector<1x16xf32> to vector<16xf32>
      %add3A_4003 = arith.addf %add3A_3955, %get3A_4002 : vector<16xf32>
      %get3A_4004 = arith.constant 62 : i32
      %get3A_4005 = arith.index_cast %get3A_4004 : i32 to index
      %get3A_4006 = arith.constant 0 : index
      %get3A_4007 = tpu.vector_load %arg9[%get3A_4005, %get3A_4006] {strides = array<i32>} : memref<104x32xf32, #tpu.memory_space<vmem>>, vector<1x16xf32>,
      %get3A_4008 = vector.shape_cast %get3A_4007 : vector<1x16xf32> to vector<16xf32>
      %add3A_4009 = arith.addf %add3A_3961, %get3A_4008 : vector<16xf32>
      %get3A_4010 = arith.constant 62 : i32
      %get3A_4011 = arith.index_cast %get3A_4010 : i32 to index
      %get3A_4012 = arith.constant 16 : index
      %get3A_4013 = tpu.vector_load %arg9[%get3A_4011, %get3A_4012] {strides = array<i32>} : memref<104x32xf32, #tpu.memory_space<vmem>>, vector<1x16xf32>,
      %get3A_4014 = vector.shape_cast %get3A_4013 : vector<1x16xf32> to vector<16xf32>
      %add3A_4015 = arith.addf %add3A_3967, %get3A_4014 : vector<16xf32>
      %get3A_4016 = arith.constant 63 : i32
      %get3A_4017 = arith.index_cast %get3A_4016 : i32 to index
      %get3A_4018 = arith.constant 0 : index
      %get3A_4019 = tpu.vector_load %arg9[%get3A_4017, %get3A_4018] {strides = array<i32>} : memref<104x32xf32, #tpu.memory_space<vmem>>, vector<1x16xf32>,
      %get3A_4020 = vector.shape_cast %get3A_4019 : vector<1x16xf32> to vector<16xf32>
      %add3A_4021 = arith.addf %add3A_3973, %get3A_4020 : vector<16xf32>
      %get3A_4022 = arith.constant 63 : i32
      %get3A_4023 = arith.index_cast %get3A_4022 : i32 to index
      %get3A_4024 = arith.constant 16 : index
      %get3A_4025 = tpu.vector_load %arg9[%get3A_4023, %get3A_4024] {strides = array<i32>} : memref<104x32xf32, #tpu.memory_space<vmem>>, vector<1x16xf32>,
      %get3A_4026 = vector.shape_cast %get3A_4025 : vector<1x16xf32> to vector<16xf32>
      %add3A_4027 = arith.addf %add3A_3979, %get3A_4026 : vector<16xf32>
      %get3A_4028 = arith.constant 64 : i32
      %get3A_4029 = arith.index_cast %get3A_4028 : i32 to index
      %get3A_4030 = arith.constant 0 : index
      %get3A_4031 = tpu.vector_load %arg8[%get3A_4029, %get3A_4030] {strides = array<i32>} : memref<104x32xf32, #tpu.memory_space<vmem>>, vector<1x16xf32>,
      %get3A_4032 = vector.shape_cast %get3A_4031 : vector<1x16xf32> to vector<16xf32>
      %add3A_4033 = arith.addf %add3A_3985, %get3A_4032 : vector<16xf32>
      %get3A_4034 = arith.constant 64 : i32
      %get3A_4035 = arith.index_cast %get3A_4034 : i32 to index
      %get3A_4036 = arith.constant 16 : index
      %get3A_4037 = tpu.vector_load %arg8[%get3A_4035, %get3A_4036] {strides = array<i32>} : memref<104x32xf32, #tpu.memory_space<vmem>>, vector<1x16xf32>,
      %get3A_4038 = vector.shape_cast %get3A_4037 : vector<1x16xf32> to vector<16xf32>
      %add3A_4039 = arith.addf %add3A_3991, %get3A_4038 : vector<16xf32>
      %get3A_4040 = arith.constant 65 : i32
      %get3A_4041 = arith.index_cast %get3A_4040 : i32 to index
      %get3A_4042 = arith.constant 0 : index
      %get3A_4043 = tpu.vector_load %arg8[%get3A_4041, %get3A_4042] {strides = array<i32>} : memref<104x32xf32, #tpu.memory_space<vmem>>, vector<1x16xf32>,
      %get3A_4044 = vector.shape_cast %get3A_4043 : vector<1x16xf32> to vector<16xf32>
      %add3A_4045 = arith.addf %add3A_3997, %get3A_4044 : vector<16xf32>
      %get3A_4046 = arith.constant 65 : i32
      %get3A_4047 = arith.index_cast %get3A_4046 : i32 to index
      %get3A_4048 = arith.constant 16 : index
      %get3A_4049 = tpu.vector_load %arg8[%get3A_4047, %get3A_4048] {strides = array<i32>} : memref<104x32xf32, #tpu.memory_space<vmem>>, vector<1x16xf32>,
      %get3A_4050 = vector.shape_cast %get3A_4049 : vector<1x16xf32> to vector<16xf32>
      %add3A_4051 = arith.addf %add3A_4003, %get3A_4050 : vector<16xf32>
      %get3A_4052 = arith.constant 64 : i32
      %get3A_4053 = arith.index_cast %get3A_4052 : i32 to index
      %get3A_4054 = arith.constant 0 : index
      %get3A_4055 = tpu.vector_load %arg9[%get3A_4053, %get3A_4054] {strides = array<i32>} : memref<104x32xf32, #tpu.memory_space<vmem>>, vector<1x16xf32>,
      %get3A_4056 = vector.shape_cast %get3A_4055 : vector<1x16xf32> to vector<16xf32>
      %add3A_4057 = arith.addf %add3A_4009, %get3A_4056 : vector<16xf32>
      %get3A_4058 = arith.constant 64 : i32
      %get3A_4059 = arith.index_cast %get3A_4058 : i32 to index
      %get3A_4060 = arith.constant 16 : index
      %get3A_4061 = tpu.vector_load %arg9[%get3A_4059, %get3A_4060] {strides = array<i32>} : memref<104x32xf32, #tpu.memory_space<vmem>>, vector<1x16xf32>,
      %get3A_4062 = vector.shape_cast %get3A_4061 : vector<1x16xf32> to vector<16xf32>
      %add3A_4063 = arith.addf %add3A_4015, %get3A_4062 : vector<16xf32>
      %get3A_4064 = arith.constant 65 : i32
      %get3A_4065 = arith.index_cast %get3A_4064 : i32 to index
      %get3A_4066 = arith.constant 0 : index
      %get3A_4067 = tpu.vector_load %arg9[%get3A_4065, %get3A_4066] {strides = array<i32>} : memref<104x32xf32, #tpu.memory_space<vmem>>, vector<1x16xf32>,
      %get3A_4068 = vector.shape_cast %get3A_4067 : vector<1x16xf32> to vector<16xf32>
      %add3A_4069 = arith.addf %add3A_4021, %get3A_4068 : vector<16xf32>
      %get3A_4070 = arith.constant 65 : i32
      %get3A_4071 = arith.index_cast %get3A_4070 : i32 to index
      %get3A_4072 = arith.constant 16 : index
      %get3A_4073 = tpu.vector_load %arg9[%get3A_4071, %get3A_4072] {strides = array<i32>} : memref<104x32xf32, #tpu.memory_space<vmem>>, vector<1x16xf32>,
      %get3A_4074 = vector.shape_cast %get3A_4073 : vector<1x16xf32> to vector<16xf32>
      %add3A_4075 = arith.addf %add3A_4027, %get3A_4074 : vector<16xf32>
      %get3A_4076 = arith.constant 66 : i32
      %get3A_4077 = arith.index_cast %get3A_4076 : i32 to index
      %get3A_4078 = arith.constant 0 : index
      %get3A_4079 = tpu.vector_load %arg8[%get3A_4077, %get3A_4078] {strides = array<i32>} : memref<104x32xf32, #tpu.memory_space<vmem>>, vector<1x16xf32>,
      %get3A_4080 = vector.shape_cast %get3A_4079 : vector<1x16xf32> to vector<16xf32>
      %add3A_4081 = arith.addf %add3A_4033, %get3A_4080 : vector<16xf32>
      %get3A_4082 = arith.constant 66 : i32
      %get3A_4083 = arith.index_cast %get3A_4082 : i32 to index
      %get3A_4084 = arith.constant 16 : index
      %get3A_4085 = tpu.vector_load %arg8[%get3A_4083, %get3A_4084] {strides = array<i32>} : memref<104x32xf32, #tpu.memory_space<vmem>>, vector<1x16xf32>,
      %get3A_4086 = vector.shape_cast %get3A_4085 : vector<1x16xf32> to vector<16xf32>
      %add3A_4087 = arith.addf %add3A_4039, %get3A_4086 : vector<16xf32>
      %get3A_4088 = arith.constant 67 : i32
      %get3A_4089 = arith.index_cast %get3A_4088 : i32 to index
      %get3A_4090 = arith.constant 0 : index
      %get3A_4091 = tpu.vector_load %arg8[%get3A_4089, %get3A_4090] {strides = array<i32>} : memref<104x32xf32, #tpu.memory_space<vmem>>, vector<1x16xf32>,
      %get3A_4092 = vector.shape_cast %get3A_4091 : vector<1x16xf32> to vector<16xf32>
      %add3A_4093 = arith.addf %add3A_4045, %get3A_4092 : vector<16xf32>
      %get3A_4094 = arith.constant 67 : i32
      %get3A_4095 = arith.index_cast %get3A_4094 : i32 to index
      %get3A_4096 = arith.constant 16 : index
      %get3A_4097 = tpu.vector_load %arg8[%get3A_4095, %get3A_4096] {strides = array<i32>} : memref<104x32xf32, #tpu.memory_space<vmem>>, vector<1x16xf32>,
      %get3A_4098 = vector.shape_cast %get3A_4097 : vector<1x16xf32> to vector<16xf32>
      %add3A_4099 = arith.addf %add3A_4051, %get3A_4098 : vector<16xf32>
      %get3A_4100 = arith.constant 66 : i32
      %get3A_4101 = arith.index_cast %get3A_4100 : i32 to index
      %get3A_4102 = arith.constant 0 : index
      %get3A_4103 = tpu.vector_load %arg9[%get3A_4101, %get3A_4102] {strides = array<i32>} : memref<104x32xf32, #tpu.memory_space<vmem>>, vector<1x16xf32>,
      %get3A_4104 = vector.shape_cast %get3A_4103 : vector<1x16xf32> to vector<16xf32>
      %add3A_4105 = arith.addf %add3A_4057, %get3A_4104 : vector<16xf32>
      %get3A_4106 = arith.constant 66 : i32
      %get3A_4107 = arith.index_cast %get3A_4106 : i32 to index
      %get3A_4108 = arith.constant 16 : index
      %get3A_4109 = tpu.vector_load %arg9[%get3A_4107, %get3A_4108] {strides = array<i32>} : memref<104x32xf32, #tpu.memory_space<vmem>>, vector<1x16xf32>,
      %get3A_4110 = vector.shape_cast %get3A_4109 : vector<1x16xf32> to vector<16xf32>
      %add3A_4111 = arith.addf %add3A_4063, %get3A_4110 : vector<16xf32>
      %get3A_4112 = arith.constant 67 : i32
      %get3A_4113 = arith.index_cast %get3A_4112 : i32 to index
      %get3A_4114 = arith.constant 0 : index
      %get3A_4115 = tpu.vector_load %arg9[%get3A_4113, %get3A_4114] {strides = array<i32>} : memref<104x32xf32, #tpu.memory_space<vmem>>, vector<1x16xf32>,
      %get3A_4116 = vector.shape_cast %get3A_4115 : vector<1x16xf32> to vector<16xf32>
      %add3A_4117 = arith.addf %add3A_4069, %get3A_4116 : vector<16xf32>
      %get3A_4118 = arith.constant 67 : i32
      %get3A_4119 = arith.index_cast %get3A_4118 : i32 to index
      %get3A_4120 = arith.constant 16 : index
      %get3A_4121 = tpu.vector_load %arg9[%get3A_4119, %get3A_4120] {strides = array<i32>} : memref<104x32xf32, #tpu.memory_space<vmem>>, vector<1x16xf32>,
      %get3A_4122 = vector.shape_cast %get3A_4121 : vector<1x16xf32> to vector<16xf32>
      %add3A_4123 = arith.addf %add3A_4075, %get3A_4122 : vector<16xf32>
      %get3A_4124 = arith.constant 68 : i32
      %get3A_4125 = arith.index_cast %get3A_4124 : i32 to index
      %get3A_4126 = arith.constant 0 : index
      %get3A_4127 = tpu.vector_load %arg8[%get3A_4125, %get3A_4126] {strides = array<i32>} : memref<104x32xf32, #tpu.memory_space<vmem>>, vector<1x16xf32>,
      %get3A_4128 = vector.shape_cast %get3A_4127 : vector<1x16xf32> to vector<16xf32>
      %add3A_4129 = arith.addf %add3A_4081, %get3A_4128 : vector<16xf32>
      %get3A_4130 = arith.constant 68 : i32
      %get3A_4131 = arith.index_cast %get3A_4130 : i32 to index
      %get3A_4132 = arith.constant 16 : index
      %get3A_4133 = tpu.vector_load %arg8[%get3A_4131, %get3A_4132] {strides = array<i32>} : memref<104x32xf32, #tpu.memory_space<vmem>>, vector<1x16xf32>,
      %get3A_4134 = vector.shape_cast %get3A_4133 : vector<1x16xf32> to vector<16xf32>
      %add3A_4135 = arith.addf %add3A_4087, %get3A_4134 : vector<16xf32>
      %get3A_4136 = arith.constant 69 : i32
      %get3A_4137 = arith.index_cast %get3A_4136 : i32 to index
      %get3A_4138 = arith.constant 0 : index
      %get3A_4139 = tpu.vector_load %arg8[%get3A_4137, %get3A_4138] {strides = array<i32>} : memref<104x32xf32, #tpu.memory_space<vmem>>, vector<1x16xf32>,
      %get3A_4140 = vector.shape_cast %get3A_4139 : vector<1x16xf32> to vector<16xf32>
      %add3A_4141 = arith.addf %add3A_4093, %get3A_4140 : vector<16xf32>
      %get3A_4142 = arith.constant 69 : i32
      %get3A_4143 = arith.index_cast %get3A_4142 : i32 to index
      %get3A_4144 = arith.constant 16 : index
      %get3A_4145 = tpu.vector_load %arg8[%get3A_4143, %get3A_4144] {strides = array<i32>} : memref<104x32xf32, #tpu.memory_space<vmem>>, vector<1x16xf32>,
      %get3A_4146 = vector.shape_cast %get3A_4145 : vector<1x16xf32> to vector<16xf32>
      %add3A_4147 = arith.addf %add3A_4099, %get3A_4146 : vector<16xf32>
      %get3A_4148 = arith.constant 68 : i32
      %get3A_4149 = arith.index_cast %get3A_4148 : i32 to index
      %get3A_4150 = arith.constant 0 : index
      %get3A_4151 = tpu.vector_load %arg9[%get3A_4149, %get3A_4150] {strides = array<i32>} : memref<104x32xf32, #tpu.memory_space<vmem>>, vector<1x16xf32>,
      %get3A_4152 = vector.shape_cast %get3A_4151 : vector<1x16xf32> to vector<16xf32>
      %add3A_4153 = arith.addf %add3A_4105, %get3A_4152 : vector<16xf32>
      %get3A_4154 = arith.constant 68 : i32
      %get3A_4155 = arith.index_cast %get3A_4154 : i32 to index
      %get3A_4156 = arith.constant 16 : index
      %get3A_4157 = tpu.vector_load %arg9[%get3A_4155, %get3A_4156] {strides = array<i32>} : memref<104x32xf32, #tpu.memory_space<vmem>>, vector<1x16xf32>,
      %get3A_4158 = vector.shape_cast %get3A_4157 : vector<1x16xf32> to vector<16xf32>
      %add3A_4159 = arith.addf %add3A_4111, %get3A_4158 : vector<16xf32>
      %get3A_4160 = arith.constant 69 : i32
      %get3A_4161 = arith.index_cast %get3A_4160 : i32 to index
      %get3A_4162 = arith.constant 0 : index
      %get3A_4163 = tpu.vector_load %arg9[%get3A_4161, %get3A_4162] {strides = array<i32>} : memref<104x32xf32, #tpu.memory_space<vmem>>, vector<1x16xf32>,
      %get3A_4164 = vector.shape_cast %get3A_4163 : vector<1x16xf32> to vector<16xf32>
      %add3A_4165 = arith.addf %add3A_4117, %get3A_4164 : vector<16xf32>
      %get3A_4166 = arith.constant 69 : i32
      %get3A_4167 = arith.index_cast %get3A_4166 : i32 to index
      %get3A_4168 = arith.constant 16 : index
      %get3A_4169 = tpu.vector_load %arg9[%get3A_4167, %get3A_4168] {strides = array<i32>} : memref<104x32xf32, #tpu.memory_space<vmem>>, vector<1x16xf32>,
      %get3A_4170 = vector.shape_cast %get3A_4169 : vector<1x16xf32> to vector<16xf32>
      %add3A_4171 = arith.addf %add3A_4123, %get3A_4170 : vector<16xf32>
      %get3A_4172 = arith.constant 70 : i32
      %get3A_4173 = arith.index_cast %get3A_4172 : i32 to index
      %get3A_4174 = arith.constant 0 : index
      %get3A_4175 = tpu.vector_load %arg8[%get3A_4173, %get3A_4174] {strides = array<i32>} : memref<104x32xf32, #tpu.memory_space<vmem>>, vector<1x16xf32>,
      %get3A_4176 = vector.shape_cast %get3A_4175 : vector<1x16xf32> to vector<16xf32>
      %add3A_4177 = arith.addf %add3A_4129, %get3A_4176 : vector<16xf32>
      %get3A_4178 = arith.constant 70 : i32
      %get3A_4179 = arith.index_cast %get3A_4178 : i32 to index
      %get3A_4180 = arith.constant 16 : index
      %get3A_4181 = tpu.vector_load %arg8[%get3A_4179, %get3A_4180] {strides = array<i32>} : memref<104x32xf32, #tpu.memory_space<vmem>>, vector<1x16xf32>,
      %get3A_4182 = vector.shape_cast %get3A_4181 : vector<1x16xf32> to vector<16xf32>
      %add3A_4183 = arith.addf %add3A_4135, %get3A_4182 : vector<16xf32>
      %get3A_4184 = arith.constant 71 : i32
      %get3A_4185 = arith.index_cast %get3A_4184 : i32 to index
      %get3A_4186 = arith.constant 0 : index
      %get3A_4187 = tpu.vector_load %arg8[%get3A_4185, %get3A_4186] {strides = array<i32>} : memref<104x32xf32, #tpu.memory_space<vmem>>, vector<1x16xf32>,
      %get3A_4188 = vector.shape_cast %get3A_4187 : vector<1x16xf32> to vector<16xf32>
      %add3A_4189 = arith.addf %add3A_4141, %get3A_4188 : vector<16xf32>
      %get3A_4190 = arith.constant 71 : i32
      %get3A_4191 = arith.index_cast %get3A_4190 : i32 to index
      %get3A_4192 = arith.constant 16 : index
      %get3A_4193 = tpu.vector_load %arg8[%get3A_4191, %get3A_4192] {strides = array<i32>} : memref<104x32xf32, #tpu.memory_space<vmem>>, vector<1x16xf32>,
      %get3A_4194 = vector.shape_cast %get3A_4193 : vector<1x16xf32> to vector<16xf32>
      %add3A_4195 = arith.addf %add3A_4147, %get3A_4194 : vector<16xf32>
      %get3A_4196 = arith.constant 70 : i32
      %get3A_4197 = arith.index_cast %get3A_4196 : i32 to index
      %get3A_4198 = arith.constant 0 : index
      %get3A_4199 = tpu.vector_load %arg9[%get3A_4197, %get3A_4198] {strides = array<i32>} : memref<104x32xf32, #tpu.memory_space<vmem>>, vector<1x16xf32>,
      %get3A_4200 = vector.shape_cast %get3A_4199 : vector<1x16xf32> to vector<16xf32>
      %add3A_4201 = arith.addf %add3A_4153, %get3A_4200 : vector<16xf32>
      %get3A_4202 = arith.constant 70 : i32
      %get3A_4203 = arith.index_cast %get3A_4202 : i32 to index
      %get3A_4204 = arith.constant 16 : index
      %get3A_4205 = tpu.vector_load %arg9[%get3A_4203, %get3A_4204] {strides = array<i32>} : memref<104x32xf32, #tpu.memory_space<vmem>>, vector<1x16xf32>,
      %get3A_4206 = vector.shape_cast %get3A_4205 : vector<1x16xf32> to vector<16xf32>
      %add3A_4207 = arith.addf %add3A_4159, %get3A_4206 : vector<16xf32>
      %get3A_4208 = arith.constant 71 : i32
      %get3A_4209 = arith.index_cast %get3A_4208 : i32 to index
      %get3A_4210 = arith.constant 0 : index
      %get3A_4211 = tpu.vector_load %arg9[%get3A_4209, %get3A_4210] {strides = array<i32>} : memref<104x32xf32, #tpu.memory_space<vmem>>, vector<1x16xf32>,
      %get3A_4212 = vector.shape_cast %get3A_4211 : vector<1x16xf32> to vector<16xf32>
      %add3A_4213 = arith.addf %add3A_4165, %get3A_4212 : vector<16xf32>
      %get3A_4214 = arith.constant 71 : i32
      %get3A_4215 = arith.index_cast %get3A_4214 : i32 to index
      %get3A_4216 = arith.constant 16 : index
      %get3A_4217 = tpu.vector_load %arg9[%get3A_4215, %get3A_4216] {strides = array<i32>} : memref<104x32xf32, #tpu.memory_space<vmem>>, vector<1x16xf32>,
      %get3A_4218 = vector.shape_cast %get3A_4217 : vector<1x16xf32> to vector<16xf32>
      %add3A_4219 = arith.addf %add3A_4171, %get3A_4218 : vector<16xf32>
      %get3A_4220 = arith.constant 72 : i32
      %get3A_4221 = arith.index_cast %get3A_4220 : i32 to index
      %get3A_4222 = arith.constant 0 : index
      %get3A_4223 = tpu.vector_load %arg8[%get3A_4221, %get3A_4222] {strides = array<i32>} : memref<104x32xf32, #tpu.memory_space<vmem>>, vector<1x16xf32>,
      %get3A_4224 = vector.shape_cast %get3A_4223 : vector<1x16xf32> to vector<16xf32>
      %add3A_4225 = arith.addf %add3A_4177, %get3A_4224 : vector<16xf32>
      %get3A_4226 = arith.constant 72 : i32
      %get3A_4227 = arith.index_cast %get3A_4226 : i32 to index
      %get3A_4228 = arith.constant 16 : index
      %get3A_4229 = tpu.vector_load %arg8[%get3A_4227, %get3A_4228] {strides = array<i32>} : memref<104x32xf32, #tpu.memory_space<vmem>>, vector<1x16xf32>,
      %get3A_4230 = vector.shape_cast %get3A_4229 : vector<1x16xf32> to vector<16xf32>
      %add3A_4231 = arith.addf %add3A_4183, %get3A_4230 : vector<16xf32>
      %get3A_4232 = arith.constant 73 : i32
      %get3A_4233 = arith.index_cast %get3A_4232 : i32 to index
      %get3A_4234 = arith.constant 0 : index
      %get3A_4235 = tpu.vector_load %arg8[%get3A_4233, %get3A_4234] {strides = array<i32>} : memref<104x32xf32, #tpu.memory_space<vmem>>, vector<1x16xf32>,
      %get3A_4236 = vector.shape_cast %get3A_4235 : vector<1x16xf32> to vector<16xf32>
      %add3A_4237 = arith.addf %add3A_4189, %get3A_4236 : vector<16xf32>
      %get3A_4238 = arith.constant 73 : i32
      %get3A_4239 = arith.index_cast %get3A_4238 : i32 to index
      %get3A_4240 = arith.constant 16 : index
      %get3A_4241 = tpu.vector_load %arg8[%get3A_4239, %get3A_4240] {strides = array<i32>} : memref<104x32xf32, #tpu.memory_space<vmem>>, vector<1x16xf32>,
      %get3A_4242 = vector.shape_cast %get3A_4241 : vector<1x16xf32> to vector<16xf32>
      %add3A_4243 = arith.addf %add3A_4195, %get3A_4242 : vector<16xf32>
      %get3A_4244 = arith.constant 72 : i32
      %get3A_4245 = arith.index_cast %get3A_4244 : i32 to index
      %get3A_4246 = arith.constant 0 : index
      %get3A_4247 = tpu.vector_load %arg9[%get3A_4245, %get3A_4246] {strides = array<i32>} : memref<104x32xf32, #tpu.memory_space<vmem>>, vector<1x16xf32>,
      %get3A_4248 = vector.shape_cast %get3A_4247 : vector<1x16xf32> to vector<16xf32>
      %add3A_4249 = arith.addf %add3A_4201, %get3A_4248 : vector<16xf32>
      %get3A_4250 = arith.constant 72 : i32
      %get3A_4251 = arith.index_cast %get3A_4250 : i32 to index
      %get3A_4252 = arith.constant 16 : index
      %get3A_4253 = tpu.vector_load %arg9[%get3A_4251, %get3A_4252] {strides = array<i32>} : memref<104x32xf32, #tpu.memory_space<vmem>>, vector<1x16xf32>,
      %get3A_4254 = vector.shape_cast %get3A_4253 : vector<1x16xf32> to vector<16xf32>
      %add3A_4255 = arith.addf %add3A_4207, %get3A_4254 : vector<16xf32>
      %get3A_4256 = arith.constant 73 : i32
      %get3A_4257 = arith.index_cast %get3A_4256 : i32 to index
      %get3A_4258 = arith.constant 0 : index
      %get3A_4259 = tpu.vector_load %arg9[%get3A_4257, %get3A_4258] {strides = array<i32>} : memref<104x32xf32, #tpu.memory_space<vmem>>, vector<1x16xf32>,
      %get3A_4260 = vector.shape_cast %get3A_4259 : vector<1x16xf32> to vector<16xf32>
      %add3A_4261 = arith.addf %add3A_4213, %get3A_4260 : vector<16xf32>
      %get3A_4262 = arith.constant 73 : i32
      %get3A_4263 = arith.index_cast %get3A_4262 : i32 to index
      %get3A_4264 = arith.constant 16 : index
      %get3A_4265 = tpu.vector_load %arg9[%get3A_4263, %get3A_4264] {strides = array<i32>} : memref<104x32xf32, #tpu.memory_space<vmem>>, vector<1x16xf32>,
      %get3A_4266 = vector.shape_cast %get3A_4265 : vector<1x16xf32> to vector<16xf32>
      %add3A_4267 = arith.addf %add3A_4219, %get3A_4266 : vector<16xf32>
      %get3A_4268 = arith.constant 74 : i32
      %get3A_4269 = arith.index_cast %get3A_4268 : i32 to index
      %get3A_4270 = arith.constant 0 : index
      %get3A_4271 = tpu.vector_load %arg8[%get3A_4269, %get3A_4270] {strides = array<i32>} : memref<104x32xf32, #tpu.memory_space<vmem>>, vector<1x16xf32>,
      %get3A_4272 = vector.shape_cast %get3A_4271 : vector<1x16xf32> to vector<16xf32>
      %add3A_4273 = arith.addf %add3A_4225, %get3A_4272 : vector<16xf32>
      %get3A_4274 = arith.constant 74 : i32
      %get3A_4275 = arith.index_cast %get3A_4274 : i32 to index
      %get3A_4276 = arith.constant 16 : index
      %get3A_4277 = tpu.vector_load %arg8[%get3A_4275, %get3A_4276] {strides = array<i32>} : memref<104x32xf32, #tpu.memory_space<vmem>>, vector<1x16xf32>,
      %get3A_4278 = vector.shape_cast %get3A_4277 : vector<1x16xf32> to vector<16xf32>
      %add3A_4279 = arith.addf %add3A_4231, %get3A_4278 : vector<16xf32>
      %get3A_4280 = arith.constant 75 : i32
      %get3A_4281 = arith.index_cast %get3A_4280 : i32 to index
      %get3A_4282 = arith.constant 0 : index
      %get3A_4283 = tpu.vector_load %arg8[%get3A_4281, %get3A_4282] {strides = array<i32>} : memref<104x32xf32, #tpu.memory_space<vmem>>, vector<1x16xf32>,
      %get3A_4284 = vector.shape_cast %get3A_4283 : vector<1x16xf32> to vector<16xf32>
      %add3A_4285 = arith.addf %add3A_4237, %get3A_4284 : vector<16xf32>
      %get3A_4286 = arith.constant 75 : i32
      %get3A_4287 = arith.index_cast %get3A_4286 : i32 to index
      %get3A_4288 = arith.constant 16 : index
      %get3A_4289 = tpu.vector_load %arg8[%get3A_4287, %get3A_4288] {strides = array<i32>} : memref<104x32xf32, #tpu.memory_space<vmem>>, vector<1x16xf32>,
      %get3A_4290 = vector.shape_cast %get3A_4289 : vector<1x16xf32> to vector<16xf32>
      %add3A_4291 = arith.addf %add3A_4243, %get3A_4290 : vector<16xf32>
      %get3A_4292 = arith.constant 74 : i32
      %get3A_4293 = arith.index_cast %get3A_4292 : i32 to index
      %get3A_4294 = arith.constant 0 : index
      %get3A_4295 = tpu.vector_load %arg9[%get3A_4293, %get3A_4294] {strides = array<i32>} : memref<104x32xf32, #tpu.memory_space<vmem>>, vector<1x16xf32>,
      %get3A_4296 = vector.shape_cast %get3A_4295 : vector<1x16xf32> to vector<16xf32>
      %add3A_4297 = arith.addf %add3A_4249, %get3A_4296 : vector<16xf32>
      %get3A_4298 = arith.constant 74 : i32
      %get3A_4299 = arith.index_cast %get3A_4298 : i32 to index
      %get3A_4300 = arith.constant 16 : index
      %get3A_4301 = tpu.vector_load %arg9[%get3A_4299, %get3A_4300] {strides = array<i32>} : memref<104x32xf32, #tpu.memory_space<vmem>>, vector<1x16xf32>,
      %get3A_4302 = vector.shape_cast %get3A_4301 : vector<1x16xf32> to vector<16xf32>
      %add3A_4303 = arith.addf %add3A_4255, %get3A_4302 : vector<16xf32>
      %get3A_4304 = arith.constant 75 : i32
      %get3A_4305 = arith.index_cast %get3A_4304 : i32 to index
      %get3A_4306 = arith.constant 0 : index
      %get3A_4307 = tpu.vector_load %arg9[%get3A_4305, %get3A_4306] {strides = array<i32>} : memref<104x32xf32, #tpu.memory_space<vmem>>, vector<1x16xf32>,
      %get3A_4308 = vector.shape_cast %get3A_4307 : vector<1x16xf32> to vector<16xf32>
      %add3A_4309 = arith.addf %add3A_4261, %get3A_4308 : vector<16xf32>
      %get3A_4310 = arith.constant 75 : i32
      %get3A_4311 = arith.index_cast %get3A_4310 : i32 to index
      %get3A_4312 = arith.constant 16 : index
      %get3A_4313 = tpu.vector_load %arg9[%get3A_4311, %get3A_4312] {strides = array<i32>} : memref<104x32xf32, #tpu.memory_space<vmem>>, vector<1x16xf32>,
      %get3A_4314 = vector.shape_cast %get3A_4313 : vector<1x16xf32> to vector<16xf32>
      %add3A_4315 = arith.addf %add3A_4267, %get3A_4314 : vector<16xf32>
      %get3A_4316 = arith.constant 76 : i32
      %get3A_4317 = arith.index_cast %get3A_4316 : i32 to index
      %get3A_4318 = arith.constant 0 : index
      %get3A_4319 = tpu.vector_load %arg8[%get3A_4317, %get3A_4318] {strides = array<i32>} : memref<104x32xf32, #tpu.memory_space<vmem>>, vector<1x16xf32>,
      %get3A_4320 = vector.shape_cast %get3A_4319 : vector<1x16xf32> to vector<16xf32>
      %add3A_4321 = arith.addf %add3A_4273, %get3A_4320 : vector<16xf32>
      %get3A_4322 = arith.constant 76 : i32
      %get3A_4323 = arith.index_cast %get3A_4322 : i32 to index
      %get3A_4324 = arith.constant 16 : index
      %get3A_4325 = tpu.vector_load %arg8[%get3A_4323, %get3A_4324] {strides = array<i32>} : memref<104x32xf32, #tpu.memory_space<vmem>>, vector<1x16xf32>,
      %get3A_4326 = vector.shape_cast %get3A_4325 : vector<1x16xf32> to vector<16xf32>
      %add3A_4327 = arith.addf %add3A_4279, %get3A_4326 : vector<16xf32>
      %get3A_4328 = arith.constant 77 : i32
      %get3A_4329 = arith.index_cast %get3A_4328 : i32 to index
      %get3A_4330 = arith.constant 0 : index
      %get3A_4331 = tpu.vector_load %arg8[%get3A_4329, %get3A_4330] {strides = array<i32>} : memref<104x32xf32, #tpu.memory_space<vmem>>, vector<1x16xf32>,
      %get3A_4332 = vector.shape_cast %get3A_4331 : vector<1x16xf32> to vector<16xf32>
      %add3A_4333 = arith.addf %add3A_4285, %get3A_4332 : vector<16xf32>
      %get3A_4334 = arith.constant 77 : i32
      %get3A_4335 = arith.index_cast %get3A_4334 : i32 to index
      %get3A_4336 = arith.constant 16 : index
      %get3A_4337 = tpu.vector_load %arg8[%get3A_4335, %get3A_4336] {strides = array<i32>} : memref<104x32xf32, #tpu.memory_space<vmem>>, vector<1x16xf32>,
      %get3A_4338 = vector.shape_cast %get3A_4337 : vector<1x16xf32> to vector<16xf32>
      %add3A_4339 = arith.addf %add3A_4291, %get3A_4338 : vector<16xf32>
      %get3A_4340 = arith.constant 76 : i32
      %get3A_4341 = arith.index_cast %get3A_4340 : i32 to index
      %get3A_4342 = arith.constant 0 : index
      %get3A_4343 = tpu.vector_load %arg9[%get3A_4341, %get3A_4342] {strides = array<i32>} : memref<104x32xf32, #tpu.memory_space<vmem>>, vector<1x16xf32>,
      %get3A_4344 = vector.shape_cast %get3A_4343 : vector<1x16xf32> to vector<16xf32>
      %add3A_4345 = arith.addf %add3A_4297, %get3A_4344 : vector<16xf32>
      %get3A_4346 = arith.constant 76 : i32
      %get3A_4347 = arith.index_cast %get3A_4346 : i32 to index
      %get3A_4348 = arith.constant 16 : index
      %get3A_4349 = tpu.vector_load %arg9[%get3A_4347, %get3A_4348] {strides = array<i32>} : memref<104x32xf32, #tpu.memory_space<vmem>>, vector<1x16xf32>,
      %get3A_4350 = vector.shape_cast %get3A_4349 : vector<1x16xf32> to vector<16xf32>
      %add3A_4351 = arith.addf %add3A_4303, %get3A_4350 : vector<16xf32>
      %get3A_4352 = arith.constant 77 : i32
      %get3A_4353 = arith.index_cast %get3A_4352 : i32 to index
      %get3A_4354 = arith.constant 0 : index
      %get3A_4355 = tpu.vector_load %arg9[%get3A_4353, %get3A_4354] {strides = array<i32>} : memref<104x32xf32, #tpu.memory_space<vmem>>, vector<1x16xf32>,
      %get3A_4356 = vector.shape_cast %get3A_4355 : vector<1x16xf32> to vector<16xf32>
      %add3A_4357 = arith.addf %add3A_4309, %get3A_4356 : vector<16xf32>
      %get3A_4358 = arith.constant 77 : i32
      %get3A_4359 = arith.index_cast %get3A_4358 : i32 to index
      %get3A_4360 = arith.constant 16 : index
      %get3A_4361 = tpu.vector_load %arg9[%get3A_4359, %get3A_4360] {strides = array<i32>} : memref<104x32xf32, #tpu.memory_space<vmem>>, vector<1x16xf32>,
      %get3A_4362 = vector.shape_cast %get3A_4361 : vector<1x16xf32> to vector<16xf32>
      %add3A_4363 = arith.addf %add3A_4315, %get3A_4362 : vector<16xf32>
      %get3A_4364 = arith.constant 78 : i32
      %get3A_4365 = arith.index_cast %get3A_4364 : i32 to index
      %get3A_4366 = arith.constant 0 : index
      %get3A_4367 = tpu.vector_load %arg8[%get3A_4365, %get3A_4366] {strides = array<i32>} : memref<104x32xf32, #tpu.memory_space<vmem>>, vector<1x16xf32>,
      %get3A_4368 = vector.shape_cast %get3A_4367 : vector<1x16xf32> to vector<16xf32>
      %add3A_4369 = arith.addf %add3A_4321, %get3A_4368 : vector<16xf32>
      %get3A_4370 = arith.constant 78 : i32
      %get3A_4371 = arith.index_cast %get3A_4370 : i32 to index
      %get3A_4372 = arith.constant 16 : index
      %get3A_4373 = tpu.vector_load %arg8[%get3A_4371, %get3A_4372] {strides = array<i32>} : memref<104x32xf32, #tpu.memory_space<vmem>>, vector<1x16xf32>,
      %get3A_4374 = vector.shape_cast %get3A_4373 : vector<1x16xf32> to vector<16xf32>
      %add3A_4375 = arith.addf %add3A_4327, %get3A_4374 : vector<16xf32>
      %get3A_4376 = arith.constant 79 : i32
      %get3A_4377 = arith.index_cast %get3A_4376 : i32 to index
      %get3A_4378 = arith.constant 0 : index
      %get3A_4379 = tpu.vector_load %arg8[%get3A_4377, %get3A_4378] {strides = array<i32>} : memref<104x32xf32, #tpu.memory_space<vmem>>, vector<1x16xf32>,
      %get3A_4380 = vector.shape_cast %get3A_4379 : vector<1x16xf32> to vector<16xf32>
      %add3A_4381 = arith.addf %add3A_4333, %get3A_4380 : vector<16xf32>
      %get3A_4382 = arith.constant 79 : i32
      %get3A_4383 = arith.index_cast %get3A_4382 : i32 to index
      %get3A_4384 = arith.constant 16 : index
      %get3A_4385 = tpu.vector_load %arg8[%get3A_4383, %get3A_4384] {strides = array<i32>} : memref<104x32xf32, #tpu.memory_space<vmem>>, vector<1x16xf32>,
      %get3A_4386 = vector.shape_cast %get3A_4385 : vector<1x16xf32> to vector<16xf32>
      %add3A_4387 = arith.addf %add3A_4339, %get3A_4386 : vector<16xf32>
      %get3A_4388 = arith.constant 78 : i32
      %get3A_4389 = arith.index_cast %get3A_4388 : i32 to index
      %get3A_4390 = arith.constant 0 : index
      %get3A_4391 = tpu.vector_load %arg9[%get3A_4389, %get3A_4390] {strides = array<i32>} : memref<104x32xf32, #tpu.memory_space<vmem>>, vector<1x16xf32>,
      %get3A_4392 = vector.shape_cast %get3A_4391 : vector<1x16xf32> to vector<16xf32>
      %add3A_4393 = arith.addf %add3A_4345, %get3A_4392 : vector<16xf32>
      %get3A_4394 = arith.constant 78 : i32
      %get3A_4395 = arith.index_cast %get3A_4394 : i32 to index
      %get3A_4396 = arith.constant 16 : index
      %get3A_4397 = tpu.vector_load %arg9[%get3A_4395, %get3A_4396] {strides = array<i32>} : memref<104x32xf32, #tpu.memory_space<vmem>>, vector<1x16xf32>,
      %get3A_4398 = vector.shape_cast %get3A_4397 : vector<1x16xf32> to vector<16xf32>
      %add3A_4399 = arith.addf %add3A_4351, %get3A_4398 : vector<16xf32>
      %get3A_4400 = arith.constant 79 : i32
      %get3A_4401 = arith.index_cast %get3A_4400 : i32 to index
      %get3A_4402 = arith.constant 0 : index
      %get3A_4403 = tpu.vector_load %arg9[%get3A_4401, %get3A_4402] {strides = array<i32>} : memref<104x32xf32, #tpu.memory_space<vmem>>, vector<1x16xf32>,
      %get3A_4404 = vector.shape_cast %get3A_4403 : vector<1x16xf32> to vector<16xf32>
      %add3A_4405 = arith.addf %add3A_4357, %get3A_4404 : vector<16xf32>
      %get3A_4406 = arith.constant 79 : i32
      %get3A_4407 = arith.index_cast %get3A_4406 : i32 to index
      %get3A_4408 = arith.constant 16 : index
      %get3A_4409 = tpu.vector_load %arg9[%get3A_4407, %get3A_4408] {strides = array<i32>} : memref<104x32xf32, #tpu.memory_space<vmem>>, vector<1x16xf32>,
      %get3A_4410 = vector.shape_cast %get3A_4409 : vector<1x16xf32> to vector<16xf32>
      %add3A_4411 = arith.addf %add3A_4363, %get3A_4410 : vector<16xf32>
      %get3A_4412 = arith.constant 80 : i32
      %get3A_4413 = arith.index_cast %get3A_4412 : i32 to index
      %get3A_4414 = arith.constant 0 : index
      %get3A_4415 = tpu.vector_load %arg8[%get3A_4413, %get3A_4414] {strides = array<i32>} : memref<104x32xf32, #tpu.memory_space<vmem>>, vector<1x16xf32>,
      %get3A_4416 = vector.shape_cast %get3A_4415 : vector<1x16xf32> to vector<16xf32>
      %add3A_4417 = arith.addf %add3A_4369, %get3A_4416 : vector<16xf32>
      %get3A_4418 = arith.constant 80 : i32
      %get3A_4419 = arith.index_cast %get3A_4418 : i32 to index
      %get3A_4420 = arith.constant 16 : index
      %get3A_4421 = tpu.vector_load %arg8[%get3A_4419, %get3A_4420] {strides = array<i32>} : memref<104x32xf32, #tpu.memory_space<vmem>>, vector<1x16xf32>,
      %get3A_4422 = vector.shape_cast %get3A_4421 : vector<1x16xf32> to vector<16xf32>
      %add3A_4423 = arith.addf %add3A_4375, %get3A_4422 : vector<16xf32>
      %get3A_4424 = arith.constant 81 : i32
      %get3A_4425 = arith.index_cast %get3A_4424 : i32 to index
      %get3A_4426 = arith.constant 0 : index
      %get3A_4427 = tpu.vector_load %arg8[%get3A_4425, %get3A_4426] {strides = array<i32>} : memref<104x32xf32, #tpu.memory_space<vmem>>, vector<1x16xf32>,
      %get3A_4428 = vector.shape_cast %get3A_4427 : vector<1x16xf32> to vector<16xf32>
      %add3A_4429 = arith.addf %add3A_4381, %get3A_4428 : vector<16xf32>
      %get3A_4430 = arith.constant 81 : i32
      %get3A_4431 = arith.index_cast %get3A_4430 : i32 to index
      %get3A_4432 = arith.constant 16 : index
      %get3A_4433 = tpu.vector_load %arg8[%get3A_4431, %get3A_4432] {strides = array<i32>} : memref<104x32xf32, #tpu.memory_space<vmem>>, vector<1x16xf32>,
      %get3A_4434 = vector.shape_cast %get3A_4433 : vector<1x16xf32> to vector<16xf32>
      %add3A_4435 = arith.addf %add3A_4387, %get3A_4434 : vector<16xf32>
      %get3A_4436 = arith.constant 80 : i32
      %get3A_4437 = arith.index_cast %get3A_4436 : i32 to index
      %get3A_4438 = arith.constant 0 : index
      %get3A_4439 = tpu.vector_load %arg9[%get3A_4437, %get3A_4438] {strides = array<i32>} : memref<104x32xf32, #tpu.memory_space<vmem>>, vector<1x16xf32>,
      %get3A_4440 = vector.shape_cast %get3A_4439 : vector<1x16xf32> to vector<16xf32>
      %add3A_4441 = arith.addf %add3A_4393, %get3A_4440 : vector<16xf32>
      %get3A_4442 = arith.constant 80 : i32
      %get3A_4443 = arith.index_cast %get3A_4442 : i32 to index
      %get3A_4444 = arith.constant 16 : index
      %get3A_4445 = tpu.vector_load %arg9[%get3A_4443, %get3A_4444] {strides = array<i32>} : memref<104x32xf32, #tpu.memory_space<vmem>>, vector<1x16xf32>,
      %get3A_4446 = vector.shape_cast %get3A_4445 : vector<1x16xf32> to vector<16xf32>
      %add3A_4447 = arith.addf %add3A_4399, %get3A_4446 : vector<16xf32>
      %get3A_4448 = arith.constant 81 : i32
      %get3A_4449 = arith.index_cast %get3A_4448 : i32 to index
      %get3A_4450 = arith.constant 0 : index
      %get3A_4451 = tpu.vector_load %arg9[%get3A_4449, %get3A_4450] {strides = array<i32>} : memref<104x32xf32, #tpu.memory_space<vmem>>, vector<1x16xf32>,
      %get3A_4452 = vector.shape_cast %get3A_4451 : vector<1x16xf32> to vector<16xf32>
      %add3A_4453 = arith.addf %add3A_4405, %get3A_4452 : vector<16xf32>
      %get3A_4454 = arith.constant 81 : i32
      %get3A_4455 = arith.index_cast %get3A_4454 : i32 to index
      %get3A_4456 = arith.constant 16 : index
      %get3A_4457 = tpu.vector_load %arg9[%get3A_4455, %get3A_4456] {strides = array<i32>} : memref<104x32xf32, #tpu.memory_space<vmem>>, vector<1x16xf32>,
      %get3A_4458 = vector.shape_cast %get3A_4457 : vector<1x16xf32> to vector<16xf32>
      %add3A_4459 = arith.addf %add3A_4411, %get3A_4458 : vector<16xf32>
      %get3A_4460 = arith.constant 82 : i32
      %get3A_4461 = arith.index_cast %get3A_4460 : i32 to index
      %get3A_4462 = arith.constant 0 : index
      %get3A_4463 = tpu.vector_load %arg8[%get3A_4461, %get3A_4462] {strides = array<i32>} : memref<104x32xf32, #tpu.memory_space<vmem>>, vector<1x16xf32>,
      %get3A_4464 = vector.shape_cast %get3A_4463 : vector<1x16xf32> to vector<16xf32>
      %add3A_4465 = arith.addf %add3A_4417, %get3A_4464 : vector<16xf32>
      %get3A_4466 = arith.constant 82 : i32
      %get3A_4467 = arith.index_cast %get3A_4466 : i32 to index
      %get3A_4468 = arith.constant 16 : index
      %get3A_4469 = tpu.vector_load %arg8[%get3A_4467, %get3A_4468] {strides = array<i32>} : memref<104x32xf32, #tpu.memory_space<vmem>>, vector<1x16xf32>,
      %get3A_4470 = vector.shape_cast %get3A_4469 : vector<1x16xf32> to vector<16xf32>
      %add3A_4471 = arith.addf %add3A_4423, %get3A_4470 : vector<16xf32>
      %get3A_4472 = arith.constant 83 : i32
      %get3A_4473 = arith.index_cast %get3A_4472 : i32 to index
      %get3A_4474 = arith.constant 0 : index
      %get3A_4475 = tpu.vector_load %arg8[%get3A_4473, %get3A_4474] {strides = array<i32>} : memref<104x32xf32, #tpu.memory_space<vmem>>, vector<1x16xf32>,
      %get3A_4476 = vector.shape_cast %get3A_4475 : vector<1x16xf32> to vector<16xf32>
      %add3A_4477 = arith.addf %add3A_4429, %get3A_4476 : vector<16xf32>
      %get3A_4478 = arith.constant 83 : i32
      %get3A_4479 = arith.index_cast %get3A_4478 : i32 to index
      %get3A_4480 = arith.constant 16 : index
      %get3A_4481 = tpu.vector_load %arg8[%get3A_4479, %get3A_4480] {strides = array<i32>} : memref<104x32xf32, #tpu.memory_space<vmem>>, vector<1x16xf32>,
      %get3A_4482 = vector.shape_cast %get3A_4481 : vector<1x16xf32> to vector<16xf32>
      %add3A_4483 = arith.addf %add3A_4435, %get3A_4482 : vector<16xf32>
      %get3A_4484 = arith.constant 82 : i32
      %get3A_4485 = arith.index_cast %get3A_4484 : i32 to index
      %get3A_4486 = arith.constant 0 : index
      %get3A_4487 = tpu.vector_load %arg9[%get3A_4485, %get3A_4486] {strides = array<i32>} : memref<104x32xf32, #tpu.memory_space<vmem>>, vector<1x16xf32>,
      %get3A_4488 = vector.shape_cast %get3A_4487 : vector<1x16xf32> to vector<16xf32>
      %add3A_4489 = arith.addf %add3A_4441, %get3A_4488 : vector<16xf32>
      %get3A_4490 = arith.constant 82 : i32
      %get3A_4491 = arith.index_cast %get3A_4490 : i32 to index
      %get3A_4492 = arith.constant 16 : index
      %get3A_4493 = tpu.vector_load %arg9[%get3A_4491, %get3A_4492] {strides = array<i32>} : memref<104x32xf32, #tpu.memory_space<vmem>>, vector<1x16xf32>,
      %get3A_4494 = vector.shape_cast %get3A_4493 : vector<1x16xf32> to vector<16xf32>
      %add3A_4495 = arith.addf %add3A_4447, %get3A_4494 : vector<16xf32>
      %get3A_4496 = arith.constant 83 : i32
      %get3A_4497 = arith.index_cast %get3A_4496 : i32 to index
      %get3A_4498 = arith.constant 0 : index
      %get3A_4499 = tpu.vector_load %arg9[%get3A_4497, %get3A_4498] {strides = array<i32>} : memref<104x32xf32, #tpu.memory_space<vmem>>, vector<1x16xf32>,
      %get3A_4500 = vector.shape_cast %get3A_4499 : vector<1x16xf32> to vector<16xf32>
      %add3A_4501 = arith.addf %add3A_4453, %get3A_4500 : vector<16xf32>
      %get3A_4502 = arith.constant 83 : i32
      %get3A_4503 = arith.index_cast %get3A_4502 : i32 to index
      %get3A_4504 = arith.constant 16 : index
      %get3A_4505 = tpu.vector_load %arg9[%get3A_4503, %get3A_4504] {strides = array<i32>} : memref<104x32xf32, #tpu.memory_space<vmem>>, vector<1x16xf32>,
      %get3A_4506 = vector.shape_cast %get3A_4505 : vector<1x16xf32> to vector<16xf32>
      %add3A_4507 = arith.addf %add3A_4459, %get3A_4506 : vector<16xf32>
      %get3A_4508 = arith.constant 84 : i32
      %get3A_4509 = arith.index_cast %get3A_4508 : i32 to index
      %get3A_4510 = arith.constant 0 : index
      %get3A_4511 = tpu.vector_load %arg8[%get3A_4509, %get3A_4510] {strides = array<i32>} : memref<104x32xf32, #tpu.memory_space<vmem>>, vector<1x16xf32>,
      %get3A_4512 = vector.shape_cast %get3A_4511 : vector<1x16xf32> to vector<16xf32>
      %add3A_4513 = arith.addf %add3A_4465, %get3A_4512 : vector<16xf32>
      %get3A_4514 = arith.constant 84 : i32
      %get3A_4515 = arith.index_cast %get3A_4514 : i32 to index
      %get3A_4516 = arith.constant 16 : index
      %get3A_4517 = tpu.vector_load %arg8[%get3A_4515, %get3A_4516] {strides = array<i32>} : memref<104x32xf32, #tpu.memory_space<vmem>>, vector<1x16xf32>,
      %get3A_4518 = vector.shape_cast %get3A_4517 : vector<1x16xf32> to vector<16xf32>
      %add3A_4519 = arith.addf %add3A_4471, %get3A_4518 : vector<16xf32>
      %get3A_4520 = arith.constant 85 : i32
      %get3A_4521 = arith.index_cast %get3A_4520 : i32 to index
      %get3A_4522 = arith.constant 0 : index
      %get3A_4523 = tpu.vector_load %arg8[%get3A_4521, %get3A_4522] {strides = array<i32>} : memref<104x32xf32, #tpu.memory_space<vmem>>, vector<1x16xf32>,
      %get3A_4524 = vector.shape_cast %get3A_4523 : vector<1x16xf32> to vector<16xf32>
      %add3A_4525 = arith.addf %add3A_4477, %get3A_4524 : vector<16xf32>
      %get3A_4526 = arith.constant 85 : i32
      %get3A_4527 = arith.index_cast %get3A_4526 : i32 to index
      %get3A_4528 = arith.constant 16 : index
      %get3A_4529 = tpu.vector_load %arg8[%get3A_4527, %get3A_4528] {strides = array<i32>} : memref<104x32xf32, #tpu.memory_space<vmem>>, vector<1x16xf32>,
      %get3A_4530 = vector.shape_cast %get3A_4529 : vector<1x16xf32> to vector<16xf32>
      %add3A_4531 = arith.addf %add3A_4483, %get3A_4530 : vector<16xf32>
      %get3A_4532 = arith.constant 84 : i32
      %get3A_4533 = arith.index_cast %get3A_4532 : i32 to index
      %get3A_4534 = arith.constant 0 : index
      %get3A_4535 = tpu.vector_load %arg9[%get3A_4533, %get3A_4534] {strides = array<i32>} : memref<104x32xf32, #tpu.memory_space<vmem>>, vector<1x16xf32>,
      %get3A_4536 = vector.shape_cast %get3A_4535 : vector<1x16xf32> to vector<16xf32>
      %add3A_4537 = arith.addf %add3A_4489, %get3A_4536 : vector<16xf32>
      %get3A_4538 = arith.constant 84 : i32
      %get3A_4539 = arith.index_cast %get3A_4538 : i32 to index
      %get3A_4540 = arith.constant 16 : index
      %get3A_4541 = tpu.vector_load %arg9[%get3A_4539, %get3A_4540] {strides = array<i32>} : memref<104x32xf32, #tpu.memory_space<vmem>>, vector<1x16xf32>,
      %get3A_4542 = vector.shape_cast %get3A_4541 : vector<1x16xf32> to vector<16xf32>
      %add3A_4543 = arith.addf %add3A_4495, %get3A_4542 : vector<16xf32>
      %get3A_4544 = arith.constant 85 : i32
      %get3A_4545 = arith.index_cast %get3A_4544 : i32 to index
      %get3A_4546 = arith.constant 0 : index
      %get3A_4547 = tpu.vector_load %arg9[%get3A_4545, %get3A_4546] {strides = array<i32>} : memref<104x32xf32, #tpu.memory_space<vmem>>, vector<1x16xf32>,
      %get3A_4548 = vector.shape_cast %get3A_4547 : vector<1x16xf32> to vector<16xf32>
      %add3A_4549 = arith.addf %add3A_4501, %get3A_4548 : vector<16xf32>
      %get3A_4550 = arith.constant 85 : i32
      %get3A_4551 = arith.index_cast %get3A_4550 : i32 to index
      %get3A_4552 = arith.constant 16 : index
      %get3A_4553 = tpu.vector_load %arg9[%get3A_4551, %get3A_4552] {strides = array<i32>} : memref<104x32xf32, #tpu.memory_space<vmem>>, vector<1x16xf32>,
      %get3A_4554 = vector.shape_cast %get3A_4553 : vector<1x16xf32> to vector<16xf32>
      %add3A_4555 = arith.addf %add3A_4507, %get3A_4554 : vector<16xf32>
      %get3A_4556 = arith.constant 86 : i32
      %get3A_4557 = arith.index_cast %get3A_4556 : i32 to index
      %get3A_4558 = arith.constant 0 : index
      %get3A_4559 = tpu.vector_load %arg8[%get3A_4557, %get3A_4558] {strides = array<i32>} : memref<104x32xf32, #tpu.memory_space<vmem>>, vector<1x16xf32>,
      %get3A_4560 = vector.shape_cast %get3A_4559 : vector<1x16xf32> to vector<16xf32>
      %add3A_4561 = arith.addf %add3A_4513, %get3A_4560 : vector<16xf32>
      %get3A_4562 = arith.constant 86 : i32
      %get3A_4563 = arith.index_cast %get3A_4562 : i32 to index
      %get3A_4564 = arith.constant 16 : index
      %get3A_4565 = tpu.vector_load %arg8[%get3A_4563, %get3A_4564] {strides = array<i32>} : memref<104x32xf32, #tpu.memory_space<vmem>>, vector<1x16xf32>,
      %get3A_4566 = vector.shape_cast %get3A_4565 : vector<1x16xf32> to vector<16xf32>
      %add3A_4567 = arith.addf %add3A_4519, %get3A_4566 : vector<16xf32>
      %get3A_4568 = arith.constant 87 : i32
      %get3A_4569 = arith.index_cast %get3A_4568 : i32 to index
      %get3A_4570 = arith.constant 0 : index
      %get3A_4571 = tpu.vector_load %arg8[%get3A_4569, %get3A_4570] {strides = array<i32>} : memref<104x32xf32, #tpu.memory_space<vmem>>, vector<1x16xf32>,
      %get3A_4572 = vector.shape_cast %get3A_4571 : vector<1x16xf32> to vector<16xf32>
      %add3A_4573 = arith.addf %add3A_4525, %get3A_4572 : vector<16xf32>
      %get3A_4574 = arith.constant 87 : i32
      %get3A_4575 = arith.index_cast %get3A_4574 : i32 to index
      %get3A_4576 = arith.constant 16 : index
      %get3A_4577 = tpu.vector_load %arg8[%get3A_4575, %get3A_4576] {strides = array<i32>} : memref<104x32xf32, #tpu.memory_space<vmem>>, vector<1x16xf32>,
      %get3A_4578 = vector.shape_cast %get3A_4577 : vector<1x16xf32> to vector<16xf32>
      %add3A_4579 = arith.addf %add3A_4531, %get3A_4578 : vector<16xf32>
      %get3A_4580 = arith.constant 86 : i32
      %get3A_4581 = arith.index_cast %get3A_4580 : i32 to index
      %get3A_4582 = arith.constant 0 : index
      %get3A_4583 = tpu.vector_load %arg9[%get3A_4581, %get3A_4582] {strides = array<i32>} : memref<104x32xf32, #tpu.memory_space<vmem>>, vector<1x16xf32>,
      %get3A_4584 = vector.shape_cast %get3A_4583 : vector<1x16xf32> to vector<16xf32>
      %add3A_4585 = arith.addf %add3A_4537, %get3A_4584 : vector<16xf32>
      %get3A_4586 = arith.constant 86 : i32
      %get3A_4587 = arith.index_cast %get3A_4586 : i32 to index
      %get3A_4588 = arith.constant 16 : index
      %get3A_4589 = tpu.vector_load %arg9[%get3A_4587, %get3A_4588] {strides = array<i32>} : memref<104x32xf32, #tpu.memory_space<vmem>>, vector<1x16xf32>,
      %get3A_4590 = vector.shape_cast %get3A_4589 : vector<1x16xf32> to vector<16xf32>
      %add3A_4591 = arith.addf %add3A_4543, %get3A_4590 : vector<16xf32>
      %get3A_4592 = arith.constant 87 : i32
      %get3A_4593 = arith.index_cast %get3A_4592 : i32 to index
      %get3A_4594 = arith.constant 0 : index
      %get3A_4595 = tpu.vector_load %arg9[%get3A_4593, %get3A_4594] {strides = array<i32>} : memref<104x32xf32, #tpu.memory_space<vmem>>, vector<1x16xf32>,
      %get3A_4596 = vector.shape_cast %get3A_4595 : vector<1x16xf32> to vector<16xf32>
      %add3A_4597 = arith.addf %add3A_4549, %get3A_4596 : vector<16xf32>
      %get3A_4598 = arith.constant 87 : i32
      %get3A_4599 = arith.index_cast %get3A_4598 : i32 to index
      %get3A_4600 = arith.constant 16 : index
      %get3A_4601 = tpu.vector_load %arg9[%get3A_4599, %get3A_4600] {strides = array<i32>} : memref<104x32xf32, #tpu.memory_space<vmem>>, vector<1x16xf32>,
      %get3A_4602 = vector.shape_cast %get3A_4601 : vector<1x16xf32> to vector<16xf32>
      %add3A_4603 = arith.addf %add3A_4555, %get3A_4602 : vector<16xf32>
      %get3A_4604 = arith.constant 88 : i32
      %get3A_4605 = arith.index_cast %get3A_4604 : i32 to index
      %get3A_4606 = arith.constant 0 : index
      %get3A_4607 = tpu.vector_load %arg8[%get3A_4605, %get3A_4606] {strides = array<i32>} : memref<104x32xf32, #tpu.memory_space<vmem>>, vector<1x16xf32>,
      %get3A_4608 = vector.shape_cast %get3A_4607 : vector<1x16xf32> to vector<16xf32>
      %add3A_4609 = arith.addf %add3A_4561, %get3A_4608 : vector<16xf32>
      %get3A_4610 = arith.constant 88 : i32
      %get3A_4611 = arith.index_cast %get3A_4610 : i32 to index
      %get3A_4612 = arith.constant 16 : index
      %get3A_4613 = tpu.vector_load %arg8[%get3A_4611, %get3A_4612] {strides = array<i32>} : memref<104x32xf32, #tpu.memory_space<vmem>>, vector<1x16xf32>,
      %get3A_4614 = vector.shape_cast %get3A_4613 : vector<1x16xf32> to vector<16xf32>
      %add3A_4615 = arith.addf %add3A_4567, %get3A_4614 : vector<16xf32>
      %get3A_4616 = arith.constant 89 : i32
      %get3A_4617 = arith.index_cast %get3A_4616 : i32 to index
      %get3A_4618 = arith.constant 0 : index
      %get3A_4619 = tpu.vector_load %arg8[%get3A_4617, %get3A_4618] {strides = array<i32>} : memref<104x32xf32, #tpu.memory_space<vmem>>, vector<1x16xf32>,
      %get3A_4620 = vector.shape_cast %get3A_4619 : vector<1x16xf32> to vector<16xf32>
      %add3A_4621 = arith.addf %add3A_4573, %get3A_4620 : vector<16xf32>
      %get3A_4622 = arith.constant 89 : i32
      %get3A_4623 = arith.index_cast %get3A_4622 : i32 to index
      %get3A_4624 = arith.constant 16 : index
      %get3A_4625 = tpu.vector_load %arg8[%get3A_4623, %get3A_4624] {strides = array<i32>} : memref<104x32xf32, #tpu.memory_space<vmem>>, vector<1x16xf32>,
      %get3A_4626 = vector.shape_cast %get3A_4625 : vector<1x16xf32> to vector<16xf32>
      %add3A_4627 = arith.addf %add3A_4579, %get3A_4626 : vector<16xf32>
      %get3A_4628 = arith.constant 88 : i32
      %get3A_4629 = arith.index_cast %get3A_4628 : i32 to index
      %get3A_4630 = arith.constant 0 : index
      %get3A_4631 = tpu.vector_load %arg9[%get3A_4629, %get3A_4630] {strides = array<i32>} : memref<104x32xf32, #tpu.memory_space<vmem>>, vector<1x16xf32>,
      %get3A_4632 = vector.shape_cast %get3A_4631 : vector<1x16xf32> to vector<16xf32>
      %add3A_4633 = arith.addf %add3A_4585, %get3A_4632 : vector<16xf32>
      %get3A_4634 = arith.constant 88 : i32
      %get3A_4635 = arith.index_cast %get3A_4634 : i32 to index
      %get3A_4636 = arith.constant 16 : index
      %get3A_4637 = tpu.vector_load %arg9[%get3A_4635, %get3A_4636] {strides = array<i32>} : memref<104x32xf32, #tpu.memory_space<vmem>>, vector<1x16xf32>,
      %get3A_4638 = vector.shape_cast %get3A_4637 : vector<1x16xf32> to vector<16xf32>
      %add3A_4639 = arith.addf %add3A_4591, %get3A_4638 : vector<16xf32>
      %get3A_4640 = arith.constant 89 : i32
      %get3A_4641 = arith.index_cast %get3A_4640 : i32 to index
      %get3A_4642 = arith.constant 0 : index
      %get3A_4643 = tpu.vector_load %arg9[%get3A_4641, %get3A_4642] {strides = array<i32>} : memref<104x32xf32, #tpu.memory_space<vmem>>, vector<1x16xf32>,
      %get3A_4644 = vector.shape_cast %get3A_4643 : vector<1x16xf32> to vector<16xf32>
      %add3A_4645 = arith.addf %add3A_4597, %get3A_4644 : vector<16xf32>
      %get3A_4646 = arith.constant 89 : i32
      %get3A_4647 = arith.index_cast %get3A_4646 : i32 to index
      %get3A_4648 = arith.constant 16 : index
      %get3A_4649 = tpu.vector_load %arg9[%get3A_4647, %get3A_4648] {strides = array<i32>} : memref<104x32xf32, #tpu.memory_space<vmem>>, vector<1x16xf32>,
      %get3A_4650 = vector.shape_cast %get3A_4649 : vector<1x16xf32> to vector<16xf32>
      %add3A_4651 = arith.addf %add3A_4603, %get3A_4650 : vector<16xf32>
      %get3A_4652 = arith.constant 90 : i32
      %get3A_4653 = arith.index_cast %get3A_4652 : i32 to index
      %get3A_4654 = arith.constant 0 : index
      %get3A_4655 = tpu.vector_load %arg8[%get3A_4653, %get3A_4654] {strides = array<i32>} : memref<104x32xf32, #tpu.memory_space<vmem>>, vector<1x16xf32>,
      %get3A_4656 = vector.shape_cast %get3A_4655 : vector<1x16xf32> to vector<16xf32>
      %add3A_4657 = arith.addf %add3A_4609, %get3A_4656 : vector<16xf32>
      %get3A_4658 = arith.constant 90 : i32
      %get3A_4659 = arith.index_cast %get3A_4658 : i32 to index
      %get3A_4660 = arith.constant 16 : index
      %get3A_4661 = tpu.vector_load %arg8[%get3A_4659, %get3A_4660] {strides = array<i32>} : memref<104x32xf32, #tpu.memory_space<vmem>>, vector<1x16xf32>,
      %get3A_4662 = vector.shape_cast %get3A_4661 : vector<1x16xf32> to vector<16xf32>
      %add3A_4663 = arith.addf %add3A_4615, %get3A_4662 : vector<16xf32>
      %get3A_4664 = arith.constant 91 : i32
      %get3A_4665 = arith.index_cast %get3A_4664 : i32 to index
      %get3A_4666 = arith.constant 0 : index
      %get3A_4667 = tpu.vector_load %arg8[%get3A_4665, %get3A_4666] {strides = array<i32>} : memref<104x32xf32, #tpu.memory_space<vmem>>, vector<1x16xf32>,
      %get3A_4668 = vector.shape_cast %get3A_4667 : vector<1x16xf32> to vector<16xf32>
      %add3A_4669 = arith.addf %add3A_4621, %get3A_4668 : vector<16xf32>
      %get3A_4670 = arith.constant 91 : i32
      %get3A_4671 = arith.index_cast %get3A_4670 : i32 to index
      %get3A_4672 = arith.constant 16 : index
      %get3A_4673 = tpu.vector_load %arg8[%get3A_4671, %get3A_4672] {strides = array<i32>} : memref<104x32xf32, #tpu.memory_space<vmem>>, vector<1x16xf32>,
      %get3A_4674 = vector.shape_cast %get3A_4673 : vector<1x16xf32> to vector<16xf32>
      %add3A_4675 = arith.addf %add3A_4627, %get3A_4674 : vector<16xf32>
      %get3A_4676 = arith.constant 90 : i32
      %get3A_4677 = arith.index_cast %get3A_4676 : i32 to index
      %get3A_4678 = arith.constant 0 : index
      %get3A_4679 = tpu.vector_load %arg9[%get3A_4677, %get3A_4678] {strides = array<i32>} : memref<104x32xf32, #tpu.memory_space<vmem>>, vector<1x16xf32>,
      %get3A_4680 = vector.shape_cast %get3A_4679 : vector<1x16xf32> to vector<16xf32>
      %add3A_4681 = arith.addf %add3A_4633, %get3A_4680 : vector<16xf32>
      %get3A_4682 = arith.constant 90 : i32
      %get3A_4683 = arith.index_cast %get3A_4682 : i32 to index
      %get3A_4684 = arith.constant 16 : index
      %get3A_4685 = tpu.vector_load %arg9[%get3A_4683, %get3A_4684] {strides = array<i32>} : memref<104x32xf32, #tpu.memory_space<vmem>>, vector<1x16xf32>,
      %get3A_4686 = vector.shape_cast %get3A_4685 : vector<1x16xf32> to vector<16xf32>
      %add3A_4687 = arith.addf %add3A_4639, %get3A_4686 : vector<16xf32>
      %get3A_4688 = arith.constant 91 : i32
      %get3A_4689 = arith.index_cast %get3A_4688 : i32 to index
      %get3A_4690 = arith.constant 0 : index
      %get3A_4691 = tpu.vector_load %arg9[%get3A_4689, %get3A_4690] {strides = array<i32>} : memref<104x32xf32, #tpu.memory_space<vmem>>, vector<1x16xf32>,
      %get3A_4692 = vector.shape_cast %get3A_4691 : vector<1x16xf32> to vector<16xf32>
      %add3A_4693 = arith.addf %add3A_4645, %get3A_4692 : vector<16xf32>
      %get3A_4694 = arith.constant 91 : i32
      %get3A_4695 = arith.index_cast %get3A_4694 : i32 to index
      %get3A_4696 = arith.constant 16 : index
      %get3A_4697 = tpu.vector_load %arg9[%get3A_4695, %get3A_4696] {strides = array<i32>} : memref<104x32xf32, #tpu.memory_space<vmem>>, vector<1x16xf32>,
      %get3A_4698 = vector.shape_cast %get3A_4697 : vector<1x16xf32> to vector<16xf32>
      %add3A_4699 = arith.addf %add3A_4651, %get3A_4698 : vector<16xf32>
      %get3A_4700 = arith.constant 92 : i32
      %get3A_4701 = arith.index_cast %get3A_4700 : i32 to index
      %get3A_4702 = arith.constant 0 : index
      %get3A_4703 = tpu.vector_load %arg8[%get3A_4701, %get3A_4702] {strides = array<i32>} : memref<104x32xf32, #tpu.memory_space<vmem>>, vector<1x16xf32>,
      %get3A_4704 = vector.shape_cast %get3A_4703 : vector<1x16xf32> to vector<16xf32>
      %add3A_4705 = arith.addf %add3A_4657, %get3A_4704 : vector<16xf32>
      %get3A_4706 = arith.constant 92 : i32
      %get3A_4707 = arith.index_cast %get3A_4706 : i32 to index
      %get3A_4708 = arith.constant 16 : index
      %get3A_4709 = tpu.vector_load %arg8[%get3A_4707, %get3A_4708] {strides = array<i32>} : memref<104x32xf32, #tpu.memory_space<vmem>>, vector<1x16xf32>,
      %get3A_4710 = vector.shape_cast %get3A_4709 : vector<1x16xf32> to vector<16xf32>
      %add3A_4711 = arith.addf %add3A_4663, %get3A_4710 : vector<16xf32>
      %get3A_4712 = arith.constant 93 : i32
      %get3A_4713 = arith.index_cast %get3A_4712 : i32 to index
      %get3A_4714 = arith.constant 0 : index
      %get3A_4715 = tpu.vector_load %arg8[%get3A_4713, %get3A_4714] {strides = array<i32>} : memref<104x32xf32, #tpu.memory_space<vmem>>, vector<1x16xf32>,
      %get3A_4716 = vector.shape_cast %get3A_4715 : vector<1x16xf32> to vector<16xf32>
      %add3A_4717 = arith.addf %add3A_4669, %get3A_4716 : vector<16xf32>
      %get3A_4718 = arith.constant 93 : i32
      %get3A_4719 = arith.index_cast %get3A_4718 : i32 to index
      %get3A_4720 = arith.constant 16 : index
      %get3A_4721 = tpu.vector_load %arg8[%get3A_4719, %get3A_4720] {strides = array<i32>} : memref<104x32xf32, #tpu.memory_space<vmem>>, vector<1x16xf32>,
      %get3A_4722 = vector.shape_cast %get3A_4721 : vector<1x16xf32> to vector<16xf32>
      %add3A_4723 = arith.addf %add3A_4675, %get3A_4722 : vector<16xf32>
      %get3A_4724 = arith.constant 92 : i32
      %get3A_4725 = arith.index_cast %get3A_4724 : i32 to index
      %get3A_4726 = arith.constant 0 : index
      %get3A_4727 = tpu.vector_load %arg9[%get3A_4725, %get3A_4726] {strides = array<i32>} : memref<104x32xf32, #tpu.memory_space<vmem>>, vector<1x16xf32>,
      %get3A_4728 = vector.shape_cast %get3A_4727 : vector<1x16xf32> to vector<16xf32>
      %add3A_4729 = arith.addf %add3A_4681, %get3A_4728 : vector<16xf32>
      %get3A_4730 = arith.constant 92 : i32
      %get3A_4731 = arith.index_cast %get3A_4730 : i32 to index
      %get3A_4732 = arith.constant 16 : index
      %get3A_4733 = tpu.vector_load %arg9[%get3A_4731, %get3A_4732] {strides = array<i32>} : memref<104x32xf32, #tpu.memory_space<vmem>>, vector<1x16xf32>,
      %get3A_4734 = vector.shape_cast %get3A_4733 : vector<1x16xf32> to vector<16xf32>
      %add3A_4735 = arith.addf %add3A_4687, %get3A_4734 : vector<16xf32>
      %get3A_4736 = arith.constant 93 : i32
      %get3A_4737 = arith.index_cast %get3A_4736 : i32 to index
      %get3A_4738 = arith.constant 0 : index
      %get3A_4739 = tpu.vector_load %arg9[%get3A_4737, %get3A_4738] {strides = array<i32>} : memref<104x32xf32, #tpu.memory_space<vmem>>, vector<1x16xf32>,
      %get3A_4740 = vector.shape_cast %get3A_4739 : vector<1x16xf32> to vector<16xf32>
      %add3A_4741 = arith.addf %add3A_4693, %get3A_4740 : vector<16xf32>
      %get3A_4742 = arith.constant 93 : i32
      %get3A_4743 = arith.index_cast %get3A_4742 : i32 to index
      %get3A_4744 = arith.constant 16 : index
      %get3A_4745 = tpu.vector_load %arg9[%get3A_4743, %get3A_4744] {strides = array<i32>} : memref<104x32xf32, #tpu.memory_space<vmem>>, vector<1x16xf32>,
      %get3A_4746 = vector.shape_cast %get3A_4745 : vector<1x16xf32> to vector<16xf32>
      %add3A_4747 = arith.addf %add3A_4699, %get3A_4746 : vector<16xf32>
      %get3A_4748 = arith.constant 94 : i32
      %get3A_4749 = arith.index_cast %get3A_4748 : i32 to index
      %get3A_4750 = arith.constant 0 : index
      %get3A_4751 = tpu.vector_load %arg8[%get3A_4749, %get3A_4750] {strides = array<i32>} : memref<104x32xf32, #tpu.memory_space<vmem>>, vector<1x16xf32>,
      %get3A_4752 = vector.shape_cast %get3A_4751 : vector<1x16xf32> to vector<16xf32>
      %add3A_4753 = arith.addf %add3A_4705, %get3A_4752 : vector<16xf32>
      %get3A_4754 = arith.constant 94 : i32
      %get3A_4755 = arith.index_cast %get3A_4754 : i32 to index
      %get3A_4756 = arith.constant 16 : index
      %get3A_4757 = tpu.vector_load %arg8[%get3A_4755, %get3A_4756] {strides = array<i32>} : memref<104x32xf32, #tpu.memory_space<vmem>>, vector<1x16xf32>,
      %get3A_4758 = vector.shape_cast %get3A_4757 : vector<1x16xf32> to vector<16xf32>
      %add3A_4759 = arith.addf %add3A_4711, %get3A_4758 : vector<16xf32>
      %get3A_4760 = arith.constant 95 : i32
      %get3A_4761 = arith.index_cast %get3A_4760 : i32 to index
      %get3A_4762 = arith.constant 0 : index
      %get3A_4763 = tpu.vector_load %arg8[%get3A_4761, %get3A_4762] {strides = array<i32>} : memref<104x32xf32, #tpu.memory_space<vmem>>, vector<1x16xf32>,
      %get3A_4764 = vector.shape_cast %get3A_4763 : vector<1x16xf32> to vector<16xf32>
      %add3A_4765 = arith.addf %add3A_4717, %get3A_4764 : vector<16xf32>
      %get3A_4766 = arith.constant 95 : i32
      %get3A_4767 = arith.index_cast %get3A_4766 : i32 to index
      %get3A_4768 = arith.constant 16 : index
      %get3A_4769 = tpu.vector_load %arg8[%get3A_4767, %get3A_4768] {strides = array<i32>} : memref<104x32xf32, #tpu.memory_space<vmem>>, vector<1x16xf32>,
      %get3A_4770 = vector.shape_cast %get3A_4769 : vector<1x16xf32> to vector<16xf32>
      %add3A_4771 = arith.addf %add3A_4723, %get3A_4770 : vector<16xf32>
      %get3A_4772 = arith.constant 94 : i32
      %get3A_4773 = arith.index_cast %get3A_4772 : i32 to index
      %get3A_4774 = arith.constant 0 : index
      %get3A_4775 = tpu.vector_load %arg9[%get3A_4773, %get3A_4774] {strides = array<i32>} : memref<104x32xf32, #tpu.memory_space<vmem>>, vector<1x16xf32>,
      %get3A_4776 = vector.shape_cast %get3A_4775 : vector<1x16xf32> to vector<16xf32>
      %add3A_4777 = arith.addf %add3A_4729, %get3A_4776 : vector<16xf32>
      %get3A_4778 = arith.constant 94 : i32
      %get3A_4779 = arith.index_cast %get3A_4778 : i32 to index
      %get3A_4780 = arith.constant 16 : index
      %get3A_4781 = tpu.vector_load %arg9[%get3A_4779, %get3A_4780] {strides = array<i32>} : memref<104x32xf32, #tpu.memory_space<vmem>>, vector<1x16xf32>,
      %get3A_4782 = vector.shape_cast %get3A_4781 : vector<1x16xf32> to vector<16xf32>
      %add3A_4783 = arith.addf %add3A_4735, %get3A_4782 : vector<16xf32>
      %get3A_4784 = arith.constant 95 : i32
      %get3A_4785 = arith.index_cast %get3A_4784 : i32 to index
      %get3A_4786 = arith.constant 0 : index
      %get3A_4787 = tpu.vector_load %arg9[%get3A_4785, %get3A_4786] {strides = array<i32>} : memref<104x32xf32, #tpu.memory_space<vmem>>, vector<1x16xf32>,
      %get3A_4788 = vector.shape_cast %get3A_4787 : vector<1x16xf32> to vector<16xf32>
      %add3A_4789 = arith.addf %add3A_4741, %get3A_4788 : vector<16xf32>
      %get3A_4790 = arith.constant 95 : i32
      %get3A_4791 = arith.index_cast %get3A_4790 : i32 to index
      %get3A_4792 = arith.constant 16 : index
      %get3A_4793 = tpu.vector_load %arg9[%get3A_4791, %get3A_4792] {strides = array<i32>} : memref<104x32xf32, #tpu.memory_space<vmem>>, vector<1x16xf32>,
      %get3A_4794 = vector.shape_cast %get3A_4793 : vector<1x16xf32> to vector<16xf32>
      %add3A_4795 = arith.addf %add3A_4747, %get3A_4794 : vector<16xf32>
      %get3A_4796 = arith.constant 96 : i32
      %get3A_4797 = arith.index_cast %get3A_4796 : i32 to index
      %get3A_4798 = arith.constant 0 : index
      %get3A_4799 = tpu.vector_load %arg8[%get3A_4797, %get3A_4798] {strides = array<i32>} : memref<104x32xf32, #tpu.memory_space<vmem>>, vector<1x16xf32>,
      %get3A_4800 = vector.shape_cast %get3A_4799 : vector<1x16xf32> to vector<16xf32>
      %add3A_4801 = arith.addf %add3A_4753, %get3A_4800 : vector<16xf32>
      %get3A_4802 = arith.constant 96 : i32
      %get3A_4803 = arith.index_cast %get3A_4802 : i32 to index
      %get3A_4804 = arith.constant 16 : index
      %get3A_4805 = tpu.vector_load %arg8[%get3A_4803, %get3A_4804] {strides = array<i32>} : memref<104x32xf32, #tpu.memory_space<vmem>>, vector<1x16xf32>,
      %get3A_4806 = vector.shape_cast %get3A_4805 : vector<1x16xf32> to vector<16xf32>
      %add3A_4807 = arith.addf %add3A_4759, %get3A_4806 : vector<16xf32>
      %get3A_4808 = arith.constant 97 : i32
      %get3A_4809 = arith.index_cast %get3A_4808 : i32 to index
      %get3A_4810 = arith.constant 0 : index
      %get3A_4811 = tpu.vector_load %arg8[%get3A_4809, %get3A_4810] {strides = array<i32>} : memref<104x32xf32, #tpu.memory_space<vmem>>, vector<1x16xf32>,
      %get3A_4812 = vector.shape_cast %get3A_4811 : vector<1x16xf32> to vector<16xf32>
      %add3A_4813 = arith.addf %add3A_4765, %get3A_4812 : vector<16xf32>
      %get3A_4814 = arith.constant 97 : i32
      %get3A_4815 = arith.index_cast %get3A_4814 : i32 to index
      %get3A_4816 = arith.constant 16 : index
      %get3A_4817 = tpu.vector_load %arg8[%get3A_4815, %get3A_4816] {strides = array<i32>} : memref<104x32xf32, #tpu.memory_space<vmem>>, vector<1x16xf32>,
      %get3A_4818 = vector.shape_cast %get3A_4817 : vector<1x16xf32> to vector<16xf32>
      %add3A_4819 = arith.addf %add3A_4771, %get3A_4818 : vector<16xf32>
      %get3A_4820 = arith.constant 98 : i32
      %get3A_4821 = arith.index_cast %get3A_4820 : i32 to index
      %get3A_4822 = arith.constant 0 : index
      %get3A_4823 = tpu.vector_load %arg8[%get3A_4821, %get3A_4822] {strides = array<i32>} : memref<104x32xf32, #tpu.memory_space<vmem>>, vector<1x16xf32>,
      %get3A_4824 = vector.shape_cast %get3A_4823 : vector<1x16xf32> to vector<16xf32>
      %add3A_4825 = arith.addf %add3A_4801, %get3A_4824 : vector<16xf32>
      %get3A_4826 = arith.constant 98 : i32
      %get3A_4827 = arith.index_cast %get3A_4826 : i32 to index
      %get3A_4828 = arith.constant 16 : index
      %get3A_4829 = tpu.vector_load %arg8[%get3A_4827, %get3A_4828] {strides = array<i32>} : memref<104x32xf32, #tpu.memory_space<vmem>>, vector<1x16xf32>,
      %get3A_4830 = vector.shape_cast %get3A_4829 : vector<1x16xf32> to vector<16xf32>
      %add3A_4831 = arith.addf %add3A_4807, %get3A_4830 : vector<16xf32>
      %get3A_4832 = arith.constant 99 : i32
      %get3A_4833 = arith.index_cast %get3A_4832 : i32 to index
      %get3A_4834 = arith.constant 0 : index
      %get3A_4835 = tpu.vector_load %arg8[%get3A_4833, %get3A_4834] {strides = array<i32>} : memref<104x32xf32, #tpu.memory_space<vmem>>, vector<1x16xf32>,
      %get3A_4836 = vector.shape_cast %get3A_4835 : vector<1x16xf32> to vector<16xf32>
      %add3A_4837 = arith.addf %add3A_4813, %get3A_4836 : vector<16xf32>
      %get3A_4838 = arith.constant 99 : i32
      %get3A_4839 = arith.index_cast %get3A_4838 : i32 to index
      %get3A_4840 = arith.constant 16 : index
      %get3A_4841 = tpu.vector_load %arg8[%get3A_4839, %get3A_4840] {strides = array<i32>} : memref<104x32xf32, #tpu.memory_space<vmem>>, vector<1x16xf32>,
      %get3A_4842 = vector.shape_cast %get3A_4841 : vector<1x16xf32> to vector<16xf32>
      %add3A_4843 = arith.addf %add3A_4819, %get3A_4842 : vector<16xf32>
      %get3A_4844 = arith.constant 100 : i32
      %get3A_4845 = arith.index_cast %get3A_4844 : i32 to index
      %get3A_4846 = arith.constant 0 : index
      %get3A_4847 = tpu.vector_load %arg8[%get3A_4845, %get3A_4846] {strides = array<i32>} : memref<104x32xf32, #tpu.memory_space<vmem>>, vector<1x16xf32>,
      %get3A_4848 = vector.shape_cast %get3A_4847 : vector<1x16xf32> to vector<16xf32>
      %add3A_4849 = arith.addf %add3A_4825, %get3A_4848 : vector<16xf32>
      %get3A_4850 = arith.constant 100 : i32
      %get3A_4851 = arith.index_cast %get3A_4850 : i32 to index
      %get3A_4852 = arith.constant 16 : index
      %get3A_4853 = tpu.vector_load %arg8[%get3A_4851, %get3A_4852] {strides = array<i32>} : memref<104x32xf32, #tpu.memory_space<vmem>>, vector<1x16xf32>,
      %get3A_4854 = vector.shape_cast %get3A_4853 : vector<1x16xf32> to vector<16xf32>
      %add3A_4855 = arith.addf %add3A_4831, %get3A_4854 : vector<16xf32>
      %get3A_4856 = arith.constant 101 : i32
      %get3A_4857 = arith.index_cast %get3A_4856 : i32 to index
      %get3A_4858 = arith.constant 0 : index
      %get3A_4859 = tpu.vector_load %arg8[%get3A_4857, %get3A_4858] {strides = array<i32>} : memref<104x32xf32, #tpu.memory_space<vmem>>, vector<1x16xf32>,
      %get3A_4860 = vector.shape_cast %get3A_4859 : vector<1x16xf32> to vector<16xf32>
      %add3A_4861 = arith.addf %add3A_4837, %get3A_4860 : vector<16xf32>
      %get3A_4862 = arith.constant 101 : i32
      %get3A_4863 = arith.index_cast %get3A_4862 : i32 to index
      %get3A_4864 = arith.constant 16 : index
      %get3A_4865 = tpu.vector_load %arg8[%get3A_4863, %get3A_4864] {strides = array<i32>} : memref<104x32xf32, #tpu.memory_space<vmem>>, vector<1x16xf32>,
      %get3A_4866 = vector.shape_cast %get3A_4865 : vector<1x16xf32> to vector<16xf32>
      %add3A_4867 = arith.addf %add3A_4843, %get3A_4866 : vector<16xf32>
      %get3A_4868 = arith.constant 102 : i32
      %get3A_4869 = arith.index_cast %get3A_4868 : i32 to index
      %get3A_4870 = arith.constant 0 : index
      %get3A_4871 = tpu.vector_load %arg8[%get3A_4869, %get3A_4870] {strides = array<i32>} : memref<104x32xf32, #tpu.memory_space<vmem>>, vector<1x16xf32>,
      %get3A_4872 = vector.shape_cast %get3A_4871 : vector<1x16xf32> to vector<16xf32>
      %add3A_4873 = arith.addf %add3A_4849, %get3A_4872 : vector<16xf32>
      %get3A_4874 = arith.constant 102 : i32
      %get3A_4875 = arith.index_cast %get3A_4874 : i32 to index
      %get3A_4876 = arith.constant 16 : index
      %get3A_4877 = tpu.vector_load %arg8[%get3A_4875, %get3A_4876] {strides = array<i32>} : memref<104x32xf32, #tpu.memory_space<vmem>>, vector<1x16xf32>,
      %get3A_4878 = vector.shape_cast %get3A_4877 : vector<1x16xf32> to vector<16xf32>
      %add3A_4879 = arith.addf %add3A_4855, %get3A_4878 : vector<16xf32>
      %get3A_4880 = arith.constant 103 : i32
      %get3A_4881 = arith.index_cast %get3A_4880 : i32 to index
      %get3A_4882 = arith.constant 0 : index
      %get3A_4883 = tpu.vector_load %arg8[%get3A_4881, %get3A_4882] {strides = array<i32>} : memref<104x32xf32, #tpu.memory_space<vmem>>, vector<1x16xf32>,
      %get3A_4884 = vector.shape_cast %get3A_4883 : vector<1x16xf32> to vector<16xf32>
      %add3A_4885 = arith.addf %add3A_4861, %get3A_4884 : vector<16xf32>
      %get3A_4886 = arith.constant 103 : i32
      %get3A_4887 = arith.index_cast %get3A_4886 : i32 to index
      %get3A_4888 = arith.constant 16 : index
      %get3A_4889 = tpu.vector_load %arg8[%get3A_4887, %get3A_4888] {strides = array<i32>} : memref<104x32xf32, #tpu.memory_space<vmem>>, vector<1x16xf32>,
      %get3A_4890 = vector.shape_cast %get3A_4889 : vector<1x16xf32> to vector<16xf32>
      %add3A_4891 = arith.addf %add3A_4867, %get3A_4890 : vector<16xf32>
      %add3A_4892 = arith.addf %add3A_4873, %add3A_4885 : vector<16xf32>
      %add3A_4893 = arith.addf %add3A_4777, %add3A_4789 : vector<16xf32>
      %add3A_4894 = arith.addf %add3A_4892, %add3A_4893 : vector<16xf32>
      %swap3A_4895 = arith.index_cast %add3A_2489 : i32 to index
      %swap3A_4896 = arith.constant 0 : index
      %swap3A_4897 = tpu.vector_load %arg10[%swap3A_4895, %swap3A_4896] {strides = array<i32>} : memref<128x32xf32, #tpu.memory_space<vmem>>, vector<1x16xf32>,
      %swap3A_4898 = vector.shape_cast %swap3A_4897 : vector<1x16xf32> to vector<16xf32>
      %swap3A_4899 = vector.shape_cast %add3A_4894 : vector<16xf32> to vector<1x16xf32>
      tpu.vector_store %arg10[%swap3A_4895, %swap3A_4896], %swap3A_4899 {strides = array<i32>} : memref<128x32xf32, #tpu.memory_space<vmem>>, vector<1x16xf32>,
      %add3A_4900 = arith.addf %add3A_4879, %add3A_4891 : vector<16xf32>
      %add3A_4901 = arith.addf %add3A_4783, %add3A_4795 : vector<16xf32>
      %add3A_4902 = arith.addf %add3A_4900, %add3A_4901 : vector<16xf32>
      %swap3A_4903 = arith.index_cast %add3A_2489 : i32 to index
      %swap3A_4904 = arith.constant 16 : index
      %swap3A_4905 = tpu.vector_load %arg10[%swap3A_4903, %swap3A_4904] {strides = array<i32>} : memref<128x32xf32, #tpu.memory_space<vmem>>, vector<1x16xf32>,
      %swap3A_4906 = vector.shape_cast %swap3A_4905 : vector<1x16xf32> to vector<16xf32>
      %swap3A_4907 = vector.shape_cast %add3A_4902 : vector<16xf32> to vector<1x16xf32>
      tpu.vector_store %arg10[%swap3A_4903, %swap3A_4904], %swap3A_4907 {strides = array<i32>} : memref<128x32xf32, #tpu.memory_space<vmem>>, vector<1x16xf32>,
      %scan3A_4908 = arith.constant 0 : i32
      scf.yield %scan3A_4908 : i32
    }
    %scan3A_23 = arith.constant 64 : i32
    "tpu.region"() ({
      %run_scoped3A = tpu.sem_alloc : memref<!tpu.dma_semaphore, #tpu.memory_space<semaphore_mem>>
      %dma_start3A_24 = arith.constant 0 : i32
      %dma_start3A_25 = tpu.memref_slice %arg4[%mul3A_4, %dma_start3A_24] : memref<4096x32xf32, #tpu.memory_space<hbm>> -> memref<128x32xf32, #tpu.memory_space<hbm>>
      %dma_start3A_26 = arith.constant 0 : i32
      %dma_start3A_27 = tpu.memref_slice %arg4[%mul3A_4, %dma_start3A_26] : memref<4096x32xf32, #tpu.memory_space<hbm>> -> memref<128x32xf32, #tpu.memory_space<hbm>>
      tpu.enqueue_dma source(%arg10 : memref<128x32xf32, #tpu.memory_space<vmem>>) target(%dma_start3A_27 : memref<128x32xf32, #tpu.memory_space<hbm>>) target_semaphore(%run_scoped3A : memref<!tpu.dma_semaphore, #tpu.memory_space<semaphore_mem>>)
      %dma_wait3A = arith.constant 0 : i32
      %dma_wait3A_28 = tpu.memref_slice %arg4[%mul3A_4, %dma_wait3A] : memref<4096x32xf32, #tpu.memory_space<hbm>> -> memref<128x32xf32, #tpu.memory_space<hbm>>
      %dma_wait3A_29 = arith.constant 0 : i32
      %dma_wait3A_30 = tpu.memref_slice %arg4[%mul3A_4, %dma_wait3A_29] : memref<4096x32xf32, #tpu.memory_space<hbm>> -> memref<128x32xf32, #tpu.memory_space<hbm>>
      tpu.wait_dma2 semaphore(%run_scoped3A : memref<!tpu.dma_semaphore, #tpu.memory_space<semaphore_mem>>) src(%arg10 : memref<128x32xf32, #tpu.memory_space<vmem>>) dst(%dma_wait3A_30 : memref<128x32xf32, #tpu.memory_space<hbm>>)
      tpu.yield
    }) : () -> ()
    return
  }
}

module attributes {stable_mosaic.version = 14 : i64} {
  func.func @_head_body(%arg0: i32, %arg1: memref<512x200xi32, #tpu.memory_space<vmem>>, %arg2: memref<512x32xf32, #tpu.memory_space<vmem>>, %arg3: memref<100x32xf32, #tpu.memory_space<vmem>>, %arg4: memref<1x100xf32, #tpu.memory_space<vmem>>, %arg5: memref<512x100xf32, #tpu.memory_space<vmem>>) attributes {dimension_semantics = [#tpu.dimension_semantics<arbitrary>], iteration_bounds = array<i64: 8>, scalar_prefetch = 0 : i64, scratch_operands = 0 : i64, tpu.core_type = #tpu.core_type<tc>, window_params = [{transform_indices = @transform_0, window_bounds = array<i64: 512, 200>}, {transform_indices = @transform_1, window_bounds = array<i64: 512, 32>}, {pipeline_mode = #tpu.pipeline_mode<synchronous>, transform_indices = @transform_2, window_bounds = array<i64: 100, 32>}, {pipeline_mode = #tpu.pipeline_mode<synchronous>, transform_indices = @transform_3, window_bounds = array<i64: 1, 100>}, {transform_indices = @transform_4, window_bounds = array<i64: 512, 100>}]} {
    %get3A = arith.constant 0 : index
    %get3A_0 = arith.constant 0 : index
    %get3A_1 = vector.load %arg1[%get3A, %get3A_0] : memref<512x200xi32, #tpu.memory_space<vmem>>, vector<512x200xi32>
    %ne3A = arith.constant 0 : i32
    %ne3A_2 = vector.broadcast %ne3A : i32 to vector<512x200xi32>
    %ne3A_3 = arith.cmpi ne, %get3A_1, %ne3A_2 : vector<512x200xi32>
    %convert_element_type3A = arith.extui %ne3A_3 : vector<512x200xi1> to vector<512x200xi32>
    %convert_element_type3A_4 = arith.sitofp %convert_element_type3A : vector<512x200xi32> to vector<512x200xf32>
    %reduce_sum3A = arith.constant dense<0.000000e+00> : vector<512xf32>
    %reduce_sum3A_5 = vector.multi_reduction <add>, %convert_element_type3A_4, %reduce_sum3A [1] : vector<512x200xf32> to vector<512xf32>
    %broadcast_in_dim3A = vector.shape_cast %reduce_sum3A_5 : vector<512xf32> to vector<512x1xf32>
    %max3A = arith.constant 1.000000e+00 : f32
    %max3A_6 = vector.broadcast %max3A : f32 to vector<512x1xf32>
    %max3A_7 = arith.maximumf %broadcast_in_dim3A, %max3A_6 : vector<512x1xf32>
    %get3A_8 = arith.constant 0 : index
    %get3A_9 = arith.constant 0 : index
    %get3A_10 = vector.load %arg2[%get3A_8, %get3A_9] : memref<512x32xf32, #tpu.memory_space<vmem>>, vector<512x32xf32>
    %div3A = vector.broadcast %max3A_7 : vector<512x1xf32> to vector<512x32xf32>
    %div3A_11 = arith.divf %get3A_10, %div3A : vector<512x32xf32>
    %get3A_12 = arith.constant 0 : index
    %get3A_13 = arith.constant 0 : index
    %get3A_14 = vector.load %arg3[%get3A_12, %get3A_13] : memref<100x32xf32, #tpu.memory_space<vmem>>, vector<100x32xf32>
    %dot_general3A = arith.constant dense<0.000000e+00> : vector<512x100xf32>
    %dot_general3A_15 = tpu.matmul %div3A_11, %get3A_14, %dot_general3A {dimension_numbers = #tpu.dot_dimension_numbers<[1], [1], [0], [0], [0, 0, 1, 0], [], []>, transpose_lhs_hint = false} : vector<512x32xf32>, vector<100x32xf32>, vector<512x100xf32> -> vector<512x100xf32>
    %get3A_16 = arith.constant 0 : index
    %get3A_17 = arith.constant 0 : index
    %get3A_18 = vector.load %arg4[%get3A_16, %get3A_17] : memref<1x100xf32, #tpu.memory_space<vmem>>, vector<1x100xf32>
    %add3A = vector.broadcast %get3A_18 : vector<1x100xf32> to vector<512x100xf32>
    %add3A_19 = arith.addf %dot_general3A_15, %add3A : vector<512x100xf32>
    %swap3A = arith.constant 0 : index
    %swap3A_20 = arith.constant 0 : index
    %swap3A_21 = vector.load %arg5[%swap3A, %swap3A_20] : memref<512x100xf32, #tpu.memory_space<vmem>>, vector<512x100xf32>
    tpu.vector_store %arg5[%swap3A, %swap3A_20], %add3A_19 {strides = array<i32>} : memref<512x100xf32, #tpu.memory_space<vmem>>, vector<512x100xf32>,
    return
  }
  func.func @transform_0(%arg0: i32) -> (i32, i32) {
    %c0_i32 = arith.constant 0 : i32
    %c0_i32_0 = arith.constant 0 : i32
    return %arg0, %c0_i32 : i32, i32
  }
  func.func @transform_1(%arg0: i32) -> (i32, i32) {
    %c0_i32 = arith.constant 0 : i32
    %c0_i32_0 = arith.constant 0 : i32
    return %arg0, %c0_i32 : i32, i32
  }
  func.func @transform_2(%arg0: i32) -> (i32, i32) {
    %c0_i32 = arith.constant 0 : i32
    %c0_i32_0 = arith.constant 0 : i32
    %c0_i32_1 = arith.constant 0 : i32
    return %c0_i32, %c0_i32_0 : i32, i32
  }
  func.func @transform_3(%arg0: i32) -> (i32, i32) {
    %c0_i32 = arith.constant 0 : i32
    %c0_i32_0 = arith.constant 0 : i32
    %c0_i32_1 = arith.constant 0 : i32
    return %c0_i32, %c0_i32_0 : i32, i32
  }
  func.func @transform_4(%arg0: i32) -> (i32, i32) {
    %c0_i32 = arith.constant 0 : i32
    %c0_i32_0 = arith.constant 0 : i32
    return %arg0, %c0_i32 : i32, i32
  }
}

</mosaic_0001>

<sc_bundles>
// kernel: kernel.4.cloned.1.call-start
scs
__scs_entry_jumppad:
0x0: {  	(pc) =	sbr.rel $0x88, $3  }
0x1: {  	(tag) =	ssettag $0x0;
	lr =	simm.s32 $0x1  }
0x2: {  	[smem:$0x3F9D] =	sst lr;
	_ =	strace $0xD0000000  }
0x3: {  	_ = 	snop  }
0x4: {  	_ = 	snop  }
0x5: {  	_ = 	snop  }
0x6: {  	_ = 	snop  }
0x7: {  	_ = 	snop  }
__scs_overlays_trampoline_lowered:
0x8: {  	[smem:$0x3FAC] =	sst s0  }
0x9: {  	[smem:$0x3FAD] =	sst s1  }
0xa: {  	[smem:$0x3FAE] =	sst s2  }
0xb: {  	[smem:$0x3FAF] =	sst s3  }
0xc: {  	[smem:$0x3FB0] =	sst s4  }
0xd: {  	[smem:$0x3FB1] =	sst s5  }
0xe: {  	[smem:$0x3FB2] =	sst s6  }
0xf: {  	[smem:$0x3FB3] =	sst s7  }
0x10: {  	[smem:$0x3FB4] =	sst s8  }
0x11: {  	[smem:$0x3FB5] =	sst s9;
	s0 =	simm.s32 @!p0 $0x0  }
0x12: {  	s1 =	sld [smem:$0x3F9B];
	s0 =	simm.s32 @p0 $0x1  }
0x13: {  	[smem:$0x3FB6] =	sst s0;
	s0 =	simm.s32 @!p1 $0x0  }
0x14: {  	s2 =	sld [smem:$0x3F9A];
	s0 =	simm.s32 @p1 $0x1  }
0x15: {  	[smem:$0x3FB7] =	sst s0;
	s0 =	simm.s32 @!p2 $0x0  }
0x16: {  	s3 =	sld [smem:$0x3FDB];
	s0 =	simm.s32 @p2 $0x1  }
0x17: {  	s4 =	simm.s32 $0x1BF5;
	[smem:$0x3FB9] =	sst s0  }
0x18: {  	s0 =	sld [smem:$0x3F9C];
	_ =	swait.ge [sflag:s4], $0x0  }
0x19: {  	s7 =	sld [smem:$0x3F9D]  }
0x1a: {  	s8 =	sadd.s32 $0xFFFFE003, lr  }
0x1b: {  	s9 =	sadd.s32 $0xFFFFFEF7, lr;
	s5 =	simm.s32 $0xFFFFFFFF;
	p2 =	slt.u32 s8, $0xFFFFF086  }
0x1c: {  	p1 =	slt.u32 s9, $0xF7A;
	s5 =	simm.s32 @!p2 $0x0  }
0x1d: {  	s5 =	simm.s32 @p1 $0x1;
	p0 =	seq.s32 s7, s2  }
0x1e: {  	s7 =	smul.u32 @!p0 $0xF7A, s2;
	p2 =	seq.s32 @!p0 s5, $0x0  }
0x1f: {  	s9 =	smul.u32 $0xF7A, s1;
	s8 =	simm.s32 @!p0 $0x1BF5;
	p2 =	por !p2, p0  }
0x20: {  	[sflag:s8] =	ssyncset.s32 @!p0 $0xFFFFF086;
	s6 =	sadd.s32 @!p0 s3, s7;
	s7 =	simm.s32 @!p0 $0x108  }
0x21: {  	s3 =	sadd.s32 s3, s9;
	s6 =	sadd.s32 @!p0 $0x88, s6;
	s7 =	simm.s32 @p2 $0x1082  }
0x22: {  	[simem:s7], [sflag:s8] =	dma.local @!p0 [hbm:s6], $0xF7A  }
0x23: {  	s9 =	sor.u32 $0xD0000000, s2;
	s6 =	simm.s32 $0x108;
	_ =	swait.ge @!p0 [sflag:s8], $0x0  }
0x24: {  	s3 =	sadd.s32 $0x88, s3;
	s6 =	simm.s32 @!p1 $0x1082;
	[sflag:s4] =	ssyncset.s32 $0xFFFFF086  }
0x25: {  	[simem:s6], [sflag:s4] =	dma.local [hbm:s3], $0xF7A  }
0x26: {  	[smem:$0x3F9D] =	sst s1;
	(tag) =	ssettag s2;
	_ =	strace s9  }
0x27: {  	s1 =	sld [smem:$0x3FAD]  }
0x28: {  	s2 =	sld [smem:$0x3FAE]  }
0x29: {  	s4 =	sld [smem:$0x3FB0]  }
0x2a: {  	p0 =	seq.s32 s5, $0x0;
	s5 =	sld [smem:$0x3FB1]  }
0x2b: {  	s6 =	sld [smem:$0x3FB2]  }
0x2c: {  	s7 =	sld [smem:$0x3FB3]  }
0x2d: {  	s3 =	simm.s32 $0x108;
	s8 =	sld [smem:$0x3FB4]  }
0x2e: {  	s3 =	simm.s32 @!p0 $0x1082;
	s9 =	sld [smem:$0x3FB5]  }
0x2f: {  	lr =	sadd.s32 s0, s3;
	s0 =	sld [smem:$0x3FAC]  }
0x30: {  	s3 =	sld [smem:$0x3FAF]  }
0x31: {  	[smem:$0x3FB8] =	sst s10  }
0x32: {  	s10 =	sld [smem:$0x3FB6];
	_ =	sdelay $0x3  }
0x33: {  	p0 =	seq.s32 s10, $0x1;
	s10 =	sld [smem:$0x3FB8];
	_ =	sdelay $0x3  }
0x34: {  	[smem:$0x3FB8] =	sst s10  }
0x35: {  	s10 =	sld [smem:$0x3FB7];
	_ =	sdelay $0x3  }
0x36: {  	p1 =	seq.s32 s10, $0x1;
	s10 =	sld [smem:$0x3FB8];
	_ =	sdelay $0x3  }
0x37: {  	[smem:$0x3FB8] =	sst s10  }
0x38: {  	s10 =	sld [smem:$0x3FB9]  }
0x39: {  	_ = 	snop;
	(pc) =	sbr.ind lr, $3  }
0x3a: {  	_ = 	snop  }
0x3b: {  	_ = 	snop  }
0x3c: {  	p2 =	seq.s32 s10, $0x1;
	s10 =	sld [smem:$0x3FB8]  }
0x3d: {  	_ =	shalt  }
0x3e: {  	_ =	shalt  }
0x3f: {  	_ =	shalt  }
0x40: {  	_ =	shalt  }
0x41: {  	_ =	shalt  }
0x42: {  	_ =	shalt  }
0x43: {  	_ =	shalt  }
0x44: {  	_ =	shalt  }
0x45: {  	_ =	shalt  }
0x46: {  	_ =	shalt  }
0x47: {  	_ =	shalt  }
0x48: {  	_ =	shalt  }
0x49: {  	_ =	shalt  }
0x4a: {  	_ =	shalt  }
0x4b: {  	_ =	shalt  }
0x4c: {  	_ =	shalt  }
0x4d: {  	_ =	shalt  }
0x4e: {  	_ =	shalt  }
0x4f: {  	_ =	shalt  }
0x50: {  	_ =	shalt  }
0x51: {  	_ =	shalt  }
0x52: {  	_ =	shalt  }
0x53: {  	_ =	shalt  }
0x54: {  	_ =	shalt  }
0x55: {  	_ =	shalt  }
0x56: {  	_ =	shalt  }
0x57: {  	_ =	shalt  }
0x58: {  	_ =	shalt  }
0x59: {  	_ =	shalt  }
0x5a: {  	_ =	shalt  }
0x5b: {  	_ =	shalt  }
0x5c: {  	_ =	shalt  }
0x5d: {  	_ =	shalt  }
0x5e: {  	_ =	shalt  }
0x5f: {  	_ =	shalt  }
0x60: {  	_ =	shalt  }
0x61: {  	_ =	shalt  }
0x62: {  	_ =	shalt  }
0x63: {  	_ =	shalt  }
0x64: {  	_ =	shalt  }
0x65: {  	_ =	shalt  }
0x66: {  	_ =	shalt  }
0x67: {  	_ =	shalt  }
0x68: {  	_ =	shalt  }
0x69: {  	_ =	shalt  }
0x6a: {  	_ =	shalt  }
0x6b: {  	_ =	shalt  }
0x6c: {  	_ =	shalt  }
0x6d: {  	_ =	shalt  }
0x6e: {  	_ =	shalt  }
0x6f: {  	_ =	shalt  }
0x70: {  	_ =	shalt  }
0x71: {  	_ =	shalt  }
0x72: {  	_ =	shalt  }
0x73: {  	_ =	shalt  }
0x74: {  	_ =	shalt  }
0x75: {  	_ =	shalt  }
0x76: {  	_ =	shalt  }
0x77: {  	_ =	shalt  }
0x78: {  	_ =	shalt  }
0x79: {  	_ =	shalt  }
0x7a: {  	_ =	shalt  }
0x7b: {  	_ =	shalt  }
0x7c: {  	_ =	shalt  }
0x7d: {  	_ =	shalt  }
0x7e: {  	_ =	shalt  }
0x7f: {  	_ =	shalt  }
0x80: {  	_ =	shalt  }
0x81: {  	_ =	shalt  }
0x82: {  	_ =	shalt  }
0x83: {  	_ =	shalt  }
0x84: {  	_ =	shalt  }
0x85: {  	_ =	shalt  }
0x86: {  	_ =	shalt  }
0x87: {  	_ =	shalt  }
.Lfunc_end0:
.L_simem_size_0:
called_computation_lowered:
.L_overlay_start_0:
0x88: {  	s2 =	sld [smem:$0x3FD9]  }
0x89: {  	s3 =	sld [smem:$0x3FFE];
	_ =	sdelay $0x1  }
0x8a: {  	s1 =	srdreg.scid  }
0x8b: {  	s0 =	sand.u32 $0x1, s1  }
0x8c: {  	s17 =	sshll.u32 s0, $0xA;
	s2 =	sadd.s32 s3, s2  }
0x8d: {  	s2 =	sadd.s32 s2, s17  }
0x8e: {  	[smem:$0x3FC4] =	sst s2  }
0x8f: {  	_ = 	snop  }
0x90: {  	s2 =	sld [smem:$0x3FD0];
	(tm) =	ssettm $0x1  }
0x91: {  	s18 =	sld [smem:$0x3FFB];
	_ =	sdelay $0x3  }
0x92: {  	_ =	strace s18  }
0x93: {  	s3 =	sld [smem:$0x3FFC];
	_ =	sdelay $0x3  }
0x94: {  	_ =	strace s3  }
0x95: {  	s3 =	sld [smem:$0x3FFD];
	_ =	sdelay $0x3  }
0x96: {  	_ =	strace s3  }
0x97: {  	_ =	strace $0x8FFFFFFF  }
0x98: {  	s19 =	sld [smem:$0x3FDB];
	_ =	sdelay $0x1  }
0x99: {  	s4 =	simm.s32 $_scs_section_size  }
0x9a: {  	s5 =	simm.s32 $_size__tile_overlayer_lowered;
	s6 =	simm.s32 $_tile_overlayer_lowered  }
0x9b: {  	s22 =	simm.s32 $0x1BFF;
	s21 =	sshll.u32 s6, $0x1;
	s3 =	sadd.s32 s4, s19  }
0x9c: {  	s7 =	simm.s32 $0x0;
	s20 =	sshll.u32 s5, $0x1;
	s5 =	sadd.s32 s21, s3  }
0x9d: {  	[timem:s7], [sflag:s22] =	dma.local [hbm:s5], s20  }
0x9e: {  	_ =	swait.ge [sflag:s22], s20  }
0x9f: {  	s4 =	ssub.s32 $0x0, s20;
	[sflag:s22] =	ssyncset.done $0x0  }
0xa0: {  	[sflag:s22] =	ssyncadd.s32 s4;
	_ =	sdelay $0x1  }
0xa1: {  	s23 =	simm.s32 $0x1B8B  }
0xa2: {  	_ =	swait.ge [sflag:s23], $0x1  }
0xa3: {  	[sflag:s23] =	ssyncset.done $0x0  }
0xa4: {  	s25 =	simm.s32 $0x1B8E;
	s24 =	sld [smem:$0x3FFE];
	[sflag:s23] =	ssyncadd.s32 $0xFFFFFFFF  }
0xa5: {  	s26 =	simm.s32 $execute0_lowered;
	[smem:$0x3FD2] =	sst s25  }
0xa6: {  	s5 =	sshll.u32 s26, $0x1;
	_ =	strace $0x80000046;
	[dreg:$0x1] =	wrdreg $0xFFFFFFFF  }
0xa7: {  	s28 =	simm.s32 $_size_execute0_lowered;
	s3 =	sadd.s32 s3, s5;
	[dreg:$0x0] =	wrdreg $0x0  }
0xa8: {  	s5 =	sshll.u32 s28, $0x1;
	[dreg:$0x2] =	wrdreg s3  }
0xa9: {  	[dreg:$0x3] =	wrdreg s5  }
0xaa: {  	[dreg:$0x4] =	wrdreg $0xC0  }
0xab: {  	_ =	task [dreg:s7], $0x5FFFF  }
0xac: {  	[dreg:$0x1] =	wrdreg $0xFFFFFFFF  }
0xad: {  	[dreg:$0x0] =	wrdreg $0x60  }
0xae: {  	[dreg:$0x2] =	wrdreg s24  }
0xaf: {  	[dreg:$0x3] =	wrdreg s2  }
0xb0: {  	[dreg:$0x4] =	wrdreg $0x9  }
0xb1: {  	_ =	task.clear_ibuf [dreg:s7], $0x5FFFF;
	_ =	strace $0x90000046  }
0xb2: {  	s29 =	simm.s32 $0x9;
	_ =	strace $0x80000048  }
0xb3: {  	_ =	swait.ge [sflag:s29], $0x1  }
0xb4: {  	[sflag:s29] =	ssyncadd.s32 $0xFFFFFFFF  }
0xb5: {  	_ =	strace $0x90000048  }
0xb6: {  	_ =	sfence  }
0xb7: {  	s30 =	sld [smem:$0x0];
	_ =	sdelay $0x2  }
0xb8: {  	s31 =	sshll.u32 s1, $0xD;
	s1 =	sshrl.u32 s1, $0x2  }
0xb9: {  	s3 =	sand.u32 $0x4000, s31;
	s1 =	sadd.s32 s1, s30  }
0xba: {  	s0 =	sor.u32 s3, s0;
	s1 =	sshll.u32 s1, $0x11  }
0xbb: {  	s0 =	sor.u32 s1, s0  }
0xbc: {  	s0 =	sadd.s32 $0x8F2B, s0  }
0xbd: {  	[sflag:s0] =	ssyncadd.remote.s32 $0x1  }
0xbe: {  	_ =	sfence.sel $0xFFFF  }
0xbf: {  	[dreg:$0x0] =	wrdreg $0xFFFFFFFF;
	(pc) =	sbr.abs _section_cstart, $3  }
0xc0: {  	[dreg:$0x1] =	wrdreg $0xFFFFFFFF  }
0xc1: {  	_ =	task.clear_ibuf [dreg:s7], $0x2FFFF;
	_ =	strace $0x9FFFFFFF  }
0xc2: {  	(tm) =	ssettm $0x7FFFFFFF  }
0xc3: {  	_ =	shalt  }
tec
execute0_lowered:
.L_overlay_start_1:
0x0: {  	(tag) =	ssettag $0x1  }
0x1: {  	s4 =	rddreg [dreg:$0x0];
	s1 =	srdreg.scid  }
0x2: {  	s0 =	stileid.u32;
	s5 =	rddreg [dreg:$0x1]  }
0x3: {  	s2 =	simm.s32 $0x0;
	s9 =	simm.s32 $0x6800;
	s10 =	simm.s32 $0x7500  }
0x4: {  	s11 =	simm.s32 $0x8200;
	s12 =	simm.s32 $0x8F00;
	s13 =	simm.s32 $0x1  }
0x5: {  	s14 =	simm.s32 $0x2;
	s15 =	simm.s32 $0x9C00;
	s16 =	simm.s32 $0x0  }
0x6: {  	s3 =	sand.u32 $0x1, s1;
	s6 =	sshll.u32 s0, $0x1;
	[smem:$0x7FF] =	sst s2  }
0x7: {  	s1 =	rddreg [dreg:$0x2];
	s6 =	sor.u32 s3, s6;
	_ =	strace $0x80000047  }
0x8: {  	s8 =	ssub.s32 $0x2, s3;
	s7 =	smul.u32 $0xD00, s6;
	s6 =	sshll.u32 s6, $0x9  }
0x9: {  	s3 =	sadd.s32 $0xF43000, s4;
	s31 =	sshrl.u32 s8, $0x1;
	s5 =	sadd.s32 s5, s6  }
0xa: {  	s4 =	sadd.s32 s7, s4;
	s7 =	ssub.s32 s8, s31;
	s8 =	simm.s32 $0x68  }
0xb: {  	s4 =	sadd.s32 $0xC00, s4;
	s6 =	smax.u32 s7, $0x1;
	s7 =	simm.s32 $0x3  }
.LBB2_1:
0xc: {  	[tilespmem:s2], [sflag:$0x3] =	stream.linear.gather [hbm4b:s4+s2], $0x6800, $0x38;
	[tilespmem:$0xAC00] =	vst v63  }
0xd: {  	_ =	swait.ge [sflag:s7], $0x6800  }
0xe: {  	[sflag:s7] =	ssyncset.done $0x0  }
0xf: {  	[sflag:s7] =	ssyncadd.s32 $0xFFFF9800  }
0x10: {  	[tilespmem:s9], [sflag:$0x1] =	stream.indirect.gather [hbm4b:s3+s8], $0x20, s2, s8, $0xb8;
	[tilespmem:$0xAC00] =	vst v63  }
0x11: {  	s17 =	simm.s32 $0x9C20;
	s18 =	simm.s32 $0x0  }
0x12: {  	[tilespmem:s10], [sflag:$0x1] =	stream.indirect.gather [hbm4b:s3+s8], $0x20, s8, s8, $0xb8;
	[tilespmem:$0xAC00] =	vst v63  }
.LBB2_2:
0x13: {  	s19 =	sshra.s32 s18, $0x2  }
0x14: {  	s20 =	sadd.s32 $0xD0, s19  }
0x15: {  	[tilespmem:s11], [sflag:$0x2] =	stream.indirect.gather [hbm4b:s3+s8], $0x20, s20, s8, $0xb8;
	[tilespmem:$0xAC00] =	vst v63  }
0x16: {  	s19 =	sadd.s32 $0x138, s19  }
0x17: {  	[tilespmem:s12], [sflag:$0x2] =	stream.indirect.gather [hbm4b:s3+s8], $0x20, s19, s8, $0xb8;
	[tilespmem:$0xAC00] =	vst v63  }
0x18: {  	_ =	swait.ge [sflag:s13], $0xD00  }
0x19: {  	[sflag:s13] =	ssyncset.done $0x0  }
0x1a: {  	[sflag:s13] =	ssyncadd.s32 $0xFFFFF300  }
0x1b: {  	_ =	swait.ge [sflag:s13], $0xD00  }
0x1c: {  	[sflag:s13] =	ssyncset.done $0x0  }
0x1d: {  	[sflag:s13] =	ssyncadd.s32 $0xFFFFF300  }
0x1e: {  	v62 =	vld [tilespmem:$0x76F0];
	_ =	sdelay $0x4  }
0x1f: {  	[tilespmem:$0x1E640] =	vst v62;
	v62 =	vld [tilespmem:$0x6A00];
	_ =	sdelay $0x4  }
0x20: {  	[tilespmem:$0x1E650] =	vst v62;
	v62 =	vld [tilespmem:$0x6A10];
	_ =	sdelay $0x4  }
0x21: {  	[tilespmem:$0x1E660] =	vst v62;
	v62 =	vld [tilespmem:$0x6A20];
	_ =	sdelay $0x4  }
0x22: {  	[tilespmem:$0x1E670] =	vst v62;
	v62 =	vld [tilespmem:$0x6A30];
	_ =	sdelay $0x4  }
0x23: {  	[tilespmem:$0x1E680] =	vst v62;
	v62 =	vld [tilespmem:$0x7700];
	_ =	sdelay $0x4  }
0x24: {  	[tilespmem:$0x1E690] =	vst v62;
	v62 =	vld [tilespmem:$0x7710];
	_ =	sdelay $0x4  }
0x25: {  	[tilespmem:$0x1E6A0] =	vst v62;
	v62 =	vld [tilespmem:$0x7720];
	_ =	sdelay $0x4  }
0x26: {  	[tilespmem:$0x1E6B0] =	vst v62;
	v62 =	vld [tilespmem:$0x7730];
	_ =	sdelay $0x4  }
0x27: {  	[tilespmem:$0x1E6C0] =	vst v62;
	v62 =	vld [tilespmem:$0x6A40];
	_ =	sdelay $0x4  }
0x28: {  	[tilespmem:$0x1E6D0] =	vst v62;
	v62 =	vld [tilespmem:$0x6A50];
	_ =	sdelay $0x4  }
0x29: {  	[tilespmem:$0x1E6E0] =	vst v62;
	v62 =	vld [tilespmem:$0x6A60];
	_ =	sdelay $0x4  }
0x2a: {  	[tilespmem:$0x1E6F0] =	vst v62;
	v62 =	vld [tilespmem:$0x6A70];
	_ =	sdelay $0x4  }
0x2b: {  	[tilespmem:$0x1E700] =	vst v62;
	v62 =	vld [tilespmem:$0x7740];
	_ =	sdelay $0x4  }
0x2c: {  	[tilespmem:$0x1E710] =	vst v62;
	v62 =	vld [tilespmem:$0x7750];
	_ =	sdelay $0x4  }
0x2d: {  	[tilespmem:$0x1E720] =	vst v62;
	v62 =	vld [tilespmem:$0x7760];
	_ =	sdelay $0x4  }
0x2e: {  	[tilespmem:$0x1E730] =	vst v62;
	v62 =	vld [tilespmem:$0x7770];
	_ =	sdelay $0x4  }
0x2f: {  	[tilespmem:$0x1E740] =	vst v62;
	v62 =	vld [tilespmem:$0x6A80];
	_ =	sdelay $0x4  }
0x30: {  	[tilespmem:$0x1E750] =	vst v62;
	v62 =	vld [tilespmem:$0x6A90];
	_ =	sdelay $0x4  }
0x31: {  	[tilespmem:$0x1E760] =	vst v62;
	v62 =	vld [tilespmem:$0x6AA0];
	_ =	sdelay $0x4  }
0x32: {  	[tilespmem:$0x1E770] =	vst v62;
	v62 =	vld [tilespmem:$0x6AB0];
	_ =	sdelay $0x2  }
0x33: {  	v4 =	vld [tilespmem:$0x6800]  }
0x34: {  	v5 =	vld [tilespmem:$0x6810]  }
0x35: {  	[tilespmem:$0x1E780] =	vst v62;
	v62 =	vld [tilespmem:$0x7780]  }
0x36: {  	v6 =	vld [tilespmem:$0x6820]  }
0x37: {  	v7 =	vld [tilespmem:$0x6830]  }
0x38: {  	v12 =	vld [tilespmem:$0x7500]  }
0x39: {  	v13 =	vld [tilespmem:$0x7510]  }
0x3a: {  	[tilespmem:$0x1E790] =	vst v62;
	v62 =	vld [tilespmem:$0x7790]  }
0x3b: {  	v16 =	vld [tilespmem:$0x7520]  }
0x3c: {  	v17 =	vld [tilespmem:$0x7530]  }
0x3d: {  	v0 =	vld [tilespmem:$0x6840]  }
0x3e: {  	v1 =	vld [tilespmem:$0x6850]  }
0x3f: {  	[tilespmem:$0x1E7A0] =	vst v62;
	v62 =	vld [tilespmem:$0x77A0]  }
0x40: {  	v2 =	vld [tilespmem:$0x6860]  }
0x41: {  	v3 =	vld [tilespmem:$0x6870]  }
0x42: {  	v8 =	vld [tilespmem:$0x7540]  }
0x43: {  	v9 =	vld [tilespmem:$0x7550]  }
0x44: {  	[tilespmem:$0x1E7B0] =	vst v62;
	v62 =	vld [tilespmem:$0x77B0]  }
0x45: {  	v10 =	vld [tilespmem:$0x7560]  }
0x46: {  	v11 =	vld [tilespmem:$0x7570]  }
0x47: {  	v14 =	vld [tilespmem:$0x6880]  }
0x48: {  	v15 =	vld [tilespmem:$0x6890]  }
0x49: {  	[tilespmem:$0x1E7C0] =	vst v62;
	v62 =	vld [tilespmem:$0x6AC0]  }
0x4a: {  	v18 =	vld [tilespmem:$0x68A0]  }
0x4b: {  	v19 =	vld [tilespmem:$0x68B0]  }
0x4c: {  	v20 =	vld [tilespmem:$0x7580]  }
0x4d: {  	v21 =	vld [tilespmem:$0x7590]  }
0x4e: {  	[tilespmem:$0x1E7D0] =	vst v62;
	v62 =	vld [tilespmem:$0x6AD0]  }
0x4f: {  	v22 =	vld [tilespmem:$0x75A0]  }
0x50: {  	v23 =	vld [tilespmem:$0x75B0]  }
0x51: {  	v24 =	vld [tilespmem:$0x68C0]  }
0x52: {  	v25 =	vld [tilespmem:$0x68D0]  }
0x53: {  	[tilespmem:$0x1E7E0] =	vst v62;
	v62 =	vld [tilespmem:$0x6AE0]  }
0x54: {  	v26 =	vld [tilespmem:$0x68E0]  }
0x55: {  	v27 =	vld [tilespmem:$0x68F0]  }
0x56: {  	v28 =	vld [tilespmem:$0x75C0]  }
0x57: {  	v29 =	vld [tilespmem:$0x75D0]  }
0x58: {  	[tilespmem:$0x1E7F0] =	vst v62;
	v62 =	vld [tilespmem:$0x6AF0]  }
0x59: {  	v30 =	vld [tilespmem:$0x75E0]  }
0x5a: {  	v31 =	vld [tilespmem:$0x75F0]  }
0x5b: {  	v32 =	vld [tilespmem:$0x6900]  }
0x5c: {  	v33 =	vld [tilespmem:$0x6910]  }
0x5d: {  	[tilespmem:$0x1E800] =	vst v62;
	v62 =	vld [tilespmem:$0x77C0]  }
0x5e: {  	v34 =	vld [tilespmem:$0x6920]  }
0x5f: {  	v35 =	vld [tilespmem:$0x6930]  }
0x60: {  	v36 =	vld [tilespmem:$0x7600]  }
0x61: {  	v37 =	vld [tilespmem:$0x7610]  }
0x62: {  	[tilespmem:$0x1E810] =	vst v62;
	v62 =	vld [tilespmem:$0x77D0]  }
0x63: {  	v38 =	vld [tilespmem:$0x7620]  }
0x64: {  	v39 =	vld [tilespmem:$0x7630]  }
0x65: {  	v40 =	vld [tilespmem:$0x6940]  }
0x66: {  	v41 =	vld [tilespmem:$0x6950]  }
0x67: {  	[tilespmem:$0x1E820] =	vst v62;
	v62 =	vld [tilespmem:$0x77E0]  }
0x68: {  	v42 =	vld [tilespmem:$0x6960]  }
0x69: {  	v43 =	vld [tilespmem:$0x6970]  }
0x6a: {  	v44 =	vld [tilespmem:$0x7640]  }
0x6b: {  	v45 =	vld [tilespmem:$0x7650]  }
0x6c: {  	[tilespmem:$0x1E830] =	vst v62;
	v62 =	vld [tilespmem:$0x77F0]  }
0x6d: {  	v46 =	vld [tilespmem:$0x7660]  }
0x6e: {  	v47 =	vld [tilespmem:$0x7670]  }
0x6f: {  	v48 =	vld [tilespmem:$0x6980]  }
0x70: {  	v49 =	vld [tilespmem:$0x6990]  }
0x71: {  	[tilespmem:$0x1E840] =	vst v62;
	v62 =	vld [tilespmem:$0x6B00]  }
0x72: {  	v50 =	vld [tilespmem:$0x69A0]  }
0x73: {  	v51 =	vld [tilespmem:$0x69B0]  }
0x74: {  	v52 =	vld [tilespmem:$0x7680]  }
0x75: {  	v53 =	vld [tilespmem:$0x7690]  }
0x76: {  	[tilespmem:$0x1E850] =	vst v62;
	v62 =	vld [tilespmem:$0x6B10]  }
0x77: {  	v54 =	vld [tilespmem:$0x76A0]  }
0x78: {  	v55 =	vld [tilespmem:$0x76B0]  }
0x79: {  	v59 =	vld [tilespmem:$0x69C0]  }
0x7a: {  	v56 =	vld [tilespmem:$0x69D0]  }
0x7b: {  	[tilespmem:$0x1E860] =	vst v62;
	v62 =	vld [tilespmem:$0x6B20]  }
0x7c: {  	v58 =	vld [tilespmem:$0x69E0]  }
0x7d: {  	v57 =	vld [tilespmem:$0x69F0]  }
0x7e: {  	v60 =	vld [tilespmem:$0x76C0]  }
0x7f: {  	v61 =	vld [tilespmem:$0x76D0]  }
0x80: {  	v63 =	vld [tilespmem:$0x76E0];
	[tilespmem:$0x1E870] =	vst v62  }
0x81: {  	v62 =	vld [tilespmem:$0x6B30];
	_ =	sdelay $0x4  }
0x82: {  	[tilespmem:$0x1E880] =	vst v62;
	v62 =	vld [tilespmem:$0x7800];
	_ =	sdelay $0x4  }
0x83: {  	[tilespmem:$0x1E890] =	vst v62;
	v62 =	vld [tilespmem:$0x7810];
	_ =	sdelay $0x4  }
0x84: {  	[tilespmem:$0x1E8A0] =	vst v62;
	v62 =	vld [tilespmem:$0x7820];
	_ =	sdelay $0x4  }
0x85: {  	[tilespmem:$0x1E8B0] =	vst v62;
	v62 =	vld [tilespmem:$0x7830];
	_ =	sdelay $0x4  }
0x86: {  	[tilespmem:$0x1E8C0] =	vst v62;
	v62 =	vld [tilespmem:$0x6B40];
	_ =	sdelay $0x4  }
0x87: {  	[tilespmem:$0x1E8D0] =	vst v62;
	v62 =	vld [tilespmem:$0x6B50];
	_ =	sdelay $0x4  }
0x88: {  	[tilespmem:$0x1E8E0] =	vst v62;
	v62 =	vld [tilespmem:$0x6B60];
	_ =	sdelay $0x4  }
0x89: {  	[tilespmem:$0x1E8F0] =	vst v62;
	v62 =	vld [tilespmem:$0x6B70];
	_ =	sdelay $0x4  }
0x8a: {  	[tilespmem:$0x1E900] =	vst v62;
	v62 =	vld [tilespmem:$0x7840];
	_ =	sdelay $0x4  }
0x8b: {  	[tilespmem:$0x1E910] =	vst v62;
	v62 =	vld [tilespmem:$0x7850];
	_ =	sdelay $0x4  }
0x8c: {  	[tilespmem:$0x1E920] =	vst v62;
	v62 =	vld [tilespmem:$0x7860];
	_ =	sdelay $0x4  }
0x8d: {  	[tilespmem:$0x1E930] =	vst v62;
	v62 =	vld [tilespmem:$0x7870];
	_ =	sdelay $0x4  }
0x8e: {  	[tilespmem:$0x1E940] =	vst v62;
	v62 =	vld [tilespmem:$0x6B80];
	_ =	sdelay $0x4  }
0x8f: {  	[tilespmem:$0x1E950] =	vst v62;
	v62 =	vld [tilespmem:$0x6B90];
	_ =	sdelay $0x4  }
0x90: {  	[tilespmem:$0x1E960] =	vst v62;
	v62 =	vld [tilespmem:$0x6BA0];
	_ =	sdelay $0x4  }
0x91: {  	[tilespmem:$0x1E970] =	vst v62;
	v62 =	vld [tilespmem:$0x6BB0];
	_ =	sdelay $0x4  }
0x92: {  	[tilespmem:$0x1E980] =	vst v62;
	v62 =	vld [tilespmem:$0x7880];
	_ =	sdelay $0x4  }
0x93: {  	[tilespmem:$0x1E990] =	vst v62;
	v62 =	vld [tilespmem:$0x7890];
	_ =	sdelay $0x4  }
0x94: {  	[tilespmem:$0x1E9A0] =	vst v62;
	v62 =	vld [tilespmem:$0x78A0];
	_ =	sdelay $0x4  }
0x95: {  	[tilespmem:$0x1E9B0] =	vst v62;
	v62 =	vld [tilespmem:$0x78B0];
	_ =	sdelay $0x4  }
0x96: {  	[tilespmem:$0x1E9C0] =	vst v62;
	v62 =	vld [tilespmem:$0x6BC0];
	_ =	sdelay $0x4  }
0x97: {  	[tilespmem:$0x1E9D0] =	vst v62;
	v62 =	vld [tilespmem:$0x6BD0];
	_ =	sdelay $0x4  }
0x98: {  	[tilespmem:$0x1E9E0] =	vst v62;
	v62 =	vld [tilespmem:$0x6BE0];
	_ =	sdelay $0x4  }
0x99: {  	[tilespmem:$0x1E9F0] =	vst v62;
	v62 =	vld [tilespmem:$0x6BF0];
	_ =	sdelay $0x4  }
0x9a: {  	[tilespmem:$0x1EA00] =	vst v62;
	v62 =	vld [tilespmem:$0x78C0];
	_ =	sdelay $0x4  }
0x9b: {  	[tilespmem:$0x1EA10] =	vst v62;
	v62 =	vld [tilespmem:$0x78D0];
	_ =	sdelay $0x4  }
0x9c: {  	[tilespmem:$0x1EA20] =	vst v62;
	v62 =	vld [tilespmem:$0x78E0];
	_ =	sdelay $0x4  }
0x9d: {  	[tilespmem:$0x1EA30] =	vst v62;
	v62 =	vld [tilespmem:$0x78F0];
	_ =	sdelay $0x4  }
0x9e: {  	[tilespmem:$0x1EA40] =	vst v62;
	v62 =	vld [tilespmem:$0x6C00];
	_ =	sdelay $0x4  }
0x9f: {  	[tilespmem:$0x1EA50] =	vst v62;
	v62 =	vld [tilespmem:$0x6C10];
	_ =	sdelay $0x4  }
0xa0: {  	[tilespmem:$0x1EA60] =	vst v62;
	v62 =	vld [tilespmem:$0x6C20];
	_ =	sdelay $0x4  }
0xa1: {  	[tilespmem:$0x1EA70] =	vst v62;
	v62 =	vld [tilespmem:$0x6C30];
	_ =	sdelay $0x4  }
0xa2: {  	[tilespmem:$0x1EA80] =	vst v62;
	v62 =	vld [tilespmem:$0x7900];
	_ =	sdelay $0x4  }
0xa3: {  	[tilespmem:$0x1EA90] =	vst v62;
	v62 =	vld [tilespmem:$0x7910];
	_ =	sdelay $0x4  }
0xa4: {  	[tilespmem:$0x1EAA0] =	vst v62;
	v62 =	vld [tilespmem:$0x7920];
	_ =	sdelay $0x4  }
0xa5: {  	[tilespmem:$0x1EAB0] =	vst v62;
	v62 =	vld [tilespmem:$0x7930];
	_ =	sdelay $0x4  }
0xa6: {  	[tilespmem:$0x1EAC0] =	vst v62;
	v62 =	vld [tilespmem:$0x6C40];
	_ =	sdelay $0x4  }
0xa7: {  	[tilespmem:$0x1EAD0] =	vst v62;
	v62 =	vld [tilespmem:$0x6C50];
	_ =	sdelay $0x4  }
0xa8: {  	[tilespmem:$0x1EAE0] =	vst v62;
	v62 =	vld [tilespmem:$0x6C60];
	_ =	sdelay $0x4  }
0xa9: {  	[tilespmem:$0x1EAF0] =	vst v62;
	v62 =	vld [tilespmem:$0x6C70];
	_ =	sdelay $0x4  }
0xaa: {  	[tilespmem:$0x1EB00] =	vst v62;
	v62 =	vld [tilespmem:$0x7940];
	_ =	sdelay $0x4  }
0xab: {  	[tilespmem:$0x1EB10] =	vst v62;
	v62 =	vld [tilespmem:$0x7950];
	_ =	sdelay $0x4  }
0xac: {  	[tilespmem:$0x1EB20] =	vst v62;
	v62 =	vld [tilespmem:$0x7960];
	_ =	sdelay $0x4  }
0xad: {  	[tilespmem:$0x1EB30] =	vst v62;
	v62 =	vld [tilespmem:$0x7970];
	_ =	sdelay $0x4  }
0xae: {  	[tilespmem:$0x1EB40] =	vst v62;
	v62 =	vld [tilespmem:$0x6C80];
	_ =	sdelay $0x4  }
0xaf: {  	[tilespmem:$0x1EB50] =	vst v62;
	v62 =	vld [tilespmem:$0x6C90];
	_ =	sdelay $0x4  }
0xb0: {  	[tilespmem:$0x1EB60] =	vst v62;
	v62 =	vld [tilespmem:$0x6CA0];
	_ =	sdelay $0x4  }
0xb1: {  	[tilespmem:$0x1EB70] =	vst v62;
	v62 =	vld [tilespmem:$0x6CB0];
	_ =	sdelay $0x4  }
0xb2: {  	[tilespmem:$0x1EB80] =	vst v62;
	v62 =	vld [tilespmem:$0x7980];
	_ =	sdelay $0x4  }
0xb3: {  	[tilespmem:$0x1EB90] =	vst v62;
	v62 =	vld [tilespmem:$0x7990];
	_ =	sdelay $0x4  }
0xb4: {  	[tilespmem:$0x1EBA0] =	vst v62;
	v62 =	vld [tilespmem:$0x79A0];
	_ =	sdelay $0x4  }
0xb5: {  	[tilespmem:$0x1EBB0] =	vst v62;
	v62 =	vld [tilespmem:$0x79B0];
	_ =	sdelay $0x4  }
0xb6: {  	[tilespmem:$0x1EBC0] =	vst v62;
	v62 =	vld [tilespmem:$0x6CC0];
	_ =	sdelay $0x4  }
0xb7: {  	[tilespmem:$0x1EBD0] =	vst v62;
	v62 =	vld [tilespmem:$0x6CD0];
	_ =	sdelay $0x4  }
0xb8: {  	[tilespmem:$0x1EBE0] =	vst v62;
	v62 =	vld [tilespmem:$0x6CE0];
	_ =	sdelay $0x4  }
0xb9: {  	[tilespmem:$0x1EBF0] =	vst v62;
	v62 =	vld [tilespmem:$0x6CF0];
	_ =	sdelay $0x4  }
0xba: {  	[tilespmem:$0x1EC00] =	vst v62;
	v62 =	vld [tilespmem:$0x79C0];
	_ =	sdelay $0x4  }
0xbb: {  	[tilespmem:$0x1EC10] =	vst v62;
	v62 =	vld [tilespmem:$0x79D0];
	_ =	sdelay $0x4  }
0xbc: {  	[tilespmem:$0x1EC20] =	vst v62;
	v62 =	vld [tilespmem:$0x79E0];
	_ =	sdelay $0x4  }
0xbd: {  	[tilespmem:$0x1EC30] =	vst v62;
	v62 =	vld [tilespmem:$0x79F0];
	_ =	sdelay $0x4  }
0xbe: {  	[tilespmem:$0x1EC40] =	vst v62;
	v62 =	vld [tilespmem:$0x6D00];
	_ =	sdelay $0x4  }
0xbf: {  	[tilespmem:$0x1EC50] =	vst v62;
	v62 =	vld [tilespmem:$0x6D10];
	_ =	sdelay $0x4  }
0xc0: {  	[tilespmem:$0x1EC60] =	vst v62;
	v62 =	vld [tilespmem:$0x6D20];
	_ =	sdelay $0x4  }
0xc1: {  	[tilespmem:$0x1EC70] =	vst v62;
	v62 =	vld [tilespmem:$0x6D30];
	_ =	sdelay $0x4  }
0xc2: {  	[tilespmem:$0x1EC80] =	vst v62;
	v62 =	vld [tilespmem:$0x7A00];
	_ =	sdelay $0x4  }
0xc3: {  	[tilespmem:$0x1EC90] =	vst v62;
	v62 =	vld [tilespmem:$0x7A10];
	_ =	sdelay $0x4  }
0xc4: {  	[tilespmem:$0x1ECA0] =	vst v62;
	v62 =	vld [tilespmem:$0x7A20];
	_ =	sdelay $0x4  }
0xc5: {  	[tilespmem:$0x1ECB0] =	vst v62;
	v62 =	vld [tilespmem:$0x7A30];
	_ =	sdelay $0x4  }
0xc6: {  	[tilespmem:$0x1ECC0] =	vst v62;
	v62 =	vld [tilespmem:$0x6D40];
	_ =	sdelay $0x4  }
0xc7: {  	[tilespmem:$0x1ECD0] =	vst v62;
	v62 =	vld [tilespmem:$0x6D50];
	_ =	sdelay $0x4  }
0xc8: {  	[tilespmem:$0x1ECE0] =	vst v62;
	v62 =	vld [tilespmem:$0x6D60];
	_ =	sdelay $0x4  }
0xc9: {  	[tilespmem:$0x1ECF0] =	vst v62;
	v62 =	vld [tilespmem:$0x6D70];
	_ =	sdelay $0x4  }
0xca: {  	[tilespmem:$0x1ED00] =	vst v62;
	v62 =	vld [tilespmem:$0x7A40];
	_ =	sdelay $0x4  }
0xcb: {  	[tilespmem:$0x1ED10] =	vst v62;
	v62 =	vld [tilespmem:$0x7A50];
	_ =	sdelay $0x4  }
0xcc: {  	[tilespmem:$0x1ED20] =	vst v62;
	v62 =	vld [tilespmem:$0x7A60];
	_ =	sdelay $0x4  }
0xcd: {  	[tilespmem:$0x1ED30] =	vst v62;
	v62 =	vld [tilespmem:$0x7A70];
	_ =	sdelay $0x4  }
0xce: {  	[tilespmem:$0x1ED40] =	vst v62;
	v62 =	vld [tilespmem:$0x6D80];
	_ =	sdelay $0x4  }
0xcf: {  	[tilespmem:$0x1ED50] =	vst v62;
	v62 =	vld [tilespmem:$0x6D90];
	_ =	sdelay $0x4  }
0xd0: {  	[tilespmem:$0x1ED60] =	vst v62;
	v62 =	vld [tilespmem:$0x6DA0];
	_ =	sdelay $0x4  }
0xd1: {  	[tilespmem:$0x1ED70] =	vst v62;
	v62 =	vld [tilespmem:$0x6DB0];
	_ =	sdelay $0x4  }
0xd2: {  	[tilespmem:$0x1ED80] =	vst v62;
	v62 =	vld [tilespmem:$0x7A80];
	_ =	sdelay $0x4  }
0xd3: {  	[tilespmem:$0x1ED90] =	vst v62;
	v62 =	vld [tilespmem:$0x7A90];
	_ =	sdelay $0x4  }
0xd4: {  	[tilespmem:$0x1EDA0] =	vst v62;
	v62 =	vld [tilespmem:$0x7AA0]  }
0xd5: {  	v4 =	vadd.f32 $0.0e+00, v4  }
0xd6: {  	v5 =	vadd.f32 $0.0e+00, v5;
	v6 =	vadd.f32 $0.0e+00, v6  }
0xd7: {  	v7 =	vadd.f32 $0.0e+00, v7;
	v16 =	vadd.f32 $0.0e+00, v16  }
0xd8: {  	v0 =	vadd.f32 v0, v4;
	v4 =	vadd.f32 $0.0e+00, v12;
	v12 =	vld [tilespmem:$0x6E90]  }
0xd9: {  	v17 =	vadd.f32 $0.0e+00, v17;
	v1 =	vadd.f32 v1, v5;
	[tilespmem:$0x1EDB0] =	vst v62;
	v62 =	vld [tilespmem:$0x7AB0]  }
0xda: {  	v2 =	vadd.f32 v2, v6;
	v6 =	vadd.f32 v10, v16;
	v10 =	vld [tilespmem:$0x7B80]  }
0xdb: {  	v3 =	vadd.f32 v3, v7;
	v7 =	vadd.f32 v11, v17;
	v11 =	vld [tilespmem:$0x7B90]  }
0xdc: {  	v0 =	vadd.f32 v14, v0;
	v14 =	vld [tilespmem:$0x7BA0]  }
0xdd: {  	v1 =	vadd.f32 v15, v1;
	v15 =	vld [tilespmem:$0x7BB0]  }
0xde: {  	[tilespmem:$0x1EDC0] =	vst v62;
	v62 =	vld [tilespmem:$0x6DC0]  }
0xdf: {  	v16 =	vld [tilespmem:$0x6EC0]  }
0xe0: {  	v17 =	vld [tilespmem:$0x6ED0]  }
0xe1: {  	v2 =	vadd.f32 v18, v2;
	v18 =	vld [tilespmem:$0x6EE0]  }
0xe2: {  	v4 =	vadd.f32 v8, v4;
	v3 =	vadd.f32 v19, v3;
	v19 =	vld [tilespmem:$0x6EF0]  }
0xe3: {  	[tilespmem:$0x1EDD0] =	vst v62;
	v62 =	vld [tilespmem:$0x6DD0]  }
0xe4: {  	v4 =	vadd.f32 v20, v4;
	v20 =	vld [tilespmem:$0x7BC0]  }
0xe5: {  	v6 =	vadd.f32 v22, v6;
	v22 =	vld [tilespmem:$0x7BE0]  }
0xe6: {  	v7 =	vadd.f32 v23, v7;
	v23 =	vld [tilespmem:$0x7BF0]  }
0xe7: {  	v0 =	vadd.f32 v24, v0;
	v24 =	vld [tilespmem:$0x6F00]  }
0xe8: {  	[tilespmem:$0x1EDE0] =	vst v62;
	v62 =	vld [tilespmem:$0x6DE0]  }
0xe9: {  	v1 =	vadd.f32 v25, v1;
	v25 =	vld [tilespmem:$0x6F10]  }
0xea: {  	v2 =	vadd.f32 v26, v2;
	v26 =	vld [tilespmem:$0x6F20]  }
0xeb: {  	v3 =	vadd.f32 v27, v3;
	v27 =	vld [tilespmem:$0x6F30]  }
0xec: {  	v4 =	vadd.f32 v28, v4;
	v28 =	vld [tilespmem:$0x7C00]  }
0xed: {  	[tilespmem:$0x1EDF0] =	vst v62;
	v62 =	vld [tilespmem:$0x6DF0]  }
0xee: {  	v6 =	vadd.f32 v30, v6;
	v30 =	vld [tilespmem:$0x7C20]  }
0xef: {  	v7 =	vadd.f32 v31, v7;
	v31 =	vld [tilespmem:$0x7C30]  }
0xf0: {  	v0 =	vadd.f32 v32, v0;
	v32 =	vld [tilespmem:$0x6F40]  }
0xf1: {  	v1 =	vadd.f32 v33, v1;
	v6 =	vadd.f32 v38, v6;
	v33 =	vld [tilespmem:$0x6F50]  }
0xf2: {  	v2 =	vadd.f32 v34, v2;
	v3 =	vadd.f32 v35, v3;
	[tilespmem:$0x1EE00] =	vst v62;
	v62 =	vld [tilespmem:$0x7AC0]  }
0xf3: {  	v7 =	vadd.f32 v39, v7;
	v6 =	vadd.f32 v46, v6;
	v34 =	vld [tilespmem:$0x6F60]  }
0xf4: {  	v4 =	vadd.f32 v36, v4;
	v0 =	vadd.f32 v40, v0;
	v35 =	vld [tilespmem:$0x6F70]  }
0xf5: {  	v1 =	vadd.f32 v41, v1;
	v6 =	vadd.f32 v54, v6;
	v54 =	vld [tilespmem:$0x1E640]  }
0xf6: {  	v3 =	vadd.f32 v43, v3;
	v7 =	vadd.f32 v47, v7;
	v36 =	vld [tilespmem:$0x7C40]  }
0xf7: {  	v2 =	vadd.f32 v42, v2;
	v1 =	vadd.f32 v49, v1;
	[tilespmem:$0x1EE10] =	vst v62;
	v62 =	vld [tilespmem:$0x7AD0]  }
0xf8: {  	v3 =	vadd.f32 v51, v3;
	v7 =	vadd.f32 v55, v7;
	v55 =	vld [tilespmem:$0x1E650]  }
0xf9: {  	v2 =	vadd.f32 v50, v2;
	v1 =	vadd.f32 v56, v1;
	v56 =	vld [tilespmem:$0x1E660]  }
0xfa: {  	v4 =	vadd.f32 v44, v4;
	v3 =	vadd.f32 v57, v3;
	v57 =	vld [tilespmem:$0x1E670]  }
0xfb: {  	v0 =	vadd.f32 v48, v0;
	v2 =	vadd.f32 v58, v2;
	v58 =	vld [tilespmem:$0x1E680]  }
0xfc: {  	v4 =	vadd.f32 v52, v4;
	[tilespmem:$0x1EE20] =	vst v62;
	v62 =	vld [tilespmem:$0x7AE0]  }
0xfd: {  	v0 =	vadd.f32 v59, v0;
	v59 =	vld [tilespmem:$0x7C60]  }
0xfe: {  	v4 =	vadd.f32 v60, v4;
	v60 =	vld [tilespmem:$0x1E690]  }
0xff: {  	v6 =	vadd.f32 v63, v6;
	v63 =	vld [tilespmem:$0x1E6B0]  }
0x100: {  	v38 =	vld [tilespmem:$0x1E6C0]  }
0x101: {  	[tilespmem:$0x1EE30] =	vst v62;
	v62 =	vld [tilespmem:$0x7AF0]  }
0x102: {  	v39 =	vld [tilespmem:$0x6F80]  }
0x103: {  	v40 =	vld [tilespmem:$0x1E6D0]  }
0x104: {  	v41 =	vld [tilespmem:$0x1E6E0]  }
0x105: {  	v42 =	vld [tilespmem:$0x6F90]  }
0x106: {  	[tilespmem:$0x1EE40] =	vst v62;
	v62 =	vld [tilespmem:$0x6E00]  }
0x107: {  	v43 =	vld [tilespmem:$0x1E6F0]  }
0x108: {  	v44 =	vld [tilespmem:$0x1E700]  }
0x109: {  	v46 =	vld [tilespmem:$0x1E710]  }
0x10a: {  	v47 =	vld [tilespmem:$0x1E720]  }
0x10b: {  	[tilespmem:$0x1EE50] =	vst v62;
	v62 =	vld [tilespmem:$0x6E10]  }
0x10c: {  	v48 =	vld [tilespmem:$0x6FB0]  }
0x10d: {  	v49 =	vld [tilespmem:$0x1E730]  }
0x10e: {  	v50 =	vld [tilespmem:$0x1E740]  }
0x10f: {  	v51 =	vld [tilespmem:$0x7C80]  }
0x110: {  	[tilespmem:$0x1EE60] =	vst v62;
	v62 =	vld [tilespmem:$0x6E20]  }
0x111: {  	v52 =	vld [tilespmem:$0x1E750]  }
0x112: {  	v7 =	vadd.f32 v54, v7;
	v54 =	vld [tilespmem:$0x7C90]  }
0x113: {  	v0 =	vadd.f32 v55, v0;
	v55 =	vld [tilespmem:$0x1E770]  }
0x114: {  	v1 =	vadd.f32 v56, v1;
	v56 =	vld [tilespmem:$0x1E780]  }
0x115: {  	[tilespmem:$0x1EE70] =	vst v62;
	v62 =	vld [tilespmem:$0x6E30]  }
0x116: {  	v2 =	vadd.f32 v57, v2;
	v57 =	vld [tilespmem:$0x7CA0]  }
0x117: {  	v3 =	vadd.f32 v58, v3;
	v58 =	vld [tilespmem:$0x1E790]  }
0x118: {  	[tilespmem:$0x1EF60] =	vst v59;
	v59 =	vld [tilespmem:$0x1E7A0]  }
0x119: {  	v4 =	vadd.f32 v60, v4;
	v60 =	vld [tilespmem:$0x7CB0]  }
0x11a: {  	[tilespmem:$0x1EE80] =	vst v62;
	v62 =	vld [tilespmem:$0x7B00]  }
0x11b: {  	v6 =	vadd.f32 v63, v6;
	v63 =	vld [tilespmem:$0x6FC0]  }
0x11c: {  	[tilespmem:$0x1EF80] =	vst v39;
	v39 =	vld [tilespmem:$0x1E7E0]  }
0x11d: {  	[tilespmem:$0x1EF90] =	vst v42;
	v42 =	vld [tilespmem:$0x1E800]  }
0x11e: {  	[tilespmem:$0x1EFB0] =	vst v48;
	v48 =	vld [tilespmem:$0x1E840]  }
0x11f: {  	[tilespmem:$0x1EE90] =	vst v62;
	v62 =	vld [tilespmem:$0x7B10]  }
0x120: {  	[tilespmem:$0x1EFC0] =	vst v51;
	v51 =	vld [tilespmem:$0x1E860]  }
0x121: {  	v7 =	vadd.f32 v38, v7;
	v38 =	vld [tilespmem:$0x1E7D0]  }
0x122: {  	v0 =	vadd.f32 v40, v0;
	v40 =	vld [tilespmem:$0x6FD0]  }
0x123: {  	v1 =	vadd.f32 v41, v1;
	v41 =	vld [tilespmem:$0x1E7F0]  }
0x124: {  	[tilespmem:$0x1EEA0] =	vst v62;
	v62 =	vld [tilespmem:$0x7B20]  }
0x125: {  	v2 =	vadd.f32 v43, v2;
	v43 =	vld [tilespmem:$0x6FE0]  }
0x126: {  	v3 =	vadd.f32 v44, v3;
	v44 =	vld [tilespmem:$0x1E810]  }
0x127: {  	v4 =	vadd.f32 v46, v4;
	v46 =	vld [tilespmem:$0x6FF0]  }
0x128: {  	v6 =	vadd.f32 v49, v6;
	v49 =	vld [tilespmem:$0x7CC0]  }
0x129: {  	[tilespmem:$0x1EEB0] =	vst v62;
	v62 =	vld [tilespmem:$0x7B30]  }
0x12a: {  	v7 =	vadd.f32 v50, v7;
	v50 =	vld [tilespmem:$0x1E850]  }
0x12b: {  	v0 =	vadd.f32 v52, v0;
	v52 =	vld [tilespmem:$0x7CD0]  }
0x12c: {  	[tilespmem:$0x1EFD0] =	vst v54;
	v54 =	vld [tilespmem:$0x1E880]  }
0x12d: {  	v2 =	vadd.f32 v55, v2;
	v55 =	vld [tilespmem:$0x7CE0]  }
0x12e: {  	[tilespmem:$0x1EEC0] =	vst v62;
	v62 =	vld [tilespmem:$0x6E40]  }
0x12f: {  	v4 =	vadd.f32 v58, v4;
	v58 =	vld [tilespmem:$0x7CF0]  }
0x130: {  	v3 =	vadd.f32 v56, v3;
	v56 =	vld [tilespmem:$0x1E890]  }
0x131: {  	v0 =	vadd.f32 v38, v0;
	v38 =	vld [tilespmem:$0x7010]  }
0x132: {  	v2 =	vadd.f32 v41, v2;
	v41 =	vld [tilespmem:$0x7020]  }
0x133: {  	[tilespmem:$0x1EED0] =	vst v62;
	v62 =	vld [tilespmem:$0x6E50]  }
0x134: {  	v4 =	vadd.f32 v44, v4;
	v44 =	vld [tilespmem:$0x7030]  }
0x135: {  	v0 =	vadd.f32 v50, v0;
	v50 =	vld [tilespmem:$0x7D10]  }
0x136: {  	[tilespmem:$0x1EFE0] =	vst v57;
	v57 =	vld [tilespmem:$0x1E8A0]  }
0x137: {  	v4 =	vadd.f32 v56, v4;
	v56 =	vld [tilespmem:$0x7D30]  }
0x138: {  	[tilespmem:$0x1EEE0] =	vst v62;
	v62 =	vld [tilespmem:$0x6E60]  }
0x139: {  	[tilespmem:$0x1EFF0] =	vst v60;
	v60 =	vld [tilespmem:$0x1E8C0]  }
0x13a: {  	v3 =	vadd.f32 v42, v3;
	v42 =	vld [tilespmem:$0x1E910]  }
0x13b: {  	[tilespmem:$0x1F000] =	vst v63;
	v63 =	vld [tilespmem:$0x1E8E0]  }
0x13c: {  	[tilespmem:$0x1F010] =	vst v40;
	v40 =	vld [tilespmem:$0x1E900]  }
0x13d: {  	[tilespmem:$0x1EEF0] =	vst v62;
	v62 =	vld [tilespmem:$0x6E70]  }
0x13e: {  	[tilespmem:$0x1F020] =	vst v43;
	v43 =	vld [tilespmem:$0x1E920]  }
0x13f: {  	v4 =	vadd.f32 v42, v4;
	v42 =	vld [tilespmem:$0x7070]  }
0x140: {  	[tilespmem:$0x1F030] =	vst v46;
	v46 =	vld [tilespmem:$0x1E940]  }
0x141: {  	v3 =	vadd.f32 v54, v3;
	v54 =	vld [tilespmem:$0x1E990]  }
0x142: {  	[tilespmem:$0x1EF00] =	vst v62;
	v62 =	vld [tilespmem:$0x7B40]  }
0x143: {  	[tilespmem:$0x1F040] =	vst v49;
	v49 =	vld [tilespmem:$0x1E960]  }
0x144: {  	[tilespmem:$0x1F050] =	vst v52;
	v52 =	vld [tilespmem:$0x1E980]  }
0x145: {  	[tilespmem:$0x1F060] =	vst v55;
	v55 =	vld [tilespmem:$0x1E9A0]  }
0x146: {  	v4 =	vadd.f32 v54, v4;
	v54 =	vld [tilespmem:$0x7D70]  }
0x147: {  	[tilespmem:$0x1EF10] =	vst v62;
	v62 =	vld [tilespmem:$0x7B50]  }
0x148: {  	v3 =	vadd.f32 v40, v3;
	v40 =	vld [tilespmem:$0x1EA10]  }
0x149: {  	[tilespmem:$0x1F070] =	vst v58;
	v58 =	vld [tilespmem:$0x1E9C0]  }
0x14a: {  	[tilespmem:$0x1F090] =	vst v38;
	v38 =	vld [tilespmem:$0x1EA00]  }
0x14b: {  	[tilespmem:$0x1F0A0] =	vst v41;
	v41 =	vld [tilespmem:$0x1EA20]  }
0x14c: {  	[tilespmem:$0x1EF20] =	vst v62;
	v62 =	vld [tilespmem:$0x7B60]  }
0x14d: {  	v4 =	vadd.f32 v40, v4;
	v40 =	vld [tilespmem:$0x70B0]  }
0x14e: {  	v3 =	vadd.f32 v52, v3;
	v52 =	vld [tilespmem:$0x1EA90]  }
0x14f: {  	[tilespmem:$0x1F0D0] =	vst v50;
	v50 =	vld [tilespmem:$0x1EA80]  }
0x150: {  	[tilespmem:$0x1F0B0] =	vst v44;
	v44 =	vld [tilespmem:$0x1EA40]  }
0x151: {  	[tilespmem:$0x1EF30] =	vst v62;
	v62 =	vld [tilespmem:$0x7B70]  }
0x152: {  	v3 =	vadd.f32 v38, v3;
	v38 =	vld [tilespmem:$0x1EB10]  }
0x153: {  	v4 =	vadd.f32 v52, v4;
	v52 =	vld [tilespmem:$0x7DB0]  }
0x154: {  	v3 =	vadd.f32 v50, v3;
	v50 =	vld [tilespmem:$0x1EB90]  }
0x155: {  	[tilespmem:$0x1F0F0] =	vst v56;
	v56 =	vld [tilespmem:$0x1EAC0]  }
0x156: {  	[tilespmem:$0x1EF40] =	vst v62;
	v62 =	vld [tilespmem:$0x6E80]  }
0x157: {  	v4 =	vadd.f32 v38, v4;
	v38 =	vld [tilespmem:$0x70F0]  }
0x158: {  	[tilespmem:$0x1F130] =	vst v42;
	v42 =	vld [tilespmem:$0x1EB40]  }
0x159: {  	[tilespmem:$0x1F170] =	vst v54;
	v4 =	vadd.f32 v50, v4;
	v50 =	vld [tilespmem:$0x7DF0]  }
0x15a: {  	[tilespmem:$0x1F1B0] =	vst v40;
	v54 =	vld [tilespmem:$0x1EBC0]  }
0x15b: {  	v40 =	vld [tilespmem:$0x1EC40];
	[tilespmem:$0x1EF50] =	vst v62;
	v62 =	vadd.f32 $0.0e+00, v13  }
0x15c: {  	[tilespmem:$0x1F1F0] =	vst v52;
	v52 =	vld [tilespmem:$0x1ECC0]  }
0x15d: {  	[tilespmem:$0x1F230] =	vst v38;
	v38 =	vld [tilespmem:$0x1ED40];
	v5 =	vadd.f32 v9, v62  }
0x15e: {  	v62 =	vld [tilespmem:$0x7C70]  }
0x15f: {  	[tilespmem:$0x1F270] =	vst v50;
	v50 =	vld [tilespmem:$0x1EDC0];
	v5 =	vadd.f32 v21, v5  }
0x160: {  	v13 =	vld [tilespmem:$0x6EA0]  }
0x161: {  	v9 =	vld [tilespmem:$0x6EB0];
	v5 =	vadd.f32 v29, v5  }
0x162: {  	v21 =	vld [tilespmem:$0x7BD0]  }
0x163: {  	[tilespmem:$0x1EF70] =	vst v62;
	v62 =	vld [tilespmem:$0x1E7C0];
	v5 =	vadd.f32 v37, v5  }
0x164: {  	v29 =	vld [tilespmem:$0x7C10]  }
0x165: {  	v37 =	vld [tilespmem:$0x7C50];
	v5 =	vadd.f32 v45, v5  }
0x166: {  	v45 =	vld [tilespmem:$0x6FA0]  }
0x167: {  	v5 =	vadd.f32 v53, v5;
	v53 =	vld [tilespmem:$0x1E760]  }
0x168: {  	v7 =	vadd.f32 v62, v7;
	v62 =	vld [tilespmem:$0x1E8D0]  }
0x169: {  	v5 =	vadd.f32 v61, v5;
	v61 =	vld [tilespmem:$0x1E6A0]  }
0x16a: {  	v7 =	vadd.f32 v48, v7;
	v48 =	vld [tilespmem:$0x1E950]  }
0x16b: {  	[tilespmem:$0x1EFA0] =	vst v45;
	v45 =	vld [tilespmem:$0x1E820]  }
0x16c: {  	v7 =	vadd.f32 v60, v7;
	v60 =	vld [tilespmem:$0x1E9D0]  }
0x16d: {  	v1 =	vadd.f32 v53, v1;
	v53 =	vld [tilespmem:$0x1E870]  }
0x16e: {  	v0 =	vadd.f32 v62, v0;
	v62 =	vld [tilespmem:$0x7050]  }
0x16f: {  	v7 =	vadd.f32 v46, v7;
	v46 =	vld [tilespmem:$0x1EA50]  }
0x170: {  	v5 =	vadd.f32 v61, v5;
	v61 =	vld [tilespmem:$0x1E7B0]  }
0x171: {  	v1 =	vadd.f32 v39, v1;
	v39 =	vld [tilespmem:$0x1E8F0]  }
0x172: {  	v0 =	vadd.f32 v48, v0;
	v48 =	vld [tilespmem:$0x7D50]  }
0x173: {  	v7 =	vadd.f32 v58, v7;
	v58 =	vld [tilespmem:$0x1EAD0]  }
0x174: {  	v5 =	vadd.f32 v47, v5;
	v47 =	vld [tilespmem:$0x1E830]  }
0x175: {  	v1 =	vadd.f32 v51, v1;
	v51 =	vld [tilespmem:$0x1E970]  }
0x176: {  	v0 =	vadd.f32 v60, v0;
	v60 =	vld [tilespmem:$0x7090]  }
0x177: {  	v2 =	vadd.f32 v53, v2;
	v53 =	vld [tilespmem:$0x7D20]  }
0x178: {  	[tilespmem:$0x1F110] =	vst v62;
	v62 =	vld [tilespmem:$0x1EB00]  }
0x179: {  	v7 =	vadd.f32 v44, v7;
	v44 =	vld [tilespmem:$0x1EB50]  }
0x17a: {  	v5 =	vadd.f32 v59, v5;
	v59 =	vld [tilespmem:$0x1E8B0]  }
0x17b: {  	v1 =	vadd.f32 v63, v1;
	v63 =	vld [tilespmem:$0x1E9F0]  }
0x17c: {  	v0 =	vadd.f32 v46, v0;
	v46 =	vld [tilespmem:$0x7D90]  }
0x17d: {  	v6 =	vadd.f32 v61, v6;
	v61 =	vld [tilespmem:$0x7000]  }
0x17e: {  	v2 =	vadd.f32 v39, v2;
	v39 =	vld [tilespmem:$0x7060]  }
0x17f: {  	[tilespmem:$0x1F150] =	vst v48;
	v48 =	vld [tilespmem:$0x1EB80]  }
0x180: {  	v7 =	vadd.f32 v56, v7;
	v56 =	vld [tilespmem:$0x1EBD0]  }
0x181: {  	v5 =	vadd.f32 v45, v5;
	v45 =	vld [tilespmem:$0x1E930]  }
0x182: {  	v1 =	vadd.f32 v49, v1;
	v49 =	vld [tilespmem:$0x1EA70]  }
0x183: {  	v0 =	vadd.f32 v58, v0;
	v58 =	vld [tilespmem:$0x70D0]  }
0x184: {  	v6 =	vadd.f32 v47, v6;
	v47 =	vld [tilespmem:$0x7D00]  }
0x185: {  	v2 =	vadd.f32 v51, v2;
	v51 =	vld [tilespmem:$0x7D60]  }
0x186: {  	[tilespmem:$0x1F190] =	vst v60;
	v60 =	vld [tilespmem:$0x1EC00]  }
0x187: {  	v7 =	vadd.f32 v42, v7;
	v42 =	vld [tilespmem:$0x1EC50]  }
0x188: {  	v5 =	vadd.f32 v57, v5;
	v57 =	vld [tilespmem:$0x1E9B0]  }
0x189: {  	[tilespmem:$0x1F0E0] =	vst v53;
	v53 =	vld [tilespmem:$0x1EAA0]  }
0x18a: {  	v3 =	vadd.f32 v62, v3;
	v62 =	vld [tilespmem:$0x1EC10]  }
0x18b: {  	v0 =	vadd.f32 v44, v0;
	v44 =	vld [tilespmem:$0x7DD0]  }
0x18c: {  	v6 =	vadd.f32 v59, v6;
	v59 =	vld [tilespmem:$0x7040]  }
0x18d: {  	v2 =	vadd.f32 v63, v2;
	v63 =	vld [tilespmem:$0x70A0]  }
0x18e: {  	[tilespmem:$0x1F1D0] =	vst v46;
	v46 =	vld [tilespmem:$0x1EC80]  }
0x18f: {  	v7 =	vadd.f32 v54, v7;
	v54 =	vld [tilespmem:$0x1ECD0]  }
0x190: {  	[tilespmem:$0x1F080] =	vst v61;
	v61 =	vld [tilespmem:$0x1E9E0]  }
0x191: {  	v5 =	vadd.f32 v43, v5;
	v43 =	vld [tilespmem:$0x1EA30]  }
0x192: {  	[tilespmem:$0x1F120] =	vst v39;
	v39 =	vld [tilespmem:$0x1EB20]  }
0x193: {  	v3 =	vadd.f32 v48, v3;
	v48 =	vld [tilespmem:$0x1EC90]  }
0x194: {  	v0 =	vadd.f32 v56, v0;
	v56 =	vld [tilespmem:$0x7110]  }
0x195: {  	v6 =	vadd.f32 v45, v6;
	v45 =	vld [tilespmem:$0x7D40]  }
0x196: {  	v2 =	vadd.f32 v49, v2;
	v49 =	vld [tilespmem:$0x7DA0]  }
0x197: {  	[tilespmem:$0x1F210] =	vst v58;
	v58 =	vld [tilespmem:$0x1ED00]  }
0x198: {  	v7 =	vadd.f32 v40, v7;
	v40 =	vld [tilespmem:$0x1ED50]  }
0x199: {  	[tilespmem:$0x1F0C0] =	vst v47;
	v47 =	vld [tilespmem:$0x1EA60]  }
0x19a: {  	v5 =	vadd.f32 v55, v5;
	v55 =	vld [tilespmem:$0x1EAB0]  }
0x19b: {  	[tilespmem:$0x1F160] =	vst v51;
	v51 =	vld [tilespmem:$0x1EBA0]  }
0x19c: {  	v3 =	vadd.f32 v60, v3;
	v60 =	vld [tilespmem:$0x1ED10]  }
0x19d: {  	v0 =	vadd.f32 v42, v0;
	v42 =	vld [tilespmem:$0x7E10]  }
0x19e: {  	v6 =	vadd.f32 v57, v6;
	v57 =	vld [tilespmem:$0x7080]  }
0x19f: {  	v4 =	vadd.f32 v62, v4;
	v62 =	vld [tilespmem:$0x7130]  }
0x1a0: {  	[tilespmem:$0x1F250] =	vst v44;
	v44 =	vld [tilespmem:$0x1ED80]  }
0x1a1: {  	v7 =	vadd.f32 v52, v7;
	v52 =	vld [tilespmem:$0x1EDD0]  }
0x1a2: {  	[tilespmem:$0x1F100] =	vst v59;
	v59 =	vld [tilespmem:$0x1EAE0]  }
0x1a3: {  	v5 =	vadd.f32 v41, v5;
	v41 =	vld [tilespmem:$0x1EB30]  }
0x1a4: {  	[tilespmem:$0x1F1A0] =	vst v63;
	v63 =	vld [tilespmem:$0x1EC20]  }
0x1a5: {  	v3 =	vadd.f32 v46, v3;
	v46 =	vld [tilespmem:$0x1ED90]  }
0x1a6: {  	v0 =	vadd.f32 v54, v0;
	v54 =	vld [tilespmem:$0x7150]  }
0x1a7: {  	v1 =	vadd.f32 v61, v1;
	v61 =	vld [tilespmem:$0x1EAF0]  }
0x1a8: {  	v6 =	vadd.f32 v43, v6;
	v43 =	vld [tilespmem:$0x7D80]  }
0x1a9: {  	v4 =	vadd.f32 v48, v4;
	v48 =	vld [tilespmem:$0x7E30]  }
0x1aa: {  	[tilespmem:$0x1F290] =	vst v56;
	v56 =	vld [tilespmem:$0x1EE00]  }
0x1ab: {  	[tilespmem:$0x1F140] =	vst v45;
	v45 =	vld [tilespmem:$0x1EB60]  }
0x1ac: {  	v5 =	vadd.f32 v53, v5;
	v53 =	vld [tilespmem:$0x1EBB0]  }
0x1ad: {  	[tilespmem:$0x1F1E0] =	vst v49;
	v49 =	vld [tilespmem:$0x1ECA0]  }
0x1ae: {  	v3 =	vadd.f32 v58, v3;
	v58 =	vld [tilespmem:$0x1EE20]  }
0x1af: {  	v1 =	vadd.f32 v47, v1;
	v47 =	vld [tilespmem:$0x1EB70]  }
0x1b0: {  	v6 =	vadd.f32 v55, v6;
	v55 =	vld [tilespmem:$0x70C0]  }
0x1b1: {  	[tilespmem:$0x1F180] =	vst v57;
	v57 =	vld [tilespmem:$0x1EBE0]  }
0x1b2: {  	v5 =	vadd.f32 v39, v5;
	v39 =	vld [tilespmem:$0x1EC30]  }
0x1b3: {  	[tilespmem:$0x1F2B0] =	vst v62;
	v62 =	vld [tilespmem:$0x7160]  }
0x1b4: {  	v1 =	vadd.f32 v59, v1;
	v59 =	vld [tilespmem:$0x1EBF0]  }
0x1b5: {  	v6 =	vadd.f32 v41, v6;
	v41 =	vld [tilespmem:$0x7DC0]  }
0x1b6: {  	v2 =	vadd.f32 v61, v2;
	v61 =	vld [tilespmem:$0x70E0]  }
0x1b7: {  	[tilespmem:$0x1F1C0] =	vst v43;
	v43 =	vld [tilespmem:$0x1EC60]  }
0x1b8: {  	v5 =	vadd.f32 v51, v5;
	v51 =	vld [tilespmem:$0x1ECB0]  }
0x1b9: {  	v1 =	vadd.f32 v45, v1;
	v45 =	vld [tilespmem:$0x1EC70]  }
0x1ba: {  	v6 =	vadd.f32 v53, v6;
	v53 =	vld [tilespmem:$0x7100]  }
0x1bb: {  	v2 =	vadd.f32 v47, v2;
	v47 =	vld [tilespmem:$0x7DE0]  }
0x1bc: {  	[tilespmem:$0x1F200] =	vst v55;
	v55 =	vld [tilespmem:$0x1ECE0]  }
0x1bd: {  	v5 =	vadd.f32 v63, v5;
	v63 =	vld [tilespmem:$0x1ED30]  }
0x1be: {  	v1 =	vadd.f32 v57, v1;
	v57 =	vld [tilespmem:$0x1ECF0]  }
0x1bf: {  	v6 =	vadd.f32 v39, v6;
	v39 =	vld [tilespmem:$0x7E00]  }
0x1c0: {  	v2 =	vadd.f32 v59, v2;
	v59 =	vld [tilespmem:$0x7120]  }
0x1c1: {  	[tilespmem:$0x1F240] =	vst v41;
	v41 =	vld [tilespmem:$0x1ED60]  }
0x1c2: {  	v5 =	vadd.f32 v49, v5;
	v49 =	vld [tilespmem:$0x1EDB0]  }
0x1c3: {  	[tilespmem:$0x1F220] =	vst v61;
	v61 =	vld [tilespmem:$0x1ED20]  }
0x1c4: {  	[tilespmem:$0x1F2D0] =	vst v42;
	v1 =	vadd.f32 v43, v1;
	v43 =	vld [tilespmem:$0x1ED70]  }
0x1c5: {  	[tilespmem:$0x1F310] =	vst v54;
	v6 =	vadd.f32 v51, v6;
	v51 =	vld [tilespmem:$0x7140]  }
0x1c6: {  	[tilespmem:$0x1F2F0] =	vst v48;
	v2 =	vadd.f32 v45, v2;
	v45 =	vld [tilespmem:$0x7E20]  }
0x1c7: {  	[tilespmem:$0x1F280] =	vst v53;
	v53 =	vld [tilespmem:$0x1EDE0]  }
0x1c8: {  	[tilespmem:$0x1F260] =	vst v47;
	v47 =	vld [tilespmem:$0x1EDA0]  }
0x1c9: {  	v1 =	vadd.f32 v55, v1;
	v55 =	vld [tilespmem:$0x1EDF0];
	[tilespmem:$0x1F2C0] =	vst v39  }
0x1ca: {  	v2 =	vadd.f32 v57, v2;
	v57 =	vld [tilespmem:$0x1EE10];
	[tilespmem:$0x1F2A0] =	vst v59  }
0x1cb: {  	v59 =	vld [tilespmem:$0x1EE30];
	[tilespmem:$0x1F300] =	vst v51  }
0x1cc: {  	v5 =	vadd.f32 v61, v5;
	v61 =	vld [tilespmem:$0x7170];
	[tilespmem:$0x1F2E0] =	vst v45  }
0x1cd: {  	v4 =	vadd.f32 v60, v4;
	v60 =	vld [tilespmem:$0x1EE40]  }
0x1ce: {  	v6 =	vadd.f32 v63, v6;
	v63 =	vld [tilespmem:$0x1EE50]  }
0x1cf: {  	v7 =	vadd.f32 v38, v7;
	v38 =	vld [tilespmem:$0x1EE60]  }
0x1d0: {  	v39 =	vld [tilespmem:$0x1EE70]  }
0x1d1: {  	v0 =	vadd.f32 v40, v0;
	v40 =	vld [tilespmem:$0x1EE80]  }
0x1d2: {  	v1 =	vadd.f32 v41, v1;
	v41 =	vld [tilespmem:$0x1EE90]  }
0x1d3: {  	v42 =	vld [tilespmem:$0x1EEA0]  }
0x1d4: {  	v3 =	vadd.f32 v44, v3;
	v2 =	vadd.f32 v43, v2;
	v43 =	vld [tilespmem:$0x1EEB0]  }
0x1d5: {  	v44 =	vld [tilespmem:$0x1EEC0]  }
0x1d6: {  	v3 =	vadd.f32 v56, v3;
	v56 =	vld [tilespmem:$0x7180]  }
0x1d7: {  	v45 =	vld [tilespmem:$0x1EED0]  }
0x1d8: {  	v4 =	vadd.f32 v46, v4;
	v46 =	vld [tilespmem:$0x1EEE0]  }
0x1d9: {  	v2 =	vadd.f32 v55, v2;
	v55 =	vld [tilespmem:$0x7190]  }
0x1da: {  	v5 =	vadd.f32 v47, v5;
	v47 =	vld [tilespmem:$0x1EEF0]  }
0x1db: {  	v48 =	vld [tilespmem:$0x1EF00]  }
0x1dc: {  	v54 =	vld [tilespmem:$0x71A0]  }
0x1dd: {  	v6 =	vadd.f32 v49, v6;
	v49 =	vld [tilespmem:$0x1EF10]  }
0x1de: {  	v7 =	vadd.f32 v50, v7;
	v50 =	vld [tilespmem:$0x1EF20]  }
0x1df: {  	v1 =	vadd.f32 v53, v1;
	v53 =	vld [tilespmem:$0x71B0]  }
0x1e0: {  	v51 =	vld [tilespmem:$0x1EF30]  }
0x1e1: {  	v0 =	vadd.f32 v52, v0;
	v52 =	vld [tilespmem:$0x1EF40]  }
0x1e2: {  	v8 =	vld [tilespmem:$0x7300]  }
0x1e3: {  	v4 =	vadd.f32 v57, v4;
	v57 =	vld [tilespmem:$0x7E70]  }
0x1e4: {  	v6 =	vadd.f32 v59, v6;
	v59 =	vld [tilespmem:$0x7E50]  }
0x1e5: {  	v5 =	vadd.f32 v58, v5;
	v58 =	vld [tilespmem:$0x7E60]  }
0x1e6: {  	v7 =	vadd.f32 v60, v7;
	v60 =	vld [tilespmem:$0x7E40]  }
0x1e7: {  	v0 =	vadd.f32 v63, v0;
	v63 =	vld [tilespmem:$0x1EF50]  }
0x1e8: {  	v6 =	vadd.f32 v43, v6;
	v43 =	vld [tilespmem:$0x7ED0]  }
0x1e9: {  	v5 =	vadd.f32 v42, v5;
	v42 =	vld [tilespmem:$0x7EE0]  }
0x1ea: {  	v4 =	vadd.f32 v41, v4;
	v41 =	vld [tilespmem:$0x7EF0]  }
0x1eb: {  	v3 =	vadd.f32 v40, v3;
	v40 =	vld [tilespmem:$0x7200]  }
0x1ec: {  	v2 =	vadd.f32 v39, v2;
	v39 =	vld [tilespmem:$0x7210]  }
0x1ed: {  	v1 =	vadd.f32 v38, v1;
	v38 =	vld [tilespmem:$0x7220]  }
0x1ee: {  	v6 =	vadd.f32 v51, v6;
	v51 =	vld [tilespmem:$0x7E90]  }
0x1ef: {  	v5 =	vadd.f32 v50, v5;
	v50 =	vld [tilespmem:$0x7EA0]  }
0x1f0: {  	v4 =	vadd.f32 v49, v4;
	v49 =	vld [tilespmem:$0x7EB0]  }
0x1f1: {  	v3 =	vadd.f32 v48, v3;
	v48 =	vld [tilespmem:$0x71C0]  }
0x1f2: {  	v2 =	vadd.f32 v47, v2;
	v47 =	vld [tilespmem:$0x71D0]  }
0x1f3: {  	v1 =	vadd.f32 v46, v1;
	v46 =	vld [tilespmem:$0x71E0]  }
0x1f4: {  	v7 =	vadd.f32 v44, v7;
	v0 =	vadd.f32 v45, v0;
	v45 =	vld [tilespmem:$0x71F0]  }
0x1f5: {  	v44 =	vld [tilespmem:$0x7EC0]  }
0x1f6: {  	v7 =	vadd.f32 v52, v7;
	v52 =	vld [tilespmem:$0x7E80]  }
0x1f7: {  	v1 =	vadd.f32 v12, v1;
	v12 =	vld [tilespmem:$0x1F030]  }
0x1f8: {  	v2 =	vadd.f32 v13, v2;
	v13 =	vld [tilespmem:$0x1F040]  }
0x1f9: {  	v6 =	vadd.f32 v14, v6;
	v14 =	vld [tilespmem:$0x1F050]  }
0x1fa: {  	v5 =	vadd.f32 v11, v5;
	v11 =	vld [tilespmem:$0x7FD0]  }
0x1fb: {  	v4 =	vadd.f32 v10, v4;
	v10 =	vld [tilespmem:$0x7FE0]  }
0x1fc: {  	v3 =	vadd.f32 v9, v3;
	v9 =	vld [tilespmem:$0x7FF0]  }
0x1fd: {  	v0 =	vadd.f32 v63, v0;
	v63 =	vld [tilespmem:$0x1F020]  }
0x1fe: {  	v4 =	vadd.f32 v20, v4;
	v20 =	vld [tilespmem:$0x1EF60]  }
0x1ff: {  	v5 =	vadd.f32 v21, v5;
	v21 =	vld [tilespmem:$0x1EF70]  }
0x200: {  	v6 =	vadd.f32 v22, v6;
	v22 =	vld [tilespmem:$0x1EF80]  }
0x201: {  	v7 =	vadd.f32 v15, v7;
	v15 =	vld [tilespmem:$0x1F060]  }
0x202: {  	v1 =	vadd.f32 v17, v1;
	v17 =	vld [tilespmem:$0x1F080]  }
0x203: {  	v2 =	vadd.f32 v18, v2;
	v18 =	vld [tilespmem:$0x1F090]  }
0x204: {  	v3 =	vadd.f32 v19, v3;
	v19 =	vld [tilespmem:$0x1F0A0]  }
0x205: {  	v0 =	vadd.f32 v16, v0;
	v16 =	vld [tilespmem:$0x1F070]  }
0x206: {  	v7 =	vadd.f32 v23, v7;
	v23 =	vld [tilespmem:$0x1EF90]  }
0x207: {  	v1 =	vadd.f32 v25, v1;
	v25 =	vld [tilespmem:$0x1EFB0]  }
0x208: {  	v2 =	vadd.f32 v26, v2;
	v26 =	vld [tilespmem:$0x1EFC0]  }
0x209: {  	v3 =	vadd.f32 v27, v3;
	v27 =	vld [tilespmem:$0x1EFD0]  }
0x20a: {  	v4 =	vadd.f32 v28, v4;
	v28 =	vld [tilespmem:$0x1EFE0]  }
0x20b: {  	v5 =	vadd.f32 v29, v5;
	v29 =	vld [tilespmem:$0x1EFF0]  }
0x20c: {  	v6 =	vadd.f32 v30, v6;
	v30 =	vld [tilespmem:$0x1F000]  }
0x20d: {  	v0 =	vadd.f32 v24, v0;
	v24 =	vld [tilespmem:$0x1EFA0]  }
0x20e: {  	v5 =	vadd.f32 v37, v5;
	v37 =	vld [tilespmem:$0x7230]  }
0x20f: {  	v4 =	vadd.f32 v36, v4;
	v36 =	vld [tilespmem:$0x7F00]  }
0x210: {  	v3 =	vadd.f32 v35, v3;
	v35 =	vld [tilespmem:$0x7F10]  }
0x211: {  	v2 =	vadd.f32 v34, v2;
	v34 =	vld [tilespmem:$0x7F20]  }
0x212: {  	v1 =	vadd.f32 v33, v1;
	v33 =	vld [tilespmem:$0x7F30]  }
0x213: {  	v7 =	vadd.f32 v31, v7;
	v31 =	vld [tilespmem:$0x1F010]  }
0x214: {  	v0 =	vadd.f32 v32, v0;
	v32 =	vld [tilespmem:$0x7240]  }
0x215: {  	v6 =	vadd.f32 v20, v6;
	v20 =	vld [tilespmem:$0x1F0B0]  }
0x216: {  	v7 =	vadd.f32 v21, v7;
	v21 =	vld [tilespmem:$0x1F0C0]  }
0x217: {  	v6 =	vadd.f32 v28, v6;
	v28 =	vld [tilespmem:$0x7F40]  }
0x218: {  	v5 =	vadd.f32 v27, v5;
	v27 =	vld [tilespmem:$0x7F50]  }
0x219: {  	v4 =	vadd.f32 v26, v4;
	v26 =	vld [tilespmem:$0x7F60]  }
0x21a: {  	v0 =	vadd.f32 v22, v0;
	v22 =	vld [tilespmem:$0x1F0D0];
	v2 =	vadd.f32 v24, v2  }
0x21b: {  	v3 =	vadd.f32 v25, v3;
	v25 =	vld [tilespmem:$0x7F70]  }
0x21c: {  	v2 =	vadd.f32 v63, v2;
	v63 =	vld [tilespmem:$0x1F100]  }
0x21d: {  	v1 =	vadd.f32 v23, v1;
	v23 =	vld [tilespmem:$0x1F0E0];
	v0 =	vadd.f32 v30, v0  }
0x21e: {  	v7 =	vadd.f32 v29, v7;
	v29 =	vld [tilespmem:$0x7270]  }
0x21f: {  	v3 =	vadd.f32 v12, v3;
	v12 =	vld [tilespmem:$0x1F110];
	v0 =	vadd.f32 v17, v0  }
0x220: {  	v24 =	vld [tilespmem:$0x1F0F0];
	v1 =	vadd.f32 v31, v1  }
0x221: {  	v0 =	vadd.f32 v63, v0;
	v63 =	vld [tilespmem:$0x1F190]  }
0x222: {  	v31 =	vld [tilespmem:$0x7250];
	v1 =	vadd.f32 v18, v1  }
0x223: {  	v4 =	vadd.f32 v13, v4;
	v13 =	vld [tilespmem:$0x1F120]  }
0x224: {  	v18 =	vld [tilespmem:$0x1F170];
	v1 =	vadd.f32 v12, v1  }
0x225: {  	v30 =	vld [tilespmem:$0x7260];
	v7 =	vadd.f32 v16, v7  }
0x226: {  	v5 =	vadd.f32 v14, v5;
	v1 =	vadd.f32 v63, v1;
	v63 =	vld [tilespmem:$0x1F1F0]  }
0x227: {  	v14 =	vld [tilespmem:$0x1F130];
	v2 =	vadd.f32 v19, v2;
	v7 =	vadd.f32 v24, v7  }
0x228: {  	v16 =	vld [tilespmem:$0x1F150]  }
0x229: {  	v2 =	vadd.f32 v13, v2;
	v13 =	vld [tilespmem:$0x1F1B0];
	v7 =	vadd.f32 v18, v7  }
0x22a: {  	v6 =	vadd.f32 v15, v6;
	v15 =	vld [tilespmem:$0x1F140];
	v3 =	vadd.f32 v20, v3  }
0x22b: {  	v7 =	vadd.f32 v63, v7;
	v63 =	vld [tilespmem:$0x1F230]  }
0x22c: {  	v17 =	vld [tilespmem:$0x1F160];
	v5 =	vadd.f32 v22, v5;
	v3 =	vadd.f32 v14, v3  }
0x22d: {  	v12 =	vld [tilespmem:$0x1F1A0]  }
0x22e: {  	v5 =	vadd.f32 v16, v5;
	v16 =	vld [tilespmem:$0x1F1E0];
	v3 =	vadd.f32 v13, v3  }
0x22f: {  	v4 =	vadd.f32 v21, v4;
	v21 =	vld [tilespmem:$0x72B0];
	v6 =	vadd.f32 v23, v6  }
0x230: {  	v3 =	vadd.f32 v63, v3;
	v63 =	vld [tilespmem:$0x1F260]  }
0x231: {  	v19 =	vld [tilespmem:$0x1F180];
	v6 =	vadd.f32 v17, v6  }
0x232: {  	v20 =	vld [tilespmem:$0x7F80]  }
0x233: {  	v2 =	vadd.f32 v12, v2;
	v12 =	vld [tilespmem:$0x1F200];
	v6 =	vadd.f32 v16, v6  }
0x234: {  	v23 =	vld [tilespmem:$0x7290]  }
0x235: {  	v6 =	vadd.f32 v63, v6;
	v63 =	vld [tilespmem:$0x1F280]  }
0x236: {  	v22 =	vld [tilespmem:$0x72A0];
	v0 =	vadd.f32 v19, v0  }
0x237: {  	v14 =	vld [tilespmem:$0x1F1C0]  }
0x238: {  	v13 =	vld [tilespmem:$0x1F210];
	v0 =	vadd.f32 v12, v0  }
0x239: {  	v24 =	vld [tilespmem:$0x7280]  }
0x23a: {  	v0 =	vadd.f32 v63, v0;
	v63 =	vld [tilespmem:$0x1F290]  }
0x23b: {  	v4 =	vadd.f32 v15, v4;
	v15 =	vld [tilespmem:$0x1F1D0]  }
0x23c: {  	v18 =	vld [tilespmem:$0x7FA0]  }
0x23d: {  	v4 =	vadd.f32 v14, v4;
	v14 =	vld [tilespmem:$0x1F220];
	v1 =	vadd.f32 v13, v1  }
0x23e: {  	v17 =	vld [tilespmem:$0x7FB0]  }
0x23f: {  	v1 =	vadd.f32 v63, v1;
	v63 =	vld [tilespmem:$0x1F2A0]  }
0x240: {  	v12 =	vld [tilespmem:$0x1F240]  }
0x241: {  	v19 =	vld [tilespmem:$0x7F90]  }
0x242: {  	v5 =	vadd.f32 v15, v5;
	v15 =	vld [tilespmem:$0x72D0];
	v2 =	vadd.f32 v14, v2  }
0x243: {  	v13 =	vld [tilespmem:$0x1F250]  }
0x244: {  	v2 =	vadd.f32 v63, v2;
	v63 =	vld [tilespmem:$0x1F2B0]  }
0x245: {  	v4 =	vadd.f32 v12, v4;
	v12 =	vld [tilespmem:$0x1F270]  }
0x246: {  	v16 =	vld [tilespmem:$0x72C0]  }
0x247: {  	v14 =	vld [tilespmem:$0x72E0]  }
0x248: {  	v5 =	vadd.f32 v13, v5;
	v13 =	vld [tilespmem:$0x72F0];
	v2 =	vadd.f32 v62, v2  }
0x249: {  	v3 =	vadd.f32 v63, v3;
	v63 =	vld [tilespmem:$0x1F2C0]  }
0x24a: {  	v7 =	vadd.f32 v12, v7;
	v12 =	vld [tilespmem:$0x7FC0];
	v2 =	vadd.f32 v54, v2  }
0x24b: {  	v62 =	vld [tilespmem:$0x73C0]  }
0x24c: {  	v54 =	vld [tilespmem:$0x8080];
	v2 =	vadd.f32 v46, v2  }
0x24d: {  	v46 =	vld [tilespmem:$0x7370];
	v3 =	vadd.f32 v61, v3  }
0x24e: {  	v2 =	vadd.f32 v38, v2;
	v4 =	vadd.f32 v63, v4;
	v63 =	vld [tilespmem:$0x1F2D0]  }
0x24f: {  	v61 =	vld [tilespmem:$0x7320];
	v3 =	vadd.f32 v53, v3  }
0x250: {  	v38 =	vld [tilespmem:$0x80E0];
	v2 =	vadd.f32 v30, v2  }
0x251: {  	v53 =	vld [tilespmem:$0x8020];
	v3 =	vadd.f32 v45, v3  }
0x252: {  	v30 =	vld [tilespmem:$0x73E0];
	v4 =	vadd.f32 v60, v4;
	v2 =	vadd.f32 v22, v2  }
0x253: {  	v3 =	vadd.f32 v37, v3;
	v5 =	vadd.f32 v63, v5;
	v63 =	vld [tilespmem:$0x1F2E0]  }
0x254: {  	v45 =	vld [tilespmem:$0x7360];
	v4 =	vadd.f32 v52, v4;
	v2 =	vadd.f32 v14, v2  }
0x255: {  	v60 =	vld [tilespmem:$0x80B0];
	v3 =	vadd.f32 v29, v3  }
0x256: {  	v37 =	vld [tilespmem:$0x8060];
	v4 =	vadd.f32 v44, v4;
	v2 =	vadd.f32 v61, v2  }
0x257: {  	v5 =	vadd.f32 v59, v5;
	v59 =	vld [tilespmem:$0x7330];
	v3 =	vadd.f32 v21, v3  }
0x258: {  	v4 =	vadd.f32 v36, v4;
	v6 =	vadd.f32 v63, v6;
	v63 =	vld [tilespmem:$0x1F2F0]  }
0x259: {  	v52 =	vld [tilespmem:$0x73B0];
	v2 =	vadd.f32 v45, v2;
	v5 =	vadd.f32 v51, v5  }
0x25a: {  	v44 =	vld [tilespmem:$0x7410];
	v3 =	vadd.f32 v13, v3;
	v4 =	vadd.f32 v28, v4  }
0x25b: {  	v36 =	vld [tilespmem:$0x80D0];
	v5 =	vadd.f32 v43, v5;
	v6 =	vadd.f32 v58, v6  }
0x25c: {  	v51 =	vld [tilespmem:$0x8030];
	v4 =	vadd.f32 v20, v4;
	v3 =	vadd.f32 v59, v3  }
0x25d: {  	v5 =	vadd.f32 v35, v5;
	v7 =	vadd.f32 v63, v7;
	v63 =	vld [tilespmem:$0x1F300]  }
0x25e: {  	v6 =	vadd.f32 v50, v6;
	v50 =	vld [tilespmem:$0x73A0];
	v3 =	vadd.f32 v46, v3  }
0x25f: {  	v28 =	vld [tilespmem:$0x73D0];
	v4 =	vadd.f32 v12, v4;
	v5 =	vadd.f32 v27, v5  }
0x260: {  	v58 =	vld [tilespmem:$0x80A0];
	v6 =	vadd.f32 v42, v6;
	v3 =	vadd.f32 v52, v3  }
0x261: {  	v7 =	vadd.f32 v57, v7;
	v57 =	vld [tilespmem:$0x8000];
	v5 =	vadd.f32 v19, v5  }
0x262: {  	v6 =	vadd.f32 v34, v6;
	v0 =	vadd.f32 v63, v0;
	v63 =	vld [tilespmem:$0x1F310]  }
0x263: {  	v46 =	vld [tilespmem:$0x7420];
	v7 =	vadd.f32 v49, v7;
	v2 =	vadd.f32 v50, v2  }
0x264: {  	v59 =	vld [tilespmem:$0x74F0];
	v5 =	vadd.f32 v11, v5;
	v6 =	vadd.f32 v26, v6  }
0x265: {  	v42 =	vld [tilespmem:$0x7400];
	v7 =	vadd.f32 v41, v7;
	v2 =	vadd.f32 v30, v2  }
0x266: {  	v50 =	vld [tilespmem:$0x7460];
	v0 =	vadd.f32 v56, v0;
	v6 =	vadd.f32 v18, v6  }
0x267: {  	v52 =	vld [tilespmem:$0x7480];
	v4 =	vadd.f32 v57, v4;
	v1 =	vadd.f32 v63, v1  }
0x268: {  	v41 =	vld [tilespmem:$0x8040];
	v7 =	vadd.f32 v33, v7;
	v2 =	vadd.f32 v46, v2  }
0x269: {  	v34 =	vld [tilespmem:$0x80C0];
	v0 =	vadd.f32 v48, v0;
	v1 =	vadd.f32 v55, v1  }
0x26a: {  	v49 =	vld [tilespmem:$0x7340];
	v6 =	vadd.f32 v10, v6;
	v7 =	vadd.f32 v25, v7  }
0x26b: {  	v56 =	vld [tilespmem:$0x8090];
	v2 =	vadd.f32 v50, v2;
	v1 =	vadd.f32 v47, v1  }
0x26c: {  	v33 =	vld [tilespmem:$0x7380];
	v0 =	vadd.f32 v40, v0;
	v6 =	vadd.f32 v53, v6  }
0x26d: {  	v48 =	vld [tilespmem:$0x8070];
	v4 =	vadd.f32 v41, v4;
	v1 =	vadd.f32 v39, v1  }
0x26e: {  	v63 =	vld [tilespmem:$0x7310];
	v7 =	vadd.f32 v17, v7;
	v0 =	vadd.f32 v32, v0  }
0x26f: {  	v40 =	vld [tilespmem:$0x80F0];
	v6 =	vadd.f32 v37, v6;
	v1 =	vadd.f32 v31, v1  }
0x270: {  	v55 =	vld [tilespmem:$0x8010];
	v4 =	vadd.f32 v54, v4;
	v0 =	vadd.f32 v24, v0  }
0x271: {  	v32 =	vld [tilespmem:$0x73F0];
	v7 =	vadd.f32 v9, v7;
	v1 =	vadd.f32 v23, v1  }
0x272: {  	v47 =	vld [tilespmem:$0x7350];
	v6 =	vadd.f32 v58, v6;
	v0 =	vadd.f32 v16, v0  }
0x273: {  	v54 =	vld [tilespmem:$0x74A0];
	v4 =	vadd.f32 v34, v4;
	v1 =	vadd.f32 v15, v1  }
0x274: {  	v7 =	vadd.f32 v51, v7;
	v31 =	vld [tilespmem:$0x7390];
	v0 =	vadd.f32 v8, v0  }
0x275: {  	v39 =	vld [tilespmem:$0x8050];
	v5 =	vadd.f32 v55, v5;
	v1 =	vadd.f32 v63, v1  }
0x276: {  	v58 =	vld [tilespmem:$0x74E0];
	v6 =	vadd.f32 v38, v6;
	v0 =	vadd.f32 v49, v0  }
0x277: {  	v51 =	vld [tilespmem:$0x7470];
	v7 =	vadd.f32 v48, v7;
	v1 =	vadd.f32 v47, v1  }
0x278: {  	v3 =	vadd.f32 v32, v3;
	v0 =	vadd.f32 v33, v0;
	v47 =	vld [tilespmem:$0x7430]  }
0x279: {  	v48 =	vld [tilespmem:$0x7440];
	v2 =	vadd.f32 v54, v2;
	v1 =	vadd.f32 v31, v1  }
0x27a: {  	v5 =	vadd.f32 v39, v5;
	v49 =	vld [tilespmem:$0x7450];
	v0 =	vadd.f32 v62, v0  }
0x27b: {  	v53 =	vld [tilespmem:$0x7490];
	v7 =	vadd.f32 v60, v7;
	v1 =	vadd.f32 v28, v1  }
0x27c: {  	v55 =	vld [tilespmem:$0x74B0];
	v5 =	vadd.f32 v56, v5;
	v0 =	vadd.f32 v42, v0  }
0x27d: {  	v56 =	vld [tilespmem:$0x74C0];
	v3 =	vadd.f32 v47, v3;
	v1 =	vadd.f32 v44, v1  }
0x27e: {  	v57 =	vld [tilespmem:$0x74D0];
	v2 =	vadd.f32 v58, v2;
	v0 =	vadd.f32 v48, v0  }
0x27f: {  	v3 =	vadd.f32 v51, v3;
	v1 =	vadd.f32 v49, v1  }
0x280: {  	v7 =	vadd.f32 v40, v7;
	v0 =	vadd.f32 v52, v0  }
0x281: {  	v3 =	vadd.f32 v55, v3;
	v1 =	vadd.f32 v53, v1  }
0x282: {  	v5 =	vadd.f32 v36, v5;
	v0 =	vadd.f32 v56, v0  }
0x283: {  	v3 =	vadd.f32 v59, v3;
	v1 =	vadd.f32 v57, v1  }
0x284: {  	v60 =	vadd.f32 v6, v4;
	v0 =	vadd.f32 v2, v0  }
0x285: {  	v61 =	vadd.f32 v7, v5;
	v1 =	vadd.f32 v3, v1  }
0x286: {  	v0 =	vadd.f32 v0, v60  }
0x287: {  	p0 =	seq.s32 s18, $0x19980;
	v1 =	vadd.f32 v1, v61  }
0x288: {  	s19 =	sshra.s32 @!p0 s18, $0x2;
	[tilespmem:s17+$0xFFFFFFE0] =	vst v0  }
0x289: {  	s21 =	simm.s32 @!p0 $0x68;
	s22 =	simm.s32 @!p0 $0x6800;
	s20 =	sadd.s32 @!p0 $0x1A0, s19;
	[tilespmem:s17+$0xFFFFFFF0] =	vst v1  }
0x28a: {  	[tilespmem:s22], [sflag:$0x1] =	stream.indirect.gather @!p0 [hbm4b:s3+s21], $0x20, s20, s21, $0xb8;
	[tilespmem:$0xAC00] =	vst v63  }
0x28b: {  	s19 =	sadd.s32 @!p0 $0x208, s19;
	s20 =	simm.s32 @!p0 $0x7500  }
0x28c: {  	[tilespmem:s20], [sflag:$0x1] =	stream.indirect.gather @!p0 [hbm4b:s3+s21], $0x20, s19, s21, $0xb8;
	[tilespmem:$0xAC00] =	vst v63  }
0x28d: {  	_ =	swait.ge [sflag:s14], $0xD00  }
0x28e: {  	[sflag:s14] =	ssyncset.done $0x0  }
0x28f: {  	[sflag:s14] =	ssyncadd.s32 $0xFFFFF300  }
0x290: {  	_ =	swait.ge [sflag:s14], $0xD00  }
0x291: {  	[sflag:s14] =	ssyncset.done $0x0  }
0x292: {  	[sflag:s14] =	ssyncadd.s32 $0xFFFFF300  }
0x293: {  	v62 =	vld [tilespmem:$0x90F0];
	_ =	sdelay $0x4  }
0x294: {  	[tilespmem:$0x1F320] =	vst v62;
	v62 =	vld [tilespmem:$0x8400];
	_ =	sdelay $0x4  }
0x295: {  	[tilespmem:$0x1F330] =	vst v62;
	v62 =	vld [tilespmem:$0x8410];
	_ =	sdelay $0x4  }
0x296: {  	[tilespmem:$0x1F340] =	vst v62;
	v62 =	vld [tilespmem:$0x8420];
	_ =	sdelay $0x4  }
0x297: {  	[tilespmem:$0x1F350] =	vst v62;
	v62 =	vld [tilespmem:$0x8430];
	_ =	sdelay $0x4  }
0x298: {  	[tilespmem:$0x1F360] =	vst v62;
	v62 =	vld [tilespmem:$0x9100];
	_ =	sdelay $0x4  }
0x299: {  	[tilespmem:$0x1F370] =	vst v62;
	v62 =	vld [tilespmem:$0x9110];
	_ =	sdelay $0x4  }
0x29a: {  	[tilespmem:$0x1F380] =	vst v62;
	v62 =	vld [tilespmem:$0x9120];
	_ =	sdelay $0x4  }
0x29b: {  	[tilespmem:$0x1F390] =	vst v62;
	v62 =	vld [tilespmem:$0x9130];
	_ =	sdelay $0x4  }
0x29c: {  	[tilespmem:$0x1F3A0] =	vst v62;
	v62 =	vld [tilespmem:$0x8440];
	_ =	sdelay $0x4  }
0x29d: {  	[tilespmem:$0x1F3B0] =	vst v62;
	v62 =	vld [tilespmem:$0x8450];
	_ =	sdelay $0x4  }
0x29e: {  	[tilespmem:$0x1F3C0] =	vst v62;
	v62 =	vld [tilespmem:$0x8460];
	_ =	sdelay $0x4  }
0x29f: {  	[tilespmem:$0x1F3D0] =	vst v62;
	v62 =	vld [tilespmem:$0x8470];
	_ =	sdelay $0x4  }
0x2a0: {  	[tilespmem:$0x1F3E0] =	vst v62;
	v62 =	vld [tilespmem:$0x9140];
	_ =	sdelay $0x4  }
0x2a1: {  	[tilespmem:$0x1F3F0] =	vst v62;
	v62 =	vld [tilespmem:$0x9150];
	_ =	sdelay $0x4  }
0x2a2: {  	[tilespmem:$0x1F400] =	vst v62;
	v62 =	vld [tilespmem:$0x9160];
	_ =	sdelay $0x4  }
0x2a3: {  	[tilespmem:$0x1F410] =	vst v62;
	v62 =	vld [tilespmem:$0x9170];
	_ =	sdelay $0x4  }
0x2a4: {  	[tilespmem:$0x1F420] =	vst v62;
	v62 =	vld [tilespmem:$0x8480];
	_ =	sdelay $0x4  }
0x2a5: {  	[tilespmem:$0x1F430] =	vst v62;
	v62 =	vld [tilespmem:$0x8490];
	_ =	sdelay $0x4  }
0x2a6: {  	[tilespmem:$0x1F440] =	vst v62;
	v62 =	vld [tilespmem:$0x84A0];
	_ =	sdelay $0x4  }
0x2a7: {  	[tilespmem:$0x1F450] =	vst v62;
	v62 =	vld [tilespmem:$0x84B0];
	_ =	sdelay $0x4  }
0x2a8: {  	[tilespmem:$0x1F460] =	vst v62;
	v62 =	vld [tilespmem:$0x9180];
	_ =	sdelay $0x4  }
0x2a9: {  	[tilespmem:$0x1F470] =	vst v62;
	v62 =	vld [tilespmem:$0x9190];
	_ =	sdelay $0x4  }
0x2aa: {  	[tilespmem:$0x1F480] =	vst v62;
	v62 =	vld [tilespmem:$0x91A0];
	_ =	sdelay $0x4  }
0x2ab: {  	[tilespmem:$0x1F490] =	vst v62;
	v62 =	vld [tilespmem:$0x91B0];
	_ =	sdelay $0x4  }
0x2ac: {  	[tilespmem:$0x1F4A0] =	vst v62;
	v62 =	vld [tilespmem:$0x84C0];
	_ =	sdelay $0x4  }
0x2ad: {  	[tilespmem:$0x1F4B0] =	vst v62;
	v62 =	vld [tilespmem:$0x84D0];
	_ =	sdelay $0x4  }
0x2ae: {  	[tilespmem:$0x1F4C0] =	vst v62;
	v62 =	vld [tilespmem:$0x84E0];
	_ =	sdelay $0x4  }
0x2af: {  	[tilespmem:$0x1F4D0] =	vst v62;
	v62 =	vld [tilespmem:$0x84F0];
	_ =	sdelay $0x4  }
0x2b0: {  	[tilespmem:$0x1F4E0] =	vst v62;
	v62 =	vld [tilespmem:$0x91C0];
	_ =	sdelay $0x4  }
0x2b1: {  	[tilespmem:$0x1F4F0] =	vst v62;
	v62 =	vld [tilespmem:$0x91D0];
	_ =	sdelay $0x4  }
0x2b2: {  	[tilespmem:$0x1F500] =	vst v62;
	v62 =	vld [tilespmem:$0x91E0];
	_ =	sdelay $0x4  }
0x2b3: {  	[tilespmem:$0x1F510] =	vst v62;
	v62 =	vld [tilespmem:$0x91F0];
	_ =	sdelay $0x4  }
0x2b4: {  	[tilespmem:$0x1F520] =	vst v62;
	v62 =	vld [tilespmem:$0x8500];
	_ =	sdelay $0x4  }
0x2b5: {  	[tilespmem:$0x1F530] =	vst v62;
	v62 =	vld [tilespmem:$0x8510];
	_ =	sdelay $0x4  }
0x2b6: {  	[tilespmem:$0x1F540] =	vst v62;
	v62 =	vld [tilespmem:$0x8520];
	_ =	sdelay $0x4  }
0x2b7: {  	[tilespmem:$0x1F550] =	vst v62;
	v62 =	vld [tilespmem:$0x8530];
	_ =	sdelay $0x4  }
0x2b8: {  	[tilespmem:$0x1F560] =	vst v62;
	v62 =	vld [tilespmem:$0x9200];
	_ =	sdelay $0x4  }
0x2b9: {  	[tilespmem:$0x1F570] =	vst v62;
	v62 =	vld [tilespmem:$0x9210];
	_ =	sdelay $0x4  }
0x2ba: {  	[tilespmem:$0x1F580] =	vst v62;
	v62 =	vld [tilespmem:$0x9220];
	_ =	sdelay $0x4  }
0x2bb: {  	[tilespmem:$0x1F590] =	vst v62;
	v62 =	vld [tilespmem:$0x9230];
	_ =	sdelay $0x4  }
0x2bc: {  	[tilespmem:$0x1F5A0] =	vst v62;
	v62 =	vld [tilespmem:$0x8540];
	_ =	sdelay $0x4  }
0x2bd: {  	[tilespmem:$0x1F5B0] =	vst v62;
	v62 =	vld [tilespmem:$0x8550];
	_ =	sdelay $0x4  }
0x2be: {  	[tilespmem:$0x1F5C0] =	vst v62;
	v62 =	vld [tilespmem:$0x8560];
	_ =	sdelay $0x4  }
0x2bf: {  	[tilespmem:$0x1F5D0] =	vst v62;
	v62 =	vld [tilespmem:$0x8570];
	_ =	sdelay $0x4  }
0x2c0: {  	[tilespmem:$0x1F5E0] =	vst v62;
	v62 =	vld [tilespmem:$0x9240];
	_ =	sdelay $0x4  }
0x2c1: {  	[tilespmem:$0x1F5F0] =	vst v62;
	v62 =	vld [tilespmem:$0x9250];
	_ =	sdelay $0x4  }
0x2c2: {  	[tilespmem:$0x1F600] =	vst v62;
	v62 =	vld [tilespmem:$0x9260];
	_ =	sdelay $0x4  }
0x2c3: {  	[tilespmem:$0x1F610] =	vst v62;
	v62 =	vld [tilespmem:$0x9270];
	_ =	sdelay $0x4  }
0x2c4: {  	[tilespmem:$0x1F620] =	vst v62;
	v62 =	vld [tilespmem:$0x8580];
	_ =	sdelay $0x4  }
0x2c5: {  	[tilespmem:$0x1F630] =	vst v62;
	v62 =	vld [tilespmem:$0x8590];
	_ =	sdelay $0x4  }
0x2c6: {  	[tilespmem:$0x1F640] =	vst v62;
	v62 =	vld [tilespmem:$0x85A0];
	_ =	sdelay $0x4  }
0x2c7: {  	[tilespmem:$0x1F650] =	vst v62;
	v62 =	vld [tilespmem:$0x85B0];
	_ =	sdelay $0x4  }
0x2c8: {  	[tilespmem:$0x1F660] =	vst v62;
	v62 =	vld [tilespmem:$0x9280];
	_ =	sdelay $0x4  }
0x2c9: {  	[tilespmem:$0x1F670] =	vst v62;
	v62 =	vld [tilespmem:$0x9290];
	_ =	sdelay $0x4  }
0x2ca: {  	[tilespmem:$0x1F680] =	vst v62;
	v62 =	vld [tilespmem:$0x92A0];
	_ =	sdelay $0x4  }
0x2cb: {  	[tilespmem:$0x1F690] =	vst v62;
	v62 =	vld [tilespmem:$0x92B0];
	_ =	sdelay $0x4  }
0x2cc: {  	[tilespmem:$0x1F6A0] =	vst v62;
	v62 =	vld [tilespmem:$0x85C0];
	_ =	sdelay $0x4  }
0x2cd: {  	[tilespmem:$0x1F6B0] =	vst v62;
	v62 =	vld [tilespmem:$0x85D0];
	_ =	sdelay $0x4  }
0x2ce: {  	[tilespmem:$0x1F6C0] =	vst v62;
	v62 =	vld [tilespmem:$0x85E0];
	_ =	sdelay $0x4  }
0x2cf: {  	[tilespmem:$0x1F6D0] =	vst v62;
	v62 =	vld [tilespmem:$0x85F0];
	_ =	sdelay $0x4  }
0x2d0: {  	[tilespmem:$0x1F6E0] =	vst v62;
	v62 =	vld [tilespmem:$0x92C0];
	_ =	sdelay $0x4  }
0x2d1: {  	[tilespmem:$0x1F6F0] =	vst v62;
	v62 =	vld [tilespmem:$0x92D0];
	_ =	sdelay $0x4  }
0x2d2: {  	[tilespmem:$0x1F700] =	vst v62;
	v62 =	vld [tilespmem:$0x92E0];
	_ =	sdelay $0x4  }
0x2d3: {  	[tilespmem:$0x1F710] =	vst v62;
	v62 =	vld [tilespmem:$0x92F0];
	_ =	sdelay $0x4  }
0x2d4: {  	[tilespmem:$0x1F720] =	vst v62;
	v62 =	vld [tilespmem:$0x8600];
	_ =	sdelay $0x4  }
0x2d5: {  	[tilespmem:$0x1F730] =	vst v62;
	v62 =	vld [tilespmem:$0x8610];
	_ =	sdelay $0x4  }
0x2d6: {  	[tilespmem:$0x1F740] =	vst v62;
	v62 =	vld [tilespmem:$0x8620];
	_ =	sdelay $0x4  }
0x2d7: {  	[tilespmem:$0x1F750] =	vst v62;
	v62 =	vld [tilespmem:$0x8630];
	_ =	sdelay $0x4  }
0x2d8: {  	[tilespmem:$0x1F760] =	vst v62;
	v62 =	vld [tilespmem:$0x9300];
	_ =	sdelay $0x4  }
0x2d9: {  	[tilespmem:$0x1F770] =	vst v62;
	v62 =	vld [tilespmem:$0x9310];
	_ =	sdelay $0x4  }
0x2da: {  	[tilespmem:$0x1F780] =	vst v62;
	v62 =	vld [tilespmem:$0x9320];
	_ =	sdelay $0x4  }
0x2db: {  	[tilespmem:$0x1F790] =	vst v62;
	v62 =	vld [tilespmem:$0x9330];
	_ =	sdelay $0x4  }
0x2dc: {  	[tilespmem:$0x1F7A0] =	vst v62;
	v62 =	vld [tilespmem:$0x8640];
	_ =	sdelay $0x4  }
0x2dd: {  	[tilespmem:$0x1F7B0] =	vst v62;
	v62 =	vld [tilespmem:$0x8650];
	_ =	sdelay $0x4  }
0x2de: {  	[tilespmem:$0x1F7C0] =	vst v62;
	v62 =	vld [tilespmem:$0x8660];
	_ =	sdelay $0x4  }
0x2df: {  	[tilespmem:$0x1F7D0] =	vst v62;
	v62 =	vld [tilespmem:$0x8670];
	_ =	sdelay $0x4  }
0x2e0: {  	[tilespmem:$0x1F7E0] =	vst v62;
	v62 =	vld [tilespmem:$0x9340];
	_ =	sdelay $0x4  }
0x2e1: {  	[tilespmem:$0x1F7F0] =	vst v62;
	v62 =	vld [tilespmem:$0x9350];
	_ =	sdelay $0x4  }
0x2e2: {  	[tilespmem:$0x1F800] =	vst v62;
	v62 =	vld [tilespmem:$0x9360];
	_ =	sdelay $0x4  }
0x2e3: {  	[tilespmem:$0x1F810] =	vst v62;
	v62 =	vld [tilespmem:$0x9370];
	_ =	sdelay $0x4  }
0x2e4: {  	[tilespmem:$0x1F820] =	vst v62;
	v62 =	vld [tilespmem:$0x8680];
	_ =	sdelay $0x4  }
0x2e5: {  	[tilespmem:$0x1F830] =	vst v62;
	v62 =	vld [tilespmem:$0x8690];
	_ =	sdelay $0x4  }
0x2e6: {  	[tilespmem:$0x1F840] =	vst v62;
	v62 =	vld [tilespmem:$0x86A0];
	_ =	sdelay $0x4  }
0x2e7: {  	[tilespmem:$0x1F850] =	vst v62;
	v62 =	vld [tilespmem:$0x86B0];
	_ =	sdelay $0x4  }
0x2e8: {  	[tilespmem:$0x1F860] =	vst v62;
	v62 =	vld [tilespmem:$0x9380];
	_ =	sdelay $0x4  }
0x2e9: {  	[tilespmem:$0x1F870] =	vst v62;
	v62 =	vld [tilespmem:$0x9390];
	_ =	sdelay $0x4  }
0x2ea: {  	[tilespmem:$0x1F880] =	vst v62;
	v62 =	vld [tilespmem:$0x93A0];
	_ =	sdelay $0x4  }
0x2eb: {  	[tilespmem:$0x1F890] =	vst v62;
	v62 =	vld [tilespmem:$0x93B0];
	_ =	sdelay $0x4  }
0x2ec: {  	[tilespmem:$0x1F8A0] =	vst v62;
	v62 =	vld [tilespmem:$0x86C0];
	_ =	sdelay $0x4  }
0x2ed: {  	[tilespmem:$0x1F8B0] =	vst v62;
	v62 =	vld [tilespmem:$0x86D0];
	_ =	sdelay $0x4  }
0x2ee: {  	[tilespmem:$0x1F8C0] =	vst v62;
	v62 =	vld [tilespmem:$0x86E0];
	_ =	sdelay $0x4  }
0x2ef: {  	[tilespmem:$0x1F8D0] =	vst v62;
	v62 =	vld [tilespmem:$0x86F0];
	_ =	sdelay $0x4  }
0x2f0: {  	[tilespmem:$0x1F8E0] =	vst v62;
	v62 =	vld [tilespmem:$0x93C0];
	_ =	sdelay $0x4  }
0x2f1: {  	[tilespmem:$0x1F8F0] =	vst v62;
	v62 =	vld [tilespmem:$0x93D0];
	_ =	sdelay $0x4  }
0x2f2: {  	[tilespmem:$0x1F900] =	vst v62;
	v62 =	vld [tilespmem:$0x93E0];
	_ =	sdelay $0x4  }
0x2f3: {  	[tilespmem:$0x1F910] =	vst v62;
	v62 =	vld [tilespmem:$0x93F0];
	_ =	sdelay $0x4  }
0x2f4: {  	[tilespmem:$0x1F920] =	vst v62;
	v62 =	vld [tilespmem:$0x8700];
	_ =	sdelay $0x4  }
0x2f5: {  	[tilespmem:$0x1F930] =	vst v62;
	v62 =	vld [tilespmem:$0x8710];
	_ =	sdelay $0x4  }
0x2f6: {  	[tilespmem:$0x1F940] =	vst v62;
	v62 =	vld [tilespmem:$0x8720];
	_ =	sdelay $0x4  }
0x2f7: {  	[tilespmem:$0x1F950] =	vst v62;
	v62 =	vld [tilespmem:$0x8730];
	_ =	sdelay $0x4  }
0x2f8: {  	[tilespmem:$0x1F960] =	vst v62;
	v62 =	vld [tilespmem:$0x9400];
	_ =	sdelay $0x4  }
0x2f9: {  	[tilespmem:$0x1F970] =	vst v62;
	v62 =	vld [tilespmem:$0x9410];
	_ =	sdelay $0x4  }
0x2fa: {  	[tilespmem:$0x1F980] =	vst v62;
	v62 =	vld [tilespmem:$0x9420];
	_ =	sdelay $0x4  }
0x2fb: {  	[tilespmem:$0x1F990] =	vst v62;
	v62 =	vld [tilespmem:$0x9430];
	_ =	sdelay $0x4  }
0x2fc: {  	[tilespmem:$0x1F9A0] =	vst v62;
	v62 =	vld [tilespmem:$0x8740];
	_ =	sdelay $0x4  }
0x2fd: {  	[tilespmem:$0x1F9B0] =	vst v62;
	v62 =	vld [tilespmem:$0x8750];
	_ =	sdelay $0x4  }
0x2fe: {  	[tilespmem:$0x1F9C0] =	vst v62;
	v62 =	vld [tilespmem:$0x8760];
	_ =	sdelay $0x4  }
0x2ff: {  	[tilespmem:$0x1F9D0] =	vst v62;
	v62 =	vld [tilespmem:$0x8770];
	_ =	sdelay $0x4  }
0x300: {  	[tilespmem:$0x1F9E0] =	vst v62;
	v62 =	vld [tilespmem:$0x9440];
	_ =	sdelay $0x4  }
0x301: {  	[tilespmem:$0x1F9F0] =	vst v62;
	v62 =	vld [tilespmem:$0x9450];
	_ =	sdelay $0x2  }
0x302: {  	v4 =	vld [tilespmem:$0x8200]  }
0x303: {  	v5 =	vld [tilespmem:$0x8210]  }
0x304: {  	[tilespmem:$0x1FA00] =	vst v62;
	v62 =	vld [tilespmem:$0x9460]  }
0x305: {  	v6 =	vld [tilespmem:$0x8220]  }
0x306: {  	v7 =	vld [tilespmem:$0x8230]  }
0x307: {  	v12 =	vld [tilespmem:$0x8F00]  }
0x308: {  	v13 =	vld [tilespmem:$0x8F10]  }
0x309: {  	[tilespmem:$0x1FA10] =	vst v62;
	v62 =	vld [tilespmem:$0x9470]  }
0x30a: {  	v16 =	vld [tilespmem:$0x8F20]  }
0x30b: {  	v17 =	vld [tilespmem:$0x8F30]  }
0x30c: {  	v0 =	vld [tilespmem:$0x8240]  }
0x30d: {  	v1 =	vld [tilespmem:$0x8250]  }
0x30e: {  	[tilespmem:$0x1FA20] =	vst v62;
	v62 =	vld [tilespmem:$0x8780]  }
0x30f: {  	v2 =	vld [tilespmem:$0x8260]  }
0x310: {  	v3 =	vld [tilespmem:$0x8270]  }
0x311: {  	v8 =	vld [tilespmem:$0x8F40]  }
0x312: {  	v9 =	vld [tilespmem:$0x8F50]  }
0x313: {  	[tilespmem:$0x1FA30] =	vst v62;
	v62 =	vld [tilespmem:$0x8790]  }
0x314: {  	v10 =	vld [tilespmem:$0x8F60]  }
0x315: {  	v11 =	vld [tilespmem:$0x8F70]  }
0x316: {  	v14 =	vld [tilespmem:$0x8280]  }
0x317: {  	v15 =	vld [tilespmem:$0x8290]  }
0x318: {  	[tilespmem:$0x1FA40] =	vst v62;
	v62 =	vld [tilespmem:$0x87A0]  }
0x319: {  	v18 =	vld [tilespmem:$0x82A0]  }
0x31a: {  	v19 =	vld [tilespmem:$0x82B0]  }
0x31b: {  	v20 =	vld [tilespmem:$0x8F80]  }
0x31c: {  	v21 =	vld [tilespmem:$0x8F90]  }
0x31d: {  	[tilespmem:$0x1FA50] =	vst v62;
	v62 =	vld [tilespmem:$0x87B0]  }
0x31e: {  	v22 =	vld [tilespmem:$0x8FA0]  }
0x31f: {  	v23 =	vld [tilespmem:$0x8FB0]  }
0x320: {  	v24 =	vld [tilespmem:$0x82C0]  }
0x321: {  	v25 =	vld [tilespmem:$0x82D0]  }
0x322: {  	[tilespmem:$0x1FA60] =	vst v62;
	v62 =	vld [tilespmem:$0x9480]  }
0x323: {  	v26 =	vld [tilespmem:$0x82E0]  }
0x324: {  	v27 =	vld [tilespmem:$0x82F0]  }
0x325: {  	v28 =	vld [tilespmem:$0x8FC0]  }
0x326: {  	v29 =	vld [tilespmem:$0x8FD0]  }
0x327: {  	[tilespmem:$0x1FA70] =	vst v62;
	v62 =	vld [tilespmem:$0x9490]  }
0x328: {  	v30 =	vld [tilespmem:$0x8FE0]  }
0x329: {  	v31 =	vld [tilespmem:$0x8FF0]  }
0x32a: {  	v32 =	vld [tilespmem:$0x8300]  }
0x32b: {  	v33 =	vld [tilespmem:$0x8310]  }
0x32c: {  	[tilespmem:$0x1FA80] =	vst v62;
	v62 =	vld [tilespmem:$0x94A0]  }
0x32d: {  	v34 =	vld [tilespmem:$0x8320]  }
0x32e: {  	v35 =	vld [tilespmem:$0x8330]  }
0x32f: {  	v36 =	vld [tilespmem:$0x9000]  }
0x330: {  	v37 =	vld [tilespmem:$0x9010]  }
0x331: {  	[tilespmem:$0x1FA90] =	vst v62;
	v62 =	vld [tilespmem:$0x94B0]  }
0x332: {  	v38 =	vld [tilespmem:$0x9020]  }
0x333: {  	v39 =	vld [tilespmem:$0x9030]  }
0x334: {  	v40 =	vld [tilespmem:$0x8340]  }
0x335: {  	v41 =	vld [tilespmem:$0x8350]  }
0x336: {  	[tilespmem:$0x1FAA0] =	vst v62;
	v62 =	vld [tilespmem:$0x87C0]  }
0x337: {  	v42 =	vld [tilespmem:$0x8360]  }
0x338: {  	v43 =	vld [tilespmem:$0x8370]  }
0x339: {  	v44 =	vld [tilespmem:$0x9040]  }
0x33a: {  	v45 =	vld [tilespmem:$0x9050]  }
0x33b: {  	[tilespmem:$0x1FAB0] =	vst v62;
	v62 =	vld [tilespmem:$0x87D0]  }
0x33c: {  	v46 =	vld [tilespmem:$0x9060]  }
0x33d: {  	v47 =	vld [tilespmem:$0x9070]  }
0x33e: {  	v48 =	vld [tilespmem:$0x8380]  }
0x33f: {  	v49 =	vld [tilespmem:$0x8390]  }
0x340: {  	[tilespmem:$0x1FAC0] =	vst v62;
	v62 =	vld [tilespmem:$0x87E0]  }
0x341: {  	v50 =	vld [tilespmem:$0x83A0]  }
0x342: {  	v51 =	vld [tilespmem:$0x83B0]  }
0x343: {  	v52 =	vld [tilespmem:$0x9080]  }
0x344: {  	v53 =	vld [tilespmem:$0x9090]  }
0x345: {  	[tilespmem:$0x1FAD0] =	vst v62;
	v62 =	vld [tilespmem:$0x87F0]  }
0x346: {  	v54 =	vld [tilespmem:$0x90A0]  }
0x347: {  	v55 =	vld [tilespmem:$0x90B0]  }
0x348: {  	v59 =	vld [tilespmem:$0x83C0]  }
0x349: {  	v56 =	vld [tilespmem:$0x83D0]  }
0x34a: {  	[tilespmem:$0x1FAE0] =	vst v62;
	v62 =	vld [tilespmem:$0x94C0]  }
0x34b: {  	v58 =	vld [tilespmem:$0x83E0]  }
0x34c: {  	v57 =	vld [tilespmem:$0x83F0]  }
0x34d: {  	v60 =	vld [tilespmem:$0x90C0];
	v4 =	vadd.f32 $0.0e+00, v4  }
0x34e: {  	v61 =	vld [tilespmem:$0x90D0];
	v5 =	vadd.f32 $0.0e+00, v5;
	v6 =	vadd.f32 $0.0e+00, v6  }
0x34f: {  	v63 =	vld [tilespmem:$0x90E0];
	v7 =	vadd.f32 $0.0e+00, v7;
	v16 =	vadd.f32 $0.0e+00, v16;
	[tilespmem:$0x1FAF0] =	vst v62  }
0x350: {  	v17 =	vadd.f32 $0.0e+00, v17;
	v0 =	vadd.f32 v0, v4;
	v62 =	vld [tilespmem:$0x94D0]  }
0x351: {  	v1 =	vadd.f32 v1, v5;
	v4 =	vadd.f32 $0.0e+00, v12;
	v12 =	vld [tilespmem:$0x8890]  }
0x352: {  	v2 =	vadd.f32 v2, v6;
	v6 =	vadd.f32 v10, v16;
	v10 =	vld [tilespmem:$0x9580]  }
0x353: {  	v3 =	vadd.f32 v3, v7;
	v7 =	vadd.f32 v11, v17;
	v11 =	vld [tilespmem:$0x9590]  }
0x354: {  	v0 =	vadd.f32 v14, v0;
	v14 =	vld [tilespmem:$0x95A0]  }
0x355: {  	v1 =	vadd.f32 v15, v1;
	v15 =	vld [tilespmem:$0x95B0]  }
0x356: {  	v16 =	vld [tilespmem:$0x88C0]  }
0x357: {  	v17 =	vld [tilespmem:$0x88D0]  }
0x358: {  	v4 =	vadd.f32 v8, v4;
	v2 =	vadd.f32 v18, v2;
	v18 =	vld [tilespmem:$0x88E0]  }
0x359: {  	v3 =	vadd.f32 v19, v3;
	v19 =	vld [tilespmem:$0x88F0]  }
0x35a: {  	v4 =	vadd.f32 v20, v4;
	v20 =	vld [tilespmem:$0x95C0]  }
0x35b: {  	v6 =	vadd.f32 v22, v6;
	v22 =	vld [tilespmem:$0x95E0]  }
0x35c: {  	v7 =	vadd.f32 v23, v7;
	v23 =	vld [tilespmem:$0x95F0]  }
0x35d: {  	v0 =	vadd.f32 v24, v0;
	v24 =	vld [tilespmem:$0x8900]  }
0x35e: {  	v1 =	vadd.f32 v25, v1;
	v25 =	vld [tilespmem:$0x8910]  }
0x35f: {  	v2 =	vadd.f32 v26, v2;
	v26 =	vld [tilespmem:$0x8920]  }
0x360: {  	v3 =	vadd.f32 v27, v3;
	v6 =	vadd.f32 v30, v6;
	v27 =	vld [tilespmem:$0x8930]  }
0x361: {  	v7 =	vadd.f32 v31, v7;
	v4 =	vadd.f32 v28, v4;
	v28 =	vld [tilespmem:$0x9600]  }
0x362: {  	v0 =	vadd.f32 v32, v0;
	v1 =	vadd.f32 v33, v1;
	v30 =	vld [tilespmem:$0x9620]  }
0x363: {  	v2 =	vadd.f32 v34, v2;
	v3 =	vadd.f32 v35, v3;
	v31 =	vld [tilespmem:$0x9630]  }
0x364: {  	v6 =	vadd.f32 v38, v6;
	v7 =	vadd.f32 v39, v7;
	v32 =	vld [tilespmem:$0x8940]  }
0x365: {  	v4 =	vadd.f32 v36, v4;
	v0 =	vadd.f32 v40, v0;
	v33 =	vld [tilespmem:$0x8950]  }
0x366: {  	v1 =	vadd.f32 v41, v1;
	v6 =	vadd.f32 v46, v6;
	v34 =	vld [tilespmem:$0x8960]  }
0x367: {  	v2 =	vadd.f32 v42, v2;
	v3 =	vadd.f32 v43, v3;
	v35 =	vld [tilespmem:$0x8970]  }
0x368: {  	v7 =	vadd.f32 v47, v7;
	v6 =	vadd.f32 v54, v6;
	v54 =	vld [tilespmem:$0x1F320]  }
0x369: {  	v4 =	vadd.f32 v44, v4;
	v1 =	vadd.f32 v49, v1;
	v36 =	vld [tilespmem:$0x9640]  }
0x36a: {  	v3 =	vadd.f32 v51, v3;
	v7 =	vadd.f32 v55, v7;
	v55 =	vld [tilespmem:$0x1F330]  }
0x36b: {  	v2 =	vadd.f32 v50, v2;
	v1 =	vadd.f32 v56, v1;
	v56 =	vld [tilespmem:$0x1F340]  }
0x36c: {  	v0 =	vadd.f32 v48, v0;
	v3 =	vadd.f32 v57, v3;
	v57 =	vld [tilespmem:$0x1F350]  }
0x36d: {  	v2 =	vadd.f32 v58, v2;
	v58 =	vld [tilespmem:$0x1F360]  }
0x36e: {  	v4 =	vadd.f32 v52, v4;
	v0 =	vadd.f32 v59, v0;
	v59 =	vld [tilespmem:$0x9660]  }
0x36f: {  	[tilespmem:$0x1FB00] =	vst v62;
	v62 =	vld [tilespmem:$0x94E0]  }
0x370: {  	v4 =	vadd.f32 v60, v4;
	v60 =	vld [tilespmem:$0x1F370]  }
0x371: {  	v6 =	vadd.f32 v63, v6;
	v63 =	vld [tilespmem:$0x1F390]  }
0x372: {  	v38 =	vld [tilespmem:$0x1F3A0]  }
0x373: {  	v39 =	vld [tilespmem:$0x8980]  }
0x374: {  	[tilespmem:$0x1FB10] =	vst v62;
	v62 =	vld [tilespmem:$0x94F0]  }
0x375: {  	v40 =	vld [tilespmem:$0x1F3B0]  }
0x376: {  	v41 =	vld [tilespmem:$0x1F3C0]  }
0x377: {  	v42 =	vld [tilespmem:$0x8990]  }
0x378: {  	v43 =	vld [tilespmem:$0x1F3D0]  }
0x379: {  	[tilespmem:$0x1FB20] =	vst v62;
	v62 =	vld [tilespmem:$0x8800]  }
0x37a: {  	v44 =	vld [tilespmem:$0x1F3E0]  }
0x37b: {  	v46 =	vld [tilespmem:$0x1F3F0]  }
0x37c: {  	v47 =	vld [tilespmem:$0x1F400]  }
0x37d: {  	v48 =	vld [tilespmem:$0x89B0]  }
0x37e: {  	[tilespmem:$0x1FB30] =	vst v62;
	v62 =	vld [tilespmem:$0x8810]  }
0x37f: {  	v49 =	vld [tilespmem:$0x1F410]  }
0x380: {  	v50 =	vld [tilespmem:$0x1F420]  }
0x381: {  	v51 =	vld [tilespmem:$0x9680]  }
0x382: {  	v52 =	vld [tilespmem:$0x1F430]  }
0x383: {  	[tilespmem:$0x1FB40] =	vst v62;
	v62 =	vld [tilespmem:$0x8820]  }
0x384: {  	v8 =	vld [tilespmem:$0x8D00]  }
0x385: {  	v7 =	vadd.f32 v54, v7;
	v54 =	vld [tilespmem:$0x9690]  }
0x386: {  	v0 =	vadd.f32 v55, v0;
	v55 =	vld [tilespmem:$0x1F450]  }
0x387: {  	v1 =	vadd.f32 v56, v1;
	v56 =	vld [tilespmem:$0x1F460]  }
0x388: {  	[tilespmem:$0x1FB50] =	vst v62;
	v62 =	vld [tilespmem:$0x8830]  }
0x389: {  	v2 =	vadd.f32 v57, v2;
	v57 =	vld [tilespmem:$0x96A0]  }
0x38a: {  	v3 =	vadd.f32 v58, v3;
	v58 =	vld [tilespmem:$0x1F470]  }
0x38b: {  	[tilespmem:$0x1FC40] =	vst v59;
	v59 =	vld [tilespmem:$0x1F480]  }
0x38c: {  	v4 =	vadd.f32 v60, v4;
	v60 =	vld [tilespmem:$0x96B0]  }
0x38d: {  	[tilespmem:$0x1FB60] =	vst v62;
	v62 =	vld [tilespmem:$0x9500]  }
0x38e: {  	v6 =	vadd.f32 v63, v6;
	v63 =	vld [tilespmem:$0x89C0]  }
0x38f: {  	[tilespmem:$0x1FC60] =	vst v39;
	v39 =	vld [tilespmem:$0x1F4C0]  }
0x390: {  	[tilespmem:$0x1FC70] =	vst v42;
	v42 =	vld [tilespmem:$0x1F4E0]  }
0x391: {  	[tilespmem:$0x1FC90] =	vst v48;
	v48 =	vld [tilespmem:$0x1F520]  }
0x392: {  	[tilespmem:$0x1FB70] =	vst v62;
	v62 =	vld [tilespmem:$0x9510]  }
0x393: {  	[tilespmem:$0x1FCA0] =	vst v51;
	v51 =	vld [tilespmem:$0x1F540]  }
0x394: {  	v7 =	vadd.f32 v38, v7;
	v38 =	vld [tilespmem:$0x1F4B0]  }
0x395: {  	v0 =	vadd.f32 v40, v0;
	v40 =	vld [tilespmem:$0x89D0]  }
0x396: {  	v1 =	vadd.f32 v41, v1;
	v41 =	vld [tilespmem:$0x1F4D0]  }
0x397: {  	[tilespmem:$0x1FB80] =	vst v62;
	v62 =	vld [tilespmem:$0x9520]  }
0x398: {  	v2 =	vadd.f32 v43, v2;
	v43 =	vld [tilespmem:$0x89E0]  }
0x399: {  	v3 =	vadd.f32 v44, v3;
	v44 =	vld [tilespmem:$0x1F4F0]  }
0x39a: {  	v4 =	vadd.f32 v46, v4;
	v46 =	vld [tilespmem:$0x89F0]  }
0x39b: {  	v6 =	vadd.f32 v49, v6;
	v49 =	vld [tilespmem:$0x96C0]  }
0x39c: {  	[tilespmem:$0x1FB90] =	vst v62;
	v62 =	vld [tilespmem:$0x9530]  }
0x39d: {  	v7 =	vadd.f32 v50, v7;
	v50 =	vld [tilespmem:$0x1F530]  }
0x39e: {  	v0 =	vadd.f32 v52, v0;
	v52 =	vld [tilespmem:$0x96D0]  }
0x39f: {  	[tilespmem:$0x1FCB0] =	vst v54;
	v54 =	vld [tilespmem:$0x1F560]  }
0x3a0: {  	v2 =	vadd.f32 v55, v2;
	v55 =	vld [tilespmem:$0x96E0]  }
0x3a1: {  	[tilespmem:$0x1FBA0] =	vst v62;
	v62 =	vld [tilespmem:$0x8840]  }
0x3a2: {  	v3 =	vadd.f32 v56, v3;
	v56 =	vld [tilespmem:$0x1F570]  }
0x3a3: {  	[tilespmem:$0x1FCC0] =	vst v57;
	v57 =	vld [tilespmem:$0x1F580]  }
0x3a4: {  	v4 =	vadd.f32 v58, v4;
	v58 =	vld [tilespmem:$0x96F0]  }
0x3a5: {  	[tilespmem:$0x1FCD0] =	vst v60;
	v60 =	vld [tilespmem:$0x1F5A0]  }
0x3a6: {  	[tilespmem:$0x1FBB0] =	vst v62;
	v62 =	vld [tilespmem:$0x8850]  }
0x3a7: {  	[tilespmem:$0x1FCE0] =	vst v63;
	v63 =	vld [tilespmem:$0x1F5C0]  }
0x3a8: {  	v0 =	vadd.f32 v38, v0;
	v38 =	vld [tilespmem:$0x8A10]  }
0x3a9: {  	[tilespmem:$0x1FCF0] =	vst v40;
	v40 =	vld [tilespmem:$0x1F5E0]  }
0x3aa: {  	v2 =	vadd.f32 v41, v2;
	v41 =	vld [tilespmem:$0x8A20]  }
0x3ab: {  	[tilespmem:$0x1FBC0] =	vst v62;
	v62 =	vld [tilespmem:$0x8860]  }
0x3ac: {  	v3 =	vadd.f32 v42, v3;
	v42 =	vld [tilespmem:$0x1F5F0]  }
0x3ad: {  	[tilespmem:$0x1FD00] =	vst v43;
	v43 =	vld [tilespmem:$0x1F600]  }
0x3ae: {  	v4 =	vadd.f32 v44, v4;
	v44 =	vld [tilespmem:$0x8A30]  }
0x3af: {  	[tilespmem:$0x1FD10] =	vst v46;
	v46 =	vld [tilespmem:$0x1F620]  }
0x3b0: {  	[tilespmem:$0x1FBD0] =	vst v62;
	v62 =	vld [tilespmem:$0x8870]  }
0x3b1: {  	[tilespmem:$0x1FD20] =	vst v49;
	v49 =	vld [tilespmem:$0x1F640]  }
0x3b2: {  	v0 =	vadd.f32 v50, v0;
	v50 =	vld [tilespmem:$0x9710]  }
0x3b3: {  	[tilespmem:$0x1FD30] =	vst v52;
	v52 =	vld [tilespmem:$0x1F660]  }
0x3b4: {  	v3 =	vadd.f32 v54, v3;
	v54 =	vld [tilespmem:$0x1F670]  }
0x3b5: {  	[tilespmem:$0x1FBE0] =	vst v62;
	v62 =	vld [tilespmem:$0x9540]  }
0x3b6: {  	[tilespmem:$0x1FD40] =	vst v55;
	v55 =	vld [tilespmem:$0x1F680]  }
0x3b7: {  	v4 =	vadd.f32 v56, v4;
	v56 =	vld [tilespmem:$0x9730]  }
0x3b8: {  	[tilespmem:$0x1FD50] =	vst v58;
	v58 =	vld [tilespmem:$0x1F6A0]  }
0x3b9: {  	[tilespmem:$0x1FD70] =	vst v38;
	v38 =	vld [tilespmem:$0x1F6E0]  }
0x3ba: {  	[tilespmem:$0x1FBF0] =	vst v62;
	v62 =	vld [tilespmem:$0x9550]  }
0x3bb: {  	v3 =	vadd.f32 v40, v3;
	v40 =	vld [tilespmem:$0x1F6F0]  }
0x3bc: {  	[tilespmem:$0x1FD80] =	vst v41;
	v41 =	vld [tilespmem:$0x1F700]  }
0x3bd: {  	v4 =	vadd.f32 v42, v4;
	v42 =	vld [tilespmem:$0x8A70]  }
0x3be: {  	[tilespmem:$0x1FD90] =	vst v44;
	v44 =	vld [tilespmem:$0x1F720]  }
0x3bf: {  	[tilespmem:$0x1FC00] =	vst v62;
	v62 =	vld [tilespmem:$0x9560]  }
0x3c0: {  	[tilespmem:$0x1FDB0] =	vst v50;
	v50 =	vld [tilespmem:$0x1F760]  }
0x3c1: {  	v3 =	vadd.f32 v52, v3;
	v52 =	vld [tilespmem:$0x1F770]  }
0x3c2: {  	v4 =	vadd.f32 v54, v4;
	v54 =	vld [tilespmem:$0x9770]  }
0x3c3: {  	[tilespmem:$0x1FDD0] =	vst v56;
	v56 =	vld [tilespmem:$0x1F7A0]  }
0x3c4: {  	[tilespmem:$0x1FC10] =	vst v62;
	v62 =	vld [tilespmem:$0x9570]  }
0x3c5: {  	v3 =	vadd.f32 v38, v3;
	v38 =	vld [tilespmem:$0x1F7F0]  }
0x3c6: {  	v4 =	vadd.f32 v40, v4;
	v40 =	vld [tilespmem:$0x8AB0]  }
0x3c7: {  	[tilespmem:$0x1FE10] =	vst v42;
	v42 =	vld [tilespmem:$0x1F820]  }
0x3c8: {  	v3 =	vadd.f32 v50, v3;
	v50 =	vld [tilespmem:$0x1F870]  }
0x3c9: {  	v4 =	vadd.f32 v52, v4;
	[tilespmem:$0x1FC20] =	vst v62;
	v62 =	vld [tilespmem:$0x8880]  }
0x3ca: {  	v52 =	vld [tilespmem:$0x97B0]  }
0x3cb: {  	v4 =	vadd.f32 v38, v4;
	v38 =	vld [tilespmem:$0x8AF0]  }
0x3cc: {  	[tilespmem:$0x1FE50] =	vst v54;
	v54 =	vld [tilespmem:$0x1F8A0]  }
0x3cd: {  	[tilespmem:$0x1FE90] =	vst v40;
	v4 =	vadd.f32 v50, v4;
	v50 =	vld [tilespmem:$0x97F0]  }
0x3ce: {  	v40 =	vld [tilespmem:$0x1F920];
	[tilespmem:$0x1FC30] =	vst v62;
	v62 =	vadd.f32 $0.0e+00, v13  }
0x3cf: {  	[tilespmem:$0x1FED0] =	vst v52;
	v52 =	vld [tilespmem:$0x1F9A0]  }
0x3d0: {  	[tilespmem:$0x1FF10] =	vst v38;
	v38 =	vld [tilespmem:$0x1FA20];
	v5 =	vadd.f32 v9, v62  }
0x3d1: {  	v62 =	vld [tilespmem:$0x9670]  }
0x3d2: {  	[tilespmem:$0x1FF50] =	vst v50;
	v50 =	vld [tilespmem:$0x1FAA0];
	v5 =	vadd.f32 v21, v5  }
0x3d3: {  	v13 =	vld [tilespmem:$0x88A0]  }
0x3d4: {  	v9 =	vld [tilespmem:$0x88B0];
	v5 =	vadd.f32 v29, v5  }
0x3d5: {  	v21 =	vld [tilespmem:$0x95D0]  }
0x3d6: {  	[tilespmem:$0x1FC50] =	vst v62;
	v62 =	vld [tilespmem:$0x1F4A0];
	v5 =	vadd.f32 v37, v5  }
0x3d7: {  	v29 =	vld [tilespmem:$0x9610]  }
0x3d8: {  	v37 =	vld [tilespmem:$0x9650];
	v5 =	vadd.f32 v45, v5  }
0x3d9: {  	v45 =	vld [tilespmem:$0x89A0]  }
0x3da: {  	v5 =	vadd.f32 v53, v5;
	v53 =	vld [tilespmem:$0x1F440]  }
0x3db: {  	v7 =	vadd.f32 v62, v7;
	v62 =	vld [tilespmem:$0x1F5B0]  }
0x3dc: {  	v5 =	vadd.f32 v61, v5;
	v61 =	vld [tilespmem:$0x1F380]  }
0x3dd: {  	v7 =	vadd.f32 v48, v7;
	v48 =	vld [tilespmem:$0x1F630]  }
0x3de: {  	[tilespmem:$0x1FC80] =	vst v45;
	v45 =	vld [tilespmem:$0x1F500]  }
0x3df: {  	v7 =	vadd.f32 v60, v7;
	v60 =	vld [tilespmem:$0x1F6B0]  }
0x3e0: {  	v1 =	vadd.f32 v53, v1;
	v53 =	vld [tilespmem:$0x1F550]  }
0x3e1: {  	v0 =	vadd.f32 v62, v0;
	v62 =	vld [tilespmem:$0x8A50]  }
0x3e2: {  	v7 =	vadd.f32 v46, v7;
	v46 =	vld [tilespmem:$0x1F730]  }
0x3e3: {  	v5 =	vadd.f32 v61, v5;
	v61 =	vld [tilespmem:$0x1F490]  }
0x3e4: {  	v1 =	vadd.f32 v39, v1;
	v39 =	vld [tilespmem:$0x1F5D0]  }
0x3e5: {  	v0 =	vadd.f32 v48, v0;
	v48 =	vld [tilespmem:$0x9750]  }
0x3e6: {  	v7 =	vadd.f32 v58, v7;
	v58 =	vld [tilespmem:$0x1F7B0]  }
0x3e7: {  	v5 =	vadd.f32 v47, v5;
	v47 =	vld [tilespmem:$0x1F510]  }
0x3e8: {  	v1 =	vadd.f32 v51, v1;
	v51 =	vld [tilespmem:$0x1F650]  }
0x3e9: {  	v0 =	vadd.f32 v60, v0;
	v60 =	vld [tilespmem:$0x8A90]  }
0x3ea: {  	v2 =	vadd.f32 v53, v2;
	v53 =	vld [tilespmem:$0x9720]  }
0x3eb: {  	[tilespmem:$0x1FDF0] =	vst v62;
	v62 =	vld [tilespmem:$0x1F7E0]  }
0x3ec: {  	v7 =	vadd.f32 v44, v7;
	v44 =	vld [tilespmem:$0x1F830]  }
0x3ed: {  	v5 =	vadd.f32 v59, v5;
	v59 =	vld [tilespmem:$0x1F590]  }
0x3ee: {  	v1 =	vadd.f32 v63, v1;
	v63 =	vld [tilespmem:$0x1F6D0]  }
0x3ef: {  	v0 =	vadd.f32 v46, v0;
	v46 =	vld [tilespmem:$0x9790]  }
0x3f0: {  	v6 =	vadd.f32 v61, v6;
	v61 =	vld [tilespmem:$0x8A00]  }
0x3f1: {  	v2 =	vadd.f32 v39, v2;
	v39 =	vld [tilespmem:$0x8A60]  }
0x3f2: {  	[tilespmem:$0x1FE30] =	vst v48;
	v48 =	vld [tilespmem:$0x1F860]  }
0x3f3: {  	v7 =	vadd.f32 v56, v7;
	v56 =	vld [tilespmem:$0x1F8B0]  }
0x3f4: {  	v5 =	vadd.f32 v45, v5;
	v45 =	vld [tilespmem:$0x1F610]  }
0x3f5: {  	v1 =	vadd.f32 v49, v1;
	v49 =	vld [tilespmem:$0x1F750]  }
0x3f6: {  	v0 =	vadd.f32 v58, v0;
	v58 =	vld [tilespmem:$0x8AD0]  }
0x3f7: {  	v6 =	vadd.f32 v47, v6;
	v47 =	vld [tilespmem:$0x9700]  }
0x3f8: {  	v2 =	vadd.f32 v51, v2;
	v51 =	vld [tilespmem:$0x9760]  }
0x3f9: {  	[tilespmem:$0x1FE70] =	vst v60;
	v60 =	vld [tilespmem:$0x1F8E0]  }
0x3fa: {  	v7 =	vadd.f32 v42, v7;
	v42 =	vld [tilespmem:$0x1F930]  }
0x3fb: {  	v5 =	vadd.f32 v57, v5;
	v57 =	vld [tilespmem:$0x1F690]  }
0x3fc: {  	[tilespmem:$0x1FDC0] =	vst v53;
	v53 =	vld [tilespmem:$0x1F780]  }
0x3fd: {  	v3 =	vadd.f32 v62, v3;
	v62 =	vld [tilespmem:$0x1F8F0]  }
0x3fe: {  	v0 =	vadd.f32 v44, v0;
	v44 =	vld [tilespmem:$0x97D0]  }
0x3ff: {  	v6 =	vadd.f32 v59, v6;
	v59 =	vld [tilespmem:$0x8A40]  }
0x400: {  	v2 =	vadd.f32 v63, v2;
	v63 =	vld [tilespmem:$0x8AA0]  }
0x401: {  	[tilespmem:$0x1FEB0] =	vst v46;
	v46 =	vld [tilespmem:$0x1F960]  }
0x402: {  	v7 =	vadd.f32 v54, v7;
	v54 =	vld [tilespmem:$0x1F9B0]  }
0x403: {  	[tilespmem:$0x1FD60] =	vst v61;
	v61 =	vld [tilespmem:$0x1F6C0]  }
0x404: {  	v5 =	vadd.f32 v43, v5;
	v43 =	vld [tilespmem:$0x1F710]  }
0x405: {  	[tilespmem:$0x1FE00] =	vst v39;
	v39 =	vld [tilespmem:$0x1F800]  }
0x406: {  	v3 =	vadd.f32 v48, v3;
	v48 =	vld [tilespmem:$0x1F970]  }
0x407: {  	v0 =	vadd.f32 v56, v0;
	v56 =	vld [tilespmem:$0x8B10]  }
0x408: {  	v6 =	vadd.f32 v45, v6;
	v45 =	vld [tilespmem:$0x9740]  }
0x409: {  	v2 =	vadd.f32 v49, v2;
	v49 =	vld [tilespmem:$0x97A0]  }
0x40a: {  	[tilespmem:$0x1FEF0] =	vst v58;
	v58 =	vld [tilespmem:$0x1F9E0]  }
0x40b: {  	v7 =	vadd.f32 v40, v7;
	v40 =	vld [tilespmem:$0x1FA30]  }
0x40c: {  	[tilespmem:$0x1FDA0] =	vst v47;
	v47 =	vld [tilespmem:$0x1F740]  }
0x40d: {  	v5 =	vadd.f32 v55, v5;
	v55 =	vld [tilespmem:$0x1F790]  }
0x40e: {  	[tilespmem:$0x1FE40] =	vst v51;
	v51 =	vld [tilespmem:$0x1F880]  }
0x40f: {  	v3 =	vadd.f32 v60, v3;
	v60 =	vld [tilespmem:$0x1F9F0]  }
0x410: {  	v0 =	vadd.f32 v42, v0;
	v42 =	vld [tilespmem:$0x9810]  }
0x411: {  	v6 =	vadd.f32 v57, v6;
	v57 =	vld [tilespmem:$0x8A80]  }
0x412: {  	v4 =	vadd.f32 v62, v4;
	v62 =	vld [tilespmem:$0x8B30]  }
0x413: {  	[tilespmem:$0x1FF30] =	vst v44;
	v44 =	vld [tilespmem:$0x1FA60]  }
0x414: {  	v7 =	vadd.f32 v52, v7;
	v52 =	vld [tilespmem:$0x1FAB0]  }
0x415: {  	[tilespmem:$0x1FDE0] =	vst v59;
	v59 =	vld [tilespmem:$0x1F7C0]  }
0x416: {  	v5 =	vadd.f32 v41, v5;
	v41 =	vld [tilespmem:$0x1F810]  }
0x417: {  	[tilespmem:$0x1FE80] =	vst v63;
	v63 =	vld [tilespmem:$0x1F900]  }
0x418: {  	v3 =	vadd.f32 v46, v3;
	v46 =	vld [tilespmem:$0x1FA70]  }
0x419: {  	v0 =	vadd.f32 v54, v0;
	v54 =	vld [tilespmem:$0x8B50]  }
0x41a: {  	v1 =	vadd.f32 v61, v1;
	v61 =	vld [tilespmem:$0x1F7D0]  }
0x41b: {  	v6 =	vadd.f32 v43, v6;
	v43 =	vld [tilespmem:$0x9780]  }
0x41c: {  	v4 =	vadd.f32 v48, v4;
	v48 =	vld [tilespmem:$0x9830]  }
0x41d: {  	[tilespmem:$0x1FF70] =	vst v56;
	v56 =	vld [tilespmem:$0x1FAE0]  }
0x41e: {  	v7 =	vadd.f32 v38, v7;
	v38 =	vld [tilespmem:$0x1FB40]  }
0x41f: {  	[tilespmem:$0x1FE20] =	vst v45;
	v45 =	vld [tilespmem:$0x1F840]  }
0x420: {  	v5 =	vadd.f32 v53, v5;
	v53 =	vld [tilespmem:$0x1F890]  }
0x421: {  	[tilespmem:$0x1FEC0] =	vst v49;
	v49 =	vld [tilespmem:$0x1F980]  }
0x422: {  	v3 =	vadd.f32 v58, v3;
	v58 =	vld [tilespmem:$0x1FB00]  }
0x423: {  	v0 =	vadd.f32 v40, v0;
	v40 =	vld [tilespmem:$0x1FB60]  }
0x424: {  	v1 =	vadd.f32 v47, v1;
	v47 =	vld [tilespmem:$0x1F850]  }
0x425: {  	v6 =	vadd.f32 v55, v6;
	v55 =	vld [tilespmem:$0x8AC0]  }
0x426: {  	v4 =	vadd.f32 v60, v4;
	v60 =	vld [tilespmem:$0x1FB20]  }
0x427: {  	[tilespmem:$0x1FFB0] =	vst v42;
	v42 =	vld [tilespmem:$0x1FB80]  }
0x428: {  	v7 =	vadd.f32 v50, v7;
	v50 =	vld [tilespmem:$0x1FC00]  }
0x429: {  	[tilespmem:$0x1FE60] =	vst v57;
	v57 =	vld [tilespmem:$0x1F8C0]  }
0x42a: {  	v5 =	vadd.f32 v39, v5;
	v39 =	vld [tilespmem:$0x1F910]  }
0x42b: {  	[tilespmem:$0x1FF90] =	vst v62;
	v62 =	vld [tilespmem:$0x8B60]  }
0x42c: {  	v3 =	vadd.f32 v44, v3;
	v44 =	vld [tilespmem:$0x1FBA0]  }
0x42d: {  	v0 =	vadd.f32 v52, v0;
	v52 =	vld [tilespmem:$0x1FC20]  }
0x42e: {  	v1 =	vadd.f32 v59, v1;
	v59 =	vld [tilespmem:$0x1F8D0]  }
0x42f: {  	v6 =	vadd.f32 v41, v6;
	v41 =	vld [tilespmem:$0x97C0]  }
0x430: {  	v4 =	vadd.f32 v46, v4;
	v46 =	vld [tilespmem:$0x1FBC0]  }
0x431: {  	[tilespmem:$0x1FFF0] =	vst v54;
	v54 =	vld [tilespmem:$0x8BA0]  }
0x432: {  	v2 =	vadd.f32 v61, v2;
	v61 =	vld [tilespmem:$0x8AE0]  }
0x433: {  	[tilespmem:$0x1FEA0] =	vst v43;
	v43 =	vld [tilespmem:$0x1F940]  }
0x434: {  	v5 =	vadd.f32 v51, v5;
	v51 =	vld [tilespmem:$0x1F990]  }
0x435: {  	v3 =	vadd.f32 v56, v3;
	v56 =	vld [tilespmem:$0x8B80]  }
0x436: {  	[tilespmem:$0x1FFD0] =	vst v48;
	v48 =	vld [tilespmem:$0x1FBE0]  }
0x437: {  	v1 =	vadd.f32 v45, v1;
	v45 =	vld [tilespmem:$0x1F950]  }
0x438: {  	v6 =	vadd.f32 v53, v6;
	v53 =	vld [tilespmem:$0x8B00]  }
0x439: {  	v2 =	vadd.f32 v47, v2;
	v47 =	vld [tilespmem:$0x97E0]  }
0x43a: {  	[tilespmem:$0x1FEE0] =	vst v55;
	v55 =	vld [tilespmem:$0x1F9C0]  }
0x43b: {  	v5 =	vadd.f32 v63, v5;
	v63 =	vld [tilespmem:$0x1FA10]  }
0x43c: {  	v7 =	vadd.f32 v60, v7;
	v60 =	vld [tilespmem:$0x9840]  }
0x43d: {  	v3 =	vadd.f32 v40, v3;
	v40 =	vld [tilespmem:$0x8C00]  }
0x43e: {  	v1 =	vadd.f32 v57, v1;
	v57 =	vld [tilespmem:$0x1F9D0]  }
0x43f: {  	v6 =	vadd.f32 v39, v6;
	v39 =	vld [tilespmem:$0x9800]  }
0x440: {  	v2 =	vadd.f32 v59, v2;
	v59 =	vld [tilespmem:$0x8B20]  }
0x441: {  	[tilespmem:$0x1FF20] =	vst v41;
	v41 =	vld [tilespmem:$0x1FA40]  }
0x442: {  	v5 =	vadd.f32 v49, v5;
	v49 =	vld [tilespmem:$0x1FA90]  }
0x443: {  	v7 =	vadd.f32 v44, v7;
	v44 =	vld [tilespmem:$0x98C0]  }
0x444: {  	[tilespmem:$0x1FF00] =	vst v61;
	v61 =	vld [tilespmem:$0x1FA00]  }
0x445: {  	v1 =	vadd.f32 v43, v1;
	v43 =	vld [tilespmem:$0x1FA50]  }
0x446: {  	v6 =	vadd.f32 v51, v6;
	v51 =	vld [tilespmem:$0x8B40]  }
0x447: {  	v3 =	vadd.f32 v48, v3;
	v48 =	vld [tilespmem:$0x8BC0]  }
0x448: {  	v2 =	vadd.f32 v45, v2;
	v45 =	vld [tilespmem:$0x9820]  }
0x449: {  	[tilespmem:$0x1FF60] =	vst v53;
	v53 =	vld [tilespmem:$0x1FAC0]  }
0x44a: {  	v7 =	vadd.f32 v52, v7;
	v52 =	vld [tilespmem:$0x9880]  }
0x44b: {  	[tilespmem:$0x1FF40] =	vst v47;
	v47 =	vld [tilespmem:$0x1FA80]  }
0x44c: {  	v1 =	vadd.f32 v55, v1;
	v55 =	vld [tilespmem:$0x1FAD0]  }
0x44d: {  	v6 =	vadd.f32 v63, v6;
	v63 =	vld [tilespmem:$0x1FB30]  }
0x44e: {  	v3 =	vadd.f32 v9, v3;
	v9 =	vld [tilespmem:$0x99F0]  }
0x44f: {  	v2 =	vadd.f32 v57, v2;
	v57 =	vld [tilespmem:$0x1FAF0]  }
0x450: {  	[tilespmem:$0x1FFA0] =	vst v39;
	v39 =	vld [tilespmem:$0x1FB50]  }
0x451: {  	v7 =	vadd.f32 v15, v7;
	v15 =	vld [tilespmem:$0x1FD40]  }
0x452: {  	[tilespmem:$0x1FF80] =	vst v59;
	v59 =	vld [tilespmem:$0x1FB10]  }
0x453: {  	v1 =	vadd.f32 v41, v1;
	v41 =	vld [tilespmem:$0x1FB70]  }
0x454: {  	v6 =	vadd.f32 v49, v6;
	v49 =	vld [tilespmem:$0x1FBF0]  }
0x455: {  	v3 =	vadd.f32 v19, v3;
	v19 =	vld [tilespmem:$0x1FD80]  }
0x456: {  	v5 =	vadd.f32 v61, v5;
	v61 =	vld [tilespmem:$0x8B70]  }
0x457: {  	v2 =	vadd.f32 v43, v2;
	v43 =	vld [tilespmem:$0x1FB90]  }
0x458: {  	[tilespmem:$0x1FFE0] =	vst v51;
	v51 =	vld [tilespmem:$0x1FC10]  }
0x459: {  	v7 =	vadd.f32 v23, v7;
	v23 =	vld [tilespmem:$0x1FC70]  }
0x45a: {  	[tilespmem:$0x1FFC0] =	vst v45;
	v45 =	vld [tilespmem:$0x1FBB0]  }
0x45b: {  	v1 =	vadd.f32 v53, v1;
	v53 =	vld [tilespmem:$0x8BB0]  }
0x45c: {  	v3 =	vadd.f32 v27, v3;
	v27 =	vld [tilespmem:$0x1FCB0]  }
0x45d: {  	v2 =	vadd.f32 v55, v2;
	v55 =	vld [tilespmem:$0x8B90]  }
0x45e: {  	v5 =	vadd.f32 v47, v5;
	v47 =	vld [tilespmem:$0x1FBD0]  }
0x45f: {  	v0 =	vadd.f32 v63, v0;
	v63 =	vld [tilespmem:$0x1FC30]  }
0x460: {  	v7 =	vadd.f32 v31, v7;
	v31 =	vld [tilespmem:$0x1FCF0]  }
0x461: {  	v4 =	vadd.f32 v57, v4;
	v57 =	vld [tilespmem:$0x9870]  }
0x462: {  	v1 =	vadd.f32 v38, v1;
	v38 =	vld [tilespmem:$0x8C20]  }
0x463: {  	v3 =	vadd.f32 v35, v3;
	v35 =	vld [tilespmem:$0x9910]  }
0x464: {  	v6 =	vadd.f32 v59, v6;
	v59 =	vld [tilespmem:$0x9850]  }
0x465: {  	v5 =	vadd.f32 v58, v5;
	v58 =	vld [tilespmem:$0x9860]  }
0x466: {  	v2 =	vadd.f32 v39, v2;
	v39 =	vld [tilespmem:$0x8C10]  }
0x467: {  	v1 =	vadd.f32 v46, v1;
	v46 =	vld [tilespmem:$0x8BE0]  }
0x468: {  	v4 =	vadd.f32 v41, v4;
	v41 =	vld [tilespmem:$0x98F0]  }
0x469: {  	v0 =	vadd.f32 v45, v0;
	v45 =	vld [tilespmem:$0x8BF0]  }
0x46a: {  	v6 =	vadd.f32 v43, v6;
	v43 =	vld [tilespmem:$0x98D0]  }
0x46b: {  	v5 =	vadd.f32 v42, v5;
	v42 =	vld [tilespmem:$0x98E0]  }
0x46c: {  	v4 =	vadd.f32 v49, v4;
	v49 =	vld [tilespmem:$0x98B0]  }
0x46d: {  	v2 =	vadd.f32 v47, v2;
	v47 =	vld [tilespmem:$0x8BD0]  }
0x46e: {  	v1 =	vadd.f32 v12, v1;
	v12 =	vld [tilespmem:$0x1FD10]  }
0x46f: {  	v6 =	vadd.f32 v51, v6;
	v51 =	vld [tilespmem:$0x9890]  }
0x470: {  	v5 =	vadd.f32 v50, v5;
	v50 =	vld [tilespmem:$0x98A0]  }
0x471: {  	v0 =	vadd.f32 v63, v0;
	v63 =	vld [tilespmem:$0x1FD00]  }
0x472: {  	v2 =	vadd.f32 v13, v2;
	v13 =	vld [tilespmem:$0x1FD20]  }
0x473: {  	v1 =	vadd.f32 v17, v1;
	v17 =	vld [tilespmem:$0x1FD60]  }
0x474: {  	v4 =	vadd.f32 v10, v4;
	v10 =	vld [tilespmem:$0x99E0]  }
0x475: {  	v6 =	vadd.f32 v14, v6;
	v14 =	vld [tilespmem:$0x1FD30]  }
0x476: {  	v0 =	vadd.f32 v16, v0;
	v16 =	vld [tilespmem:$0x1FD50]  }
0x477: {  	v5 =	vadd.f32 v11, v5;
	v11 =	vld [tilespmem:$0x99D0]  }
0x478: {  	v4 =	vadd.f32 v20, v4;
	v20 =	vld [tilespmem:$0x1FC40]  }
0x479: {  	v1 =	vadd.f32 v25, v1;
	v25 =	vld [tilespmem:$0x1FC90]  }
0x47a: {  	v2 =	vadd.f32 v18, v2;
	v18 =	vld [tilespmem:$0x1FD70]  }
0x47b: {  	v5 =	vadd.f32 v21, v5;
	v21 =	vld [tilespmem:$0x1FC50]  }
0x47c: {  	v6 =	vadd.f32 v22, v6;
	v22 =	vld [tilespmem:$0x1FC60]  }
0x47d: {  	v0 =	vadd.f32 v24, v0;
	v24 =	vld [tilespmem:$0x1FC80]  }
0x47e: {  	v2 =	vadd.f32 v26, v2;
	v26 =	vld [tilespmem:$0x1FCA0]  }
0x47f: {  	v1 =	vadd.f32 v33, v1;
	v33 =	vld [tilespmem:$0x9930]  }
0x480: {  	v4 =	vadd.f32 v28, v4;
	v28 =	vld [tilespmem:$0x1FCC0]  }
0x481: {  	v5 =	vadd.f32 v29, v5;
	v29 =	vld [tilespmem:$0x1FCD0]  }
0x482: {  	v0 =	vadd.f32 v32, v0;
	v32 =	vld [tilespmem:$0x8C40]  }
0x483: {  	v6 =	vadd.f32 v30, v6;
	v30 =	vld [tilespmem:$0x1FCE0]  }
0x484: {  	v4 =	vadd.f32 v36, v4;
	v36 =	vld [tilespmem:$0x9900]  }
0x485: {  	v2 =	vadd.f32 v34, v2;
	v34 =	vld [tilespmem:$0x9920]  }
0x486: {  	v1 =	vadd.f32 v23, v1;
	v23 =	vld [tilespmem:$0x1FDC0]  }
0x487: {  	v5 =	vadd.f32 v37, v5;
	v37 =	vld [tilespmem:$0x8C30]  }
0x488: {  	v6 =	vadd.f32 v20, v6;
	v20 =	vld [tilespmem:$0x1FD90]  }
0x489: {  	v3 =	vadd.f32 v25, v3;
	v25 =	vld [tilespmem:$0x9970]  }
0x48a: {  	v1 =	vadd.f32 v31, v1;
	v31 =	vld [tilespmem:$0x8C50]  }
0x48b: {  	v7 =	vadd.f32 v21, v7;
	v21 =	vld [tilespmem:$0x1FDA0]  }
0x48c: {  	v0 =	vadd.f32 v22, v0;
	v2 =	vadd.f32 v24, v2;
	v22 =	vld [tilespmem:$0x1FDB0]  }
0x48d: {  	v24 =	vld [tilespmem:$0x1FDD0]  }
0x48e: {  	v2 =	vadd.f32 v63, v2;
	v63 =	vld [tilespmem:$0x1FDE0]  }
0x48f: {  	v6 =	vadd.f32 v28, v6;
	v28 =	vld [tilespmem:$0x9940];
	v0 =	vadd.f32 v30, v0  }
0x490: {  	v5 =	vadd.f32 v27, v5;
	v27 =	vld [tilespmem:$0x9950]  }
0x491: {  	v3 =	vadd.f32 v12, v3;
	v12 =	vld [tilespmem:$0x1FDF0];
	v0 =	vadd.f32 v17, v0  }
0x492: {  	v4 =	vadd.f32 v26, v4;
	v26 =	vld [tilespmem:$0x9960]  }
0x493: {  	v0 =	vadd.f32 v63, v0;
	v63 =	vld [tilespmem:$0x1FE70]  }
0x494: {  	v30 =	vld [tilespmem:$0x8C60];
	v1 =	vadd.f32 v18, v1  }
0x495: {  	v7 =	vadd.f32 v29, v7;
	v18 =	vld [tilespmem:$0x1FE50]  }
0x496: {  	v4 =	vadd.f32 v13, v4;
	v13 =	vld [tilespmem:$0x1FE00];
	v1 =	vadd.f32 v12, v1  }
0x497: {  	v29 =	vld [tilespmem:$0x8C70];
	v7 =	vadd.f32 v16, v7  }
0x498: {  	v5 =	vadd.f32 v14, v5;
	v1 =	vadd.f32 v63, v1;
	v63 =	vld [tilespmem:$0x1FED0]  }
0x499: {  	v14 =	vld [tilespmem:$0x1FE10];
	v2 =	vadd.f32 v19, v2;
	v7 =	vadd.f32 v24, v7  }
0x49a: {  	v16 =	vld [tilespmem:$0x1FE30]  }
0x49b: {  	v2 =	vadd.f32 v13, v2;
	v7 =	vadd.f32 v18, v7;
	v13 =	vld [tilespmem:$0x1FE90]  }
0x49c: {  	v6 =	vadd.f32 v15, v6;
	v15 =	vld [tilespmem:$0x1FE20];
	v3 =	vadd.f32 v20, v3  }
0x49d: {  	v7 =	vadd.f32 v63, v7;
	v63 =	vld [tilespmem:$0x1FF10]  }
0x49e: {  	v17 =	vld [tilespmem:$0x1FE40];
	v5 =	vadd.f32 v22, v5;
	v3 =	vadd.f32 v14, v3  }
0x49f: {  	v12 =	vld [tilespmem:$0x1FE80]  }
0x4a0: {  	v5 =	vadd.f32 v16, v5;
	v16 =	vld [tilespmem:$0x1FEC0];
	v3 =	vadd.f32 v13, v3  }
0x4a1: {  	v20 =	vld [tilespmem:$0x9980];
	v6 =	vadd.f32 v23, v6  }
0x4a2: {  	v3 =	vadd.f32 v63, v3;
	v63 =	vld [tilespmem:$0x1FF40]  }
0x4a3: {  	v19 =	vld [tilespmem:$0x1FE60];
	v6 =	vadd.f32 v17, v6  }
0x4a4: {  	v23 =	vld [tilespmem:$0x8C90]  }
0x4a5: {  	v2 =	vadd.f32 v12, v2;
	v12 =	vld [tilespmem:$0x1FEE0];
	v6 =	vadd.f32 v16, v6  }
0x4a6: {  	v22 =	vld [tilespmem:$0x8CA0]  }
0x4a7: {  	v6 =	vadd.f32 v63, v6;
	v63 =	vld [tilespmem:$0x1FF60]  }
0x4a8: {  	v4 =	vadd.f32 v21, v4;
	v21 =	vld [tilespmem:$0x8CB0];
	v0 =	vadd.f32 v19, v0  }
0x4a9: {  	v14 =	vld [tilespmem:$0x1FEA0]  }
0x4aa: {  	v13 =	vld [tilespmem:$0x1FEF0];
	v0 =	vadd.f32 v12, v0  }
0x4ab: {  	v24 =	vld [tilespmem:$0x8C80]  }
0x4ac: {  	v0 =	vadd.f32 v63, v0;
	v63 =	vld [tilespmem:$0x1FF70]  }
0x4ad: {  	v4 =	vadd.f32 v15, v4;
	v18 =	vld [tilespmem:$0x99A0]  }
0x4ae: {  	v15 =	vld [tilespmem:$0x1FEB0]  }
0x4af: {  	v4 =	vadd.f32 v14, v4;
	v14 =	vld [tilespmem:$0x1FF00];
	v1 =	vadd.f32 v13, v1  }
0x4b0: {  	v19 =	vld [tilespmem:$0x9990]  }
0x4b1: {  	v1 =	vadd.f32 v63, v1;
	v63 =	vld [tilespmem:$0x1FF80]  }
0x4b2: {  	v12 =	vld [tilespmem:$0x1FF20]  }
0x4b3: {  	v17 =	vld [tilespmem:$0x99B0]  }
0x4b4: {  	v5 =	vadd.f32 v15, v5;
	v15 =	vld [tilespmem:$0x8CD0];
	v2 =	vadd.f32 v14, v2  }
0x4b5: {  	v13 =	vld [tilespmem:$0x1FF30]  }
0x4b6: {  	v2 =	vadd.f32 v63, v2;
	v63 =	vld [tilespmem:$0x1FF90]  }
0x4b7: {  	v4 =	vadd.f32 v12, v4;
	v12 =	vld [tilespmem:$0x1FF50]  }
0x4b8: {  	v16 =	vld [tilespmem:$0x8CC0]  }
0x4b9: {  	v14 =	vld [tilespmem:$0x8CE0]  }
0x4ba: {  	v5 =	vadd.f32 v13, v5;
	v13 =	vld [tilespmem:$0x8CF0];
	v2 =	vadd.f32 v62, v2  }
0x4bb: {  	v3 =	vadd.f32 v63, v3;
	v63 =	vld [tilespmem:$0x1FFA0]  }
0x4bc: {  	v7 =	vadd.f32 v12, v7;
	v12 =	vld [tilespmem:$0x99C0];
	v2 =	vadd.f32 v54, v2  }
0x4bd: {  	v62 =	vld [tilespmem:$0x9AA0]  }
0x4be: {  	v54 =	vld [tilespmem:$0x8DA0];
	v2 =	vadd.f32 v46, v2  }
0x4bf: {  	v46 =	vld [tilespmem:$0x8E00];
	v3 =	vadd.f32 v61, v3  }
0x4c0: {  	v2 =	vadd.f32 v38, v2;
	v4 =	vadd.f32 v63, v4;
	v63 =	vld [tilespmem:$0x1FFB0]  }
0x4c1: {  	v61 =	vld [tilespmem:$0x8D20];
	v3 =	vadd.f32 v53, v3  }
0x4c2: {  	v38 =	vld [tilespmem:$0x9AC0];
	v2 =	vadd.f32 v30, v2  }
0x4c3: {  	v53 =	vld [tilespmem:$0x9A20];
	v3 =	vadd.f32 v45, v3  }
0x4c4: {  	v30 =	vld [tilespmem:$0x8DC0];
	v4 =	vadd.f32 v60, v4;
	v2 =	vadd.f32 v22, v2  }
0x4c5: {  	v3 =	vadd.f32 v37, v3;
	v5 =	vadd.f32 v63, v5;
	v63 =	vld [tilespmem:$0x1FFC0]  }
0x4c6: {  	v45 =	vld [tilespmem:$0x8D60];
	v4 =	vadd.f32 v52, v4  }
0x4c7: {  	v60 =	vld [tilespmem:$0x9A90];
	v2 =	vadd.f32 v14, v2;
	v3 =	vadd.f32 v29, v3  }
0x4c8: {  	v37 =	vld [tilespmem:$0x9A60];
	v4 =	vadd.f32 v44, v4;
	v5 =	vadd.f32 v59, v5  }
0x4c9: {  	v52 =	vld [tilespmem:$0x8D90];
	v2 =	vadd.f32 v61, v2;
	v3 =	vadd.f32 v21, v3  }
0x4ca: {  	v5 =	vadd.f32 v51, v5;
	v6 =	vadd.f32 v63, v6;
	v63 =	vld [tilespmem:$0x1FFD0]  }
0x4cb: {  	v59 =	vld [tilespmem:$0x8D30];
	v4 =	vadd.f32 v36, v4;
	v2 =	vadd.f32 v45, v2  }
0x4cc: {  	v44 =	vld [tilespmem:$0x9AF0];
	v3 =	vadd.f32 v13, v3;
	v5 =	vadd.f32 v43, v5  }
0x4cd: {  	v61 =	vld [tilespmem:$0x8EF0];
	v4 =	vadd.f32 v28, v4;
	v6 =	vadd.f32 v58, v6  }
0x4ce: {  	v36 =	vld [tilespmem:$0x8DF0];
	v2 =	vadd.f32 v54, v2;
	v5 =	vadd.f32 v35, v5  }
0x4cf: {  	v6 =	vadd.f32 v50, v6;
	v7 =	vadd.f32 v63, v7;
	v63 =	vld [tilespmem:$0x1FFE0]  }
0x4d0: {  	v51 =	vld [tilespmem:$0x9A30];
	v4 =	vadd.f32 v20, v4;
	v3 =	vadd.f32 v59, v3  }
0x4d1: {  	v28 =	vld [tilespmem:$0x9AB0];
	v5 =	vadd.f32 v27, v5;
	v6 =	vadd.f32 v42, v6  }
0x4d2: {  	v4 =	vadd.f32 v12, v4;
	v7 =	vadd.f32 v57, v7;
	v57 =	vld [tilespmem:$0x9A00]  }
0x4d3: {  	v5 =	vadd.f32 v19, v5;
	v6 =	vadd.f32 v34, v6;
	v34 =	vld [tilespmem:$0x8DE0]  }
0x4d4: {  	v7 =	vadd.f32 v49, v7;
	v0 =	vadd.f32 v63, v0;
	v63 =	vld [tilespmem:$0x1FFF0]  }
0x4d5: {  	v54 =	vld [tilespmem:$0x8E80];
	v5 =	vadd.f32 v11, v5;
	v6 =	vadd.f32 v26, v6  }
0x4d6: {  	v58 =	vld [tilespmem:$0x9A80];
	v7 =	vadd.f32 v41, v7;
	v0 =	vadd.f32 v56, v0  }
0x4d7: {  	v41 =	vld [tilespmem:$0x9A40];
	v6 =	vadd.f32 v18, v6;
	v4 =	vadd.f32 v57, v4  }
0x4d8: {  	v50 =	vld [tilespmem:$0x9A70];
	v7 =	vadd.f32 v33, v7;
	v2 =	vadd.f32 v34, v2  }
0x4d9: {  	v42 =	vld [tilespmem:$0x9AE0];
	v0 =	vadd.f32 v48, v0;
	v1 =	vadd.f32 v63, v1  }
0x4da: {  	v49 =	vld [tilespmem:$0x8D40];
	v6 =	vadd.f32 v10, v6;
	v7 =	vadd.f32 v25, v7  }
0x4db: {  	v48 =	vld [tilespmem:$0x8D70];
	v0 =	vadd.f32 v40, v0;
	v1 =	vadd.f32 v55, v1  }
0x4dc: {  	v56 =	vld [tilespmem:$0x8DB0];
	v6 =	vadd.f32 v53, v6;
	v4 =	vadd.f32 v41, v4  }
0x4dd: {  	v57 =	vld [tilespmem:$0x8EB0];
	v7 =	vadd.f32 v17, v7;
	v1 =	vadd.f32 v47, v1  }
0x4de: {  	v33 =	vld [tilespmem:$0x8D80];
	v0 =	vadd.f32 v32, v0;
	v6 =	vadd.f32 v37, v6  }
0x4df: {  	v63 =	vld [tilespmem:$0x8D10];
	v4 =	vadd.f32 v58, v4;
	v1 =	vadd.f32 v39, v1  }
0x4e0: {  	v55 =	vld [tilespmem:$0x9A10];
	v7 =	vadd.f32 v9, v7;
	v3 =	vadd.f32 v48, v3  }
0x4e1: {  	v40 =	vld [tilespmem:$0x9AD0];
	v0 =	vadd.f32 v24, v0;
	v1 =	vadd.f32 v31, v1  }
0x4e2: {  	v53 =	vld [tilespmem:$0x8E70];
	v6 =	vadd.f32 v62, v6;
	v4 =	vadd.f32 v38, v4  }
0x4e3: {  	v47 =	vld [tilespmem:$0x8D50];
	v7 =	vadd.f32 v51, v7;
	v1 =	vadd.f32 v23, v1  }
0x4e4: {  	v48 =	vld [tilespmem:$0x8E20];
	v3 =	vadd.f32 v56, v3;
	v0 =	vadd.f32 v16, v0  }
0x4e5: {  	v39 =	vld [tilespmem:$0x9A50];
	v5 =	vadd.f32 v55, v5;
	v1 =	vadd.f32 v15, v1  }
0x4e6: {  	v32 =	vld [tilespmem:$0x8DD0];
	v6 =	vadd.f32 v42, v6;
	v0 =	vadd.f32 v8, v0  }
0x4e7: {  	v58 =	vld [tilespmem:$0x8EC0];
	v7 =	vadd.f32 v50, v7;
	v1 =	vadd.f32 v63, v1  }
0x4e8: {  	v50 =	vld [tilespmem:$0x8E40];
	v3 =	vadd.f32 v36, v3;
	v0 =	vadd.f32 v49, v0  }
0x4e9: {  	v2 =	vadd.f32 v48, v2;
	v49 =	vld [tilespmem:$0x8E30];
	v1 =	vadd.f32 v47, v1  }
0x4ea: {  	v5 =	vadd.f32 v39, v5;
	v0 =	vadd.f32 v33, v0;
	v47 =	vld [tilespmem:$0x8E10]  }
0x4eb: {  	v7 =	vadd.f32 v28, v7;
	v1 =	vadd.f32 v52, v1;
	v52 =	vld [tilespmem:$0x8E60]  }
0x4ec: {  	v51 =	vld [tilespmem:$0x8E50];
	v5 =	vadd.f32 v60, v5;
	v0 =	vadd.f32 v30, v0  }
0x4ed: {  	v56 =	vld [tilespmem:$0x8EA0];
	v7 =	vadd.f32 v44, v7;
	v1 =	vadd.f32 v32, v1  }
0x4ee: {  	v55 =	vld [tilespmem:$0x8E90];
	v5 =	vadd.f32 v40, v5;
	v0 =	vadd.f32 v46, v0  }
0x4ef: {  	v60 =	vld [tilespmem:$0x8EE0];
	v3 =	vadd.f32 v49, v3;
	v1 =	vadd.f32 v47, v1  }
0x4f0: {  	v59 =	vld [tilespmem:$0x8ED0];
	v0 =	vadd.f32 v50, v0;
	v2 =	vadd.f32 v52, v2  }
0x4f1: {  	v3 =	vadd.f32 v53, v3;
	v1 =	vadd.f32 v51, v1  }
0x4f2: {  	v0 =	vadd.f32 v54, v0;
	v2 =	vadd.f32 v56, v2  }
0x4f3: {  	v3 =	vadd.f32 v57, v3;
	v1 =	vadd.f32 v55, v1  }
0x4f4: {  	v0 =	vadd.f32 v58, v0;
	v2 =	vadd.f32 v60, v2  }
0x4f5: {  	s18 =	sadd.s32 $0x680, s18;
	v3 =	vadd.f32 v61, v3;
	v1 =	vadd.f32 v59, v1  }
0x4f6: {  	p0 =	sne.s32 s18, $0x1A000;
	v62 =	vadd.f32 v6, v4;
	v0 =	vadd.f32 v2, v0  }
.Ltmp0:
0x4f7: {  	v63 =	vadd.f32 v7, v5;
	v1 =	vadd.f32 v3, v1;
	(pc) =	sbr.rel @p0 .LBB2_2-.Ltmp0, $4  }
0x4f8: {  	v0 =	vadd.f32 v0, v62  }
0x4f9: {  	v1 =	vadd.f32 v1, v63  }
0x4fa: {  	[tilespmem:s17+$0x0] =	vst v0  }
0x4fb: {  	[tilespmem:s17+$0x10] =	vst v1;
	s17 =	sadd.s32 $0x40, s17  }
0x4fc: {  	s16 =	sadd.s32 $0x1, s16  }
0x4fd: {  	p0 =	sne.s32 s16, s6  }
.Ltmp1:
0x4fe: {  	_ = 	snop;
	(pc) =	sbr.rel @p0 .LBB2_1-.Ltmp1, $4  }
0x4ff: {  	[hbm4b:s5+s2] =	stream.linear.scatter [tilespmem:s15], [sflag:$0x3], $0x1000, $0x38;
	[tilespmem:$0xAC00] =	vst v63  }
0x500: {  	_ =	swait.ge [sflag:s7], $0x1000  }
0x501: {  	[sflag:s7] =	ssyncset.done $0x0  }
0x502: {  	[sflag:s7] =	ssyncadd.s32 $0xFFFFF000  }
0x503: {  	_ =	sfence.sel $0x180000  }
0x504: {  	[bflag:$0x0] =	sbarrier.arrive $0xFFFF  }
0x505: {  	p0 =	sne.s32 s0, $0x0;
	_ =	strace $0x90000047  }
0x506: {  	s0 =	sadd.s32 @!p0 $0x100000, s1;
	[bflag:$0x2] =	sbarrier.arrive $0xFFFF  }
0x507: {  	[sflag:s0] =	ssyncadd.tile.s32 @!p0 $0x1;
	_ =	shalt  }
.Lfunc_end2:
_tile_overlayer_lowered:
.L_overlay_start_2:
0x508: {  	(tag) =	ssettag $0x2  }
0x509: {  	s0 =	rddreg [dreg:$0x0];
	s2 =	stileid.u32  }
0x50a: {  	s1 =	rddreg [dreg:$0x1];
	p0 =	sne.s32 s2, $0x0  }
0x50b: {  	s3 =	rddreg [dreg:$0x2];
	[bflag:$0x3] =	sbarrier.arrive $0xFFFF;
	s2 =	simm.s32 @!p0 $0x1C03  }
0x50c: {  	[timem:s3], [sflag:s2] =	dma.local @!p0 [hbm:s0], s1  }
0x50d: {  	s0 =	simm.s32 @!p0 $0x3  }
0x50e: {  	_ =	swait.ge @!p0 [sflag:s0], s1  }
0x50f: {  	s1 =	ssub.s32 @!p0 $0x0, s1;
	[sflag:s0] =	ssyncset.done @!p0 $0x0  }
0x510: {  	[sflag:s0] =	ssyncadd.s32 @!p0 s1  }
0x511: {  	[bflag:$0x3] =	sbarrier.arrive $0xFFFF  }
0x512: {  	_ =	shalt  }

</sc_bundles>
